<compile_context>
chip_gen: v7x
topology: tpu7x:2x2x1
jax: 0.10.2.dev20260603
libtpu: 0.0.44.dev20260713+nightly
codegen_flags: <defaults>
</compile_context>

<pallas_src>
import functools
import jax
import jax.numpy as jnp
from jax import lax
from jax.experimental import pallas as pl
from jax.experimental.pallas import tpu as pltpu
from jax.experimental.pallas import tpu_sc as plsc

_NC = 2
_NS = 16
_L = 16
_CH = 4096
_U = 8
_B_SC = 32
_RB_TC = 8


def _lane_rot(v, sh):
    idx = (lax.iota(jnp.int32, _L) + sh) & (_L - 1)
    return v.at[idx].get(mode="promise_in_bounds")


def _all_lanes_sum(v):
    for sh in (8, 4, 2, 1):
        v = v + _lane_rot(v, sh)
    return v


def _tree(vals, op):
    while len(vals) > 1:
        vals = [op(vals[i], vals[i + 1]) for i in range(0, len(vals) - 1, 2)] + (
            [vals[-1]] if len(vals) & 1 else []
        )
    return vals[0]


def _sc_body(
    n, rows_per, row_off, x_hbm, w_hbm, out_hbm,
    wv, q0, q1, y0, y1, za, zb, acc, qsem, ysem, osem,
):
    wid = lax.axis_index("s") * _NC + lax.axis_index("c")
    nch = n // _CH
    step = _U * _L
    qbufs = (q0, q1)
    ybufs = (y0, y1)
    zbufs = (za, zb)

    def start_in(row, c):
        slot = c & 1
        pltpu.make_async_copy(
            x_hbm.at[row_off + row, pl.ds(c * _CH, _CH)], qbufs[slot], qsem.at[slot]
        ).start()
        pltpu.make_async_copy(
            x_hbm.at[row_off + row, pl.ds(n + c * _CH, _CH)], ybufs[slot], ysem.at[slot]
        ).start()

    def wait_in(row, c):
        slot = c & 1
        pltpu.make_async_copy(
            x_hbm.at[row_off + row, pl.ds(c * _CH, _CH)], qbufs[slot], qsem.at[slot]
        ).wait()
        pltpu.make_async_copy(
            x_hbm.at[row_off + row, pl.ds(n + c * _CH, _CH)], ybufs[slot], ysem.at[slot]
        ).wait()

    row0 = wid * rows_per
    start_in(row0, 0)
    pltpu.sync_copy(w_hbm, wv)

    for rr in range(rows_per):
        row = row0 + rr
        zslot = rr & 1
        zrv = zbufs[zslot]

        if rr >= 2:
            pltpu.make_async_copy(
                zrv, out_hbm.at[row - 2], osem.at[zslot]
            ).wait()

        for c in range(nch):
            slot = c & 1
            qv, yv = qbufs[slot], ybufs[slot]
            wait_in(row, c)
            if c < nch - 1:
                start_in(row, c + 1)
            elif rr < rows_per - 1:
                start_in(row + 1, 0)

            @plsc.parallel_loop(0, _CH, step)
            def p1(k):
                es = []
                for j in range(_U):
                    sl = pl.ds(k + j * _L, _L)
                    e = jnp.exp(qv[sl] * yv[sl] * wv[pl.ds(c * _CH + k + j * _L, _L)])
                    zrv[pl.ds(c * _CH + k + j * _L + 1, _L)] = e
                    es.append(e)
                s = _tree(es, jnp.add)
                acc[pl.ds(c * (_CH // _U) + lax.shift_right_logical(k, 3), _L)] = s

        @plsc.parallel_loop(0, n // _U, _L, carry=jnp.zeros((_L,), jnp.float32))
        def rsum(k, s):
            return s + acc[pl.ds(k, _L)]

        e0v = jnp.full((_L,), 2.718281828459045, jnp.float32)
        sv = _all_lanes_sum(rsum) + e0v
        rv = jnp.full((_L,), 1.0, jnp.float32) / sv

        @plsc.parallel_loop(0, n, step)
        def p3(k):
            for j in range(_U):
                sl = pl.ds(k + j * _L + 1, _L)
                zrv[sl] = zrv[sl] * rv

        head = zrv[pl.ds(0, _L)]
        lane = lax.iota(jnp.int32, _L)
        zrv[pl.ds(0, _L)] = jnp.where(lane == 0, e0v * rv, head)
        pltpu.make_async_copy(
            zrv, out_hbm.at[row], osem.at[zslot]
        ).start()

    for rr in range(max(rows_per - 2, 0), rows_per):
        pltpu.make_async_copy(
            zbufs[rr & 1], out_hbm.at[row0 + rr], osem.at[rr & 1]
        ).wait()


def _tc_body(n, rb, b_tc, b_sc, x_ref, w_ref, sc_ref, out_hbm, ob, sem, msem):
    i = pl.program_id(0)
    nsteps = pl.num_programs(0)
    slot = lax.rem(i, 2)

    @pl.when(i == 0)
    def _start_merge():
        pltpu.make_async_copy(
            sc_ref, out_hbm.at[pl.ds(b_tc, b_sc), :], msem
        ).start()

    @pl.when(i >= 2)
    def _wait_prev():
        pltpu.make_async_copy(
            ob.at[slot], out_hbm.at[pl.ds((i - 2) * rb, rb), :], sem.at[slot]
        ).wait()

    q = x_ref[:, :n]
    y = x_ref[:, n:]
    z = q * y * w_ref[:]
    m = jnp.maximum(jnp.max(z, axis=1, keepdims=True), 1.0)
    e = jnp.exp(z - m)
    e0 = jnp.exp(1.0 - m)
    s = jnp.sum(e, axis=1, keepdims=True) + e0
    r = 1.0 / s
    ob[slot] = jnp.concatenate([e0 * r, e * r], axis=1)
    pltpu.make_async_copy(
        ob.at[slot], out_hbm.at[pl.ds(i * rb, rb), :], sem.at[slot]
    ).start()

    @pl.when(i == nsteps - 1)
    def _drain():
        prev = lax.rem(i - 1, 2)
        pltpu.make_async_copy(
            ob.at[prev], out_hbm.at[pl.ds((i - 1) * rb, rb), :], sem.at[prev]
        ).wait()
        pltpu.make_async_copy(
            ob.at[slot], out_hbm.at[pl.ds(i * rb, rb), :], sem.at[slot]
        ).wait()
        pltpu.make_async_copy(
            sc_ref, out_hbm.at[pl.ds(b_tc, b_sc), :], msem
        ).wait()


def kernel(x, weights):
    b, two_n = x.shape
    n = two_n // 2
    b_tc = b - _B_SC
    rows_per = _B_SC // (_NC * _NS)

    sc_fn = pl.kernel(
        functools.partial(_sc_body, n, rows_per, b_tc),
        out_type=jax.ShapeDtypeStruct((_B_SC, n + 1), jnp.float32),
        mesh=plsc.VectorSubcoreMesh(core_axis_name="c", subcore_axis_name="s"),
        scratch_types=[
            pltpu.VMEM((n,), jnp.float32),
            pltpu.VMEM((_CH,), jnp.float32),
            pltpu.VMEM((_CH,), jnp.float32),
            pltpu.VMEM((_CH,), jnp.float32),
            pltpu.VMEM((_CH,), jnp.float32),
            pltpu.VMEM((n + 1,), jnp.float32),
            pltpu.VMEM((n + 1,), jnp.float32),
            pltpu.VMEM((n // _U,), jnp.float32),
            pltpu.SemaphoreType.DMA((2,)),
            pltpu.SemaphoreType.DMA((2,)),
            pltpu.SemaphoreType.DMA((2,)),
        ],
    )
    sc_out = sc_fn(x, weights)

    return pl.pallas_call(
        functools.partial(_tc_body, n, _RB_TC, b_tc, _B_SC),
        grid=(b_tc // _RB_TC,),
        in_specs=[
            pl.BlockSpec((_RB_TC, two_n), lambda i: (i, 0)),
            pl.BlockSpec((1, n), lambda i: (0, 0)),
            pl.BlockSpec(memory_space=pl.ANY),
        ],
        out_specs=pl.BlockSpec(memory_space=pl.ANY),
        out_shape=jax.ShapeDtypeStruct((b, n + 1), jnp.float32),
        scratch_shapes=[
            pltpu.VMEM((2, _RB_TC, n + 1), jnp.float32),
            pltpu.SemaphoreType.DMA((2,)),
            pltpu.SemaphoreType.DMA,
        ],
    )(x, weights.reshape(1, n), sc_out)

# --- scband reference (transcript-rebuilt; emitter-appended) ---
"""Pipeline reference for scband-max-weight-network-9629316678106 (READ-ONLY COPY).

The authoritative reference and input builder live on the scoring server;
editing this copy changes nothing except your own understanding.
"""

import jax, jax.numpy as jnp
import numpy as np

B = 128
N = 32768  # weight_size
TEMPERATURE = 1.0


def setup_inputs(seed: int = 0) -> dict:
    key = jax.random.key(seed)
    k1, k2 = jax.random.split(key)
    x = jax.random.normal(k1, (B, 2 * N), dtype=jnp.float32)
    weights = jax.random.normal(k2, (N,), dtype=jnp.float32) * 0.1
    return {"x": x, "weights": weights}


def reference(x, weights):
    n = x.shape[1] // 2
    Q = x[:, :n]
    Y = x[:, n:]
    z = Y * Q * weights
    ones = jnp.ones((z.shape[0], 1), dtype=z.dtype)
    z = jnp.concatenate([ones, z], axis=1)
    # training-mode branch (nn.Module defaults to training=True)
    A = jax.nn.softmax(z / TEMPERATURE, axis=-1)
    return A

if __name__ == "__main__":
    import jax
    _d = setup_inputs()
    print(jax.jit(kernel)(*tuple(_d.values())))

</pallas_src>

<mosaic_0001>
#map = affine_map<(d0, d1) -> (0, 0)>
#map1 = affine_map<(d0, d1) -> (0)>
module attributes {stable_mosaic.version = 14 : i64} {
  func.func @_sc_body(%arg0: i32, %arg1: i32, %arg2: memref<128x65536xf32, #tpu.memory_space<hbm>>, %arg3: memref<32768xf32, #tpu.memory_space<hbm>>, %arg4: memref<32x32769xf32, #tpu.memory_space<hbm>>, %arg5: memref<32768xf32, #tpu.memory_space<vmem>>, %arg6: memref<4096xf32, #tpu.memory_space<vmem>>, %arg7: memref<4096xf32, #tpu.memory_space<vmem>>, %arg8: memref<4096xf32, #tpu.memory_space<vmem>>, %arg9: memref<4096xf32, #tpu.memory_space<vmem>>, %arg10: memref<32769xf32, #tpu.memory_space<vmem>>, %arg11: memref<32769xf32, #tpu.memory_space<vmem>>, %arg12: memref<4096xf32, #tpu.memory_space<vmem>>, %arg13: memref<2x!tpu.dma_semaphore, #tpu.memory_space<semaphore_mem>>, %arg14: memref<2x!tpu.dma_semaphore, #tpu.memory_space<semaphore_mem>>, %arg15: memref<2x!tpu.dma_semaphore, #tpu.memory_space<semaphore_mem>>) attributes {dimension_semantics = [#tpu.dimension_semantics<core_parallel>, #tpu.dimension_semantics<subcore_parallel>], iteration_bounds = array<i64: 2, 16>, scalar_prefetch = 0 : i64, scratch_operands = 11 : i64, tpu.core_type = #tpu.core_type<sc_vector_subcore>, window_params = [{transform_indices = #map}, {transform_indices = #map1}, {transform_indices = #map}]} {
    %mul3A = arith.constant 2 : i32
    %mul3A_0 = arith.muli %arg1, %mul3A : i32
    %add3A = arith.addi %mul3A_0, %arg0 : i32
    %mul3A_1 = arith.constant 1 : i32
    %mul3A_2 = arith.muli %add3A, %mul3A_1 : i32
    %add3A_3 = arith.constant 96 : i32
    %add3A_4 = arith.addi %add3A_3, %mul3A_2 : i32
    %dma_start3A = arith.constant 0 : i32
    %dma_start3A_5 = arith.constant 0 : i32
    %dma_start3A_6 = tpu.memref_slice %arg2[%add3A_4, %dma_start3A_5] : memref<128x65536xf32, #tpu.memory_space<hbm>> -> memref<1x4096xf32, #tpu.memory_space<hbm>>
    %dma_start3A_7 = tpu.memref_squeeze %dma_start3A_6 : memref<1x4096xf32, #tpu.memory_space<hbm>> -> memref<4096xf32, #tpu.memory_space<hbm>>
    %dma_start3A_8 = tpu.memref_slice %arg13[%dma_start3A] : memref<2x!tpu.dma_semaphore, #tpu.memory_space<semaphore_mem>> -> memref<1x!tpu.dma_semaphore, #tpu.memory_space<semaphore_mem>>
    %dma_start3A_9 = tpu.memref_squeeze %dma_start3A_8 : memref<1x!tpu.dma_semaphore, #tpu.memory_space<semaphore_mem>> -> memref<!tpu.dma_semaphore, #tpu.memory_space<semaphore_mem>>
    %dma_start3A_10 = arith.constant 0 : i32
    %dma_start3A_11 = tpu.memref_slice %arg2[%add3A_4, %dma_start3A_10] : memref<128x65536xf32, #tpu.memory_space<hbm>> -> memref<1x4096xf32, #tpu.memory_space<hbm>>
    %dma_start3A_12 = tpu.memref_squeeze %dma_start3A_11 : memref<1x4096xf32, #tpu.memory_space<hbm>> -> memref<4096xf32, #tpu.memory_space<hbm>>
    tpu.enqueue_dma source(%dma_start3A_12 : memref<4096xf32, #tpu.memory_space<hbm>>) target(%arg6 : memref<4096xf32, #tpu.memory_space<vmem>>) target_semaphore(%dma_start3A_9 : memref<!tpu.dma_semaphore, #tpu.memory_space<semaphore_mem>>)
    %add3A_13 = arith.constant 96 : i32
    %add3A_14 = arith.addi %add3A_13, %mul3A_2 : i32
    %dma_start3A_15 = arith.constant 0 : i32
    %dma_start3A_16 = arith.constant 32768 : i32
    %dma_start3A_17 = tpu.memref_slice %arg2[%add3A_14, %dma_start3A_16] : memref<128x65536xf32, #tpu.memory_space<hbm>> -> memref<1x4096xf32, #tpu.memory_space<hbm>>
    %dma_start3A_18 = tpu.memref_squeeze %dma_start3A_17 : memref<1x4096xf32, #tpu.memory_space<hbm>> -> memref<4096xf32, #tpu.memory_space<hbm>>
    %dma_start3A_19 = tpu.memref_slice %arg14[%dma_start3A_15] : memref<2x!tpu.dma_semaphore, #tpu.memory_space<semaphore_mem>> -> memref<1x!tpu.dma_semaphore, #tpu.memory_space<semaphore_mem>>
    %dma_start3A_20 = tpu.memref_squeeze %dma_start3A_19 : memref<1x!tpu.dma_semaphore, #tpu.memory_space<semaphore_mem>> -> memref<!tpu.dma_semaphore, #tpu.memory_space<semaphore_mem>>
    %dma_start3A_21 = arith.constant 32768 : i32
    %dma_start3A_22 = tpu.memref_slice %arg2[%add3A_14, %dma_start3A_21] : memref<128x65536xf32, #tpu.memory_space<hbm>> -> memref<1x4096xf32, #tpu.memory_space<hbm>>
    %dma_start3A_23 = tpu.memref_squeeze %dma_start3A_22 : memref<1x4096xf32, #tpu.memory_space<hbm>> -> memref<4096xf32, #tpu.memory_space<hbm>>
    tpu.enqueue_dma source(%dma_start3A_23 : memref<4096xf32, #tpu.memory_space<hbm>>) target(%arg8 : memref<4096xf32, #tpu.memory_space<vmem>>) target_semaphore(%dma_start3A_20 : memref<!tpu.dma_semaphore, #tpu.memory_space<semaphore_mem>>)
    "tpu.region"() ({
      %run_scoped3A = tpu.sem_alloc : memref<!tpu.dma_semaphore, #tpu.memory_space<semaphore_mem>>
      tpu.enqueue_dma source(%arg3 : memref<32768xf32, #tpu.memory_space<hbm>>) target(%arg5 : memref<32768xf32, #tpu.memory_space<vmem>>) target_semaphore(%run_scoped3A : memref<!tpu.dma_semaphore, #tpu.memory_space<semaphore_mem>>)
      tpu.wait_dma2 semaphore(%run_scoped3A : memref<!tpu.dma_semaphore, #tpu.memory_space<semaphore_mem>>) src(%arg3 : memref<32768xf32, #tpu.memory_space<hbm>>) dst(%arg5 : memref<32768xf32, #tpu.memory_space<vmem>>)
      tpu.yield
    }) : () -> ()
    %add3A_24 = arith.constant 0 : i32
    %add3A_25 = arith.addi %mul3A_2, %add3A_24 : i32
    %add3A_26 = arith.constant 96 : i32
    %add3A_27 = arith.addi %add3A_26, %add3A_25 : i32
    %dma_wait3A = arith.constant 0 : i32
    %dma_wait3A_28 = arith.constant 0 : i32
    %dma_wait3A_29 = tpu.memref_slice %arg2[%add3A_27, %dma_wait3A_28] : memref<128x65536xf32, #tpu.memory_space<hbm>> -> memref<1x4096xf32, #tpu.memory_space<hbm>>
    %dma_wait3A_30 = tpu.memref_squeeze %dma_wait3A_29 : memref<1x4096xf32, #tpu.memory_space<hbm>> -> memref<4096xf32, #tpu.memory_space<hbm>>
    %dma_wait3A_31 = tpu.memref_slice %arg13[%dma_wait3A] : memref<2x!tpu.dma_semaphore, #tpu.memory_space<semaphore_mem>> -> memref<1x!tpu.dma_semaphore, #tpu.memory_space<semaphore_mem>>
    %dma_wait3A_32 = tpu.memref_squeeze %dma_wait3A_31 : memref<1x!tpu.dma_semaphore, #tpu.memory_space<semaphore_mem>> -> memref<!tpu.dma_semaphore, #tpu.memory_space<semaphore_mem>>
    %dma_wait3A_33 = arith.constant 0 : i32
    %dma_wait3A_34 = tpu.memref_slice %arg2[%add3A_27, %dma_wait3A_33] : memref<128x65536xf32, #tpu.memory_space<hbm>> -> memref<1x4096xf32, #tpu.memory_space<hbm>>
    %dma_wait3A_35 = tpu.memref_squeeze %dma_wait3A_34 : memref<1x4096xf32, #tpu.memory_space<hbm>> -> memref<4096xf32, #tpu.memory_space<hbm>>
    tpu.wait_dma2 semaphore(%dma_wait3A_32 : memref<!tpu.dma_semaphore, #tpu.memory_space<semaphore_mem>>) src(%dma_wait3A_35 : memref<4096xf32, #tpu.memory_space<hbm>>) dst(%arg6 : memref<4096xf32, #tpu.memory_space<vmem>>)
    %add3A_36 = arith.constant 96 : i32
    %add3A_37 = arith.addi %add3A_36, %add3A_25 : i32
    %dma_wait3A_38 = arith.constant 0 : i32
    %dma_wait3A_39 = arith.constant 32768 : i32
    %dma_wait3A_40 = tpu.memref_slice %arg2[%add3A_37, %dma_wait3A_39] : memref<128x65536xf32, #tpu.memory_space<hbm>> -> memref<1x4096xf32, #tpu.memory_space<hbm>>
    %dma_wait3A_41 = tpu.memref_squeeze %dma_wait3A_40 : memref<1x4096xf32, #tpu.memory_space<hbm>> -> memref<4096xf32, #tpu.memory_space<hbm>>
    %dma_wait3A_42 = tpu.memref_slice %arg14[%dma_wait3A_38] : memref<2x!tpu.dma_semaphore, #tpu.memory_space<semaphore_mem>> -> memref<1x!tpu.dma_semaphore, #tpu.memory_space<semaphore_mem>>
    %dma_wait3A_43 = tpu.memref_squeeze %dma_wait3A_42 : memref<1x!tpu.dma_semaphore, #tpu.memory_space<semaphore_mem>> -> memref<!tpu.dma_semaphore, #tpu.memory_space<semaphore_mem>>
    %dma_wait3A_44 = arith.constant 32768 : i32
    %dma_wait3A_45 = tpu.memref_slice %arg2[%add3A_37, %dma_wait3A_44] : memref<128x65536xf32, #tpu.memory_space<hbm>> -> memref<1x4096xf32, #tpu.memory_space<hbm>>
    %dma_wait3A_46 = tpu.memref_squeeze %dma_wait3A_45 : memref<1x4096xf32, #tpu.memory_space<hbm>> -> memref<4096xf32, #tpu.memory_space<hbm>>
    tpu.wait_dma2 semaphore(%dma_wait3A_43 : memref<!tpu.dma_semaphore, #tpu.memory_space<semaphore_mem>>) src(%dma_wait3A_46 : memref<4096xf32, #tpu.memory_space<hbm>>) dst(%arg8 : memref<4096xf32, #tpu.memory_space<vmem>>)
    %add3A_47 = arith.constant 96 : i32
    %add3A_48 = arith.addi %add3A_47, %add3A_25 : i32
    %dma_start3A_49 = arith.constant 1 : i32
    %dma_start3A_50 = arith.constant 4096 : i32
    %dma_start3A_51 = tpu.memref_slice %arg2[%add3A_48, %dma_start3A_50] : memref<128x65536xf32, #tpu.memory_space<hbm>> -> memref<1x4096xf32, #tpu.memory_space<hbm>>
    %dma_start3A_52 = tpu.memref_squeeze %dma_start3A_51 : memref<1x4096xf32, #tpu.memory_space<hbm>> -> memref<4096xf32, #tpu.memory_space<hbm>>
    %dma_start3A_53 = tpu.memref_slice %arg13[%dma_start3A_49] : memref<2x!tpu.dma_semaphore, #tpu.memory_space<semaphore_mem>> -> memref<1x!tpu.dma_semaphore, #tpu.memory_space<semaphore_mem>>
    %dma_start3A_54 = tpu.memref_squeeze %dma_start3A_53 : memref<1x!tpu.dma_semaphore, #tpu.memory_space<semaphore_mem>> -> memref<!tpu.dma_semaphore, #tpu.memory_space<semaphore_mem>>
    %dma_start3A_55 = arith.constant 4096 : i32
    %dma_start3A_56 = tpu.memref_slice %arg2[%add3A_48, %dma_start3A_55] : memref<128x65536xf32, #tpu.memory_space<hbm>> -> memref<1x4096xf32, #tpu.memory_space<hbm>>
    %dma_start3A_57 = tpu.memref_squeeze %dma_start3A_56 : memref<1x4096xf32, #tpu.memory_space<hbm>> -> memref<4096xf32, #tpu.memory_space<hbm>>
    tpu.enqueue_dma source(%dma_start3A_57 : memref<4096xf32, #tpu.memory_space<hbm>>) target(%arg7 : memref<4096xf32, #tpu.memory_space<vmem>>) target_semaphore(%dma_start3A_54 : memref<!tpu.dma_semaphore, #tpu.memory_space<semaphore_mem>>)
    %add3A_58 = arith.constant 96 : i32
    %add3A_59 = arith.addi %add3A_58, %add3A_25 : i32
    %dma_start3A_60 = arith.constant 1 : i32
    %dma_start3A_61 = arith.constant 36864 : i32
    %dma_start3A_62 = tpu.memref_slice %arg2[%add3A_59, %dma_start3A_61] : memref<128x65536xf32, #tpu.memory_space<hbm>> -> memref<1x4096xf32, #tpu.memory_space<hbm>>
    %dma_start3A_63 = tpu.memref_squeeze %dma_start3A_62 : memref<1x4096xf32, #tpu.memory_space<hbm>> -> memref<4096xf32, #tpu.memory_space<hbm>>
    %dma_start3A_64 = tpu.memref_slice %arg14[%dma_start3A_60] : memref<2x!tpu.dma_semaphore, #tpu.memory_space<semaphore_mem>> -> memref<1x!tpu.dma_semaphore, #tpu.memory_space<semaphore_mem>>
    %dma_start3A_65 = tpu.memref_squeeze %dma_start3A_64 : memref<1x!tpu.dma_semaphore, #tpu.memory_space<semaphore_mem>> -> memref<!tpu.dma_semaphore, #tpu.memory_space<semaphore_mem>>
    %dma_start3A_66 = arith.constant 36864 : i32
    %dma_start3A_67 = tpu.memref_slice %arg2[%add3A_59, %dma_start3A_66] : memref<128x65536xf32, #tpu.memory_space<hbm>> -> memref<1x4096xf32, #tpu.memory_space<hbm>>
    %dma_start3A_68 = tpu.memref_squeeze %dma_start3A_67 : memref<1x4096xf32, #tpu.memory_space<hbm>> -> memref<4096xf32, #tpu.memory_space<hbm>>
    tpu.enqueue_dma source(%dma_start3A_68 : memref<4096xf32, #tpu.memory_space<hbm>>) target(%arg9 : memref<4096xf32, #tpu.memory_space<vmem>>) target_semaphore(%dma_start3A_65 : memref<!tpu.dma_semaphore, #tpu.memory_space<semaphore_mem>>)
    %parallel_loop3A = arith.constant 0 : i32
    %parallel_loop3A_69 = arith.constant 4096 : i32
    %parallel_loop3A_70 = arith.constant 128 : i32
    scf.for %parallel_loop3A_488 = %parallel_loop3A to %parallel_loop3A_69 step %parallel_loop3A_70  : i32 {
      %parallel_loop3A_489 = arith.constant 0 : i32
      %parallel_loop3A_490 = arith.addi %parallel_loop3A_488, %parallel_loop3A_489 : i32
      %parallel_loop3A_491 = arith.index_cast %parallel_loop3A_490 : i32 to index
      %parallel_loop3A_492 = tpu.vector_load %arg6[%parallel_loop3A_491] {strides = array<i32>} : memref<4096xf32, #tpu.memory_space<vmem>>, vector<16xf32>,
      %parallel_loop3A_493 = vector.shape_cast %parallel_loop3A_492 : vector<16xf32> to vector<16xf32>
      %parallel_loop3A_494 = arith.index_cast %parallel_loop3A_490 : i32 to index
      %parallel_loop3A_495 = tpu.vector_load %arg8[%parallel_loop3A_494] {strides = array<i32>} : memref<4096xf32, #tpu.memory_space<vmem>>, vector<16xf32>,
      %parallel_loop3A_496 = vector.shape_cast %parallel_loop3A_495 : vector<16xf32> to vector<16xf32>
      %parallel_loop3A_497 = arith.mulf %parallel_loop3A_493, %parallel_loop3A_496 : vector<16xf32>
      %parallel_loop3A_498 = arith.constant 0 : i32
      %parallel_loop3A_499 = arith.addi %parallel_loop3A_498, %parallel_loop3A_488 : i32
      %parallel_loop3A_500 = arith.constant 0 : i32
      %parallel_loop3A_501 = arith.addi %parallel_loop3A_499, %parallel_loop3A_500 : i32
      %parallel_loop3A_502 = arith.index_cast %parallel_loop3A_501 : i32 to index
      %parallel_loop3A_503 = tpu.vector_load %arg5[%parallel_loop3A_502] {strides = array<i32>} : memref<32768xf32, #tpu.memory_space<vmem>>, vector<16xf32>,
      %parallel_loop3A_504 = vector.shape_cast %parallel_loop3A_503 : vector<16xf32> to vector<16xf32>
      %parallel_loop3A_505 = arith.mulf %parallel_loop3A_497, %parallel_loop3A_504 : vector<16xf32>
      %parallel_loop3A_506 = math.exp %parallel_loop3A_505 : vector<16xf32>
      %parallel_loop3A_507 = arith.constant 0 : i32
      %parallel_loop3A_508 = arith.addi %parallel_loop3A_507, %parallel_loop3A_488 : i32
      %parallel_loop3A_509 = arith.constant 0 : i32
      %parallel_loop3A_510 = arith.addi %parallel_loop3A_508, %parallel_loop3A_509 : i32
      %parallel_loop3A_511 = arith.constant 1 : i32
      %parallel_loop3A_512 = arith.addi %parallel_loop3A_510, %parallel_loop3A_511 : i32
      %parallel_loop3A_513 = arith.index_cast %parallel_loop3A_512 : i32 to index
      %parallel_loop3A_514 = tpu.vector_load %arg10[%parallel_loop3A_513] {strides = array<i32>} : memref<32769xf32, #tpu.memory_space<vmem>>, vector<16xf32>,
      %parallel_loop3A_515 = vector.shape_cast %parallel_loop3A_514 : vector<16xf32> to vector<16xf32>
      %parallel_loop3A_516 = vector.shape_cast %parallel_loop3A_506 : vector<16xf32> to vector<16xf32>
      tpu.vector_store %arg10[%parallel_loop3A_513], %parallel_loop3A_516 {strides = array<i32>} : memref<32769xf32, #tpu.memory_space<vmem>>, vector<16xf32>,
      %parallel_loop3A_517 = arith.constant 16 : i32
      %parallel_loop3A_518 = arith.addi %parallel_loop3A_488, %parallel_loop3A_517 : i32
      %parallel_loop3A_519 = arith.index_cast %parallel_loop3A_518 : i32 to index
      %parallel_loop3A_520 = tpu.vector_load %arg6[%parallel_loop3A_519] {strides = array<i32>} : memref<4096xf32, #tpu.memory_space<vmem>>, vector<16xf32>,
      %parallel_loop3A_521 = vector.shape_cast %parallel_loop3A_520 : vector<16xf32> to vector<16xf32>
      %parallel_loop3A_522 = arith.index_cast %parallel_loop3A_518 : i32 to index
      %parallel_loop3A_523 = tpu.vector_load %arg8[%parallel_loop3A_522] {strides = array<i32>} : memref<4096xf32, #tpu.memory_space<vmem>>, vector<16xf32>,
      %parallel_loop3A_524 = vector.shape_cast %parallel_loop3A_523 : vector<16xf32> to vector<16xf32>
      %parallel_loop3A_525 = arith.mulf %parallel_loop3A_521, %parallel_loop3A_524 : vector<16xf32>
      %parallel_loop3A_526 = arith.constant 0 : i32
      %parallel_loop3A_527 = arith.addi %parallel_loop3A_526, %parallel_loop3A_488 : i32
      %parallel_loop3A_528 = arith.constant 16 : i32
      %parallel_loop3A_529 = arith.addi %parallel_loop3A_527, %parallel_loop3A_528 : i32
      %parallel_loop3A_530 = arith.index_cast %parallel_loop3A_529 : i32 to index
      %parallel_loop3A_531 = tpu.vector_load %arg5[%parallel_loop3A_530] {strides = array<i32>} : memref<32768xf32, #tpu.memory_space<vmem>>, vector<16xf32>,
      %parallel_loop3A_532 = vector.shape_cast %parallel_loop3A_531 : vector<16xf32> to vector<16xf32>
      %parallel_loop3A_533 = arith.mulf %parallel_loop3A_525, %parallel_loop3A_532 : vector<16xf32>
      %parallel_loop3A_534 = math.exp %parallel_loop3A_533 : vector<16xf32>
      %parallel_loop3A_535 = arith.constant 0 : i32
      %parallel_loop3A_536 = arith.addi %parallel_loop3A_535, %parallel_loop3A_488 : i32
      %parallel_loop3A_537 = arith.constant 16 : i32
      %parallel_loop3A_538 = arith.addi %parallel_loop3A_536, %parallel_loop3A_537 : i32
      %parallel_loop3A_539 = arith.constant 1 : i32
      %parallel_loop3A_540 = arith.addi %parallel_loop3A_538, %parallel_loop3A_539 : i32
      %parallel_loop3A_541 = arith.index_cast %parallel_loop3A_540 : i32 to index
      %parallel_loop3A_542 = tpu.vector_load %arg10[%parallel_loop3A_541] {strides = array<i32>} : memref<32769xf32, #tpu.memory_space<vmem>>, vector<16xf32>,
      %parallel_loop3A_543 = vector.shape_cast %parallel_loop3A_542 : vector<16xf32> to vector<16xf32>
      %parallel_loop3A_544 = vector.shape_cast %parallel_loop3A_534 : vector<16xf32> to vector<16xf32>
      tpu.vector_store %arg10[%parallel_loop3A_541], %parallel_loop3A_544 {strides = array<i32>} : memref<32769xf32, #tpu.memory_space<vmem>>, vector<16xf32>,
      %parallel_loop3A_545 = arith.constant 32 : i32
      %parallel_loop3A_546 = arith.addi %parallel_loop3A_488, %parallel_loop3A_545 : i32
      %parallel_loop3A_547 = arith.index_cast %parallel_loop3A_546 : i32 to index
      %parallel_loop3A_548 = tpu.vector_load %arg6[%parallel_loop3A_547] {strides = array<i32>} : memref<4096xf32, #tpu.memory_space<vmem>>, vector<16xf32>,
      %parallel_loop3A_549 = vector.shape_cast %parallel_loop3A_548 : vector<16xf32> to vector<16xf32>
      %parallel_loop3A_550 = arith.index_cast %parallel_loop3A_546 : i32 to index
      %parallel_loop3A_551 = tpu.vector_load %arg8[%parallel_loop3A_550] {strides = array<i32>} : memref<4096xf32, #tpu.memory_space<vmem>>, vector<16xf32>,
      %parallel_loop3A_552 = vector.shape_cast %parallel_loop3A_551 : vector<16xf32> to vector<16xf32>
      %parallel_loop3A_553 = arith.mulf %parallel_loop3A_549, %parallel_loop3A_552 : vector<16xf32>
      %parallel_loop3A_554 = arith.constant 0 : i32
      %parallel_loop3A_555 = arith.addi %parallel_loop3A_554, %parallel_loop3A_488 : i32
      %parallel_loop3A_556 = arith.constant 32 : i32
      %parallel_loop3A_557 = arith.addi %parallel_loop3A_555, %parallel_loop3A_556 : i32
      %parallel_loop3A_558 = arith.index_cast %parallel_loop3A_557 : i32 to index
      %parallel_loop3A_559 = tpu.vector_load %arg5[%parallel_loop3A_558] {strides = array<i32>} : memref<32768xf32, #tpu.memory_space<vmem>>, vector<16xf32>,
      %parallel_loop3A_560 = vector.shape_cast %parallel_loop3A_559 : vector<16xf32> to vector<16xf32>
      %parallel_loop3A_561 = arith.mulf %parallel_loop3A_553, %parallel_loop3A_560 : vector<16xf32>
      %parallel_loop3A_562 = math.exp %parallel_loop3A_561 : vector<16xf32>
      %parallel_loop3A_563 = arith.constant 0 : i32
      %parallel_loop3A_564 = arith.addi %parallel_loop3A_563, %parallel_loop3A_488 : i32
      %parallel_loop3A_565 = arith.constant 32 : i32
      %parallel_loop3A_566 = arith.addi %parallel_loop3A_564, %parallel_loop3A_565 : i32
      %parallel_loop3A_567 = arith.constant 1 : i32
      %parallel_loop3A_568 = arith.addi %parallel_loop3A_566, %parallel_loop3A_567 : i32
      %parallel_loop3A_569 = arith.index_cast %parallel_loop3A_568 : i32 to index
      %parallel_loop3A_570 = tpu.vector_load %arg10[%parallel_loop3A_569] {strides = array<i32>} : memref<32769xf32, #tpu.memory_space<vmem>>, vector<16xf32>,
      %parallel_loop3A_571 = vector.shape_cast %parallel_loop3A_570 : vector<16xf32> to vector<16xf32>
      %parallel_loop3A_572 = vector.shape_cast %parallel_loop3A_562 : vector<16xf32> to vector<16xf32>
      tpu.vector_store %arg10[%parallel_loop3A_569], %parallel_loop3A_572 {strides = array<i32>} : memref<32769xf32, #tpu.memory_space<vmem>>, vector<16xf32>,
      %parallel_loop3A_573 = arith.constant 48 : i32
      %parallel_loop3A_574 = arith.addi %parallel_loop3A_488, %parallel_loop3A_573 : i32
      %parallel_loop3A_575 = arith.index_cast %parallel_loop3A_574 : i32 to index
      %parallel_loop3A_576 = tpu.vector_load %arg6[%parallel_loop3A_575] {strides = array<i32>} : memref<4096xf32, #tpu.memory_space<vmem>>, vector<16xf32>,
      %parallel_loop3A_577 = vector.shape_cast %parallel_loop3A_576 : vector<16xf32> to vector<16xf32>
      %parallel_loop3A_578 = arith.index_cast %parallel_loop3A_574 : i32 to index
      %parallel_loop3A_579 = tpu.vector_load %arg8[%parallel_loop3A_578] {strides = array<i32>} : memref<4096xf32, #tpu.memory_space<vmem>>, vector<16xf32>,
      %parallel_loop3A_580 = vector.shape_cast %parallel_loop3A_579 : vector<16xf32> to vector<16xf32>
      %parallel_loop3A_581 = arith.mulf %parallel_loop3A_577, %parallel_loop3A_580 : vector<16xf32>
      %parallel_loop3A_582 = arith.constant 0 : i32
      %parallel_loop3A_583 = arith.addi %parallel_loop3A_582, %parallel_loop3A_488 : i32
      %parallel_loop3A_584 = arith.constant 48 : i32
      %parallel_loop3A_585 = arith.addi %parallel_loop3A_583, %parallel_loop3A_584 : i32
      %parallel_loop3A_586 = arith.index_cast %parallel_loop3A_585 : i32 to index
      %parallel_loop3A_587 = tpu.vector_load %arg5[%parallel_loop3A_586] {strides = array<i32>} : memref<32768xf32, #tpu.memory_space<vmem>>, vector<16xf32>,
      %parallel_loop3A_588 = vector.shape_cast %parallel_loop3A_587 : vector<16xf32> to vector<16xf32>
      %parallel_loop3A_589 = arith.mulf %parallel_loop3A_581, %parallel_loop3A_588 : vector<16xf32>
      %parallel_loop3A_590 = math.exp %parallel_loop3A_589 : vector<16xf32>
      %parallel_loop3A_591 = arith.constant 0 : i32
      %parallel_loop3A_592 = arith.addi %parallel_loop3A_591, %parallel_loop3A_488 : i32
      %parallel_loop3A_593 = arith.constant 48 : i32
      %parallel_loop3A_594 = arith.addi %parallel_loop3A_592, %parallel_loop3A_593 : i32
      %parallel_loop3A_595 = arith.constant 1 : i32
      %parallel_loop3A_596 = arith.addi %parallel_loop3A_594, %parallel_loop3A_595 : i32
      %parallel_loop3A_597 = arith.index_cast %parallel_loop3A_596 : i32 to index
      %parallel_loop3A_598 = tpu.vector_load %arg10[%parallel_loop3A_597] {strides = array<i32>} : memref<32769xf32, #tpu.memory_space<vmem>>, vector<16xf32>,
      %parallel_loop3A_599 = vector.shape_cast %parallel_loop3A_598 : vector<16xf32> to vector<16xf32>
      %parallel_loop3A_600 = vector.shape_cast %parallel_loop3A_590 : vector<16xf32> to vector<16xf32>
      tpu.vector_store %arg10[%parallel_loop3A_597], %parallel_loop3A_600 {strides = array<i32>} : memref<32769xf32, #tpu.memory_space<vmem>>, vector<16xf32>,
      %parallel_loop3A_601 = arith.constant 64 : i32
      %parallel_loop3A_602 = arith.addi %parallel_loop3A_488, %parallel_loop3A_601 : i32
      %parallel_loop3A_603 = arith.index_cast %parallel_loop3A_602 : i32 to index
      %parallel_loop3A_604 = tpu.vector_load %arg6[%parallel_loop3A_603] {strides = array<i32>} : memref<4096xf32, #tpu.memory_space<vmem>>, vector<16xf32>,
      %parallel_loop3A_605 = vector.shape_cast %parallel_loop3A_604 : vector<16xf32> to vector<16xf32>
      %parallel_loop3A_606 = arith.index_cast %parallel_loop3A_602 : i32 to index
      %parallel_loop3A_607 = tpu.vector_load %arg8[%parallel_loop3A_606] {strides = array<i32>} : memref<4096xf32, #tpu.memory_space<vmem>>, vector<16xf32>,
      %parallel_loop3A_608 = vector.shape_cast %parallel_loop3A_607 : vector<16xf32> to vector<16xf32>
      %parallel_loop3A_609 = arith.mulf %parallel_loop3A_605, %parallel_loop3A_608 : vector<16xf32>
      %parallel_loop3A_610 = arith.constant 0 : i32
      %parallel_loop3A_611 = arith.addi %parallel_loop3A_610, %parallel_loop3A_488 : i32
      %parallel_loop3A_612 = arith.constant 64 : i32
      %parallel_loop3A_613 = arith.addi %parallel_loop3A_611, %parallel_loop3A_612 : i32
      %parallel_loop3A_614 = arith.index_cast %parallel_loop3A_613 : i32 to index
      %parallel_loop3A_615 = tpu.vector_load %arg5[%parallel_loop3A_614] {strides = array<i32>} : memref<32768xf32, #tpu.memory_space<vmem>>, vector<16xf32>,
      %parallel_loop3A_616 = vector.shape_cast %parallel_loop3A_615 : vector<16xf32> to vector<16xf32>
      %parallel_loop3A_617 = arith.mulf %parallel_loop3A_609, %parallel_loop3A_616 : vector<16xf32>
      %parallel_loop3A_618 = math.exp %parallel_loop3A_617 : vector<16xf32>
      %parallel_loop3A_619 = arith.constant 0 : i32
      %parallel_loop3A_620 = arith.addi %parallel_loop3A_619, %parallel_loop3A_488 : i32
      %parallel_loop3A_621 = arith.constant 64 : i32
      %parallel_loop3A_622 = arith.addi %parallel_loop3A_620, %parallel_loop3A_621 : i32
      %parallel_loop3A_623 = arith.constant 1 : i32
      %parallel_loop3A_624 = arith.addi %parallel_loop3A_622, %parallel_loop3A_623 : i32
      %parallel_loop3A_625 = arith.index_cast %parallel_loop3A_624 : i32 to index
      %parallel_loop3A_626 = tpu.vector_load %arg10[%parallel_loop3A_625] {strides = array<i32>} : memref<32769xf32, #tpu.memory_space<vmem>>, vector<16xf32>,
      %parallel_loop3A_627 = vector.shape_cast %parallel_loop3A_626 : vector<16xf32> to vector<16xf32>
      %parallel_loop3A_628 = vector.shape_cast %parallel_loop3A_618 : vector<16xf32> to vector<16xf32>
      tpu.vector_store %arg10[%parallel_loop3A_625], %parallel_loop3A_628 {strides = array<i32>} : memref<32769xf32, #tpu.memory_space<vmem>>, vector<16xf32>,
      %parallel_loop3A_629 = arith.constant 80 : i32
      %parallel_loop3A_630 = arith.addi %parallel_loop3A_488, %parallel_loop3A_629 : i32
      %parallel_loop3A_631 = arith.index_cast %parallel_loop3A_630 : i32 to index
      %parallel_loop3A_632 = tpu.vector_load %arg6[%parallel_loop3A_631] {strides = array<i32>} : memref<4096xf32, #tpu.memory_space<vmem>>, vector<16xf32>,
      %parallel_loop3A_633 = vector.shape_cast %parallel_loop3A_632 : vector<16xf32> to vector<16xf32>
      %parallel_loop3A_634 = arith.index_cast %parallel_loop3A_630 : i32 to index
      %parallel_loop3A_635 = tpu.vector_load %arg8[%parallel_loop3A_634] {strides = array<i32>} : memref<4096xf32, #tpu.memory_space<vmem>>, vector<16xf32>,
      %parallel_loop3A_636 = vector.shape_cast %parallel_loop3A_635 : vector<16xf32> to vector<16xf32>
      %parallel_loop3A_637 = arith.mulf %parallel_loop3A_633, %parallel_loop3A_636 : vector<16xf32>
      %parallel_loop3A_638 = arith.constant 0 : i32
      %parallel_loop3A_639 = arith.addi %parallel_loop3A_638, %parallel_loop3A_488 : i32
      %parallel_loop3A_640 = arith.constant 80 : i32
      %parallel_loop3A_641 = arith.addi %parallel_loop3A_639, %parallel_loop3A_640 : i32
      %parallel_loop3A_642 = arith.index_cast %parallel_loop3A_641 : i32 to index
      %parallel_loop3A_643 = tpu.vector_load %arg5[%parallel_loop3A_642] {strides = array<i32>} : memref<32768xf32, #tpu.memory_space<vmem>>, vector<16xf32>,
      %parallel_loop3A_644 = vector.shape_cast %parallel_loop3A_643 : vector<16xf32> to vector<16xf32>
      %parallel_loop3A_645 = arith.mulf %parallel_loop3A_637, %parallel_loop3A_644 : vector<16xf32>
      %parallel_loop3A_646 = math.exp %parallel_loop3A_645 : vector<16xf32>
      %parallel_loop3A_647 = arith.constant 0 : i32
      %parallel_loop3A_648 = arith.addi %parallel_loop3A_647, %parallel_loop3A_488 : i32
      %parallel_loop3A_649 = arith.constant 80 : i32
      %parallel_loop3A_650 = arith.addi %parallel_loop3A_648, %parallel_loop3A_649 : i32
      %parallel_loop3A_651 = arith.constant 1 : i32
      %parallel_loop3A_652 = arith.addi %parallel_loop3A_650, %parallel_loop3A_651 : i32
      %parallel_loop3A_653 = arith.index_cast %parallel_loop3A_652 : i32 to index
      %parallel_loop3A_654 = tpu.vector_load %arg10[%parallel_loop3A_653] {strides = array<i32>} : memref<32769xf32, #tpu.memory_space<vmem>>, vector<16xf32>,
      %parallel_loop3A_655 = vector.shape_cast %parallel_loop3A_654 : vector<16xf32> to vector<16xf32>
      %parallel_loop3A_656 = vector.shape_cast %parallel_loop3A_646 : vector<16xf32> to vector<16xf32>
      tpu.vector_store %arg10[%parallel_loop3A_653], %parallel_loop3A_656 {strides = array<i32>} : memref<32769xf32, #tpu.memory_space<vmem>>, vector<16xf32>,
      %parallel_loop3A_657 = arith.constant 96 : i32
      %parallel_loop3A_658 = arith.addi %parallel_loop3A_488, %parallel_loop3A_657 : i32
      %parallel_loop3A_659 = arith.index_cast %parallel_loop3A_658 : i32 to index
      %parallel_loop3A_660 = tpu.vector_load %arg6[%parallel_loop3A_659] {strides = array<i32>} : memref<4096xf32, #tpu.memory_space<vmem>>, vector<16xf32>,
      %parallel_loop3A_661 = vector.shape_cast %parallel_loop3A_660 : vector<16xf32> to vector<16xf32>
      %parallel_loop3A_662 = arith.index_cast %parallel_loop3A_658 : i32 to index
      %parallel_loop3A_663 = tpu.vector_load %arg8[%parallel_loop3A_662] {strides = array<i32>} : memref<4096xf32, #tpu.memory_space<vmem>>, vector<16xf32>,
      %parallel_loop3A_664 = vector.shape_cast %parallel_loop3A_663 : vector<16xf32> to vector<16xf32>
      %parallel_loop3A_665 = arith.mulf %parallel_loop3A_661, %parallel_loop3A_664 : vector<16xf32>
      %parallel_loop3A_666 = arith.constant 0 : i32
      %parallel_loop3A_667 = arith.addi %parallel_loop3A_666, %parallel_loop3A_488 : i32
      %parallel_loop3A_668 = arith.constant 96 : i32
      %parallel_loop3A_669 = arith.addi %parallel_loop3A_667, %parallel_loop3A_668 : i32
      %parallel_loop3A_670 = arith.index_cast %parallel_loop3A_669 : i32 to index
      %parallel_loop3A_671 = tpu.vector_load %arg5[%parallel_loop3A_670] {strides = array<i32>} : memref<32768xf32, #tpu.memory_space<vmem>>, vector<16xf32>,
      %parallel_loop3A_672 = vector.shape_cast %parallel_loop3A_671 : vector<16xf32> to vector<16xf32>
      %parallel_loop3A_673 = arith.mulf %parallel_loop3A_665, %parallel_loop3A_672 : vector<16xf32>
      %parallel_loop3A_674 = math.exp %parallel_loop3A_673 : vector<16xf32>
      %parallel_loop3A_675 = arith.constant 0 : i32
      %parallel_loop3A_676 = arith.addi %parallel_loop3A_675, %parallel_loop3A_488 : i32
      %parallel_loop3A_677 = arith.constant 96 : i32
      %parallel_loop3A_678 = arith.addi %parallel_loop3A_676, %parallel_loop3A_677 : i32
      %parallel_loop3A_679 = arith.constant 1 : i32
      %parallel_loop3A_680 = arith.addi %parallel_loop3A_678, %parallel_loop3A_679 : i32
      %parallel_loop3A_681 = arith.index_cast %parallel_loop3A_680 : i32 to index
      %parallel_loop3A_682 = tpu.vector_load %arg10[%parallel_loop3A_681] {strides = array<i32>} : memref<32769xf32, #tpu.memory_space<vmem>>, vector<16xf32>,
      %parallel_loop3A_683 = vector.shape_cast %parallel_loop3A_682 : vector<16xf32> to vector<16xf32>
      %parallel_loop3A_684 = vector.shape_cast %parallel_loop3A_674 : vector<16xf32> to vector<16xf32>
      tpu.vector_store %arg10[%parallel_loop3A_681], %parallel_loop3A_684 {strides = array<i32>} : memref<32769xf32, #tpu.memory_space<vmem>>, vector<16xf32>,
      %parallel_loop3A_685 = arith.constant 112 : i32
      %parallel_loop3A_686 = arith.addi %parallel_loop3A_488, %parallel_loop3A_685 : i32
      %parallel_loop3A_687 = arith.index_cast %parallel_loop3A_686 : i32 to index
      %parallel_loop3A_688 = tpu.vector_load %arg6[%parallel_loop3A_687] {strides = array<i32>} : memref<4096xf32, #tpu.memory_space<vmem>>, vector<16xf32>,
      %parallel_loop3A_689 = vector.shape_cast %parallel_loop3A_688 : vector<16xf32> to vector<16xf32>
      %parallel_loop3A_690 = arith.index_cast %parallel_loop3A_686 : i32 to index
      %parallel_loop3A_691 = tpu.vector_load %arg8[%parallel_loop3A_690] {strides = array<i32>} : memref<4096xf32, #tpu.memory_space<vmem>>, vector<16xf32>,
      %parallel_loop3A_692 = vector.shape_cast %parallel_loop3A_691 : vector<16xf32> to vector<16xf32>
      %parallel_loop3A_693 = arith.mulf %parallel_loop3A_689, %parallel_loop3A_692 : vector<16xf32>
      %parallel_loop3A_694 = arith.constant 0 : i32
      %parallel_loop3A_695 = arith.addi %parallel_loop3A_694, %parallel_loop3A_488 : i32
      %parallel_loop3A_696 = arith.constant 112 : i32
      %parallel_loop3A_697 = arith.addi %parallel_loop3A_695, %parallel_loop3A_696 : i32
      %parallel_loop3A_698 = arith.index_cast %parallel_loop3A_697 : i32 to index
      %parallel_loop3A_699 = tpu.vector_load %arg5[%parallel_loop3A_698] {strides = array<i32>} : memref<32768xf32, #tpu.memory_space<vmem>>, vector<16xf32>,
      %parallel_loop3A_700 = vector.shape_cast %parallel_loop3A_699 : vector<16xf32> to vector<16xf32>
      %parallel_loop3A_701 = arith.mulf %parallel_loop3A_693, %parallel_loop3A_700 : vector<16xf32>
      %parallel_loop3A_702 = math.exp %parallel_loop3A_701 : vector<16xf32>
      %parallel_loop3A_703 = arith.constant 0 : i32
      %parallel_loop3A_704 = arith.addi %parallel_loop3A_703, %parallel_loop3A_488 : i32
      %parallel_loop3A_705 = arith.constant 112 : i32
      %parallel_loop3A_706 = arith.addi %parallel_loop3A_704, %parallel_loop3A_705 : i32
      %parallel_loop3A_707 = arith.constant 1 : i32
      %parallel_loop3A_708 = arith.addi %parallel_loop3A_706, %parallel_loop3A_707 : i32
      %parallel_loop3A_709 = arith.index_cast %parallel_loop3A_708 : i32 to index
      %parallel_loop3A_710 = tpu.vector_load %arg10[%parallel_loop3A_709] {strides = array<i32>} : memref<32769xf32, #tpu.memory_space<vmem>>, vector<16xf32>,
      %parallel_loop3A_711 = vector.shape_cast %parallel_loop3A_710 : vector<16xf32> to vector<16xf32>
      %parallel_loop3A_712 = vector.shape_cast %parallel_loop3A_702 : vector<16xf32> to vector<16xf32>
      tpu.vector_store %arg10[%parallel_loop3A_709], %parallel_loop3A_712 {strides = array<i32>} : memref<32769xf32, #tpu.memory_space<vmem>>, vector<16xf32>,
      %parallel_loop3A_713 = arith.addf %parallel_loop3A_506, %parallel_loop3A_534 : vector<16xf32>
      %parallel_loop3A_714 = arith.addf %parallel_loop3A_562, %parallel_loop3A_590 : vector<16xf32>
      %parallel_loop3A_715 = arith.addf %parallel_loop3A_618, %parallel_loop3A_646 : vector<16xf32>
      %parallel_loop3A_716 = arith.addf %parallel_loop3A_674, %parallel_loop3A_702 : vector<16xf32>
      %parallel_loop3A_717 = arith.addf %parallel_loop3A_713, %parallel_loop3A_714 : vector<16xf32>
      %parallel_loop3A_718 = arith.addf %parallel_loop3A_715, %parallel_loop3A_716 : vector<16xf32>
      %parallel_loop3A_719 = arith.addf %parallel_loop3A_717, %parallel_loop3A_718 : vector<16xf32>
      %parallel_loop3A_720 = arith.constant 3 : i32
      %parallel_loop3A_721 = arith.shrui %parallel_loop3A_488, %parallel_loop3A_720 : i32
      %parallel_loop3A_722 = arith.constant 0 : i32
      %parallel_loop3A_723 = arith.addi %parallel_loop3A_722, %parallel_loop3A_721 : i32
      %parallel_loop3A_724 = arith.index_cast %parallel_loop3A_723 : i32 to index
      %parallel_loop3A_725 = tpu.vector_load %arg12[%parallel_loop3A_724] {strides = array<i32>} : memref<4096xf32, #tpu.memory_space<vmem>>, vector<16xf32>,
      %parallel_loop3A_726 = vector.shape_cast %parallel_loop3A_725 : vector<16xf32> to vector<16xf32>
      %parallel_loop3A_727 = vector.shape_cast %parallel_loop3A_719 : vector<16xf32> to vector<16xf32>
      tpu.vector_store %arg12[%parallel_loop3A_724], %parallel_loop3A_727 {strides = array<i32>} : memref<4096xf32, #tpu.memory_space<vmem>>, vector<16xf32>,
    } {sc.loop_unroll_factor = 1 : i64, sc.parallel_access}
    %add3A_71 = arith.constant 96 : i32
    %add3A_72 = arith.addi %add3A_71, %add3A_25 : i32
    %dma_wait3A_73 = arith.constant 1 : i32
    %dma_wait3A_74 = arith.constant 4096 : i32
    %dma_wait3A_75 = tpu.memref_slice %arg2[%add3A_72, %dma_wait3A_74] : memref<128x65536xf32, #tpu.memory_space<hbm>> -> memref<1x4096xf32, #tpu.memory_space<hbm>>
    %dma_wait3A_76 = tpu.memref_squeeze %dma_wait3A_75 : memref<1x4096xf32, #tpu.memory_space<hbm>> -> memref<4096xf32, #tpu.memory_space<hbm>>
    %dma_wait3A_77 = tpu.memref_slice %arg13[%dma_wait3A_73] : memref<2x!tpu.dma_semaphore, #tpu.memory_space<semaphore_mem>> -> memref<1x!tpu.dma_semaphore, #tpu.memory_space<semaphore_mem>>
    %dma_wait3A_78 = tpu.memref_squeeze %dma_wait3A_77 : memref<1x!tpu.dma_semaphore, #tpu.memory_space<semaphore_mem>> -> memref<!tpu.dma_semaphore, #tpu.memory_space<semaphore_mem>>
    %dma_wait3A_79 = arith.constant 4096 : i32
    %dma_wait3A_80 = tpu.memref_slice %arg2[%add3A_72, %dma_wait3A_79] : memref<128x65536xf32, #tpu.memory_space<hbm>> -> memref<1x4096xf32, #tpu.memory_space<hbm>>
    %dma_wait3A_81 = tpu.memref_squeeze %dma_wait3A_80 : memref<1x4096xf32, #tpu.memory_space<hbm>> -> memref<4096xf32, #tpu.memory_space<hbm>>
    tpu.wait_dma2 semaphore(%dma_wait3A_78 : memref<!tpu.dma_semaphore, #tpu.memory_space<semaphore_mem>>) src(%dma_wait3A_81 : memref<4096xf32, #tpu.memory_space<hbm>>) dst(%arg7 : memref<4096xf32, #tpu.memory_space<vmem>>)
    %add3A_82 = arith.constant 96 : i32
    %add3A_83 = arith.addi %add3A_82, %add3A_25 : i32
    %dma_wait3A_84 = arith.constant 1 : i32
    %dma_wait3A_85 = arith.constant 36864 : i32
    %dma_wait3A_86 = tpu.memref_slice %arg2[%add3A_83, %dma_wait3A_85] : memref<128x65536xf32, #tpu.memory_space<hbm>> -> memref<1x4096xf32, #tpu.memory_space<hbm>>
    %dma_wait3A_87 = tpu.memref_squeeze %dma_wait3A_86 : memref<1x4096xf32, #tpu.memory_space<hbm>> -> memref<4096xf32, #tpu.memory_space<hbm>>
    %dma_wait3A_88 = tpu.memref_slice %arg14[%dma_wait3A_84] : memref<2x!tpu.dma_semaphore, #tpu.memory_space<semaphore_mem>> -> memref<1x!tpu.dma_semaphore, #tpu.memory_space<semaphore_mem>>
    %dma_wait3A_89 = tpu.memref_squeeze %dma_wait3A_88 : memref<1x!tpu.dma_semaphore, #tpu.memory_space<semaphore_mem>> -> memref<!tpu.dma_semaphore, #tpu.memory_space<semaphore_mem>>
    %dma_wait3A_90 = arith.constant 36864 : i32
    %dma_wait3A_91 = tpu.memref_slice %arg2[%add3A_83, %dma_wait3A_90] : memref<128x65536xf32, #tpu.memory_space<hbm>> -> memref<1x4096xf32, #tpu.memory_space<hbm>>
    %dma_wait3A_92 = tpu.memref_squeeze %dma_wait3A_91 : memref<1x4096xf32, #tpu.memory_space<hbm>> -> memref<4096xf32, #tpu.memory_space<hbm>>
    tpu.wait_dma2 semaphore(%dma_wait3A_89 : memref<!tpu.dma_semaphore, #tpu.memory_space<semaphore_mem>>) src(%dma_wait3A_92 : memref<4096xf32, #tpu.memory_space<hbm>>) dst(%arg9 : memref<4096xf32, #tpu.memory_space<vmem>>)
    %add3A_93 = arith.constant 96 : i32
    %add3A_94 = arith.addi %add3A_93, %add3A_25 : i32
    %dma_start3A_95 = arith.constant 0 : i32
    %dma_start3A_96 = arith.constant 8192 : i32
    %dma_start3A_97 = tpu.memref_slice %arg2[%add3A_94, %dma_start3A_96] : memref<128x65536xf32, #tpu.memory_space<hbm>> -> memref<1x4096xf32, #tpu.memory_space<hbm>>
    %dma_start3A_98 = tpu.memref_squeeze %dma_start3A_97 : memref<1x4096xf32, #tpu.memory_space<hbm>> -> memref<4096xf32, #tpu.memory_space<hbm>>
    %dma_start3A_99 = tpu.memref_slice %arg13[%dma_start3A_95] : memref<2x!tpu.dma_semaphore, #tpu.memory_space<semaphore_mem>> -> memref<1x!tpu.dma_semaphore, #tpu.memory_space<semaphore_mem>>
    %dma_start3A_100 = tpu.memref_squeeze %dma_start3A_99 : memref<1x!tpu.dma_semaphore, #tpu.memory_space<semaphore_mem>> -> memref<!tpu.dma_semaphore, #tpu.memory_space<semaphore_mem>>
    %dma_start3A_101 = arith.constant 8192 : i32
    %dma_start3A_102 = tpu.memref_slice %arg2[%add3A_94, %dma_start3A_101] : memref<128x65536xf32, #tpu.memory_space<hbm>> -> memref<1x4096xf32, #tpu.memory_space<hbm>>
    %dma_start3A_103 = tpu.memref_squeeze %dma_start3A_102 : memref<1x4096xf32, #tpu.memory_space<hbm>> -> memref<4096xf32, #tpu.memory_space<hbm>>
    tpu.enqueue_dma source(%dma_start3A_103 : memref<4096xf32, #tpu.memory_space<hbm>>) target(%arg6 : memref<4096xf32, #tpu.memory_space<vmem>>) target_semaphore(%dma_start3A_100 : memref<!tpu.dma_semaphore, #tpu.memory_space<semaphore_mem>>)
    %add3A_104 = arith.constant 96 : i32
    %add3A_105 = arith.addi %add3A_104, %add3A_25 : i32
    %dma_start3A_106 = arith.constant 0 : i32
    %dma_start3A_107 = arith.constant 40960 : i32
    %dma_start3A_108 = tpu.memref_slice %arg2[%add3A_105, %dma_start3A_107] : memref<128x65536xf32, #tpu.memory_space<hbm>> -> memref<1x4096xf32, #tpu.memory_space<hbm>>
    %dma_start3A_109 = tpu.memref_squeeze %dma_start3A_108 : memref<1x4096xf32, #tpu.memory_space<hbm>> -> memref<4096xf32, #tpu.memory_space<hbm>>
    %dma_start3A_110 = tpu.memref_slice %arg14[%dma_start3A_106] : memref<2x!tpu.dma_semaphore, #tpu.memory_space<semaphore_mem>> -> memref<1x!tpu.dma_semaphore, #tpu.memory_space<semaphore_mem>>
    %dma_start3A_111 = tpu.memref_squeeze %dma_start3A_110 : memref<1x!tpu.dma_semaphore, #tpu.memory_space<semaphore_mem>> -> memref<!tpu.dma_semaphore, #tpu.memory_space<semaphore_mem>>
    %dma_start3A_112 = arith.constant 40960 : i32
    %dma_start3A_113 = tpu.memref_slice %arg2[%add3A_105, %dma_start3A_112] : memref<128x65536xf32, #tpu.memory_space<hbm>> -> memref<1x4096xf32, #tpu.memory_space<hbm>>
    %dma_start3A_114 = tpu.memref_squeeze %dma_start3A_113 : memref<1x4096xf32, #tpu.memory_space<hbm>> -> memref<4096xf32, #tpu.memory_space<hbm>>
    tpu.enqueue_dma source(%dma_start3A_114 : memref<4096xf32, #tpu.memory_space<hbm>>) target(%arg8 : memref<4096xf32, #tpu.memory_space<vmem>>) target_semaphore(%dma_start3A_111 : memref<!tpu.dma_semaphore, #tpu.memory_space<semaphore_mem>>)
    %parallel_loop3A_115 = arith.constant 0 : i32
    %parallel_loop3A_116 = arith.constant 4096 : i32
    %parallel_loop3A_117 = arith.constant 128 : i32
    scf.for %parallel_loop3A_488 = %parallel_loop3A_115 to %parallel_loop3A_116 step %parallel_loop3A_117  : i32 {
      %parallel_loop3A_489 = arith.constant 0 : i32
      %parallel_loop3A_490 = arith.addi %parallel_loop3A_488, %parallel_loop3A_489 : i32
      %parallel_loop3A_491 = arith.index_cast %parallel_loop3A_490 : i32 to index
      %parallel_loop3A_492 = tpu.vector_load %arg7[%parallel_loop3A_491] {strides = array<i32>} : memref<4096xf32, #tpu.memory_space<vmem>>, vector<16xf32>,
      %parallel_loop3A_493 = vector.shape_cast %parallel_loop3A_492 : vector<16xf32> to vector<16xf32>
      %parallel_loop3A_494 = arith.index_cast %parallel_loop3A_490 : i32 to index
      %parallel_loop3A_495 = tpu.vector_load %arg9[%parallel_loop3A_494] {strides = array<i32>} : memref<4096xf32, #tpu.memory_space<vmem>>, vector<16xf32>,
      %parallel_loop3A_496 = vector.shape_cast %parallel_loop3A_495 : vector<16xf32> to vector<16xf32>
      %parallel_loop3A_497 = arith.mulf %parallel_loop3A_493, %parallel_loop3A_496 : vector<16xf32>
      %parallel_loop3A_498 = arith.constant 4096 : i32
      %parallel_loop3A_499 = arith.addi %parallel_loop3A_498, %parallel_loop3A_488 : i32
      %parallel_loop3A_500 = arith.constant 0 : i32
      %parallel_loop3A_501 = arith.addi %parallel_loop3A_499, %parallel_loop3A_500 : i32
      %parallel_loop3A_502 = arith.index_cast %parallel_loop3A_501 : i32 to index
      %parallel_loop3A_503 = tpu.vector_load %arg5[%parallel_loop3A_502] {strides = array<i32>} : memref<32768xf32, #tpu.memory_space<vmem>>, vector<16xf32>,
      %parallel_loop3A_504 = vector.shape_cast %parallel_loop3A_503 : vector<16xf32> to vector<16xf32>
      %parallel_loop3A_505 = arith.mulf %parallel_loop3A_497, %parallel_loop3A_504 : vector<16xf32>
      %parallel_loop3A_506 = math.exp %parallel_loop3A_505 : vector<16xf32>
      %parallel_loop3A_507 = arith.constant 4096 : i32
      %parallel_loop3A_508 = arith.addi %parallel_loop3A_507, %parallel_loop3A_488 : i32
      %parallel_loop3A_509 = arith.constant 0 : i32
      %parallel_loop3A_510 = arith.addi %parallel_loop3A_508, %parallel_loop3A_509 : i32
      %parallel_loop3A_511 = arith.constant 1 : i32
      %parallel_loop3A_512 = arith.addi %parallel_loop3A_510, %parallel_loop3A_511 : i32
      %parallel_loop3A_513 = arith.index_cast %parallel_loop3A_512 : i32 to index
      %parallel_loop3A_514 = tpu.vector_load %arg10[%parallel_loop3A_513] {strides = array<i32>} : memref<32769xf32, #tpu.memory_space<vmem>>, vector<16xf32>,
      %parallel_loop3A_515 = vector.shape_cast %parallel_loop3A_514 : vector<16xf32> to vector<16xf32>
      %parallel_loop3A_516 = vector.shape_cast %parallel_loop3A_506 : vector<16xf32> to vector<16xf32>
      tpu.vector_store %arg10[%parallel_loop3A_513], %parallel_loop3A_516 {strides = array<i32>} : memref<32769xf32, #tpu.memory_space<vmem>>, vector<16xf32>,
      %parallel_loop3A_517 = arith.constant 16 : i32
      %parallel_loop3A_518 = arith.addi %parallel_loop3A_488, %parallel_loop3A_517 : i32
      %parallel_loop3A_519 = arith.index_cast %parallel_loop3A_518 : i32 to index
      %parallel_loop3A_520 = tpu.vector_load %arg7[%parallel_loop3A_519] {strides = array<i32>} : memref<4096xf32, #tpu.memory_space<vmem>>, vector<16xf32>,
      %parallel_loop3A_521 = vector.shape_cast %parallel_loop3A_520 : vector<16xf32> to vector<16xf32>
      %parallel_loop3A_522 = arith.index_cast %parallel_loop3A_518 : i32 to index
      %parallel_loop3A_523 = tpu.vector_load %arg9[%parallel_loop3A_522] {strides = array<i32>} : memref<4096xf32, #tpu.memory_space<vmem>>, vector<16xf32>,
      %parallel_loop3A_524 = vector.shape_cast %parallel_loop3A_523 : vector<16xf32> to vector<16xf32>
      %parallel_loop3A_525 = arith.mulf %parallel_loop3A_521, %parallel_loop3A_524 : vector<16xf32>
      %parallel_loop3A_526 = arith.constant 4096 : i32
      %parallel_loop3A_527 = arith.addi %parallel_loop3A_526, %parallel_loop3A_488 : i32
      %parallel_loop3A_528 = arith.constant 16 : i32
      %parallel_loop3A_529 = arith.addi %parallel_loop3A_527, %parallel_loop3A_528 : i32
      %parallel_loop3A_530 = arith.index_cast %parallel_loop3A_529 : i32 to index
      %parallel_loop3A_531 = tpu.vector_load %arg5[%parallel_loop3A_530] {strides = array<i32>} : memref<32768xf32, #tpu.memory_space<vmem>>, vector<16xf32>,
      %parallel_loop3A_532 = vector.shape_cast %parallel_loop3A_531 : vector<16xf32> to vector<16xf32>
      %parallel_loop3A_533 = arith.mulf %parallel_loop3A_525, %parallel_loop3A_532 : vector<16xf32>
      %parallel_loop3A_534 = math.exp %parallel_loop3A_533 : vector<16xf32>
      %parallel_loop3A_535 = arith.constant 4096 : i32
      %parallel_loop3A_536 = arith.addi %parallel_loop3A_535, %parallel_loop3A_488 : i32
      %parallel_loop3A_537 = arith.constant 16 : i32
      %parallel_loop3A_538 = arith.addi %parallel_loop3A_536, %parallel_loop3A_537 : i32
      %parallel_loop3A_539 = arith.constant 1 : i32
      %parallel_loop3A_540 = arith.addi %parallel_loop3A_538, %parallel_loop3A_539 : i32
      %parallel_loop3A_541 = arith.index_cast %parallel_loop3A_540 : i32 to index
      %parallel_loop3A_542 = tpu.vector_load %arg10[%parallel_loop3A_541] {strides = array<i32>} : memref<32769xf32, #tpu.memory_space<vmem>>, vector<16xf32>,
      %parallel_loop3A_543 = vector.shape_cast %parallel_loop3A_542 : vector<16xf32> to vector<16xf32>
      %parallel_loop3A_544 = vector.shape_cast %parallel_loop3A_534 : vector<16xf32> to vector<16xf32>
      tpu.vector_store %arg10[%parallel_loop3A_541], %parallel_loop3A_544 {strides = array<i32>} : memref<32769xf32, #tpu.memory_space<vmem>>, vector<16xf32>,
      %parallel_loop3A_545 = arith.constant 32 : i32
      %parallel_loop3A_546 = arith.addi %parallel_loop3A_488, %parallel_loop3A_545 : i32
      %parallel_loop3A_547 = arith.index_cast %parallel_loop3A_546 : i32 to index
      %parallel_loop3A_548 = tpu.vector_load %arg7[%parallel_loop3A_547] {strides = array<i32>} : memref<4096xf32, #tpu.memory_space<vmem>>, vector<16xf32>,
      %parallel_loop3A_549 = vector.shape_cast %parallel_loop3A_548 : vector<16xf32> to vector<16xf32>
      %parallel_loop3A_550 = arith.index_cast %parallel_loop3A_546 : i32 to index
      %parallel_loop3A_551 = tpu.vector_load %arg9[%parallel_loop3A_550] {strides = array<i32>} : memref<4096xf32, #tpu.memory_space<vmem>>, vector<16xf32>,
      %parallel_loop3A_552 = vector.shape_cast %parallel_loop3A_551 : vector<16xf32> to vector<16xf32>
      %parallel_loop3A_553 = arith.mulf %parallel_loop3A_549, %parallel_loop3A_552 : vector<16xf32>
      %parallel_loop3A_554 = arith.constant 4096 : i32
      %parallel_loop3A_555 = arith.addi %parallel_loop3A_554, %parallel_loop3A_488 : i32
      %parallel_loop3A_556 = arith.constant 32 : i32
      %parallel_loop3A_557 = arith.addi %parallel_loop3A_555, %parallel_loop3A_556 : i32
      %parallel_loop3A_558 = arith.index_cast %parallel_loop3A_557 : i32 to index
      %parallel_loop3A_559 = tpu.vector_load %arg5[%parallel_loop3A_558] {strides = array<i32>} : memref<32768xf32, #tpu.memory_space<vmem>>, vector<16xf32>,
      %parallel_loop3A_560 = vector.shape_cast %parallel_loop3A_559 : vector<16xf32> to vector<16xf32>
      %parallel_loop3A_561 = arith.mulf %parallel_loop3A_553, %parallel_loop3A_560 : vector<16xf32>
      %parallel_loop3A_562 = math.exp %parallel_loop3A_561 : vector<16xf32>
      %parallel_loop3A_563 = arith.constant 4096 : i32
      %parallel_loop3A_564 = arith.addi %parallel_loop3A_563, %parallel_loop3A_488 : i32
      %parallel_loop3A_565 = arith.constant 32 : i32
      %parallel_loop3A_566 = arith.addi %parallel_loop3A_564, %parallel_loop3A_565 : i32
      %parallel_loop3A_567 = arith.constant 1 : i32
      %parallel_loop3A_568 = arith.addi %parallel_loop3A_566, %parallel_loop3A_567 : i32
      %parallel_loop3A_569 = arith.index_cast %parallel_loop3A_568 : i32 to index
      %parallel_loop3A_570 = tpu.vector_load %arg10[%parallel_loop3A_569] {strides = array<i32>} : memref<32769xf32, #tpu.memory_space<vmem>>, vector<16xf32>,
      %parallel_loop3A_571 = vector.shape_cast %parallel_loop3A_570 : vector<16xf32> to vector<16xf32>
      %parallel_loop3A_572 = vector.shape_cast %parallel_loop3A_562 : vector<16xf32> to vector<16xf32>
      tpu.vector_store %arg10[%parallel_loop3A_569], %parallel_loop3A_572 {strides = array<i32>} : memref<32769xf32, #tpu.memory_space<vmem>>, vector<16xf32>,
      %parallel_loop3A_573 = arith.constant 48 : i32
      %parallel_loop3A_574 = arith.addi %parallel_loop3A_488, %parallel_loop3A_573 : i32
      %parallel_loop3A_575 = arith.index_cast %parallel_loop3A_574 : i32 to index
      %parallel_loop3A_576 = tpu.vector_load %arg7[%parallel_loop3A_575] {strides = array<i32>} : memref<4096xf32, #tpu.memory_space<vmem>>, vector<16xf32>,
      %parallel_loop3A_577 = vector.shape_cast %parallel_loop3A_576 : vector<16xf32> to vector<16xf32>
      %parallel_loop3A_578 = arith.index_cast %parallel_loop3A_574 : i32 to index
      %parallel_loop3A_579 = tpu.vector_load %arg9[%parallel_loop3A_578] {strides = array<i32>} : memref<4096xf32, #tpu.memory_space<vmem>>, vector<16xf32>,
      %parallel_loop3A_580 = vector.shape_cast %parallel_loop3A_579 : vector<16xf32> to vector<16xf32>
      %parallel_loop3A_581 = arith.mulf %parallel_loop3A_577, %parallel_loop3A_580 : vector<16xf32>
      %parallel_loop3A_582 = arith.constant 4096 : i32
      %parallel_loop3A_583 = arith.addi %parallel_loop3A_582, %parallel_loop3A_488 : i32
      %parallel_loop3A_584 = arith.constant 48 : i32
      %parallel_loop3A_585 = arith.addi %parallel_loop3A_583, %parallel_loop3A_584 : i32
      %parallel_loop3A_586 = arith.index_cast %parallel_loop3A_585 : i32 to index
      %parallel_loop3A_587 = tpu.vector_load %arg5[%parallel_loop3A_586] {strides = array<i32>} : memref<32768xf32, #tpu.memory_space<vmem>>, vector<16xf32>,
      %parallel_loop3A_588 = vector.shape_cast %parallel_loop3A_587 : vector<16xf32> to vector<16xf32>
      %parallel_loop3A_589 = arith.mulf %parallel_loop3A_581, %parallel_loop3A_588 : vector<16xf32>
      %parallel_loop3A_590 = math.exp %parallel_loop3A_589 : vector<16xf32>
      %parallel_loop3A_591 = arith.constant 4096 : i32
      %parallel_loop3A_592 = arith.addi %parallel_loop3A_591, %parallel_loop3A_488 : i32
      %parallel_loop3A_593 = arith.constant 48 : i32
      %parallel_loop3A_594 = arith.addi %parallel_loop3A_592, %parallel_loop3A_593 : i32
      %parallel_loop3A_595 = arith.constant 1 : i32
      %parallel_loop3A_596 = arith.addi %parallel_loop3A_594, %parallel_loop3A_595 : i32
      %parallel_loop3A_597 = arith.index_cast %parallel_loop3A_596 : i32 to index
      %parallel_loop3A_598 = tpu.vector_load %arg10[%parallel_loop3A_597] {strides = array<i32>} : memref<32769xf32, #tpu.memory_space<vmem>>, vector<16xf32>,
      %parallel_loop3A_599 = vector.shape_cast %parallel_loop3A_598 : vector<16xf32> to vector<16xf32>
      %parallel_loop3A_600 = vector.shape_cast %parallel_loop3A_590 : vector<16xf32> to vector<16xf32>
      tpu.vector_store %arg10[%parallel_loop3A_597], %parallel_loop3A_600 {strides = array<i32>} : memref<32769xf32, #tpu.memory_space<vmem>>, vector<16xf32>,
      %parallel_loop3A_601 = arith.constant 64 : i32
      %parallel_loop3A_602 = arith.addi %parallel_loop3A_488, %parallel_loop3A_601 : i32
      %parallel_loop3A_603 = arith.index_cast %parallel_loop3A_602 : i32 to index
      %parallel_loop3A_604 = tpu.vector_load %arg7[%parallel_loop3A_603] {strides = array<i32>} : memref<4096xf32, #tpu.memory_space<vmem>>, vector<16xf32>,
      %parallel_loop3A_605 = vector.shape_cast %parallel_loop3A_604 : vector<16xf32> to vector<16xf32>
      %parallel_loop3A_606 = arith.index_cast %parallel_loop3A_602 : i32 to index
      %parallel_loop3A_607 = tpu.vector_load %arg9[%parallel_loop3A_606] {strides = array<i32>} : memref<4096xf32, #tpu.memory_space<vmem>>, vector<16xf32>,
      %parallel_loop3A_608 = vector.shape_cast %parallel_loop3A_607 : vector<16xf32> to vector<16xf32>
      %parallel_loop3A_609 = arith.mulf %parallel_loop3A_605, %parallel_loop3A_608 : vector<16xf32>
      %parallel_loop3A_610 = arith.constant 4096 : i32
      %parallel_loop3A_611 = arith.addi %parallel_loop3A_610, %parallel_loop3A_488 : i32
      %parallel_loop3A_612 = arith.constant 64 : i32
      %parallel_loop3A_613 = arith.addi %parallel_loop3A_611, %parallel_loop3A_612 : i32
      %parallel_loop3A_614 = arith.index_cast %parallel_loop3A_613 : i32 to index
      %parallel_loop3A_615 = tpu.vector_load %arg5[%parallel_loop3A_614] {strides = array<i32>} : memref<32768xf32, #tpu.memory_space<vmem>>, vector<16xf32>,
      %parallel_loop3A_616 = vector.shape_cast %parallel_loop3A_615 : vector<16xf32> to vector<16xf32>
      %parallel_loop3A_617 = arith.mulf %parallel_loop3A_609, %parallel_loop3A_616 : vector<16xf32>
      %parallel_loop3A_618 = math.exp %parallel_loop3A_617 : vector<16xf32>
      %parallel_loop3A_619 = arith.constant 4096 : i32
      %parallel_loop3A_620 = arith.addi %parallel_loop3A_619, %parallel_loop3A_488 : i32
      %parallel_loop3A_621 = arith.constant 64 : i32
      %parallel_loop3A_622 = arith.addi %parallel_loop3A_620, %parallel_loop3A_621 : i32
      %parallel_loop3A_623 = arith.constant 1 : i32
      %parallel_loop3A_624 = arith.addi %parallel_loop3A_622, %parallel_loop3A_623 : i32
      %parallel_loop3A_625 = arith.index_cast %parallel_loop3A_624 : i32 to index
      %parallel_loop3A_626 = tpu.vector_load %arg10[%parallel_loop3A_625] {strides = array<i32>} : memref<32769xf32, #tpu.memory_space<vmem>>, vector<16xf32>,
      %parallel_loop3A_627 = vector.shape_cast %parallel_loop3A_626 : vector<16xf32> to vector<16xf32>
      %parallel_loop3A_628 = vector.shape_cast %parallel_loop3A_618 : vector<16xf32> to vector<16xf32>
      tpu.vector_store %arg10[%parallel_loop3A_625], %parallel_loop3A_628 {strides = array<i32>} : memref<32769xf32, #tpu.memory_space<vmem>>, vector<16xf32>,
      %parallel_loop3A_629 = arith.constant 80 : i32
      %parallel_loop3A_630 = arith.addi %parallel_loop3A_488, %parallel_loop3A_629 : i32
      %parallel_loop3A_631 = arith.index_cast %parallel_loop3A_630 : i32 to index
      %parallel_loop3A_632 = tpu.vector_load %arg7[%parallel_loop3A_631] {strides = array<i32>} : memref<4096xf32, #tpu.memory_space<vmem>>, vector<16xf32>,
      %parallel_loop3A_633 = vector.shape_cast %parallel_loop3A_632 : vector<16xf32> to vector<16xf32>
      %parallel_loop3A_634 = arith.index_cast %parallel_loop3A_630 : i32 to index
      %parallel_loop3A_635 = tpu.vector_load %arg9[%parallel_loop3A_634] {strides = array<i32>} : memref<4096xf32, #tpu.memory_space<vmem>>, vector<16xf32>,
      %parallel_loop3A_636 = vector.shape_cast %parallel_loop3A_635 : vector<16xf32> to vector<16xf32>
      %parallel_loop3A_637 = arith.mulf %parallel_loop3A_633, %parallel_loop3A_636 : vector<16xf32>
      %parallel_loop3A_638 = arith.constant 4096 : i32
      %parallel_loop3A_639 = arith.addi %parallel_loop3A_638, %parallel_loop3A_488 : i32
      %parallel_loop3A_640 = arith.constant 80 : i32
      %parallel_loop3A_641 = arith.addi %parallel_loop3A_639, %parallel_loop3A_640 : i32
      %parallel_loop3A_642 = arith.index_cast %parallel_loop3A_641 : i32 to index
      %parallel_loop3A_643 = tpu.vector_load %arg5[%parallel_loop3A_642] {strides = array<i32>} : memref<32768xf32, #tpu.memory_space<vmem>>, vector<16xf32>,
      %parallel_loop3A_644 = vector.shape_cast %parallel_loop3A_643 : vector<16xf32> to vector<16xf32>
      %parallel_loop3A_645 = arith.mulf %parallel_loop3A_637, %parallel_loop3A_644 : vector<16xf32>
      %parallel_loop3A_646 = math.exp %parallel_loop3A_645 : vector<16xf32>
      %parallel_loop3A_647 = arith.constant 4096 : i32
      %parallel_loop3A_648 = arith.addi %parallel_loop3A_647, %parallel_loop3A_488 : i32
      %parallel_loop3A_649 = arith.constant 80 : i32
      %parallel_loop3A_650 = arith.addi %parallel_loop3A_648, %parallel_loop3A_649 : i32
      %parallel_loop3A_651 = arith.constant 1 : i32
      %parallel_loop3A_652 = arith.addi %parallel_loop3A_650, %parallel_loop3A_651 : i32
      %parallel_loop3A_653 = arith.index_cast %parallel_loop3A_652 : i32 to index
      %parallel_loop3A_654 = tpu.vector_load %arg10[%parallel_loop3A_653] {strides = array<i32>} : memref<32769xf32, #tpu.memory_space<vmem>>, vector<16xf32>,
      %parallel_loop3A_655 = vector.shape_cast %parallel_loop3A_654 : vector<16xf32> to vector<16xf32>
      %parallel_loop3A_656 = vector.shape_cast %parallel_loop3A_646 : vector<16xf32> to vector<16xf32>
      tpu.vector_store %arg10[%parallel_loop3A_653], %parallel_loop3A_656 {strides = array<i32>} : memref<32769xf32, #tpu.memory_space<vmem>>, vector<16xf32>,
      %parallel_loop3A_657 = arith.constant 96 : i32
      %parallel_loop3A_658 = arith.addi %parallel_loop3A_488, %parallel_loop3A_657 : i32
      %parallel_loop3A_659 = arith.index_cast %parallel_loop3A_658 : i32 to index
      %parallel_loop3A_660 = tpu.vector_load %arg7[%parallel_loop3A_659] {strides = array<i32>} : memref<4096xf32, #tpu.memory_space<vmem>>, vector<16xf32>,
      %parallel_loop3A_661 = vector.shape_cast %parallel_loop3A_660 : vector<16xf32> to vector<16xf32>
      %parallel_loop3A_662 = arith.index_cast %parallel_loop3A_658 : i32 to index
      %parallel_loop3A_663 = tpu.vector_load %arg9[%parallel_loop3A_662] {strides = array<i32>} : memref<4096xf32, #tpu.memory_space<vmem>>, vector<16xf32>,
      %parallel_loop3A_664 = vector.shape_cast %parallel_loop3A_663 : vector<16xf32> to vector<16xf32>
      %parallel_loop3A_665 = arith.mulf %parallel_loop3A_661, %parallel_loop3A_664 : vector<16xf32>
      %parallel_loop3A_666 = arith.constant 4096 : i32
      %parallel_loop3A_667 = arith.addi %parallel_loop3A_666, %parallel_loop3A_488 : i32
      %parallel_loop3A_668 = arith.constant 96 : i32
      %parallel_loop3A_669 = arith.addi %parallel_loop3A_667, %parallel_loop3A_668 : i32
      %parallel_loop3A_670 = arith.index_cast %parallel_loop3A_669 : i32 to index
      %parallel_loop3A_671 = tpu.vector_load %arg5[%parallel_loop3A_670] {strides = array<i32>} : memref<32768xf32, #tpu.memory_space<vmem>>, vector<16xf32>,
      %parallel_loop3A_672 = vector.shape_cast %parallel_loop3A_671 : vector<16xf32> to vector<16xf32>
      %parallel_loop3A_673 = arith.mulf %parallel_loop3A_665, %parallel_loop3A_672 : vector<16xf32>
      %parallel_loop3A_674 = math.exp %parallel_loop3A_673 : vector<16xf32>
      %parallel_loop3A_675 = arith.constant 4096 : i32
      %parallel_loop3A_676 = arith.addi %parallel_loop3A_675, %parallel_loop3A_488 : i32
      %parallel_loop3A_677 = arith.constant 96 : i32
      %parallel_loop3A_678 = arith.addi %parallel_loop3A_676, %parallel_loop3A_677 : i32
      %parallel_loop3A_679 = arith.constant 1 : i32
      %parallel_loop3A_680 = arith.addi %parallel_loop3A_678, %parallel_loop3A_679 : i32
      %parallel_loop3A_681 = arith.index_cast %parallel_loop3A_680 : i32 to index
      %parallel_loop3A_682 = tpu.vector_load %arg10[%parallel_loop3A_681] {strides = array<i32>} : memref<32769xf32, #tpu.memory_space<vmem>>, vector<16xf32>,
      %parallel_loop3A_683 = vector.shape_cast %parallel_loop3A_682 : vector<16xf32> to vector<16xf32>
      %parallel_loop3A_684 = vector.shape_cast %parallel_loop3A_674 : vector<16xf32> to vector<16xf32>
      tpu.vector_store %arg10[%parallel_loop3A_681], %parallel_loop3A_684 {strides = array<i32>} : memref<32769xf32, #tpu.memory_space<vmem>>, vector<16xf32>,
      %parallel_loop3A_685 = arith.constant 112 : i32
      %parallel_loop3A_686 = arith.addi %parallel_loop3A_488, %parallel_loop3A_685 : i32
      %parallel_loop3A_687 = arith.index_cast %parallel_loop3A_686 : i32 to index
      %parallel_loop3A_688 = tpu.vector_load %arg7[%parallel_loop3A_687] {strides = array<i32>} : memref<4096xf32, #tpu.memory_space<vmem>>, vector<16xf32>,
      %parallel_loop3A_689 = vector.shape_cast %parallel_loop3A_688 : vector<16xf32> to vector<16xf32>
      %parallel_loop3A_690 = arith.index_cast %parallel_loop3A_686 : i32 to index
      %parallel_loop3A_691 = tpu.vector_load %arg9[%parallel_loop3A_690] {strides = array<i32>} : memref<4096xf32, #tpu.memory_space<vmem>>, vector<16xf32>,
      %parallel_loop3A_692 = vector.shape_cast %parallel_loop3A_691 : vector<16xf32> to vector<16xf32>
      %parallel_loop3A_693 = arith.mulf %parallel_loop3A_689, %parallel_loop3A_692 : vector<16xf32>
      %parallel_loop3A_694 = arith.constant 4096 : i32
      %parallel_loop3A_695 = arith.addi %parallel_loop3A_694, %parallel_loop3A_488 : i32
      %parallel_loop3A_696 = arith.constant 112 : i32
      %parallel_loop3A_697 = arith.addi %parallel_loop3A_695, %parallel_loop3A_696 : i32
      %parallel_loop3A_698 = arith.index_cast %parallel_loop3A_697 : i32 to index
      %parallel_loop3A_699 = tpu.vector_load %arg5[%parallel_loop3A_698] {strides = array<i32>} : memref<32768xf32, #tpu.memory_space<vmem>>, vector<16xf32>,
      %parallel_loop3A_700 = vector.shape_cast %parallel_loop3A_699 : vector<16xf32> to vector<16xf32>
      %parallel_loop3A_701 = arith.mulf %parallel_loop3A_693, %parallel_loop3A_700 : vector<16xf32>
      %parallel_loop3A_702 = math.exp %parallel_loop3A_701 : vector<16xf32>
      %parallel_loop3A_703 = arith.constant 4096 : i32
      %parallel_loop3A_704 = arith.addi %parallel_loop3A_703, %parallel_loop3A_488 : i32
      %parallel_loop3A_705 = arith.constant 112 : i32
      %parallel_loop3A_706 = arith.addi %parallel_loop3A_704, %parallel_loop3A_705 : i32
      %parallel_loop3A_707 = arith.constant 1 : i32
      %parallel_loop3A_708 = arith.addi %parallel_loop3A_706, %parallel_loop3A_707 : i32
      %parallel_loop3A_709 = arith.index_cast %parallel_loop3A_708 : i32 to index
      %parallel_loop3A_710 = tpu.vector_load %arg10[%parallel_loop3A_709] {strides = array<i32>} : memref<32769xf32, #tpu.memory_space<vmem>>, vector<16xf32>,
      %parallel_loop3A_711 = vector.shape_cast %parallel_loop3A_710 : vector<16xf32> to vector<16xf32>
      %parallel_loop3A_712 = vector.shape_cast %parallel_loop3A_702 : vector<16xf32> to vector<16xf32>
      tpu.vector_store %arg10[%parallel_loop3A_709], %parallel_loop3A_712 {strides = array<i32>} : memref<32769xf32, #tpu.memory_space<vmem>>, vector<16xf32>,
      %parallel_loop3A_713 = arith.addf %parallel_loop3A_506, %parallel_loop3A_534 : vector<16xf32>
      %parallel_loop3A_714 = arith.addf %parallel_loop3A_562, %parallel_loop3A_590 : vector<16xf32>
      %parallel_loop3A_715 = arith.addf %parallel_loop3A_618, %parallel_loop3A_646 : vector<16xf32>
      %parallel_loop3A_716 = arith.addf %parallel_loop3A_674, %parallel_loop3A_702 : vector<16xf32>
      %parallel_loop3A_717 = arith.addf %parallel_loop3A_713, %parallel_loop3A_714 : vector<16xf32>
      %parallel_loop3A_718 = arith.addf %parallel_loop3A_715, %parallel_loop3A_716 : vector<16xf32>
      %parallel_loop3A_719 = arith.addf %parallel_loop3A_717, %parallel_loop3A_718 : vector<16xf32>
      %parallel_loop3A_720 = arith.constant 3 : i32
      %parallel_loop3A_721 = arith.shrui %parallel_loop3A_488, %parallel_loop3A_720 : i32
      %parallel_loop3A_722 = arith.constant 512 : i32
      %parallel_loop3A_723 = arith.addi %parallel_loop3A_722, %parallel_loop3A_721 : i32
      %parallel_loop3A_724 = arith.index_cast %parallel_loop3A_723 : i32 to index
      %parallel_loop3A_725 = tpu.vector_load %arg12[%parallel_loop3A_724] {strides = array<i32>} : memref<4096xf32, #tpu.memory_space<vmem>>, vector<16xf32>,
      %parallel_loop3A_726 = vector.shape_cast %parallel_loop3A_725 : vector<16xf32> to vector<16xf32>
      %parallel_loop3A_727 = vector.shape_cast %parallel_loop3A_719 : vector<16xf32> to vector<16xf32>
      tpu.vector_store %arg12[%parallel_loop3A_724], %parallel_loop3A_727 {strides = array<i32>} : memref<4096xf32, #tpu.memory_space<vmem>>, vector<16xf32>,
    } {sc.loop_unroll_factor = 1 : i64, sc.parallel_access}
    %add3A_118 = arith.constant 96 : i32
    %add3A_119 = arith.addi %add3A_118, %add3A_25 : i32
    %dma_wait3A_120 = arith.constant 0 : i32
    %dma_wait3A_121 = arith.constant 8192 : i32
    %dma_wait3A_122 = tpu.memref_slice %arg2[%add3A_119, %dma_wait3A_121] : memref<128x65536xf32, #tpu.memory_space<hbm>> -> memref<1x4096xf32, #tpu.memory_space<hbm>>
    %dma_wait3A_123 = tpu.memref_squeeze %dma_wait3A_122 : memref<1x4096xf32, #tpu.memory_space<hbm>> -> memref<4096xf32, #tpu.memory_space<hbm>>
    %dma_wait3A_124 = tpu.memref_slice %arg13[%dma_wait3A_120] : memref<2x!tpu.dma_semaphore, #tpu.memory_space<semaphore_mem>> -> memref<1x!tpu.dma_semaphore, #tpu.memory_space<semaphore_mem>>
    %dma_wait3A_125 = tpu.memref_squeeze %dma_wait3A_124 : memref<1x!tpu.dma_semaphore, #tpu.memory_space<semaphore_mem>> -> memref<!tpu.dma_semaphore, #tpu.memory_space<semaphore_mem>>
    %dma_wait3A_126 = arith.constant 8192 : i32
    %dma_wait3A_127 = tpu.memref_slice %arg2[%add3A_119, %dma_wait3A_126] : memref<128x65536xf32, #tpu.memory_space<hbm>> -> memref<1x4096xf32, #tpu.memory_space<hbm>>
    %dma_wait3A_128 = tpu.memref_squeeze %dma_wait3A_127 : memref<1x4096xf32, #tpu.memory_space<hbm>> -> memref<4096xf32, #tpu.memory_space<hbm>>
    tpu.wait_dma2 semaphore(%dma_wait3A_125 : memref<!tpu.dma_semaphore, #tpu.memory_space<semaphore_mem>>) src(%dma_wait3A_128 : memref<4096xf32, #tpu.memory_space<hbm>>) dst(%arg6 : memref<4096xf32, #tpu.memory_space<vmem>>)
    %add3A_129 = arith.constant 96 : i32
    %add3A_130 = arith.addi %add3A_129, %add3A_25 : i32
    %dma_wait3A_131 = arith.constant 0 : i32
    %dma_wait3A_132 = arith.constant 40960 : i32
    %dma_wait3A_133 = tpu.memref_slice %arg2[%add3A_130, %dma_wait3A_132] : memref<128x65536xf32, #tpu.memory_space<hbm>> -> memref<1x4096xf32, #tpu.memory_space<hbm>>
    %dma_wait3A_134 = tpu.memref_squeeze %dma_wait3A_133 : memref<1x4096xf32, #tpu.memory_space<hbm>> -> memref<4096xf32, #tpu.memory_space<hbm>>
    %dma_wait3A_135 = tpu.memref_slice %arg14[%dma_wait3A_131] : memref<2x!tpu.dma_semaphore, #tpu.memory_space<semaphore_mem>> -> memref<1x!tpu.dma_semaphore, #tpu.memory_space<semaphore_mem>>
    %dma_wait3A_136 = tpu.memref_squeeze %dma_wait3A_135 : memref<1x!tpu.dma_semaphore, #tpu.memory_space<semaphore_mem>> -> memref<!tpu.dma_semaphore, #tpu.memory_space<semaphore_mem>>
    %dma_wait3A_137 = arith.constant 40960 : i32
    %dma_wait3A_138 = tpu.memref_slice %arg2[%add3A_130, %dma_wait3A_137] : memref<128x65536xf32, #tpu.memory_space<hbm>> -> memref<1x4096xf32, #tpu.memory_space<hbm>>
    %dma_wait3A_139 = tpu.memref_squeeze %dma_wait3A_138 : memref<1x4096xf32, #tpu.memory_space<hbm>> -> memref<4096xf32, #tpu.memory_space<hbm>>
    tpu.wait_dma2 semaphore(%dma_wait3A_136 : memref<!tpu.dma_semaphore, #tpu.memory_space<semaphore_mem>>) src(%dma_wait3A_139 : memref<4096xf32, #tpu.memory_space<hbm>>) dst(%arg8 : memref<4096xf32, #tpu.memory_space<vmem>>)
    %add3A_140 = arith.constant 96 : i32
    %add3A_141 = arith.addi %add3A_140, %add3A_25 : i32
    %dma_start3A_142 = arith.constant 1 : i32
    %dma_start3A_143 = arith.constant 12288 : i32
    %dma_start3A_144 = tpu.memref_slice %arg2[%add3A_141, %dma_start3A_143] : memref<128x65536xf32, #tpu.memory_space<hbm>> -> memref<1x4096xf32, #tpu.memory_space<hbm>>
    %dma_start3A_145 = tpu.memref_squeeze %dma_start3A_144 : memref<1x4096xf32, #tpu.memory_space<hbm>> -> memref<4096xf32, #tpu.memory_space<hbm>>
    %dma_start3A_146 = tpu.memref_slice %arg13[%dma_start3A_142] : memref<2x!tpu.dma_semaphore, #tpu.memory_space<semaphore_mem>> -> memref<1x!tpu.dma_semaphore, #tpu.memory_space<semaphore_mem>>
    %dma_start3A_147 = tpu.memref_squeeze %dma_start3A_146 : memref<1x!tpu.dma_semaphore, #tpu.memory_space<semaphore_mem>> -> memref<!tpu.dma_semaphore, #tpu.memory_space<semaphore_mem>>
    %dma_start3A_148 = arith.constant 12288 : i32
    %dma_start3A_149 = tpu.memref_slice %arg2[%add3A_141, %dma_start3A_148] : memref<128x65536xf32, #tpu.memory_space<hbm>> -> memref<1x4096xf32, #tpu.memory_space<hbm>>
    %dma_start3A_150 = tpu.memref_squeeze %dma_start3A_149 : memref<1x4096xf32, #tpu.memory_space<hbm>> -> memref<4096xf32, #tpu.memory_space<hbm>>
    tpu.enqueue_dma source(%dma_start3A_150 : memref<4096xf32, #tpu.memory_space<hbm>>) target(%arg7 : memref<4096xf32, #tpu.memory_space<vmem>>) target_semaphore(%dma_start3A_147 : memref<!tpu.dma_semaphore, #tpu.memory_space<semaphore_mem>>)
    %add3A_151 = arith.constant 96 : i32
    %add3A_152 = arith.addi %add3A_151, %add3A_25 : i32
    %dma_start3A_153 = arith.constant 1 : i32
    %dma_start3A_154 = arith.constant 45056 : i32
    %dma_start3A_155 = tpu.memref_slice %arg2[%add3A_152, %dma_start3A_154] : memref<128x65536xf32, #tpu.memory_space<hbm>> -> memref<1x4096xf32, #tpu.memory_space<hbm>>
    %dma_start3A_156 = tpu.memref_squeeze %dma_start3A_155 : memref<1x4096xf32, #tpu.memory_space<hbm>> -> memref<4096xf32, #tpu.memory_space<hbm>>
    %dma_start3A_157 = tpu.memref_slice %arg14[%dma_start3A_153] : memref<2x!tpu.dma_semaphore, #tpu.memory_space<semaphore_mem>> -> memref<1x!tpu.dma_semaphore, #tpu.memory_space<semaphore_mem>>
    %dma_start3A_158 = tpu.memref_squeeze %dma_start3A_157 : memref<1x!tpu.dma_semaphore, #tpu.memory_space<semaphore_mem>> -> memref<!tpu.dma_semaphore, #tpu.memory_space<semaphore_mem>>
    %dma_start3A_159 = arith.constant 45056 : i32
    %dma_start3A_160 = tpu.memref_slice %arg2[%add3A_152, %dma_start3A_159] : memref<128x65536xf32, #tpu.memory_space<hbm>> -> memref<1x4096xf32, #tpu.memory_space<hbm>>
    %dma_start3A_161 = tpu.memref_squeeze %dma_start3A_160 : memref<1x4096xf32, #tpu.memory_space<hbm>> -> memref<4096xf32, #tpu.memory_space<hbm>>
    tpu.enqueue_dma source(%dma_start3A_161 : memref<4096xf32, #tpu.memory_space<hbm>>) target(%arg9 : memref<4096xf32, #tpu.memory_space<vmem>>) target_semaphore(%dma_start3A_158 : memref<!tpu.dma_semaphore, #tpu.memory_space<semaphore_mem>>)
    %parallel_loop3A_162 = arith.constant 0 : i32
    %parallel_loop3A_163 = arith.constant 4096 : i32
    %parallel_loop3A_164 = arith.constant 128 : i32
    scf.for %parallel_loop3A_488 = %parallel_loop3A_162 to %parallel_loop3A_163 step %parallel_loop3A_164  : i32 {
      %parallel_loop3A_489 = arith.constant 0 : i32
      %parallel_loop3A_490 = arith.addi %parallel_loop3A_488, %parallel_loop3A_489 : i32
      %parallel_loop3A_491 = arith.index_cast %parallel_loop3A_490 : i32 to index
      %parallel_loop3A_492 = tpu.vector_load %arg6[%parallel_loop3A_491] {strides = array<i32>} : memref<4096xf32, #tpu.memory_space<vmem>>, vector<16xf32>,
      %parallel_loop3A_493 = vector.shape_cast %parallel_loop3A_492 : vector<16xf32> to vector<16xf32>
      %parallel_loop3A_494 = arith.index_cast %parallel_loop3A_490 : i32 to index
      %parallel_loop3A_495 = tpu.vector_load %arg8[%parallel_loop3A_494] {strides = array<i32>} : memref<4096xf32, #tpu.memory_space<vmem>>, vector<16xf32>,
      %parallel_loop3A_496 = vector.shape_cast %parallel_loop3A_495 : vector<16xf32> to vector<16xf32>
      %parallel_loop3A_497 = arith.mulf %parallel_loop3A_493, %parallel_loop3A_496 : vector<16xf32>
      %parallel_loop3A_498 = arith.constant 8192 : i32
      %parallel_loop3A_499 = arith.addi %parallel_loop3A_498, %parallel_loop3A_488 : i32
      %parallel_loop3A_500 = arith.constant 0 : i32
      %parallel_loop3A_501 = arith.addi %parallel_loop3A_499, %parallel_loop3A_500 : i32
      %parallel_loop3A_502 = arith.index_cast %parallel_loop3A_501 : i32 to index
      %parallel_loop3A_503 = tpu.vector_load %arg5[%parallel_loop3A_502] {strides = array<i32>} : memref<32768xf32, #tpu.memory_space<vmem>>, vector<16xf32>,
      %parallel_loop3A_504 = vector.shape_cast %parallel_loop3A_503 : vector<16xf32> to vector<16xf32>
      %parallel_loop3A_505 = arith.mulf %parallel_loop3A_497, %parallel_loop3A_504 : vector<16xf32>
      %parallel_loop3A_506 = math.exp %parallel_loop3A_505 : vector<16xf32>
      %parallel_loop3A_507 = arith.constant 8192 : i32
      %parallel_loop3A_508 = arith.addi %parallel_loop3A_507, %parallel_loop3A_488 : i32
      %parallel_loop3A_509 = arith.constant 0 : i32
      %parallel_loop3A_510 = arith.addi %parallel_loop3A_508, %parallel_loop3A_509 : i32
      %parallel_loop3A_511 = arith.constant 1 : i32
      %parallel_loop3A_512 = arith.addi %parallel_loop3A_510, %parallel_loop3A_511 : i32
      %parallel_loop3A_513 = arith.index_cast %parallel_loop3A_512 : i32 to index
      %parallel_loop3A_514 = tpu.vector_load %arg10[%parallel_loop3A_513] {strides = array<i32>} : memref<32769xf32, #tpu.memory_space<vmem>>, vector<16xf32>,
      %parallel_loop3A_515 = vector.shape_cast %parallel_loop3A_514 : vector<16xf32> to vector<16xf32>
      %parallel_loop3A_516 = vector.shape_cast %parallel_loop3A_506 : vector<16xf32> to vector<16xf32>
      tpu.vector_store %arg10[%parallel_loop3A_513], %parallel_loop3A_516 {strides = array<i32>} : memref<32769xf32, #tpu.memory_space<vmem>>, vector<16xf32>,
      %parallel_loop3A_517 = arith.constant 16 : i32
      %parallel_loop3A_518 = arith.addi %parallel_loop3A_488, %parallel_loop3A_517 : i32
      %parallel_loop3A_519 = arith.index_cast %parallel_loop3A_518 : i32 to index
      %parallel_loop3A_520 = tpu.vector_load %arg6[%parallel_loop3A_519] {strides = array<i32>} : memref<4096xf32, #tpu.memory_space<vmem>>, vector<16xf32>,
      %parallel_loop3A_521 = vector.shape_cast %parallel_loop3A_520 : vector<16xf32> to vector<16xf32>
      %parallel_loop3A_522 = arith.index_cast %parallel_loop3A_518 : i32 to index
      %parallel_loop3A_523 = tpu.vector_load %arg8[%parallel_loop3A_522] {strides = array<i32>} : memref<4096xf32, #tpu.memory_space<vmem>>, vector<16xf32>,
      %parallel_loop3A_524 = vector.shape_cast %parallel_loop3A_523 : vector<16xf32> to vector<16xf32>
      %parallel_loop3A_525 = arith.mulf %parallel_loop3A_521, %parallel_loop3A_524 : vector<16xf32>
      %parallel_loop3A_526 = arith.constant 8192 : i32
      %parallel_loop3A_527 = arith.addi %parallel_loop3A_526, %parallel_loop3A_488 : i32
      %parallel_loop3A_528 = arith.constant 16 : i32
      %parallel_loop3A_529 = arith.addi %parallel_loop3A_527, %parallel_loop3A_528 : i32
      %parallel_loop3A_530 = arith.index_cast %parallel_loop3A_529 : i32 to index
      %parallel_loop3A_531 = tpu.vector_load %arg5[%parallel_loop3A_530] {strides = array<i32>} : memref<32768xf32, #tpu.memory_space<vmem>>, vector<16xf32>,
      %parallel_loop3A_532 = vector.shape_cast %parallel_loop3A_531 : vector<16xf32> to vector<16xf32>
      %parallel_loop3A_533 = arith.mulf %parallel_loop3A_525, %parallel_loop3A_532 : vector<16xf32>
      %parallel_loop3A_534 = math.exp %parallel_loop3A_533 : vector<16xf32>
      %parallel_loop3A_535 = arith.constant 8192 : i32
      %parallel_loop3A_536 = arith.addi %parallel_loop3A_535, %parallel_loop3A_488 : i32
      %parallel_loop3A_537 = arith.constant 16 : i32
      %parallel_loop3A_538 = arith.addi %parallel_loop3A_536, %parallel_loop3A_537 : i32
      %parallel_loop3A_539 = arith.constant 1 : i32
      %parallel_loop3A_540 = arith.addi %parallel_loop3A_538, %parallel_loop3A_539 : i32
      %parallel_loop3A_541 = arith.index_cast %parallel_loop3A_540 : i32 to index
      %parallel_loop3A_542 = tpu.vector_load %arg10[%parallel_loop3A_541] {strides = array<i32>} : memref<32769xf32, #tpu.memory_space<vmem>>, vector<16xf32>,
      %parallel_loop3A_543 = vector.shape_cast %parallel_loop3A_542 : vector<16xf32> to vector<16xf32>
      %parallel_loop3A_544 = vector.shape_cast %parallel_loop3A_534 : vector<16xf32> to vector<16xf32>
      tpu.vector_store %arg10[%parallel_loop3A_541], %parallel_loop3A_544 {strides = array<i32>} : memref<32769xf32, #tpu.memory_space<vmem>>, vector<16xf32>,
      %parallel_loop3A_545 = arith.constant 32 : i32
      %parallel_loop3A_546 = arith.addi %parallel_loop3A_488, %parallel_loop3A_545 : i32
      %parallel_loop3A_547 = arith.index_cast %parallel_loop3A_546 : i32 to index
      %parallel_loop3A_548 = tpu.vector_load %arg6[%parallel_loop3A_547] {strides = array<i32>} : memref<4096xf32, #tpu.memory_space<vmem>>, vector<16xf32>,
      %parallel_loop3A_549 = vector.shape_cast %parallel_loop3A_548 : vector<16xf32> to vector<16xf32>
      %parallel_loop3A_550 = arith.index_cast %parallel_loop3A_546 : i32 to index
      %parallel_loop3A_551 = tpu.vector_load %arg8[%parallel_loop3A_550] {strides = array<i32>} : memref<4096xf32, #tpu.memory_space<vmem>>, vector<16xf32>,
      %parallel_loop3A_552 = vector.shape_cast %parallel_loop3A_551 : vector<16xf32> to vector<16xf32>
      %parallel_loop3A_553 = arith.mulf %parallel_loop3A_549, %parallel_loop3A_552 : vector<16xf32>
      %parallel_loop3A_554 = arith.constant 8192 : i32
      %parallel_loop3A_555 = arith.addi %parallel_loop3A_554, %parallel_loop3A_488 : i32
      %parallel_loop3A_556 = arith.constant 32 : i32
      %parallel_loop3A_557 = arith.addi %parallel_loop3A_555, %parallel_loop3A_556 : i32
      %parallel_loop3A_558 = arith.index_cast %parallel_loop3A_557 : i32 to index
      %parallel_loop3A_559 = tpu.vector_load %arg5[%parallel_loop3A_558] {strides = array<i32>} : memref<32768xf32, #tpu.memory_space<vmem>>, vector<16xf32>,
      %parallel_loop3A_560 = vector.shape_cast %parallel_loop3A_559 : vector<16xf32> to vector<16xf32>
      %parallel_loop3A_561 = arith.mulf %parallel_loop3A_553, %parallel_loop3A_560 : vector<16xf32>
      %parallel_loop3A_562 = math.exp %parallel_loop3A_561 : vector<16xf32>
      %parallel_loop3A_563 = arith.constant 8192 : i32
      %parallel_loop3A_564 = arith.addi %parallel_loop3A_563, %parallel_loop3A_488 : i32
      %parallel_loop3A_565 = arith.constant 32 : i32
      %parallel_loop3A_566 = arith.addi %parallel_loop3A_564, %parallel_loop3A_565 : i32
      %parallel_loop3A_567 = arith.constant 1 : i32
      %parallel_loop3A_568 = arith.addi %parallel_loop3A_566, %parallel_loop3A_567 : i32
      %parallel_loop3A_569 = arith.index_cast %parallel_loop3A_568 : i32 to index
      %parallel_loop3A_570 = tpu.vector_load %arg10[%parallel_loop3A_569] {strides = array<i32>} : memref<32769xf32, #tpu.memory_space<vmem>>, vector<16xf32>,
      %parallel_loop3A_571 = vector.shape_cast %parallel_loop3A_570 : vector<16xf32> to vector<16xf32>
      %parallel_loop3A_572 = vector.shape_cast %parallel_loop3A_562 : vector<16xf32> to vector<16xf32>
      tpu.vector_store %arg10[%parallel_loop3A_569], %parallel_loop3A_572 {strides = array<i32>} : memref<32769xf32, #tpu.memory_space<vmem>>, vector<16xf32>,
      %parallel_loop3A_573 = arith.constant 48 : i32
      %parallel_loop3A_574 = arith.addi %parallel_loop3A_488, %parallel_loop3A_573 : i32
      %parallel_loop3A_575 = arith.index_cast %parallel_loop3A_574 : i32 to index
      %parallel_loop3A_576 = tpu.vector_load %arg6[%parallel_loop3A_575] {strides = array<i32>} : memref<4096xf32, #tpu.memory_space<vmem>>, vector<16xf32>,
      %parallel_loop3A_577 = vector.shape_cast %parallel_loop3A_576 : vector<16xf32> to vector<16xf32>
      %parallel_loop3A_578 = arith.index_cast %parallel_loop3A_574 : i32 to index
      %parallel_loop3A_579 = tpu.vector_load %arg8[%parallel_loop3A_578] {strides = array<i32>} : memref<4096xf32, #tpu.memory_space<vmem>>, vector<16xf32>,
      %parallel_loop3A_580 = vector.shape_cast %parallel_loop3A_579 : vector<16xf32> to vector<16xf32>
      %parallel_loop3A_581 = arith.mulf %parallel_loop3A_577, %parallel_loop3A_580 : vector<16xf32>
      %parallel_loop3A_582 = arith.constant 8192 : i32
      %parallel_loop3A_583 = arith.addi %parallel_loop3A_582, %parallel_loop3A_488 : i32
      %parallel_loop3A_584 = arith.constant 48 : i32
      %parallel_loop3A_585 = arith.addi %parallel_loop3A_583, %parallel_loop3A_584 : i32
      %parallel_loop3A_586 = arith.index_cast %parallel_loop3A_585 : i32 to index
      %parallel_loop3A_587 = tpu.vector_load %arg5[%parallel_loop3A_586] {strides = array<i32>} : memref<32768xf32, #tpu.memory_space<vmem>>, vector<16xf32>,
      %parallel_loop3A_588 = vector.shape_cast %parallel_loop3A_587 : vector<16xf32> to vector<16xf32>
      %parallel_loop3A_589 = arith.mulf %parallel_loop3A_581, %parallel_loop3A_588 : vector<16xf32>
      %parallel_loop3A_590 = math.exp %parallel_loop3A_589 : vector<16xf32>
      %parallel_loop3A_591 = arith.constant 8192 : i32
      %parallel_loop3A_592 = arith.addi %parallel_loop3A_591, %parallel_loop3A_488 : i32
      %parallel_loop3A_593 = arith.constant 48 : i32
      %parallel_loop3A_594 = arith.addi %parallel_loop3A_592, %parallel_loop3A_593 : i32
      %parallel_loop3A_595 = arith.constant 1 : i32
      %parallel_loop3A_596 = arith.addi %parallel_loop3A_594, %parallel_loop3A_595 : i32
      %parallel_loop3A_597 = arith.index_cast %parallel_loop3A_596 : i32 to index
      %parallel_loop3A_598 = tpu.vector_load %arg10[%parallel_loop3A_597] {strides = array<i32>} : memref<32769xf32, #tpu.memory_space<vmem>>, vector<16xf32>,
      %parallel_loop3A_599 = vector.shape_cast %parallel_loop3A_598 : vector<16xf32> to vector<16xf32>
      %parallel_loop3A_600 = vector.shape_cast %parallel_loop3A_590 : vector<16xf32> to vector<16xf32>
      tpu.vector_store %arg10[%parallel_loop3A_597], %parallel_loop3A_600 {strides = array<i32>} : memref<32769xf32, #tpu.memory_space<vmem>>, vector<16xf32>,
      %parallel_loop3A_601 = arith.constant 64 : i32
      %parallel_loop3A_602 = arith.addi %parallel_loop3A_488, %parallel_loop3A_601 : i32
      %parallel_loop3A_603 = arith.index_cast %parallel_loop3A_602 : i32 to index
      %parallel_loop3A_604 = tpu.vector_load %arg6[%parallel_loop3A_603] {strides = array<i32>} : memref<4096xf32, #tpu.memory_space<vmem>>, vector<16xf32>,
      %parallel_loop3A_605 = vector.shape_cast %parallel_loop3A_604 : vector<16xf32> to vector<16xf32>
      %parallel_loop3A_606 = arith.index_cast %parallel_loop3A_602 : i32 to index
      %parallel_loop3A_607 = tpu.vector_load %arg8[%parallel_loop3A_606] {strides = array<i32>} : memref<4096xf32, #tpu.memory_space<vmem>>, vector<16xf32>,
      %parallel_loop3A_608 = vector.shape_cast %parallel_loop3A_607 : vector<16xf32> to vector<16xf32>
      %parallel_loop3A_609 = arith.mulf %parallel_loop3A_605, %parallel_loop3A_608 : vector<16xf32>
      %parallel_loop3A_610 = arith.constant 8192 : i32
      %parallel_loop3A_611 = arith.addi %parallel_loop3A_610, %parallel_loop3A_488 : i32
      %parallel_loop3A_612 = arith.constant 64 : i32
      %parallel_loop3A_613 = arith.addi %parallel_loop3A_611, %parallel_loop3A_612 : i32
      %parallel_loop3A_614 = arith.index_cast %parallel_loop3A_613 : i32 to index
      %parallel_loop3A_615 = tpu.vector_load %arg5[%parallel_loop3A_614] {strides = array<i32>} : memref<32768xf32, #tpu.memory_space<vmem>>, vector<16xf32>,
      %parallel_loop3A_616 = vector.shape_cast %parallel_loop3A_615 : vector<16xf32> to vector<16xf32>
      %parallel_loop3A_617 = arith.mulf %parallel_loop3A_609, %parallel_loop3A_616 : vector<16xf32>
      %parallel_loop3A_618 = math.exp %parallel_loop3A_617 : vector<16xf32>
      %parallel_loop3A_619 = arith.constant 8192 : i32
      %parallel_loop3A_620 = arith.addi %parallel_loop3A_619, %parallel_loop3A_488 : i32
      %parallel_loop3A_621 = arith.constant 64 : i32
      %parallel_loop3A_622 = arith.addi %parallel_loop3A_620, %parallel_loop3A_621 : i32
      %parallel_loop3A_623 = arith.constant 1 : i32
      %parallel_loop3A_624 = arith.addi %parallel_loop3A_622, %parallel_loop3A_623 : i32
      %parallel_loop3A_625 = arith.index_cast %parallel_loop3A_624 : i32 to index
      %parallel_loop3A_626 = tpu.vector_load %arg10[%parallel_loop3A_625] {strides = array<i32>} : memref<32769xf32, #tpu.memory_space<vmem>>, vector<16xf32>,
      %parallel_loop3A_627 = vector.shape_cast %parallel_loop3A_626 : vector<16xf32> to vector<16xf32>
      %parallel_loop3A_628 = vector.shape_cast %parallel_loop3A_618 : vector<16xf32> to vector<16xf32>
      tpu.vector_store %arg10[%parallel_loop3A_625], %parallel_loop3A_628 {strides = array<i32>} : memref<32769xf32, #tpu.memory_space<vmem>>, vector<16xf32>,
      %parallel_loop3A_629 = arith.constant 80 : i32
      %parallel_loop3A_630 = arith.addi %parallel_loop3A_488, %parallel_loop3A_629 : i32
      %parallel_loop3A_631 = arith.index_cast %parallel_loop3A_630 : i32 to index
      %parallel_loop3A_632 = tpu.vector_load %arg6[%parallel_loop3A_631] {strides = array<i32>} : memref<4096xf32, #tpu.memory_space<vmem>>, vector<16xf32>,
      %parallel_loop3A_633 = vector.shape_cast %parallel_loop3A_632 : vector<16xf32> to vector<16xf32>
      %parallel_loop3A_634 = arith.index_cast %parallel_loop3A_630 : i32 to index
      %parallel_loop3A_635 = tpu.vector_load %arg8[%parallel_loop3A_634] {strides = array<i32>} : memref<4096xf32, #tpu.memory_space<vmem>>, vector<16xf32>,
      %parallel_loop3A_636 = vector.shape_cast %parallel_loop3A_635 : vector<16xf32> to vector<16xf32>
      %parallel_loop3A_637 = arith.mulf %parallel_loop3A_633, %parallel_loop3A_636 : vector<16xf32>
      %parallel_loop3A_638 = arith.constant 8192 : i32
      %parallel_loop3A_639 = arith.addi %parallel_loop3A_638, %parallel_loop3A_488 : i32
      %parallel_loop3A_640 = arith.constant 80 : i32
      %parallel_loop3A_641 = arith.addi %parallel_loop3A_639, %parallel_loop3A_640 : i32
      %parallel_loop3A_642 = arith.index_cast %parallel_loop3A_641 : i32 to index
      %parallel_loop3A_643 = tpu.vector_load %arg5[%parallel_loop3A_642] {strides = array<i32>} : memref<32768xf32, #tpu.memory_space<vmem>>, vector<16xf32>,
      %parallel_loop3A_644 = vector.shape_cast %parallel_loop3A_643 : vector<16xf32> to vector<16xf32>
      %parallel_loop3A_645 = arith.mulf %parallel_loop3A_637, %parallel_loop3A_644 : vector<16xf32>
      %parallel_loop3A_646 = math.exp %parallel_loop3A_645 : vector<16xf32>
      %parallel_loop3A_647 = arith.constant 8192 : i32
      %parallel_loop3A_648 = arith.addi %parallel_loop3A_647, %parallel_loop3A_488 : i32
      %parallel_loop3A_649 = arith.constant 80 : i32
      %parallel_loop3A_650 = arith.addi %parallel_loop3A_648, %parallel_loop3A_649 : i32
      %parallel_loop3A_651 = arith.constant 1 : i32
      %parallel_loop3A_652 = arith.addi %parallel_loop3A_650, %parallel_loop3A_651 : i32
      %parallel_loop3A_653 = arith.index_cast %parallel_loop3A_652 : i32 to index
      %parallel_loop3A_654 = tpu.vector_load %arg10[%parallel_loop3A_653] {strides = array<i32>} : memref<32769xf32, #tpu.memory_space<vmem>>, vector<16xf32>,
      %parallel_loop3A_655 = vector.shape_cast %parallel_loop3A_654 : vector<16xf32> to vector<16xf32>
      %parallel_loop3A_656 = vector.shape_cast %parallel_loop3A_646 : vector<16xf32> to vector<16xf32>
      tpu.vector_store %arg10[%parallel_loop3A_653], %parallel_loop3A_656 {strides = array<i32>} : memref<32769xf32, #tpu.memory_space<vmem>>, vector<16xf32>,
      %parallel_loop3A_657 = arith.constant 96 : i32
      %parallel_loop3A_658 = arith.addi %parallel_loop3A_488, %parallel_loop3A_657 : i32
      %parallel_loop3A_659 = arith.index_cast %parallel_loop3A_658 : i32 to index
      %parallel_loop3A_660 = tpu.vector_load %arg6[%parallel_loop3A_659] {strides = array<i32>} : memref<4096xf32, #tpu.memory_space<vmem>>, vector<16xf32>,
      %parallel_loop3A_661 = vector.shape_cast %parallel_loop3A_660 : vector<16xf32> to vector<16xf32>
      %parallel_loop3A_662 = arith.index_cast %parallel_loop3A_658 : i32 to index
      %parallel_loop3A_663 = tpu.vector_load %arg8[%parallel_loop3A_662] {strides = array<i32>} : memref<4096xf32, #tpu.memory_space<vmem>>, vector<16xf32>,
      %parallel_loop3A_664 = vector.shape_cast %parallel_loop3A_663 : vector<16xf32> to vector<16xf32>
      %parallel_loop3A_665 = arith.mulf %parallel_loop3A_661, %parallel_loop3A_664 : vector<16xf32>
      %parallel_loop3A_666 = arith.constant 8192 : i32
      %parallel_loop3A_667 = arith.addi %parallel_loop3A_666, %parallel_loop3A_488 : i32
      %parallel_loop3A_668 = arith.constant 96 : i32
      %parallel_loop3A_669 = arith.addi %parallel_loop3A_667, %parallel_loop3A_668 : i32
      %parallel_loop3A_670 = arith.index_cast %parallel_loop3A_669 : i32 to index
      %parallel_loop3A_671 = tpu.vector_load %arg5[%parallel_loop3A_670] {strides = array<i32>} : memref<32768xf32, #tpu.memory_space<vmem>>, vector<16xf32>,
      %parallel_loop3A_672 = vector.shape_cast %parallel_loop3A_671 : vector<16xf32> to vector<16xf32>
      %parallel_loop3A_673 = arith.mulf %parallel_loop3A_665, %parallel_loop3A_672 : vector<16xf32>
      %parallel_loop3A_674 = math.exp %parallel_loop3A_673 : vector<16xf32>
      %parallel_loop3A_675 = arith.constant 8192 : i32
      %parallel_loop3A_676 = arith.addi %parallel_loop3A_675, %parallel_loop3A_488 : i32
      %parallel_loop3A_677 = arith.constant 96 : i32
      %parallel_loop3A_678 = arith.addi %parallel_loop3A_676, %parallel_loop3A_677 : i32
      %parallel_loop3A_679 = arith.constant 1 : i32
      %parallel_loop3A_680 = arith.addi %parallel_loop3A_678, %parallel_loop3A_679 : i32
      %parallel_loop3A_681 = arith.index_cast %parallel_loop3A_680 : i32 to index
      %parallel_loop3A_682 = tpu.vector_load %arg10[%parallel_loop3A_681] {strides = array<i32>} : memref<32769xf32, #tpu.memory_space<vmem>>, vector<16xf32>,
      %parallel_loop3A_683 = vector.shape_cast %parallel_loop3A_682 : vector<16xf32> to vector<16xf32>
      %parallel_loop3A_684 = vector.shape_cast %parallel_loop3A_674 : vector<16xf32> to vector<16xf32>
      tpu.vector_store %arg10[%parallel_loop3A_681], %parallel_loop3A_684 {strides = array<i32>} : memref<32769xf32, #tpu.memory_space<vmem>>, vector<16xf32>,
      %parallel_loop3A_685 = arith.constant 112 : i32
      %parallel_loop3A_686 = arith.addi %parallel_loop3A_488, %parallel_loop3A_685 : i32
      %parallel_loop3A_687 = arith.index_cast %parallel_loop3A_686 : i32 to index
      %parallel_loop3A_688 = tpu.vector_load %arg6[%parallel_loop3A_687] {strides = array<i32>} : memref<4096xf32, #tpu.memory_space<vmem>>, vector<16xf32>,
      %parallel_loop3A_689 = vector.shape_cast %parallel_loop3A_688 : vector<16xf32> to vector<16xf32>
      %parallel_loop3A_690 = arith.index_cast %parallel_loop3A_686 : i32 to index
      %parallel_loop3A_691 = tpu.vector_load %arg8[%parallel_loop3A_690] {strides = array<i32>} : memref<4096xf32, #tpu.memory_space<vmem>>, vector<16xf32>,
      %parallel_loop3A_692 = vector.shape_cast %parallel_loop3A_691 : vector<16xf32> to vector<16xf32>
      %parallel_loop3A_693 = arith.mulf %parallel_loop3A_689, %parallel_loop3A_692 : vector<16xf32>
      %parallel_loop3A_694 = arith.constant 8192 : i32
      %parallel_loop3A_695 = arith.addi %parallel_loop3A_694, %parallel_loop3A_488 : i32
      %parallel_loop3A_696 = arith.constant 112 : i32
      %parallel_loop3A_697 = arith.addi %parallel_loop3A_695, %parallel_loop3A_696 : i32
      %parallel_loop3A_698 = arith.index_cast %parallel_loop3A_697 : i32 to index
      %parallel_loop3A_699 = tpu.vector_load %arg5[%parallel_loop3A_698] {strides = array<i32>} : memref<32768xf32, #tpu.memory_space<vmem>>, vector<16xf32>,
      %parallel_loop3A_700 = vector.shape_cast %parallel_loop3A_699 : vector<16xf32> to vector<16xf32>
      %parallel_loop3A_701 = arith.mulf %parallel_loop3A_693, %parallel_loop3A_700 : vector<16xf32>
      %parallel_loop3A_702 = math.exp %parallel_loop3A_701 : vector<16xf32>
      %parallel_loop3A_703 = arith.constant 8192 : i32
      %parallel_loop3A_704 = arith.addi %parallel_loop3A_703, %parallel_loop3A_488 : i32
      %parallel_loop3A_705 = arith.constant 112 : i32
      %parallel_loop3A_706 = arith.addi %parallel_loop3A_704, %parallel_loop3A_705 : i32
      %parallel_loop3A_707 = arith.constant 1 : i32
      %parallel_loop3A_708 = arith.addi %parallel_loop3A_706, %parallel_loop3A_707 : i32
      %parallel_loop3A_709 = arith.index_cast %parallel_loop3A_708 : i32 to index
      %parallel_loop3A_710 = tpu.vector_load %arg10[%parallel_loop3A_709] {strides = array<i32>} : memref<32769xf32, #tpu.memory_space<vmem>>, vector<16xf32>,
      %parallel_loop3A_711 = vector.shape_cast %parallel_loop3A_710 : vector<16xf32> to vector<16xf32>
      %parallel_loop3A_712 = vector.shape_cast %parallel_loop3A_702 : vector<16xf32> to vector<16xf32>
      tpu.vector_store %arg10[%parallel_loop3A_709], %parallel_loop3A_712 {strides = array<i32>} : memref<32769xf32, #tpu.memory_space<vmem>>, vector<16xf32>,
      %parallel_loop3A_713 = arith.addf %parallel_loop3A_506, %parallel_loop3A_534 : vector<16xf32>
      %parallel_loop3A_714 = arith.addf %parallel_loop3A_562, %parallel_loop3A_590 : vector<16xf32>
      %parallel_loop3A_715 = arith.addf %parallel_loop3A_618, %parallel_loop3A_646 : vector<16xf32>
      %parallel_loop3A_716 = arith.addf %parallel_loop3A_674, %parallel_loop3A_702 : vector<16xf32>
      %parallel_loop3A_717 = arith.addf %parallel_loop3A_713, %parallel_loop3A_714 : vector<16xf32>
      %parallel_loop3A_718 = arith.addf %parallel_loop3A_715, %parallel_loop3A_716 : vector<16xf32>
      %parallel_loop3A_719 = arith.addf %parallel_loop3A_717, %parallel_loop3A_718 : vector<16xf32>
      %parallel_loop3A_720 = arith.constant 3 : i32
      %parallel_loop3A_721 = arith.shrui %parallel_loop3A_488, %parallel_loop3A_720 : i32
      %parallel_loop3A_722 = arith.constant 1024 : i32
      %parallel_loop3A_723 = arith.addi %parallel_loop3A_722, %parallel_loop3A_721 : i32
      %parallel_loop3A_724 = arith.index_cast %parallel_loop3A_723 : i32 to index
      %parallel_loop3A_725 = tpu.vector_load %arg12[%parallel_loop3A_724] {strides = array<i32>} : memref<4096xf32, #tpu.memory_space<vmem>>, vector<16xf32>,
      %parallel_loop3A_726 = vector.shape_cast %parallel_loop3A_725 : vector<16xf32> to vector<16xf32>
      %parallel_loop3A_727 = vector.shape_cast %parallel_loop3A_719 : vector<16xf32> to vector<16xf32>
      tpu.vector_store %arg12[%parallel_loop3A_724], %parallel_loop3A_727 {strides = array<i32>} : memref<4096xf32, #tpu.memory_space<vmem>>, vector<16xf32>,
    } {sc.loop_unroll_factor = 1 : i64, sc.parallel_access}
    %add3A_165 = arith.constant 96 : i32
    %add3A_166 = arith.addi %add3A_165, %add3A_25 : i32
    %dma_wait3A_167 = arith.constant 1 : i32
    %dma_wait3A_168 = arith.constant 12288 : i32
    %dma_wait3A_169 = tpu.memref_slice %arg2[%add3A_166, %dma_wait3A_168] : memref<128x65536xf32, #tpu.memory_space<hbm>> -> memref<1x4096xf32, #tpu.memory_space<hbm>>
    %dma_wait3A_170 = tpu.memref_squeeze %dma_wait3A_169 : memref<1x4096xf32, #tpu.memory_space<hbm>> -> memref<4096xf32, #tpu.memory_space<hbm>>
    %dma_wait3A_171 = tpu.memref_slice %arg13[%dma_wait3A_167] : memref<2x!tpu.dma_semaphore, #tpu.memory_space<semaphore_mem>> -> memref<1x!tpu.dma_semaphore, #tpu.memory_space<semaphore_mem>>
    %dma_wait3A_172 = tpu.memref_squeeze %dma_wait3A_171 : memref<1x!tpu.dma_semaphore, #tpu.memory_space<semaphore_mem>> -> memref<!tpu.dma_semaphore, #tpu.memory_space<semaphore_mem>>
    %dma_wait3A_173 = arith.constant 12288 : i32
    %dma_wait3A_174 = tpu.memref_slice %arg2[%add3A_166, %dma_wait3A_173] : memref<128x65536xf32, #tpu.memory_space<hbm>> -> memref<1x4096xf32, #tpu.memory_space<hbm>>
    %dma_wait3A_175 = tpu.memref_squeeze %dma_wait3A_174 : memref<1x4096xf32, #tpu.memory_space<hbm>> -> memref<4096xf32, #tpu.memory_space<hbm>>
    tpu.wait_dma2 semaphore(%dma_wait3A_172 : memref<!tpu.dma_semaphore, #tpu.memory_space<semaphore_mem>>) src(%dma_wait3A_175 : memref<4096xf32, #tpu.memory_space<hbm>>) dst(%arg7 : memref<4096xf32, #tpu.memory_space<vmem>>)
    %add3A_176 = arith.constant 96 : i32
    %add3A_177 = arith.addi %add3A_176, %add3A_25 : i32
    %dma_wait3A_178 = arith.constant 1 : i32
    %dma_wait3A_179 = arith.constant 45056 : i32
    %dma_wait3A_180 = tpu.memref_slice %arg2[%add3A_177, %dma_wait3A_179] : memref<128x65536xf32, #tpu.memory_space<hbm>> -> memref<1x4096xf32, #tpu.memory_space<hbm>>
    %dma_wait3A_181 = tpu.memref_squeeze %dma_wait3A_180 : memref<1x4096xf32, #tpu.memory_space<hbm>> -> memref<4096xf32, #tpu.memory_space<hbm>>
    %dma_wait3A_182 = tpu.memref_slice %arg14[%dma_wait3A_178] : memref<2x!tpu.dma_semaphore, #tpu.memory_space<semaphore_mem>> -> memref<1x!tpu.dma_semaphore, #tpu.memory_space<semaphore_mem>>
    %dma_wait3A_183 = tpu.memref_squeeze %dma_wait3A_182 : memref<1x!tpu.dma_semaphore, #tpu.memory_space<semaphore_mem>> -> memref<!tpu.dma_semaphore, #tpu.memory_space<semaphore_mem>>
    %dma_wait3A_184 = arith.constant 45056 : i32
    %dma_wait3A_185 = tpu.memref_slice %arg2[%add3A_177, %dma_wait3A_184] : memref<128x65536xf32, #tpu.memory_space<hbm>> -> memref<1x4096xf32, #tpu.memory_space<hbm>>
    %dma_wait3A_186 = tpu.memref_squeeze %dma_wait3A_185 : memref<1x4096xf32, #tpu.memory_space<hbm>> -> memref<4096xf32, #tpu.memory_space<hbm>>
    tpu.wait_dma2 semaphore(%dma_wait3A_183 : memref<!tpu.dma_semaphore, #tpu.memory_space<semaphore_mem>>) src(%dma_wait3A_186 : memref<4096xf32, #tpu.memory_space<hbm>>) dst(%arg9 : memref<4096xf32, #tpu.memory_space<vmem>>)
    %add3A_187 = arith.constant 96 : i32
    %add3A_188 = arith.addi %add3A_187, %add3A_25 : i32
    %dma_start3A_189 = arith.constant 0 : i32
    %dma_start3A_190 = arith.constant 16384 : i32
    %dma_start3A_191 = tpu.memref_slice %arg2[%add3A_188, %dma_start3A_190] : memref<128x65536xf32, #tpu.memory_space<hbm>> -> memref<1x4096xf32, #tpu.memory_space<hbm>>
    %dma_start3A_192 = tpu.memref_squeeze %dma_start3A_191 : memref<1x4096xf32, #tpu.memory_space<hbm>> -> memref<4096xf32, #tpu.memory_space<hbm>>
    %dma_start3A_193 = tpu.memref_slice %arg13[%dma_start3A_189] : memref<2x!tpu.dma_semaphore, #tpu.memory_space<semaphore_mem>> -> memref<1x!tpu.dma_semaphore, #tpu.memory_space<semaphore_mem>>
    %dma_start3A_194 = tpu.memref_squeeze %dma_start3A_193 : memref<1x!tpu.dma_semaphore, #tpu.memory_space<semaphore_mem>> -> memref<!tpu.dma_semaphore, #tpu.memory_space<semaphore_mem>>
    %dma_start3A_195 = arith.constant 16384 : i32
    %dma_start3A_196 = tpu.memref_slice %arg2[%add3A_188, %dma_start3A_195] : memref<128x65536xf32, #tpu.memory_space<hbm>> -> memref<1x4096xf32, #tpu.memory_space<hbm>>
    %dma_start3A_197 = tpu.memref_squeeze %dma_start3A_196 : memref<1x4096xf32, #tpu.memory_space<hbm>> -> memref<4096xf32, #tpu.memory_space<hbm>>
    tpu.enqueue_dma source(%dma_start3A_197 : memref<4096xf32, #tpu.memory_space<hbm>>) target(%arg6 : memref<4096xf32, #tpu.memory_space<vmem>>) target_semaphore(%dma_start3A_194 : memref<!tpu.dma_semaphore, #tpu.memory_space<semaphore_mem>>)
    %add3A_198 = arith.constant 96 : i32
    %add3A_199 = arith.addi %add3A_198, %add3A_25 : i32
    %dma_start3A_200 = arith.constant 0 : i32
    %dma_start3A_201 = arith.constant 49152 : i32
    %dma_start3A_202 = tpu.memref_slice %arg2[%add3A_199, %dma_start3A_201] : memref<128x65536xf32, #tpu.memory_space<hbm>> -> memref<1x4096xf32, #tpu.memory_space<hbm>>
    %dma_start3A_203 = tpu.memref_squeeze %dma_start3A_202 : memref<1x4096xf32, #tpu.memory_space<hbm>> -> memref<4096xf32, #tpu.memory_space<hbm>>
    %dma_start3A_204 = tpu.memref_slice %arg14[%dma_start3A_200] : memref<2x!tpu.dma_semaphore, #tpu.memory_space<semaphore_mem>> -> memref<1x!tpu.dma_semaphore, #tpu.memory_space<semaphore_mem>>
    %dma_start3A_205 = tpu.memref_squeeze %dma_start3A_204 : memref<1x!tpu.dma_semaphore, #tpu.memory_space<semaphore_mem>> -> memref<!tpu.dma_semaphore, #tpu.memory_space<semaphore_mem>>
    %dma_start3A_206 = arith.constant 49152 : i32
    %dma_start3A_207 = tpu.memref_slice %arg2[%add3A_199, %dma_start3A_206] : memref<128x65536xf32, #tpu.memory_space<hbm>> -> memref<1x4096xf32, #tpu.memory_space<hbm>>
    %dma_start3A_208 = tpu.memref_squeeze %dma_start3A_207 : memref<1x4096xf32, #tpu.memory_space<hbm>> -> memref<4096xf32, #tpu.memory_space<hbm>>
    tpu.enqueue_dma source(%dma_start3A_208 : memref<4096xf32, #tpu.memory_space<hbm>>) target(%arg8 : memref<4096xf32, #tpu.memory_space<vmem>>) target_semaphore(%dma_start3A_205 : memref<!tpu.dma_semaphore, #tpu.memory_space<semaphore_mem>>)
    %parallel_loop3A_209 = arith.constant 0 : i32
    %parallel_loop3A_210 = arith.constant 4096 : i32
    %parallel_loop3A_211 = arith.constant 128 : i32
    scf.for %parallel_loop3A_488 = %parallel_loop3A_209 to %parallel_loop3A_210 step %parallel_loop3A_211  : i32 {
      %parallel_loop3A_489 = arith.constant 0 : i32
      %parallel_loop3A_490 = arith.addi %parallel_loop3A_488, %parallel_loop3A_489 : i32
      %parallel_loop3A_491 = arith.index_cast %parallel_loop3A_490 : i32 to index
      %parallel_loop3A_492 = tpu.vector_load %arg7[%parallel_loop3A_491] {strides = array<i32>} : memref<4096xf32, #tpu.memory_space<vmem>>, vector<16xf32>,
      %parallel_loop3A_493 = vector.shape_cast %parallel_loop3A_492 : vector<16xf32> to vector<16xf32>
      %parallel_loop3A_494 = arith.index_cast %parallel_loop3A_490 : i32 to index
      %parallel_loop3A_495 = tpu.vector_load %arg9[%parallel_loop3A_494] {strides = array<i32>} : memref<4096xf32, #tpu.memory_space<vmem>>, vector<16xf32>,
      %parallel_loop3A_496 = vector.shape_cast %parallel_loop3A_495 : vector<16xf32> to vector<16xf32>
      %parallel_loop3A_497 = arith.mulf %parallel_loop3A_493, %parallel_loop3A_496 : vector<16xf32>
      %parallel_loop3A_498 = arith.constant 12288 : i32
      %parallel_loop3A_499 = arith.addi %parallel_loop3A_498, %parallel_loop3A_488 : i32
      %parallel_loop3A_500 = arith.constant 0 : i32
      %parallel_loop3A_501 = arith.addi %parallel_loop3A_499, %parallel_loop3A_500 : i32
      %parallel_loop3A_502 = arith.index_cast %parallel_loop3A_501 : i32 to index
      %parallel_loop3A_503 = tpu.vector_load %arg5[%parallel_loop3A_502] {strides = array<i32>} : memref<32768xf32, #tpu.memory_space<vmem>>, vector<16xf32>,
      %parallel_loop3A_504 = vector.shape_cast %parallel_loop3A_503 : vector<16xf32> to vector<16xf32>
      %parallel_loop3A_505 = arith.mulf %parallel_loop3A_497, %parallel_loop3A_504 : vector<16xf32>
      %parallel_loop3A_506 = math.exp %parallel_loop3A_505 : vector<16xf32>
      %parallel_loop3A_507 = arith.constant 12288 : i32
      %parallel_loop3A_508 = arith.addi %parallel_loop3A_507, %parallel_loop3A_488 : i32
      %parallel_loop3A_509 = arith.constant 0 : i32
      %parallel_loop3A_510 = arith.addi %parallel_loop3A_508, %parallel_loop3A_509 : i32
      %parallel_loop3A_511 = arith.constant 1 : i32
      %parallel_loop3A_512 = arith.addi %parallel_loop3A_510, %parallel_loop3A_511 : i32
      %parallel_loop3A_513 = arith.index_cast %parallel_loop3A_512 : i32 to index
      %parallel_loop3A_514 = tpu.vector_load %arg10[%parallel_loop3A_513] {strides = array<i32>} : memref<32769xf32, #tpu.memory_space<vmem>>, vector<16xf32>,
      %parallel_loop3A_515 = vector.shape_cast %parallel_loop3A_514 : vector<16xf32> to vector<16xf32>
      %parallel_loop3A_516 = vector.shape_cast %parallel_loop3A_506 : vector<16xf32> to vector<16xf32>
      tpu.vector_store %arg10[%parallel_loop3A_513], %parallel_loop3A_516 {strides = array<i32>} : memref<32769xf32, #tpu.memory_space<vmem>>, vector<16xf32>,
      %parallel_loop3A_517 = arith.constant 16 : i32
      %parallel_loop3A_518 = arith.addi %parallel_loop3A_488, %parallel_loop3A_517 : i32
      %parallel_loop3A_519 = arith.index_cast %parallel_loop3A_518 : i32 to index
      %parallel_loop3A_520 = tpu.vector_load %arg7[%parallel_loop3A_519] {strides = array<i32>} : memref<4096xf32, #tpu.memory_space<vmem>>, vector<16xf32>,
      %parallel_loop3A_521 = vector.shape_cast %parallel_loop3A_520 : vector<16xf32> to vector<16xf32>
      %parallel_loop3A_522 = arith.index_cast %parallel_loop3A_518 : i32 to index
      %parallel_loop3A_523 = tpu.vector_load %arg9[%parallel_loop3A_522] {strides = array<i32>} : memref<4096xf32, #tpu.memory_space<vmem>>, vector<16xf32>,
      %parallel_loop3A_524 = vector.shape_cast %parallel_loop3A_523 : vector<16xf32> to vector<16xf32>
      %parallel_loop3A_525 = arith.mulf %parallel_loop3A_521, %parallel_loop3A_524 : vector<16xf32>
      %parallel_loop3A_526 = arith.constant 12288 : i32
      %parallel_loop3A_527 = arith.addi %parallel_loop3A_526, %parallel_loop3A_488 : i32
      %parallel_loop3A_528 = arith.constant 16 : i32
      %parallel_loop3A_529 = arith.addi %parallel_loop3A_527, %parallel_loop3A_528 : i32
      %parallel_loop3A_530 = arith.index_cast %parallel_loop3A_529 : i32 to index
      %parallel_loop3A_531 = tpu.vector_load %arg5[%parallel_loop3A_530] {strides = array<i32>} : memref<32768xf32, #tpu.memory_space<vmem>>, vector<16xf32>,
      %parallel_loop3A_532 = vector.shape_cast %parallel_loop3A_531 : vector<16xf32> to vector<16xf32>
      %parallel_loop3A_533 = arith.mulf %parallel_loop3A_525, %parallel_loop3A_532 : vector<16xf32>
      %parallel_loop3A_534 = math.exp %parallel_loop3A_533 : vector<16xf32>
      %parallel_loop3A_535 = arith.constant 12288 : i32
      %parallel_loop3A_536 = arith.addi %parallel_loop3A_535, %parallel_loop3A_488 : i32
      %parallel_loop3A_537 = arith.constant 16 : i32
      %parallel_loop3A_538 = arith.addi %parallel_loop3A_536, %parallel_loop3A_537 : i32
      %parallel_loop3A_539 = arith.constant 1 : i32
      %parallel_loop3A_540 = arith.addi %parallel_loop3A_538, %parallel_loop3A_539 : i32
      %parallel_loop3A_541 = arith.index_cast %parallel_loop3A_540 : i32 to index
      %parallel_loop3A_542 = tpu.vector_load %arg10[%parallel_loop3A_541] {strides = array<i32>} : memref<32769xf32, #tpu.memory_space<vmem>>, vector<16xf32>,
      %parallel_loop3A_543 = vector.shape_cast %parallel_loop3A_542 : vector<16xf32> to vector<16xf32>
      %parallel_loop3A_544 = vector.shape_cast %parallel_loop3A_534 : vector<16xf32> to vector<16xf32>
      tpu.vector_store %arg10[%parallel_loop3A_541], %parallel_loop3A_544 {strides = array<i32>} : memref<32769xf32, #tpu.memory_space<vmem>>, vector<16xf32>,
      %parallel_loop3A_545 = arith.constant 32 : i32
      %parallel_loop3A_546 = arith.addi %parallel_loop3A_488, %parallel_loop3A_545 : i32
      %parallel_loop3A_547 = arith.index_cast %parallel_loop3A_546 : i32 to index
      %parallel_loop3A_548 = tpu.vector_load %arg7[%parallel_loop3A_547] {strides = array<i32>} : memref<4096xf32, #tpu.memory_space<vmem>>, vector<16xf32>,
      %parallel_loop3A_549 = vector.shape_cast %parallel_loop3A_548 : vector<16xf32> to vector<16xf32>
      %parallel_loop3A_550 = arith.index_cast %parallel_loop3A_546 : i32 to index
      %parallel_loop3A_551 = tpu.vector_load %arg9[%parallel_loop3A_550] {strides = array<i32>} : memref<4096xf32, #tpu.memory_space<vmem>>, vector<16xf32>,
      %parallel_loop3A_552 = vector.shape_cast %parallel_loop3A_551 : vector<16xf32> to vector<16xf32>
      %parallel_loop3A_553 = arith.mulf %parallel_loop3A_549, %parallel_loop3A_552 : vector<16xf32>
      %parallel_loop3A_554 = arith.constant 12288 : i32
      %parallel_loop3A_555 = arith.addi %parallel_loop3A_554, %parallel_loop3A_488 : i32
      %parallel_loop3A_556 = arith.constant 32 : i32
      %parallel_loop3A_557 = arith.addi %parallel_loop3A_555, %parallel_loop3A_556 : i32
      %parallel_loop3A_558 = arith.index_cast %parallel_loop3A_557 : i32 to index
      %parallel_loop3A_559 = tpu.vector_load %arg5[%parallel_loop3A_558] {strides = array<i32>} : memref<32768xf32, #tpu.memory_space<vmem>>, vector<16xf32>,
      %parallel_loop3A_560 = vector.shape_cast %parallel_loop3A_559 : vector<16xf32> to vector<16xf32>
      %parallel_loop3A_561 = arith.mulf %parallel_loop3A_553, %parallel_loop3A_560 : vector<16xf32>
      %parallel_loop3A_562 = math.exp %parallel_loop3A_561 : vector<16xf32>
      %parallel_loop3A_563 = arith.constant 12288 : i32
      %parallel_loop3A_564 = arith.addi %parallel_loop3A_563, %parallel_loop3A_488 : i32
      %parallel_loop3A_565 = arith.constant 32 : i32
      %parallel_loop3A_566 = arith.addi %parallel_loop3A_564, %parallel_loop3A_565 : i32
      %parallel_loop3A_567 = arith.constant 1 : i32
      %parallel_loop3A_568 = arith.addi %parallel_loop3A_566, %parallel_loop3A_567 : i32
      %parallel_loop3A_569 = arith.index_cast %parallel_loop3A_568 : i32 to index
      %parallel_loop3A_570 = tpu.vector_load %arg10[%parallel_loop3A_569] {strides = array<i32>} : memref<32769xf32, #tpu.memory_space<vmem>>, vector<16xf32>,
      %parallel_loop3A_571 = vector.shape_cast %parallel_loop3A_570 : vector<16xf32> to vector<16xf32>
      %parallel_loop3A_572 = vector.shape_cast %parallel_loop3A_562 : vector<16xf32> to vector<16xf32>
      tpu.vector_store %arg10[%parallel_loop3A_569], %parallel_loop3A_572 {strides = array<i32>} : memref<32769xf32, #tpu.memory_space<vmem>>, vector<16xf32>,
      %parallel_loop3A_573 = arith.constant 48 : i32
      %parallel_loop3A_574 = arith.addi %parallel_loop3A_488, %parallel_loop3A_573 : i32
      %parallel_loop3A_575 = arith.index_cast %parallel_loop3A_574 : i32 to index
      %parallel_loop3A_576 = tpu.vector_load %arg7[%parallel_loop3A_575] {strides = array<i32>} : memref<4096xf32, #tpu.memory_space<vmem>>, vector<16xf32>,
      %parallel_loop3A_577 = vector.shape_cast %parallel_loop3A_576 : vector<16xf32> to vector<16xf32>
      %parallel_loop3A_578 = arith.index_cast %parallel_loop3A_574 : i32 to index
      %parallel_loop3A_579 = tpu.vector_load %arg9[%parallel_loop3A_578] {strides = array<i32>} : memref<4096xf32, #tpu.memory_space<vmem>>, vector<16xf32>,
      %parallel_loop3A_580 = vector.shape_cast %parallel_loop3A_579 : vector<16xf32> to vector<16xf32>
      %parallel_loop3A_581 = arith.mulf %parallel_loop3A_577, %parallel_loop3A_580 : vector<16xf32>
      %parallel_loop3A_582 = arith.constant 12288 : i32
      %parallel_loop3A_583 = arith.addi %parallel_loop3A_582, %parallel_loop3A_488 : i32
      %parallel_loop3A_584 = arith.constant 48 : i32
      %parallel_loop3A_585 = arith.addi %parallel_loop3A_583, %parallel_loop3A_584 : i32
      %parallel_loop3A_586 = arith.index_cast %parallel_loop3A_585 : i32 to index
      %parallel_loop3A_587 = tpu.vector_load %arg5[%parallel_loop3A_586] {strides = array<i32>} : memref<32768xf32, #tpu.memory_space<vmem>>, vector<16xf32>,
      %parallel_loop3A_588 = vector.shape_cast %parallel_loop3A_587 : vector<16xf32> to vector<16xf32>
      %parallel_loop3A_589 = arith.mulf %parallel_loop3A_581, %parallel_loop3A_588 : vector<16xf32>
      %parallel_loop3A_590 = math.exp %parallel_loop3A_589 : vector<16xf32>
      %parallel_loop3A_591 = arith.constant 12288 : i32
      %parallel_loop3A_592 = arith.addi %parallel_loop3A_591, %parallel_loop3A_488 : i32
      %parallel_loop3A_593 = arith.constant 48 : i32
      %parallel_loop3A_594 = arith.addi %parallel_loop3A_592, %parallel_loop3A_593 : i32
      %parallel_loop3A_595 = arith.constant 1 : i32
      %parallel_loop3A_596 = arith.addi %parallel_loop3A_594, %parallel_loop3A_595 : i32
      %parallel_loop3A_597 = arith.index_cast %parallel_loop3A_596 : i32 to index
      %parallel_loop3A_598 = tpu.vector_load %arg10[%parallel_loop3A_597] {strides = array<i32>} : memref<32769xf32, #tpu.memory_space<vmem>>, vector<16xf32>,
      %parallel_loop3A_599 = vector.shape_cast %parallel_loop3A_598 : vector<16xf32> to vector<16xf32>
      %parallel_loop3A_600 = vector.shape_cast %parallel_loop3A_590 : vector<16xf32> to vector<16xf32>
      tpu.vector_store %arg10[%parallel_loop3A_597], %parallel_loop3A_600 {strides = array<i32>} : memref<32769xf32, #tpu.memory_space<vmem>>, vector<16xf32>,
      %parallel_loop3A_601 = arith.constant 64 : i32
      %parallel_loop3A_602 = arith.addi %parallel_loop3A_488, %parallel_loop3A_601 : i32
      %parallel_loop3A_603 = arith.index_cast %parallel_loop3A_602 : i32 to index
      %parallel_loop3A_604 = tpu.vector_load %arg7[%parallel_loop3A_603] {strides = array<i32>} : memref<4096xf32, #tpu.memory_space<vmem>>, vector<16xf32>,
      %parallel_loop3A_605 = vector.shape_cast %parallel_loop3A_604 : vector<16xf32> to vector<16xf32>
      %parallel_loop3A_606 = arith.index_cast %parallel_loop3A_602 : i32 to index
      %parallel_loop3A_607 = tpu.vector_load %arg9[%parallel_loop3A_606] {strides = array<i32>} : memref<4096xf32, #tpu.memory_space<vmem>>, vector<16xf32>,
      %parallel_loop3A_608 = vector.shape_cast %parallel_loop3A_607 : vector<16xf32> to vector<16xf32>
      %parallel_loop3A_609 = arith.mulf %parallel_loop3A_605, %parallel_loop3A_608 : vector<16xf32>
      %parallel_loop3A_610 = arith.constant 12288 : i32
      %parallel_loop3A_611 = arith.addi %parallel_loop3A_610, %parallel_loop3A_488 : i32
      %parallel_loop3A_612 = arith.constant 64 : i32
      %parallel_loop3A_613 = arith.addi %parallel_loop3A_611, %parallel_loop3A_612 : i32
      %parallel_loop3A_614 = arith.index_cast %parallel_loop3A_613 : i32 to index
      %parallel_loop3A_615 = tpu.vector_load %arg5[%parallel_loop3A_614] {strides = array<i32>} : memref<32768xf32, #tpu.memory_space<vmem>>, vector<16xf32>,
      %parallel_loop3A_616 = vector.shape_cast %parallel_loop3A_615 : vector<16xf32> to vector<16xf32>
      %parallel_loop3A_617 = arith.mulf %parallel_loop3A_609, %parallel_loop3A_616 : vector<16xf32>
      %parallel_loop3A_618 = math.exp %parallel_loop3A_617 : vector<16xf32>
      %parallel_loop3A_619 = arith.constant 12288 : i32
      %parallel_loop3A_620 = arith.addi %parallel_loop3A_619, %parallel_loop3A_488 : i32
      %parallel_loop3A_621 = arith.constant 64 : i32
      %parallel_loop3A_622 = arith.addi %parallel_loop3A_620, %parallel_loop3A_621 : i32
      %parallel_loop3A_623 = arith.constant 1 : i32
      %parallel_loop3A_624 = arith.addi %parallel_loop3A_622, %parallel_loop3A_623 : i32
      %parallel_loop3A_625 = arith.index_cast %parallel_loop3A_624 : i32 to index
      %parallel_loop3A_626 = tpu.vector_load %arg10[%parallel_loop3A_625] {strides = array<i32>} : memref<32769xf32, #tpu.memory_space<vmem>>, vector<16xf32>,
      %parallel_loop3A_627 = vector.shape_cast %parallel_loop3A_626 : vector<16xf32> to vector<16xf32>
      %parallel_loop3A_628 = vector.shape_cast %parallel_loop3A_618 : vector<16xf32> to vector<16xf32>
      tpu.vector_store %arg10[%parallel_loop3A_625], %parallel_loop3A_628 {strides = array<i32>} : memref<32769xf32, #tpu.memory_space<vmem>>, vector<16xf32>,
      %parallel_loop3A_629 = arith.constant 80 : i32
      %parallel_loop3A_630 = arith.addi %parallel_loop3A_488, %parallel_loop3A_629 : i32
      %parallel_loop3A_631 = arith.index_cast %parallel_loop3A_630 : i32 to index
      %parallel_loop3A_632 = tpu.vector_load %arg7[%parallel_loop3A_631] {strides = array<i32>} : memref<4096xf32, #tpu.memory_space<vmem>>, vector<16xf32>,
      %parallel_loop3A_633 = vector.shape_cast %parallel_loop3A_632 : vector<16xf32> to vector<16xf32>
      %parallel_loop3A_634 = arith.index_cast %parallel_loop3A_630 : i32 to index
      %parallel_loop3A_635 = tpu.vector_load %arg9[%parallel_loop3A_634] {strides = array<i32>} : memref<4096xf32, #tpu.memory_space<vmem>>, vector<16xf32>,
      %parallel_loop3A_636 = vector.shape_cast %parallel_loop3A_635 : vector<16xf32> to vector<16xf32>
      %parallel_loop3A_637 = arith.mulf %parallel_loop3A_633, %parallel_loop3A_636 : vector<16xf32>
      %parallel_loop3A_638 = arith.constant 12288 : i32
      %parallel_loop3A_639 = arith.addi %parallel_loop3A_638, %parallel_loop3A_488 : i32
      %parallel_loop3A_640 = arith.constant 80 : i32
      %parallel_loop3A_641 = arith.addi %parallel_loop3A_639, %parallel_loop3A_640 : i32
      %parallel_loop3A_642 = arith.index_cast %parallel_loop3A_641 : i32 to index
      %parallel_loop3A_643 = tpu.vector_load %arg5[%parallel_loop3A_642] {strides = array<i32>} : memref<32768xf32, #tpu.memory_space<vmem>>, vector<16xf32>,
      %parallel_loop3A_644 = vector.shape_cast %parallel_loop3A_643 : vector<16xf32> to vector<16xf32>
      %parallel_loop3A_645 = arith.mulf %parallel_loop3A_637, %parallel_loop3A_644 : vector<16xf32>
      %parallel_loop3A_646 = math.exp %parallel_loop3A_645 : vector<16xf32>
      %parallel_loop3A_647 = arith.constant 12288 : i32
      %parallel_loop3A_648 = arith.addi %parallel_loop3A_647, %parallel_loop3A_488 : i32
      %parallel_loop3A_649 = arith.constant 80 : i32
      %parallel_loop3A_650 = arith.addi %parallel_loop3A_648, %parallel_loop3A_649 : i32
      %parallel_loop3A_651 = arith.constant 1 : i32
      %parallel_loop3A_652 = arith.addi %parallel_loop3A_650, %parallel_loop3A_651 : i32
      %parallel_loop3A_653 = arith.index_cast %parallel_loop3A_652 : i32 to index
      %parallel_loop3A_654 = tpu.vector_load %arg10[%parallel_loop3A_653] {strides = array<i32>} : memref<32769xf32, #tpu.memory_space<vmem>>, vector<16xf32>,
      %parallel_loop3A_655 = vector.shape_cast %parallel_loop3A_654 : vector<16xf32> to vector<16xf32>
      %parallel_loop3A_656 = vector.shape_cast %parallel_loop3A_646 : vector<16xf32> to vector<16xf32>
      tpu.vector_store %arg10[%parallel_loop3A_653], %parallel_loop3A_656 {strides = array<i32>} : memref<32769xf32, #tpu.memory_space<vmem>>, vector<16xf32>,
      %parallel_loop3A_657 = arith.constant 96 : i32
      %parallel_loop3A_658 = arith.addi %parallel_loop3A_488, %parallel_loop3A_657 : i32
      %parallel_loop3A_659 = arith.index_cast %parallel_loop3A_658 : i32 to index
      %parallel_loop3A_660 = tpu.vector_load %arg7[%parallel_loop3A_659] {strides = array<i32>} : memref<4096xf32, #tpu.memory_space<vmem>>, vector<16xf32>,
      %parallel_loop3A_661 = vector.shape_cast %parallel_loop3A_660 : vector<16xf32> to vector<16xf32>
      %parallel_loop3A_662 = arith.index_cast %parallel_loop3A_658 : i32 to index
      %parallel_loop3A_663 = tpu.vector_load %arg9[%parallel_loop3A_662] {strides = array<i32>} : memref<4096xf32, #tpu.memory_space<vmem>>, vector<16xf32>,
      %parallel_loop3A_664 = vector.shape_cast %parallel_loop3A_663 : vector<16xf32> to vector<16xf32>
      %parallel_loop3A_665 = arith.mulf %parallel_loop3A_661, %parallel_loop3A_664 : vector<16xf32>
      %parallel_loop3A_666 = arith.constant 12288 : i32
      %parallel_loop3A_667 = arith.addi %parallel_loop3A_666, %parallel_loop3A_488 : i32
      %parallel_loop3A_668 = arith.constant 96 : i32
      %parallel_loop3A_669 = arith.addi %parallel_loop3A_667, %parallel_loop3A_668 : i32
      %parallel_loop3A_670 = arith.index_cast %parallel_loop3A_669 : i32 to index
      %parallel_loop3A_671 = tpu.vector_load %arg5[%parallel_loop3A_670] {strides = array<i32>} : memref<32768xf32, #tpu.memory_space<vmem>>, vector<16xf32>,
      %parallel_loop3A_672 = vector.shape_cast %parallel_loop3A_671 : vector<16xf32> to vector<16xf32>
      %parallel_loop3A_673 = arith.mulf %parallel_loop3A_665, %parallel_loop3A_672 : vector<16xf32>
      %parallel_loop3A_674 = math.exp %parallel_loop3A_673 : vector<16xf32>
      %parallel_loop3A_675 = arith.constant 12288 : i32
      %parallel_loop3A_676 = arith.addi %parallel_loop3A_675, %parallel_loop3A_488 : i32
      %parallel_loop3A_677 = arith.constant 96 : i32
      %parallel_loop3A_678 = arith.addi %parallel_loop3A_676, %parallel_loop3A_677 : i32
      %parallel_loop3A_679 = arith.constant 1 : i32
      %parallel_loop3A_680 = arith.addi %parallel_loop3A_678, %parallel_loop3A_679 : i32
      %parallel_loop3A_681 = arith.index_cast %parallel_loop3A_680 : i32 to index
      %parallel_loop3A_682 = tpu.vector_load %arg10[%parallel_loop3A_681] {strides = array<i32>} : memref<32769xf32, #tpu.memory_space<vmem>>, vector<16xf32>,
      %parallel_loop3A_683 = vector.shape_cast %parallel_loop3A_682 : vector<16xf32> to vector<16xf32>
      %parallel_loop3A_684 = vector.shape_cast %parallel_loop3A_674 : vector<16xf32> to vector<16xf32>
      tpu.vector_store %arg10[%parallel_loop3A_681], %parallel_loop3A_684 {strides = array<i32>} : memref<32769xf32, #tpu.memory_space<vmem>>, vector<16xf32>,
      %parallel_loop3A_685 = arith.constant 112 : i32
      %parallel_loop3A_686 = arith.addi %parallel_loop3A_488, %parallel_loop3A_685 : i32
      %parallel_loop3A_687 = arith.index_cast %parallel_loop3A_686 : i32 to index
      %parallel_loop3A_688 = tpu.vector_load %arg7[%parallel_loop3A_687] {strides = array<i32>} : memref<4096xf32, #tpu.memory_space<vmem>>, vector<16xf32>,
      %parallel_loop3A_689 = vector.shape_cast %parallel_loop3A_688 : vector<16xf32> to vector<16xf32>
      %parallel_loop3A_690 = arith.index_cast %parallel_loop3A_686 : i32 to index
      %parallel_loop3A_691 = tpu.vector_load %arg9[%parallel_loop3A_690] {strides = array<i32>} : memref<4096xf32, #tpu.memory_space<vmem>>, vector<16xf32>,
      %parallel_loop3A_692 = vector.shape_cast %parallel_loop3A_691 : vector<16xf32> to vector<16xf32>
      %parallel_loop3A_693 = arith.mulf %parallel_loop3A_689, %parallel_loop3A_692 : vector<16xf32>
      %parallel_loop3A_694 = arith.constant 12288 : i32
      %parallel_loop3A_695 = arith.addi %parallel_loop3A_694, %parallel_loop3A_488 : i32
      %parallel_loop3A_696 = arith.constant 112 : i32
      %parallel_loop3A_697 = arith.addi %parallel_loop3A_695, %parallel_loop3A_696 : i32
      %parallel_loop3A_698 = arith.index_cast %parallel_loop3A_697 : i32 to index
      %parallel_loop3A_699 = tpu.vector_load %arg5[%parallel_loop3A_698] {strides = array<i32>} : memref<32768xf32, #tpu.memory_space<vmem>>, vector<16xf32>,
      %parallel_loop3A_700 = vector.shape_cast %parallel_loop3A_699 : vector<16xf32> to vector<16xf32>
      %parallel_loop3A_701 = arith.mulf %parallel_loop3A_693, %parallel_loop3A_700 : vector<16xf32>
      %parallel_loop3A_702 = math.exp %parallel_loop3A_701 : vector<16xf32>
      %parallel_loop3A_703 = arith.constant 12288 : i32
      %parallel_loop3A_704 = arith.addi %parallel_loop3A_703, %parallel_loop3A_488 : i32
      %parallel_loop3A_705 = arith.constant 112 : i32
      %parallel_loop3A_706 = arith.addi %parallel_loop3A_704, %parallel_loop3A_705 : i32
      %parallel_loop3A_707 = arith.constant 1 : i32
      %parallel_loop3A_708 = arith.addi %parallel_loop3A_706, %parallel_loop3A_707 : i32
      %parallel_loop3A_709 = arith.index_cast %parallel_loop3A_708 : i32 to index
      %parallel_loop3A_710 = tpu.vector_load %arg10[%parallel_loop3A_709] {strides = array<i32>} : memref<32769xf32, #tpu.memory_space<vmem>>, vector<16xf32>,
      %parallel_loop3A_711 = vector.shape_cast %parallel_loop3A_710 : vector<16xf32> to vector<16xf32>
      %parallel_loop3A_712 = vector.shape_cast %parallel_loop3A_702 : vector<16xf32> to vector<16xf32>
      tpu.vector_store %arg10[%parallel_loop3A_709], %parallel_loop3A_712 {strides = array<i32>} : memref<32769xf32, #tpu.memory_space<vmem>>, vector<16xf32>,
      %parallel_loop3A_713 = arith.addf %parallel_loop3A_506, %parallel_loop3A_534 : vector<16xf32>
      %parallel_loop3A_714 = arith.addf %parallel_loop3A_562, %parallel_loop3A_590 : vector<16xf32>
      %parallel_loop3A_715 = arith.addf %parallel_loop3A_618, %parallel_loop3A_646 : vector<16xf32>
      %parallel_loop3A_716 = arith.addf %parallel_loop3A_674, %parallel_loop3A_702 : vector<16xf32>
      %parallel_loop3A_717 = arith.addf %parallel_loop3A_713, %parallel_loop3A_714 : vector<16xf32>
      %parallel_loop3A_718 = arith.addf %parallel_loop3A_715, %parallel_loop3A_716 : vector<16xf32>
      %parallel_loop3A_719 = arith.addf %parallel_loop3A_717, %parallel_loop3A_718 : vector<16xf32>
      %parallel_loop3A_720 = arith.constant 3 : i32
      %parallel_loop3A_721 = arith.shrui %parallel_loop3A_488, %parallel_loop3A_720 : i32
      %parallel_loop3A_722 = arith.constant 1536 : i32
      %parallel_loop3A_723 = arith.addi %parallel_loop3A_722, %parallel_loop3A_721 : i32
      %parallel_loop3A_724 = arith.index_cast %parallel_loop3A_723 : i32 to index
      %parallel_loop3A_725 = tpu.vector_load %arg12[%parallel_loop3A_724] {strides = array<i32>} : memref<4096xf32, #tpu.memory_space<vmem>>, vector<16xf32>,
      %parallel_loop3A_726 = vector.shape_cast %parallel_loop3A_725 : vector<16xf32> to vector<16xf32>
      %parallel_loop3A_727 = vector.shape_cast %parallel_loop3A_719 : vector<16xf32> to vector<16xf32>
      tpu.vector_store %arg12[%parallel_loop3A_724], %parallel_loop3A_727 {strides = array<i32>} : memref<4096xf32, #tpu.memory_space<vmem>>, vector<16xf32>,
    } {sc.loop_unroll_factor = 1 : i64, sc.parallel_access}
    %add3A_212 = arith.constant 96 : i32
    %add3A_213 = arith.addi %add3A_212, %add3A_25 : i32
    %dma_wait3A_214 = arith.constant 0 : i32
    %dma_wait3A_215 = arith.constant 16384 : i32
    %dma_wait3A_216 = tpu.memref_slice %arg2[%add3A_213, %dma_wait3A_215] : memref<128x65536xf32, #tpu.memory_space<hbm>> -> memref<1x4096xf32, #tpu.memory_space<hbm>>
    %dma_wait3A_217 = tpu.memref_squeeze %dma_wait3A_216 : memref<1x4096xf32, #tpu.memory_space<hbm>> -> memref<4096xf32, #tpu.memory_space<hbm>>
    %dma_wait3A_218 = tpu.memref_slice %arg13[%dma_wait3A_214] : memref<2x!tpu.dma_semaphore, #tpu.memory_space<semaphore_mem>> -> memref<1x!tpu.dma_semaphore, #tpu.memory_space<semaphore_mem>>
    %dma_wait3A_219 = tpu.memref_squeeze %dma_wait3A_218 : memref<1x!tpu.dma_semaphore, #tpu.memory_space<semaphore_mem>> -> memref<!tpu.dma_semaphore, #tpu.memory_space<semaphore_mem>>
    %dma_wait3A_220 = arith.constant 16384 : i32
    %dma_wait3A_221 = tpu.memref_slice %arg2[%add3A_213, %dma_wait3A_220] : memref<128x65536xf32, #tpu.memory_space<hbm>> -> memref<1x4096xf32, #tpu.memory_space<hbm>>
    %dma_wait3A_222 = tpu.memref_squeeze %dma_wait3A_221 : memref<1x4096xf32, #tpu.memory_space<hbm>> -> memref<4096xf32, #tpu.memory_space<hbm>>
    tpu.wait_dma2 semaphore(%dma_wait3A_219 : memref<!tpu.dma_semaphore, #tpu.memory_space<semaphore_mem>>) src(%dma_wait3A_222 : memref<4096xf32, #tpu.memory_space<hbm>>) dst(%arg6 : memref<4096xf32, #tpu.memory_space<vmem>>)
    %add3A_223 = arith.constant 96 : i32
    %add3A_224 = arith.addi %add3A_223, %add3A_25 : i32
    %dma_wait3A_225 = arith.constant 0 : i32
    %dma_wait3A_226 = arith.constant 49152 : i32
    %dma_wait3A_227 = tpu.memref_slice %arg2[%add3A_224, %dma_wait3A_226] : memref<128x65536xf32, #tpu.memory_space<hbm>> -> memref<1x4096xf32, #tpu.memory_space<hbm>>
    %dma_wait3A_228 = tpu.memref_squeeze %dma_wait3A_227 : memref<1x4096xf32, #tpu.memory_space<hbm>> -> memref<4096xf32, #tpu.memory_space<hbm>>
    %dma_wait3A_229 = tpu.memref_slice %arg14[%dma_wait3A_225] : memref<2x!tpu.dma_semaphore, #tpu.memory_space<semaphore_mem>> -> memref<1x!tpu.dma_semaphore, #tpu.memory_space<semaphore_mem>>
    %dma_wait3A_230 = tpu.memref_squeeze %dma_wait3A_229 : memref<1x!tpu.dma_semaphore, #tpu.memory_space<semaphore_mem>> -> memref<!tpu.dma_semaphore, #tpu.memory_space<semaphore_mem>>
    %dma_wait3A_231 = arith.constant 49152 : i32
    %dma_wait3A_232 = tpu.memref_slice %arg2[%add3A_224, %dma_wait3A_231] : memref<128x65536xf32, #tpu.memory_space<hbm>> -> memref<1x4096xf32, #tpu.memory_space<hbm>>
    %dma_wait3A_233 = tpu.memref_squeeze %dma_wait3A_232 : memref<1x4096xf32, #tpu.memory_space<hbm>> -> memref<4096xf32, #tpu.memory_space<hbm>>
    tpu.wait_dma2 semaphore(%dma_wait3A_230 : memref<!tpu.dma_semaphore, #tpu.memory_space<semaphore_mem>>) src(%dma_wait3A_233 : memref<4096xf32, #tpu.memory_space<hbm>>) dst(%arg8 : memref<4096xf32, #tpu.memory_space<vmem>>)
    %add3A_234 = arith.constant 96 : i32
    %add3A_235 = arith.addi %add3A_234, %add3A_25 : i32
    %dma_start3A_236 = arith.constant 1 : i32
    %dma_start3A_237 = arith.constant 20480 : i32
    %dma_start3A_238 = tpu.memref_slice %arg2[%add3A_235, %dma_start3A_237] : memref<128x65536xf32, #tpu.memory_space<hbm>> -> memref<1x4096xf32, #tpu.memory_space<hbm>>
    %dma_start3A_239 = tpu.memref_squeeze %dma_start3A_238 : memref<1x4096xf32, #tpu.memory_space<hbm>> -> memref<4096xf32, #tpu.memory_space<hbm>>
    %dma_start3A_240 = tpu.memref_slice %arg13[%dma_start3A_236] : memref<2x!tpu.dma_semaphore, #tpu.memory_space<semaphore_mem>> -> memref<1x!tpu.dma_semaphore, #tpu.memory_space<semaphore_mem>>
    %dma_start3A_241 = tpu.memref_squeeze %dma_start3A_240 : memref<1x!tpu.dma_semaphore, #tpu.memory_space<semaphore_mem>> -> memref<!tpu.dma_semaphore, #tpu.memory_space<semaphore_mem>>
    %dma_start3A_242 = arith.constant 20480 : i32
    %dma_start3A_243 = tpu.memref_slice %arg2[%add3A_235, %dma_start3A_242] : memref<128x65536xf32, #tpu.memory_space<hbm>> -> memref<1x4096xf32, #tpu.memory_space<hbm>>
    %dma_start3A_244 = tpu.memref_squeeze %dma_start3A_243 : memref<1x4096xf32, #tpu.memory_space<hbm>> -> memref<4096xf32, #tpu.memory_space<hbm>>
    tpu.enqueue_dma source(%dma_start3A_244 : memref<4096xf32, #tpu.memory_space<hbm>>) target(%arg7 : memref<4096xf32, #tpu.memory_space<vmem>>) target_semaphore(%dma_start3A_241 : memref<!tpu.dma_semaphore, #tpu.memory_space<semaphore_mem>>)
    %add3A_245 = arith.constant 96 : i32
    %add3A_246 = arith.addi %add3A_245, %add3A_25 : i32
    %dma_start3A_247 = arith.constant 1 : i32
    %dma_start3A_248 = arith.constant 53248 : i32
    %dma_start3A_249 = tpu.memref_slice %arg2[%add3A_246, %dma_start3A_248] : memref<128x65536xf32, #tpu.memory_space<hbm>> -> memref<1x4096xf32, #tpu.memory_space<hbm>>
    %dma_start3A_250 = tpu.memref_squeeze %dma_start3A_249 : memref<1x4096xf32, #tpu.memory_space<hbm>> -> memref<4096xf32, #tpu.memory_space<hbm>>
    %dma_start3A_251 = tpu.memref_slice %arg14[%dma_start3A_247] : memref<2x!tpu.dma_semaphore, #tpu.memory_space<semaphore_mem>> -> memref<1x!tpu.dma_semaphore, #tpu.memory_space<semaphore_mem>>
    %dma_start3A_252 = tpu.memref_squeeze %dma_start3A_251 : memref<1x!tpu.dma_semaphore, #tpu.memory_space<semaphore_mem>> -> memref<!tpu.dma_semaphore, #tpu.memory_space<semaphore_mem>>
    %dma_start3A_253 = arith.constant 53248 : i32
    %dma_start3A_254 = tpu.memref_slice %arg2[%add3A_246, %dma_start3A_253] : memref<128x65536xf32, #tpu.memory_space<hbm>> -> memref<1x4096xf32, #tpu.memory_space<hbm>>
    %dma_start3A_255 = tpu.memref_squeeze %dma_start3A_254 : memref<1x4096xf32, #tpu.memory_space<hbm>> -> memref<4096xf32, #tpu.memory_space<hbm>>
    tpu.enqueue_dma source(%dma_start3A_255 : memref<4096xf32, #tpu.memory_space<hbm>>) target(%arg9 : memref<4096xf32, #tpu.memory_space<vmem>>) target_semaphore(%dma_start3A_252 : memref<!tpu.dma_semaphore, #tpu.memory_space<semaphore_mem>>)
    %parallel_loop3A_256 = arith.constant 0 : i32
    %parallel_loop3A_257 = arith.constant 4096 : i32
    %parallel_loop3A_258 = arith.constant 128 : i32
    scf.for %parallel_loop3A_488 = %parallel_loop3A_256 to %parallel_loop3A_257 step %parallel_loop3A_258  : i32 {
      %parallel_loop3A_489 = arith.constant 0 : i32
      %parallel_loop3A_490 = arith.addi %parallel_loop3A_488, %parallel_loop3A_489 : i32
      %parallel_loop3A_491 = arith.index_cast %parallel_loop3A_490 : i32 to index
      %parallel_loop3A_492 = tpu.vector_load %arg6[%parallel_loop3A_491] {strides = array<i32>} : memref<4096xf32, #tpu.memory_space<vmem>>, vector<16xf32>,
      %parallel_loop3A_493 = vector.shape_cast %parallel_loop3A_492 : vector<16xf32> to vector<16xf32>
      %parallel_loop3A_494 = arith.index_cast %parallel_loop3A_490 : i32 to index
      %parallel_loop3A_495 = tpu.vector_load %arg8[%parallel_loop3A_494] {strides = array<i32>} : memref<4096xf32, #tpu.memory_space<vmem>>, vector<16xf32>,
      %parallel_loop3A_496 = vector.shape_cast %parallel_loop3A_495 : vector<16xf32> to vector<16xf32>
      %parallel_loop3A_497 = arith.mulf %parallel_loop3A_493, %parallel_loop3A_496 : vector<16xf32>
      %parallel_loop3A_498 = arith.constant 16384 : i32
      %parallel_loop3A_499 = arith.addi %parallel_loop3A_498, %parallel_loop3A_488 : i32
      %parallel_loop3A_500 = arith.constant 0 : i32
      %parallel_loop3A_501 = arith.addi %parallel_loop3A_499, %parallel_loop3A_500 : i32
      %parallel_loop3A_502 = arith.index_cast %parallel_loop3A_501 : i32 to index
      %parallel_loop3A_503 = tpu.vector_load %arg5[%parallel_loop3A_502] {strides = array<i32>} : memref<32768xf32, #tpu.memory_space<vmem>>, vector<16xf32>,
      %parallel_loop3A_504 = vector.shape_cast %parallel_loop3A_503 : vector<16xf32> to vector<16xf32>
      %parallel_loop3A_505 = arith.mulf %parallel_loop3A_497, %parallel_loop3A_504 : vector<16xf32>
      %parallel_loop3A_506 = math.exp %parallel_loop3A_505 : vector<16xf32>
      %parallel_loop3A_507 = arith.constant 16384 : i32
      %parallel_loop3A_508 = arith.addi %parallel_loop3A_507, %parallel_loop3A_488 : i32
      %parallel_loop3A_509 = arith.constant 0 : i32
      %parallel_loop3A_510 = arith.addi %parallel_loop3A_508, %parallel_loop3A_509 : i32
      %parallel_loop3A_511 = arith.constant 1 : i32
      %parallel_loop3A_512 = arith.addi %parallel_loop3A_510, %parallel_loop3A_511 : i32
      %parallel_loop3A_513 = arith.index_cast %parallel_loop3A_512 : i32 to index
      %parallel_loop3A_514 = tpu.vector_load %arg10[%parallel_loop3A_513] {strides = array<i32>} : memref<32769xf32, #tpu.memory_space<vmem>>, vector<16xf32>,
      %parallel_loop3A_515 = vector.shape_cast %parallel_loop3A_514 : vector<16xf32> to vector<16xf32>
      %parallel_loop3A_516 = vector.shape_cast %parallel_loop3A_506 : vector<16xf32> to vector<16xf32>
      tpu.vector_store %arg10[%parallel_loop3A_513], %parallel_loop3A_516 {strides = array<i32>} : memref<32769xf32, #tpu.memory_space<vmem>>, vector<16xf32>,
      %parallel_loop3A_517 = arith.constant 16 : i32
      %parallel_loop3A_518 = arith.addi %parallel_loop3A_488, %parallel_loop3A_517 : i32
      %parallel_loop3A_519 = arith.index_cast %parallel_loop3A_518 : i32 to index
      %parallel_loop3A_520 = tpu.vector_load %arg6[%parallel_loop3A_519] {strides = array<i32>} : memref<4096xf32, #tpu.memory_space<vmem>>, vector<16xf32>,
      %parallel_loop3A_521 = vector.shape_cast %parallel_loop3A_520 : vector<16xf32> to vector<16xf32>
      %parallel_loop3A_522 = arith.index_cast %parallel_loop3A_518 : i32 to index
      %parallel_loop3A_523 = tpu.vector_load %arg8[%parallel_loop3A_522] {strides = array<i32>} : memref<4096xf32, #tpu.memory_space<vmem>>, vector<16xf32>,
      %parallel_loop3A_524 = vector.shape_cast %parallel_loop3A_523 : vector<16xf32> to vector<16xf32>
      %parallel_loop3A_525 = arith.mulf %parallel_loop3A_521, %parallel_loop3A_524 : vector<16xf32>
      %parallel_loop3A_526 = arith.constant 16384 : i32
      %parallel_loop3A_527 = arith.addi %parallel_loop3A_526, %parallel_loop3A_488 : i32
      %parallel_loop3A_528 = arith.constant 16 : i32
      %parallel_loop3A_529 = arith.addi %parallel_loop3A_527, %parallel_loop3A_528 : i32
      %parallel_loop3A_530 = arith.index_cast %parallel_loop3A_529 : i32 to index
      %parallel_loop3A_531 = tpu.vector_load %arg5[%parallel_loop3A_530] {strides = array<i32>} : memref<32768xf32, #tpu.memory_space<vmem>>, vector<16xf32>,
      %parallel_loop3A_532 = vector.shape_cast %parallel_loop3A_531 : vector<16xf32> to vector<16xf32>
      %parallel_loop3A_533 = arith.mulf %parallel_loop3A_525, %parallel_loop3A_532 : vector<16xf32>
      %parallel_loop3A_534 = math.exp %parallel_loop3A_533 : vector<16xf32>
      %parallel_loop3A_535 = arith.constant 16384 : i32
      %parallel_loop3A_536 = arith.addi %parallel_loop3A_535, %parallel_loop3A_488 : i32
      %parallel_loop3A_537 = arith.constant 16 : i32
      %parallel_loop3A_538 = arith.addi %parallel_loop3A_536, %parallel_loop3A_537 : i32
      %parallel_loop3A_539 = arith.constant 1 : i32
      %parallel_loop3A_540 = arith.addi %parallel_loop3A_538, %parallel_loop3A_539 : i32
      %parallel_loop3A_541 = arith.index_cast %parallel_loop3A_540 : i32 to index
      %parallel_loop3A_542 = tpu.vector_load %arg10[%parallel_loop3A_541] {strides = array<i32>} : memref<32769xf32, #tpu.memory_space<vmem>>, vector<16xf32>,
      %parallel_loop3A_543 = vector.shape_cast %parallel_loop3A_542 : vector<16xf32> to vector<16xf32>
      %parallel_loop3A_544 = vector.shape_cast %parallel_loop3A_534 : vector<16xf32> to vector<16xf32>
      tpu.vector_store %arg10[%parallel_loop3A_541], %parallel_loop3A_544 {strides = array<i32>} : memref<32769xf32, #tpu.memory_space<vmem>>, vector<16xf32>,
      %parallel_loop3A_545 = arith.constant 32 : i32
      %parallel_loop3A_546 = arith.addi %parallel_loop3A_488, %parallel_loop3A_545 : i32
      %parallel_loop3A_547 = arith.index_cast %parallel_loop3A_546 : i32 to index
      %parallel_loop3A_548 = tpu.vector_load %arg6[%parallel_loop3A_547] {strides = array<i32>} : memref<4096xf32, #tpu.memory_space<vmem>>, vector<16xf32>,
      %parallel_loop3A_549 = vector.shape_cast %parallel_loop3A_548 : vector<16xf32> to vector<16xf32>
      %parallel_loop3A_550 = arith.index_cast %parallel_loop3A_546 : i32 to index
      %parallel_loop3A_551 = tpu.vector_load %arg8[%parallel_loop3A_550] {strides = array<i32>} : memref<4096xf32, #tpu.memory_space<vmem>>, vector<16xf32>,
      %parallel_loop3A_552 = vector.shape_cast %parallel_loop3A_551 : vector<16xf32> to vector<16xf32>
      %parallel_loop3A_553 = arith.mulf %parallel_loop3A_549, %parallel_loop3A_552 : vector<16xf32>
      %parallel_loop3A_554 = arith.constant 16384 : i32
      %parallel_loop3A_555 = arith.addi %parallel_loop3A_554, %parallel_loop3A_488 : i32
      %parallel_loop3A_556 = arith.constant 32 : i32
      %parallel_loop3A_557 = arith.addi %parallel_loop3A_555, %parallel_loop3A_556 : i32
      %parallel_loop3A_558 = arith.index_cast %parallel_loop3A_557 : i32 to index
      %parallel_loop3A_559 = tpu.vector_load %arg5[%parallel_loop3A_558] {strides = array<i32>} : memref<32768xf32, #tpu.memory_space<vmem>>, vector<16xf32>,
      %parallel_loop3A_560 = vector.shape_cast %parallel_loop3A_559 : vector<16xf32> to vector<16xf32>
      %parallel_loop3A_561 = arith.mulf %parallel_loop3A_553, %parallel_loop3A_560 : vector<16xf32>
      %parallel_loop3A_562 = math.exp %parallel_loop3A_561 : vector<16xf32>
      %parallel_loop3A_563 = arith.constant 16384 : i32
      %parallel_loop3A_564 = arith.addi %parallel_loop3A_563, %parallel_loop3A_488 : i32
      %parallel_loop3A_565 = arith.constant 32 : i32
      %parallel_loop3A_566 = arith.addi %parallel_loop3A_564, %parallel_loop3A_565 : i32
      %parallel_loop3A_567 = arith.constant 1 : i32
      %parallel_loop3A_568 = arith.addi %parallel_loop3A_566, %parallel_loop3A_567 : i32
      %parallel_loop3A_569 = arith.index_cast %parallel_loop3A_568 : i32 to index
      %parallel_loop3A_570 = tpu.vector_load %arg10[%parallel_loop3A_569] {strides = array<i32>} : memref<32769xf32, #tpu.memory_space<vmem>>, vector<16xf32>,
      %parallel_loop3A_571 = vector.shape_cast %parallel_loop3A_570 : vector<16xf32> to vector<16xf32>
      %parallel_loop3A_572 = vector.shape_cast %parallel_loop3A_562 : vector<16xf32> to vector<16xf32>
      tpu.vector_store %arg10[%parallel_loop3A_569], %parallel_loop3A_572 {strides = array<i32>} : memref<32769xf32, #tpu.memory_space<vmem>>, vector<16xf32>,
      %parallel_loop3A_573 = arith.constant 48 : i32
      %parallel_loop3A_574 = arith.addi %parallel_loop3A_488, %parallel_loop3A_573 : i32
      %parallel_loop3A_575 = arith.index_cast %parallel_loop3A_574 : i32 to index
      %parallel_loop3A_576 = tpu.vector_load %arg6[%parallel_loop3A_575] {strides = array<i32>} : memref<4096xf32, #tpu.memory_space<vmem>>, vector<16xf32>,
      %parallel_loop3A_577 = vector.shape_cast %parallel_loop3A_576 : vector<16xf32> to vector<16xf32>
      %parallel_loop3A_578 = arith.index_cast %parallel_loop3A_574 : i32 to index
      %parallel_loop3A_579 = tpu.vector_load %arg8[%parallel_loop3A_578] {strides = array<i32>} : memref<4096xf32, #tpu.memory_space<vmem>>, vector<16xf32>,
      %parallel_loop3A_580 = vector.shape_cast %parallel_loop3A_579 : vector<16xf32> to vector<16xf32>
      %parallel_loop3A_581 = arith.mulf %parallel_loop3A_577, %parallel_loop3A_580 : vector<16xf32>
      %parallel_loop3A_582 = arith.constant 16384 : i32
      %parallel_loop3A_583 = arith.addi %parallel_loop3A_582, %parallel_loop3A_488 : i32
      %parallel_loop3A_584 = arith.constant 48 : i32
      %parallel_loop3A_585 = arith.addi %parallel_loop3A_583, %parallel_loop3A_584 : i32
      %parallel_loop3A_586 = arith.index_cast %parallel_loop3A_585 : i32 to index
      %parallel_loop3A_587 = tpu.vector_load %arg5[%parallel_loop3A_586] {strides = array<i32>} : memref<32768xf32, #tpu.memory_space<vmem>>, vector<16xf32>,
      %parallel_loop3A_588 = vector.shape_cast %parallel_loop3A_587 : vector<16xf32> to vector<16xf32>
      %parallel_loop3A_589 = arith.mulf %parallel_loop3A_581, %parallel_loop3A_588 : vector<16xf32>
      %parallel_loop3A_590 = math.exp %parallel_loop3A_589 : vector<16xf32>
      %parallel_loop3A_591 = arith.constant 16384 : i32
      %parallel_loop3A_592 = arith.addi %parallel_loop3A_591, %parallel_loop3A_488 : i32
      %parallel_loop3A_593 = arith.constant 48 : i32
      %parallel_loop3A_594 = arith.addi %parallel_loop3A_592, %parallel_loop3A_593 : i32
      %parallel_loop3A_595 = arith.constant 1 : i32
      %parallel_loop3A_596 = arith.addi %parallel_loop3A_594, %parallel_loop3A_595 : i32
      %parallel_loop3A_597 = arith.index_cast %parallel_loop3A_596 : i32 to index
      %parallel_loop3A_598 = tpu.vector_load %arg10[%parallel_loop3A_597] {strides = array<i32>} : memref<32769xf32, #tpu.memory_space<vmem>>, vector<16xf32>,
      %parallel_loop3A_599 = vector.shape_cast %parallel_loop3A_598 : vector<16xf32> to vector<16xf32>
      %parallel_loop3A_600 = vector.shape_cast %parallel_loop3A_590 : vector<16xf32> to vector<16xf32>
      tpu.vector_store %arg10[%parallel_loop3A_597], %parallel_loop3A_600 {strides = array<i32>} : memref<32769xf32, #tpu.memory_space<vmem>>, vector<16xf32>,
      %parallel_loop3A_601 = arith.constant 64 : i32
      %parallel_loop3A_602 = arith.addi %parallel_loop3A_488, %parallel_loop3A_601 : i32
      %parallel_loop3A_603 = arith.index_cast %parallel_loop3A_602 : i32 to index
      %parallel_loop3A_604 = tpu.vector_load %arg6[%parallel_loop3A_603] {strides = array<i32>} : memref<4096xf32, #tpu.memory_space<vmem>>, vector<16xf32>,
      %parallel_loop3A_605 = vector.shape_cast %parallel_loop3A_604 : vector<16xf32> to vector<16xf32>
      %parallel_loop3A_606 = arith.index_cast %parallel_loop3A_602 : i32 to index
      %parallel_loop3A_607 = tpu.vector_load %arg8[%parallel_loop3A_606] {strides = array<i32>} : memref<4096xf32, #tpu.memory_space<vmem>>, vector<16xf32>,
      %parallel_loop3A_608 = vector.shape_cast %parallel_loop3A_607 : vector<16xf32> to vector<16xf32>
      %parallel_loop3A_609 = arith.mulf %parallel_loop3A_605, %parallel_loop3A_608 : vector<16xf32>
      %parallel_loop3A_610 = arith.constant 16384 : i32
      %parallel_loop3A_611 = arith.addi %parallel_loop3A_610, %parallel_loop3A_488 : i32
      %parallel_loop3A_612 = arith.constant 64 : i32
      %parallel_loop3A_613 = arith.addi %parallel_loop3A_611, %parallel_loop3A_612 : i32
      %parallel_loop3A_614 = arith.index_cast %parallel_loop3A_613 : i32 to index
      %parallel_loop3A_615 = tpu.vector_load %arg5[%parallel_loop3A_614] {strides = array<i32>} : memref<32768xf32, #tpu.memory_space<vmem>>, vector<16xf32>,
      %parallel_loop3A_616 = vector.shape_cast %parallel_loop3A_615 : vector<16xf32> to vector<16xf32>
      %parallel_loop3A_617 = arith.mulf %parallel_loop3A_609, %parallel_loop3A_616 : vector<16xf32>
      %parallel_loop3A_618 = math.exp %parallel_loop3A_617 : vector<16xf32>
      %parallel_loop3A_619 = arith.constant 16384 : i32
      %parallel_loop3A_620 = arith.addi %parallel_loop3A_619, %parallel_loop3A_488 : i32
      %parallel_loop3A_621 = arith.constant 64 : i32
      %parallel_loop3A_622 = arith.addi %parallel_loop3A_620, %parallel_loop3A_621 : i32
      %parallel_loop3A_623 = arith.constant 1 : i32
      %parallel_loop3A_624 = arith.addi %parallel_loop3A_622, %parallel_loop3A_623 : i32
      %parallel_loop3A_625 = arith.index_cast %parallel_loop3A_624 : i32 to index
      %parallel_loop3A_626 = tpu.vector_load %arg10[%parallel_loop3A_625] {strides = array<i32>} : memref<32769xf32, #tpu.memory_space<vmem>>, vector<16xf32>,
      %parallel_loop3A_627 = vector.shape_cast %parallel_loop3A_626 : vector<16xf32> to vector<16xf32>
      %parallel_loop3A_628 = vector.shape_cast %parallel_loop3A_618 : vector<16xf32> to vector<16xf32>
      tpu.vector_store %arg10[%parallel_loop3A_625], %parallel_loop3A_628 {strides = array<i32>} : memref<32769xf32, #tpu.memory_space<vmem>>, vector<16xf32>,
      %parallel_loop3A_629 = arith.constant 80 : i32
      %parallel_loop3A_630 = arith.addi %parallel_loop3A_488, %parallel_loop3A_629 : i32
      %parallel_loop3A_631 = arith.index_cast %parallel_loop3A_630 : i32 to index
      %parallel_loop3A_632 = tpu.vector_load %arg6[%parallel_loop3A_631] {strides = array<i32>} : memref<4096xf32, #tpu.memory_space<vmem>>, vector<16xf32>,
      %parallel_loop3A_633 = vector.shape_cast %parallel_loop3A_632 : vector<16xf32> to vector<16xf32>
      %parallel_loop3A_634 = arith.index_cast %parallel_loop3A_630 : i32 to index
      %parallel_loop3A_635 = tpu.vector_load %arg8[%parallel_loop3A_634] {strides = array<i32>} : memref<4096xf32, #tpu.memory_space<vmem>>, vector<16xf32>,
      %parallel_loop3A_636 = vector.shape_cast %parallel_loop3A_635 : vector<16xf32> to vector<16xf32>
      %parallel_loop3A_637 = arith.mulf %parallel_loop3A_633, %parallel_loop3A_636 : vector<16xf32>
      %parallel_loop3A_638 = arith.constant 16384 : i32
      %parallel_loop3A_639 = arith.addi %parallel_loop3A_638, %parallel_loop3A_488 : i32
      %parallel_loop3A_640 = arith.constant 80 : i32
      %parallel_loop3A_641 = arith.addi %parallel_loop3A_639, %parallel_loop3A_640 : i32
      %parallel_loop3A_642 = arith.index_cast %parallel_loop3A_641 : i32 to index
      %parallel_loop3A_643 = tpu.vector_load %arg5[%parallel_loop3A_642] {strides = array<i32>} : memref<32768xf32, #tpu.memory_space<vmem>>, vector<16xf32>,
      %parallel_loop3A_644 = vector.shape_cast %parallel_loop3A_643 : vector<16xf32> to vector<16xf32>
      %parallel_loop3A_645 = arith.mulf %parallel_loop3A_637, %parallel_loop3A_644 : vector<16xf32>
      %parallel_loop3A_646 = math.exp %parallel_loop3A_645 : vector<16xf32>
      %parallel_loop3A_647 = arith.constant 16384 : i32
      %parallel_loop3A_648 = arith.addi %parallel_loop3A_647, %parallel_loop3A_488 : i32
      %parallel_loop3A_649 = arith.constant 80 : i32
      %parallel_loop3A_650 = arith.addi %parallel_loop3A_648, %parallel_loop3A_649 : i32
      %parallel_loop3A_651 = arith.constant 1 : i32
      %parallel_loop3A_652 = arith.addi %parallel_loop3A_650, %parallel_loop3A_651 : i32
      %parallel_loop3A_653 = arith.index_cast %parallel_loop3A_652 : i32 to index
      %parallel_loop3A_654 = tpu.vector_load %arg10[%parallel_loop3A_653] {strides = array<i32>} : memref<32769xf32, #tpu.memory_space<vmem>>, vector<16xf32>,
      %parallel_loop3A_655 = vector.shape_cast %parallel_loop3A_654 : vector<16xf32> to vector<16xf32>
      %parallel_loop3A_656 = vector.shape_cast %parallel_loop3A_646 : vector<16xf32> to vector<16xf32>
      tpu.vector_store %arg10[%parallel_loop3A_653], %parallel_loop3A_656 {strides = array<i32>} : memref<32769xf32, #tpu.memory_space<vmem>>, vector<16xf32>,
      %parallel_loop3A_657 = arith.constant 96 : i32
      %parallel_loop3A_658 = arith.addi %parallel_loop3A_488, %parallel_loop3A_657 : i32
      %parallel_loop3A_659 = arith.index_cast %parallel_loop3A_658 : i32 to index
      %parallel_loop3A_660 = tpu.vector_load %arg6[%parallel_loop3A_659] {strides = array<i32>} : memref<4096xf32, #tpu.memory_space<vmem>>, vector<16xf32>,
      %parallel_loop3A_661 = vector.shape_cast %parallel_loop3A_660 : vector<16xf32> to vector<16xf32>
      %parallel_loop3A_662 = arith.index_cast %parallel_loop3A_658 : i32 to index
      %parallel_loop3A_663 = tpu.vector_load %arg8[%parallel_loop3A_662] {strides = array<i32>} : memref<4096xf32, #tpu.memory_space<vmem>>, vector<16xf32>,
      %parallel_loop3A_664 = vector.shape_cast %parallel_loop3A_663 : vector<16xf32> to vector<16xf32>
      %parallel_loop3A_665 = arith.mulf %parallel_loop3A_661, %parallel_loop3A_664 : vector<16xf32>
      %parallel_loop3A_666 = arith.constant 16384 : i32
      %parallel_loop3A_667 = arith.addi %parallel_loop3A_666, %parallel_loop3A_488 : i32
      %parallel_loop3A_668 = arith.constant 96 : i32
      %parallel_loop3A_669 = arith.addi %parallel_loop3A_667, %parallel_loop3A_668 : i32
      %parallel_loop3A_670 = arith.index_cast %parallel_loop3A_669 : i32 to index
      %parallel_loop3A_671 = tpu.vector_load %arg5[%parallel_loop3A_670] {strides = array<i32>} : memref<32768xf32, #tpu.memory_space<vmem>>, vector<16xf32>,
      %parallel_loop3A_672 = vector.shape_cast %parallel_loop3A_671 : vector<16xf32> to vector<16xf32>
      %parallel_loop3A_673 = arith.mulf %parallel_loop3A_665, %parallel_loop3A_672 : vector<16xf32>
      %parallel_loop3A_674 = math.exp %parallel_loop3A_673 : vector<16xf32>
      %parallel_loop3A_675 = arith.constant 16384 : i32
      %parallel_loop3A_676 = arith.addi %parallel_loop3A_675, %parallel_loop3A_488 : i32
      %parallel_loop3A_677 = arith.constant 96 : i32
      %parallel_loop3A_678 = arith.addi %parallel_loop3A_676, %parallel_loop3A_677 : i32
      %parallel_loop3A_679 = arith.constant 1 : i32
      %parallel_loop3A_680 = arith.addi %parallel_loop3A_678, %parallel_loop3A_679 : i32
      %parallel_loop3A_681 = arith.index_cast %parallel_loop3A_680 : i32 to index
      %parallel_loop3A_682 = tpu.vector_load %arg10[%parallel_loop3A_681] {strides = array<i32>} : memref<32769xf32, #tpu.memory_space<vmem>>, vector<16xf32>,
      %parallel_loop3A_683 = vector.shape_cast %parallel_loop3A_682 : vector<16xf32> to vector<16xf32>
      %parallel_loop3A_684 = vector.shape_cast %parallel_loop3A_674 : vector<16xf32> to vector<16xf32>
      tpu.vector_store %arg10[%parallel_loop3A_681], %parallel_loop3A_684 {strides = array<i32>} : memref<32769xf32, #tpu.memory_space<vmem>>, vector<16xf32>,
      %parallel_loop3A_685 = arith.constant 112 : i32
      %parallel_loop3A_686 = arith.addi %parallel_loop3A_488, %parallel_loop3A_685 : i32
      %parallel_loop3A_687 = arith.index_cast %parallel_loop3A_686 : i32 to index
      %parallel_loop3A_688 = tpu.vector_load %arg6[%parallel_loop3A_687] {strides = array<i32>} : memref<4096xf32, #tpu.memory_space<vmem>>, vector<16xf32>,
      %parallel_loop3A_689 = vector.shape_cast %parallel_loop3A_688 : vector<16xf32> to vector<16xf32>
      %parallel_loop3A_690 = arith.index_cast %parallel_loop3A_686 : i32 to index
      %parallel_loop3A_691 = tpu.vector_load %arg8[%parallel_loop3A_690] {strides = array<i32>} : memref<4096xf32, #tpu.memory_space<vmem>>, vector<16xf32>,
      %parallel_loop3A_692 = vector.shape_cast %parallel_loop3A_691 : vector<16xf32> to vector<16xf32>
      %parallel_loop3A_693 = arith.mulf %parallel_loop3A_689, %parallel_loop3A_692 : vector<16xf32>
      %parallel_loop3A_694 = arith.constant 16384 : i32
      %parallel_loop3A_695 = arith.addi %parallel_loop3A_694, %parallel_loop3A_488 : i32
      %parallel_loop3A_696 = arith.constant 112 : i32
      %parallel_loop3A_697 = arith.addi %parallel_loop3A_695, %parallel_loop3A_696 : i32
      %parallel_loop3A_698 = arith.index_cast %parallel_loop3A_697 : i32 to index
      %parallel_loop3A_699 = tpu.vector_load %arg5[%parallel_loop3A_698] {strides = array<i32>} : memref<32768xf32, #tpu.memory_space<vmem>>, vector<16xf32>,
      %parallel_loop3A_700 = vector.shape_cast %parallel_loop3A_699 : vector<16xf32> to vector<16xf32>
      %parallel_loop3A_701 = arith.mulf %parallel_loop3A_693, %parallel_loop3A_700 : vector<16xf32>
      %parallel_loop3A_702 = math.exp %parallel_loop3A_701 : vector<16xf32>
      %parallel_loop3A_703 = arith.constant 16384 : i32
      %parallel_loop3A_704 = arith.addi %parallel_loop3A_703, %parallel_loop3A_488 : i32
      %parallel_loop3A_705 = arith.constant 112 : i32
      %parallel_loop3A_706 = arith.addi %parallel_loop3A_704, %parallel_loop3A_705 : i32
      %parallel_loop3A_707 = arith.constant 1 : i32
      %parallel_loop3A_708 = arith.addi %parallel_loop3A_706, %parallel_loop3A_707 : i32
      %parallel_loop3A_709 = arith.index_cast %parallel_loop3A_708 : i32 to index
      %parallel_loop3A_710 = tpu.vector_load %arg10[%parallel_loop3A_709] {strides = array<i32>} : memref<32769xf32, #tpu.memory_space<vmem>>, vector<16xf32>,
      %parallel_loop3A_711 = vector.shape_cast %parallel_loop3A_710 : vector<16xf32> to vector<16xf32>
      %parallel_loop3A_712 = vector.shape_cast %parallel_loop3A_702 : vector<16xf32> to vector<16xf32>
      tpu.vector_store %arg10[%parallel_loop3A_709], %parallel_loop3A_712 {strides = array<i32>} : memref<32769xf32, #tpu.memory_space<vmem>>, vector<16xf32>,
      %parallel_loop3A_713 = arith.addf %parallel_loop3A_506, %parallel_loop3A_534 : vector<16xf32>
      %parallel_loop3A_714 = arith.addf %parallel_loop3A_562, %parallel_loop3A_590 : vector<16xf32>
      %parallel_loop3A_715 = arith.addf %parallel_loop3A_618, %parallel_loop3A_646 : vector<16xf32>
      %parallel_loop3A_716 = arith.addf %parallel_loop3A_674, %parallel_loop3A_702 : vector<16xf32>
      %parallel_loop3A_717 = arith.addf %parallel_loop3A_713, %parallel_loop3A_714 : vector<16xf32>
      %parallel_loop3A_718 = arith.addf %parallel_loop3A_715, %parallel_loop3A_716 : vector<16xf32>
      %parallel_loop3A_719 = arith.addf %parallel_loop3A_717, %parallel_loop3A_718 : vector<16xf32>
      %parallel_loop3A_720 = arith.constant 3 : i32
      %parallel_loop3A_721 = arith.shrui %parallel_loop3A_488, %parallel_loop3A_720 : i32
      %parallel_loop3A_722 = arith.constant 2048 : i32
      %parallel_loop3A_723 = arith.addi %parallel_loop3A_722, %parallel_loop3A_721 : i32
      %parallel_loop3A_724 = arith.index_cast %parallel_loop3A_723 : i32 to index
      %parallel_loop3A_725 = tpu.vector_load %arg12[%parallel_loop3A_724] {strides = array<i32>} : memref<4096xf32, #tpu.memory_space<vmem>>, vector<16xf32>,
      %parallel_loop3A_726 = vector.shape_cast %parallel_loop3A_725 : vector<16xf32> to vector<16xf32>
      %parallel_loop3A_727 = vector.shape_cast %parallel_loop3A_719 : vector<16xf32> to vector<16xf32>
      tpu.vector_store %arg12[%parallel_loop3A_724], %parallel_loop3A_727 {strides = array<i32>} : memref<4096xf32, #tpu.memory_space<vmem>>, vector<16xf32>,
    } {sc.loop_unroll_factor = 1 : i64, sc.parallel_access}
    %add3A_259 = arith.constant 96 : i32
    %add3A_260 = arith.addi %add3A_259, %add3A_25 : i32
    %dma_wait3A_261 = arith.constant 1 : i32
    %dma_wait3A_262 = arith.constant 20480 : i32
    %dma_wait3A_263 = tpu.memref_slice %arg2[%add3A_260, %dma_wait3A_262] : memref<128x65536xf32, #tpu.memory_space<hbm>> -> memref<1x4096xf32, #tpu.memory_space<hbm>>
    %dma_wait3A_264 = tpu.memref_squeeze %dma_wait3A_263 : memref<1x4096xf32, #tpu.memory_space<hbm>> -> memref<4096xf32, #tpu.memory_space<hbm>>
    %dma_wait3A_265 = tpu.memref_slice %arg13[%dma_wait3A_261] : memref<2x!tpu.dma_semaphore, #tpu.memory_space<semaphore_mem>> -> memref<1x!tpu.dma_semaphore, #tpu.memory_space<semaphore_mem>>
    %dma_wait3A_266 = tpu.memref_squeeze %dma_wait3A_265 : memref<1x!tpu.dma_semaphore, #tpu.memory_space<semaphore_mem>> -> memref<!tpu.dma_semaphore, #tpu.memory_space<semaphore_mem>>
    %dma_wait3A_267 = arith.constant 20480 : i32
    %dma_wait3A_268 = tpu.memref_slice %arg2[%add3A_260, %dma_wait3A_267] : memref<128x65536xf32, #tpu.memory_space<hbm>> -> memref<1x4096xf32, #tpu.memory_space<hbm>>
    %dma_wait3A_269 = tpu.memref_squeeze %dma_wait3A_268 : memref<1x4096xf32, #tpu.memory_space<hbm>> -> memref<4096xf32, #tpu.memory_space<hbm>>
    tpu.wait_dma2 semaphore(%dma_wait3A_266 : memref<!tpu.dma_semaphore, #tpu.memory_space<semaphore_mem>>) src(%dma_wait3A_269 : memref<4096xf32, #tpu.memory_space<hbm>>) dst(%arg7 : memref<4096xf32, #tpu.memory_space<vmem>>)
    %add3A_270 = arith.constant 96 : i32
    %add3A_271 = arith.addi %add3A_270, %add3A_25 : i32
    %dma_wait3A_272 = arith.constant 1 : i32
    %dma_wait3A_273 = arith.constant 53248 : i32
    %dma_wait3A_274 = tpu.memref_slice %arg2[%add3A_271, %dma_wait3A_273] : memref<128x65536xf32, #tpu.memory_space<hbm>> -> memref<1x4096xf32, #tpu.memory_space<hbm>>
    %dma_wait3A_275 = tpu.memref_squeeze %dma_wait3A_274 : memref<1x4096xf32, #tpu.memory_space<hbm>> -> memref<4096xf32, #tpu.memory_space<hbm>>
    %dma_wait3A_276 = tpu.memref_slice %arg14[%dma_wait3A_272] : memref<2x!tpu.dma_semaphore, #tpu.memory_space<semaphore_mem>> -> memref<1x!tpu.dma_semaphore, #tpu.memory_space<semaphore_mem>>
    %dma_wait3A_277 = tpu.memref_squeeze %dma_wait3A_276 : memref<1x!tpu.dma_semaphore, #tpu.memory_space<semaphore_mem>> -> memref<!tpu.dma_semaphore, #tpu.memory_space<semaphore_mem>>
    %dma_wait3A_278 = arith.constant 53248 : i32
    %dma_wait3A_279 = tpu.memref_slice %arg2[%add3A_271, %dma_wait3A_278] : memref<128x65536xf32, #tpu.memory_space<hbm>> -> memref<1x4096xf32, #tpu.memory_space<hbm>>
    %dma_wait3A_280 = tpu.memref_squeeze %dma_wait3A_279 : memref<1x4096xf32, #tpu.memory_space<hbm>> -> memref<4096xf32, #tpu.memory_space<hbm>>
    tpu.wait_dma2 semaphore(%dma_wait3A_277 : memref<!tpu.dma_semaphore, #tpu.memory_space<semaphore_mem>>) src(%dma_wait3A_280 : memref<4096xf32, #tpu.memory_space<hbm>>) dst(%arg9 : memref<4096xf32, #tpu.memory_space<vmem>>)
    %add3A_281 = arith.constant 96 : i32
    %add3A_282 = arith.addi %add3A_281, %add3A_25 : i32
    %dma_start3A_283 = arith.constant 0 : i32
    %dma_start3A_284 = arith.constant 24576 : i32
    %dma_start3A_285 = tpu.memref_slice %arg2[%add3A_282, %dma_start3A_284] : memref<128x65536xf32, #tpu.memory_space<hbm>> -> memref<1x4096xf32, #tpu.memory_space<hbm>>
    %dma_start3A_286 = tpu.memref_squeeze %dma_start3A_285 : memref<1x4096xf32, #tpu.memory_space<hbm>> -> memref<4096xf32, #tpu.memory_space<hbm>>
    %dma_start3A_287 = tpu.memref_slice %arg13[%dma_start3A_283] : memref<2x!tpu.dma_semaphore, #tpu.memory_space<semaphore_mem>> -> memref<1x!tpu.dma_semaphore, #tpu.memory_space<semaphore_mem>>
    %dma_start3A_288 = tpu.memref_squeeze %dma_start3A_287 : memref<1x!tpu.dma_semaphore, #tpu.memory_space<semaphore_mem>> -> memref<!tpu.dma_semaphore, #tpu.memory_space<semaphore_mem>>
    %dma_start3A_289 = arith.constant 24576 : i32
    %dma_start3A_290 = tpu.memref_slice %arg2[%add3A_282, %dma_start3A_289] : memref<128x65536xf32, #tpu.memory_space<hbm>> -> memref<1x4096xf32, #tpu.memory_space<hbm>>
    %dma_start3A_291 = tpu.memref_squeeze %dma_start3A_290 : memref<1x4096xf32, #tpu.memory_space<hbm>> -> memref<4096xf32, #tpu.memory_space<hbm>>
    tpu.enqueue_dma source(%dma_start3A_291 : memref<4096xf32, #tpu.memory_space<hbm>>) target(%arg6 : memref<4096xf32, #tpu.memory_space<vmem>>) target_semaphore(%dma_start3A_288 : memref<!tpu.dma_semaphore, #tpu.memory_space<semaphore_mem>>)
    %add3A_292 = arith.constant 96 : i32
    %add3A_293 = arith.addi %add3A_292, %add3A_25 : i32
    %dma_start3A_294 = arith.constant 0 : i32
    %dma_start3A_295 = arith.constant 57344 : i32
    %dma_start3A_296 = tpu.memref_slice %arg2[%add3A_293, %dma_start3A_295] : memref<128x65536xf32, #tpu.memory_space<hbm>> -> memref<1x4096xf32, #tpu.memory_space<hbm>>
    %dma_start3A_297 = tpu.memref_squeeze %dma_start3A_296 : memref<1x4096xf32, #tpu.memory_space<hbm>> -> memref<4096xf32, #tpu.memory_space<hbm>>
    %dma_start3A_298 = tpu.memref_slice %arg14[%dma_start3A_294] : memref<2x!tpu.dma_semaphore, #tpu.memory_space<semaphore_mem>> -> memref<1x!tpu.dma_semaphore, #tpu.memory_space<semaphore_mem>>
    %dma_start3A_299 = tpu.memref_squeeze %dma_start3A_298 : memref<1x!tpu.dma_semaphore, #tpu.memory_space<semaphore_mem>> -> memref<!tpu.dma_semaphore, #tpu.memory_space<semaphore_mem>>
    %dma_start3A_300 = arith.constant 57344 : i32
    %dma_start3A_301 = tpu.memref_slice %arg2[%add3A_293, %dma_start3A_300] : memref<128x65536xf32, #tpu.memory_space<hbm>> -> memref<1x4096xf32, #tpu.memory_space<hbm>>
    %dma_start3A_302 = tpu.memref_squeeze %dma_start3A_301 : memref<1x4096xf32, #tpu.memory_space<hbm>> -> memref<4096xf32, #tpu.memory_space<hbm>>
    tpu.enqueue_dma source(%dma_start3A_302 : memref<4096xf32, #tpu.memory_space<hbm>>) target(%arg8 : memref<4096xf32, #tpu.memory_space<vmem>>) target_semaphore(%dma_start3A_299 : memref<!tpu.dma_semaphore, #tpu.memory_space<semaphore_mem>>)
    %parallel_loop3A_303 = arith.constant 0 : i32
    %parallel_loop3A_304 = arith.constant 4096 : i32
    %parallel_loop3A_305 = arith.constant 128 : i32
    scf.for %parallel_loop3A_488 = %parallel_loop3A_303 to %parallel_loop3A_304 step %parallel_loop3A_305  : i32 {
      %parallel_loop3A_489 = arith.constant 0 : i32
      %parallel_loop3A_490 = arith.addi %parallel_loop3A_488, %parallel_loop3A_489 : i32
      %parallel_loop3A_491 = arith.index_cast %parallel_loop3A_490 : i32 to index
      %parallel_loop3A_492 = tpu.vector_load %arg7[%parallel_loop3A_491] {strides = array<i32>} : memref<4096xf32, #tpu.memory_space<vmem>>, vector<16xf32>,
      %parallel_loop3A_493 = vector.shape_cast %parallel_loop3A_492 : vector<16xf32> to vector<16xf32>
      %parallel_loop3A_494 = arith.index_cast %parallel_loop3A_490 : i32 to index
      %parallel_loop3A_495 = tpu.vector_load %arg9[%parallel_loop3A_494] {strides = array<i32>} : memref<4096xf32, #tpu.memory_space<vmem>>, vector<16xf32>,
      %parallel_loop3A_496 = vector.shape_cast %parallel_loop3A_495 : vector<16xf32> to vector<16xf32>
      %parallel_loop3A_497 = arith.mulf %parallel_loop3A_493, %parallel_loop3A_496 : vector<16xf32>
      %parallel_loop3A_498 = arith.constant 20480 : i32
      %parallel_loop3A_499 = arith.addi %parallel_loop3A_498, %parallel_loop3A_488 : i32
      %parallel_loop3A_500 = arith.constant 0 : i32
      %parallel_loop3A_501 = arith.addi %parallel_loop3A_499, %parallel_loop3A_500 : i32
      %parallel_loop3A_502 = arith.index_cast %parallel_loop3A_501 : i32 to index
      %parallel_loop3A_503 = tpu.vector_load %arg5[%parallel_loop3A_502] {strides = array<i32>} : memref<32768xf32, #tpu.memory_space<vmem>>, vector<16xf32>,
      %parallel_loop3A_504 = vector.shape_cast %parallel_loop3A_503 : vector<16xf32> to vector<16xf32>
      %parallel_loop3A_505 = arith.mulf %parallel_loop3A_497, %parallel_loop3A_504 : vector<16xf32>
      %parallel_loop3A_506 = math.exp %parallel_loop3A_505 : vector<16xf32>
      %parallel_loop3A_507 = arith.constant 20480 : i32
      %parallel_loop3A_508 = arith.addi %parallel_loop3A_507, %parallel_loop3A_488 : i32
      %parallel_loop3A_509 = arith.constant 0 : i32
      %parallel_loop3A_510 = arith.addi %parallel_loop3A_508, %parallel_loop3A_509 : i32
      %parallel_loop3A_511 = arith.constant 1 : i32
      %parallel_loop3A_512 = arith.addi %parallel_loop3A_510, %parallel_loop3A_511 : i32
      %parallel_loop3A_513 = arith.index_cast %parallel_loop3A_512 : i32 to index
      %parallel_loop3A_514 = tpu.vector_load %arg10[%parallel_loop3A_513] {strides = array<i32>} : memref<32769xf32, #tpu.memory_space<vmem>>, vector<16xf32>,
      %parallel_loop3A_515 = vector.shape_cast %parallel_loop3A_514 : vector<16xf32> to vector<16xf32>
      %parallel_loop3A_516 = vector.shape_cast %parallel_loop3A_506 : vector<16xf32> to vector<16xf32>
      tpu.vector_store %arg10[%parallel_loop3A_513], %parallel_loop3A_516 {strides = array<i32>} : memref<32769xf32, #tpu.memory_space<vmem>>, vector<16xf32>,
      %parallel_loop3A_517 = arith.constant 16 : i32
      %parallel_loop3A_518 = arith.addi %parallel_loop3A_488, %parallel_loop3A_517 : i32
      %parallel_loop3A_519 = arith.index_cast %parallel_loop3A_518 : i32 to index
      %parallel_loop3A_520 = tpu.vector_load %arg7[%parallel_loop3A_519] {strides = array<i32>} : memref<4096xf32, #tpu.memory_space<vmem>>, vector<16xf32>,
      %parallel_loop3A_521 = vector.shape_cast %parallel_loop3A_520 : vector<16xf32> to vector<16xf32>
      %parallel_loop3A_522 = arith.index_cast %parallel_loop3A_518 : i32 to index
      %parallel_loop3A_523 = tpu.vector_load %arg9[%parallel_loop3A_522] {strides = array<i32>} : memref<4096xf32, #tpu.memory_space<vmem>>, vector<16xf32>,
      %parallel_loop3A_524 = vector.shape_cast %parallel_loop3A_523 : vector<16xf32> to vector<16xf32>
      %parallel_loop3A_525 = arith.mulf %parallel_loop3A_521, %parallel_loop3A_524 : vector<16xf32>
      %parallel_loop3A_526 = arith.constant 20480 : i32
      %parallel_loop3A_527 = arith.addi %parallel_loop3A_526, %parallel_loop3A_488 : i32
      %parallel_loop3A_528 = arith.constant 16 : i32
      %parallel_loop3A_529 = arith.addi %parallel_loop3A_527, %parallel_loop3A_528 : i32
      %parallel_loop3A_530 = arith.index_cast %parallel_loop3A_529 : i32 to index
      %parallel_loop3A_531 = tpu.vector_load %arg5[%parallel_loop3A_530] {strides = array<i32>} : memref<32768xf32, #tpu.memory_space<vmem>>, vector<16xf32>,
      %parallel_loop3A_532 = vector.shape_cast %parallel_loop3A_531 : vector<16xf32> to vector<16xf32>
      %parallel_loop3A_533 = arith.mulf %parallel_loop3A_525, %parallel_loop3A_532 : vector<16xf32>
      %parallel_loop3A_534 = math.exp %parallel_loop3A_533 : vector<16xf32>
      %parallel_loop3A_535 = arith.constant 20480 : i32
      %parallel_loop3A_536 = arith.addi %parallel_loop3A_535, %parallel_loop3A_488 : i32
      %parallel_loop3A_537 = arith.constant 16 : i32
      %parallel_loop3A_538 = arith.addi %parallel_loop3A_536, %parallel_loop3A_537 : i32
      %parallel_loop3A_539 = arith.constant 1 : i32
      %parallel_loop3A_540 = arith.addi %parallel_loop3A_538, %parallel_loop3A_539 : i32
      %parallel_loop3A_541 = arith.index_cast %parallel_loop3A_540 : i32 to index
      %parallel_loop3A_542 = tpu.vector_load %arg10[%parallel_loop3A_541] {strides = array<i32>} : memref<32769xf32, #tpu.memory_space<vmem>>, vector<16xf32>,
      %parallel_loop3A_543 = vector.shape_cast %parallel_loop3A_542 : vector<16xf32> to vector<16xf32>
      %parallel_loop3A_544 = vector.shape_cast %parallel_loop3A_534 : vector<16xf32> to vector<16xf32>
      tpu.vector_store %arg10[%parallel_loop3A_541], %parallel_loop3A_544 {strides = array<i32>} : memref<32769xf32, #tpu.memory_space<vmem>>, vector<16xf32>,
      %parallel_loop3A_545 = arith.constant 32 : i32
      %parallel_loop3A_546 = arith.addi %parallel_loop3A_488, %parallel_loop3A_545 : i32
      %parallel_loop3A_547 = arith.index_cast %parallel_loop3A_546 : i32 to index
      %parallel_loop3A_548 = tpu.vector_load %arg7[%parallel_loop3A_547] {strides = array<i32>} : memref<4096xf32, #tpu.memory_space<vmem>>, vector<16xf32>,
      %parallel_loop3A_549 = vector.shape_cast %parallel_loop3A_548 : vector<16xf32> to vector<16xf32>
      %parallel_loop3A_550 = arith.index_cast %parallel_loop3A_546 : i32 to index
      %parallel_loop3A_551 = tpu.vector_load %arg9[%parallel_loop3A_550] {strides = array<i32>} : memref<4096xf32, #tpu.memory_space<vmem>>, vector<16xf32>,
      %parallel_loop3A_552 = vector.shape_cast %parallel_loop3A_551 : vector<16xf32> to vector<16xf32>
      %parallel_loop3A_553 = arith.mulf %parallel_loop3A_549, %parallel_loop3A_552 : vector<16xf32>
      %parallel_loop3A_554 = arith.constant 20480 : i32
      %parallel_loop3A_555 = arith.addi %parallel_loop3A_554, %parallel_loop3A_488 : i32
      %parallel_loop3A_556 = arith.constant 32 : i32
      %parallel_loop3A_557 = arith.addi %parallel_loop3A_555, %parallel_loop3A_556 : i32
      %parallel_loop3A_558 = arith.index_cast %parallel_loop3A_557 : i32 to index
      %parallel_loop3A_559 = tpu.vector_load %arg5[%parallel_loop3A_558] {strides = array<i32>} : memref<32768xf32, #tpu.memory_space<vmem>>, vector<16xf32>,
      %parallel_loop3A_560 = vector.shape_cast %parallel_loop3A_559 : vector<16xf32> to vector<16xf32>
      %parallel_loop3A_561 = arith.mulf %parallel_loop3A_553, %parallel_loop3A_560 : vector<16xf32>
      %parallel_loop3A_562 = math.exp %parallel_loop3A_561 : vector<16xf32>
      %parallel_loop3A_563 = arith.constant 20480 : i32
      %parallel_loop3A_564 = arith.addi %parallel_loop3A_563, %parallel_loop3A_488 : i32
      %parallel_loop3A_565 = arith.constant 32 : i32
      %parallel_loop3A_566 = arith.addi %parallel_loop3A_564, %parallel_loop3A_565 : i32
      %parallel_loop3A_567 = arith.constant 1 : i32
      %parallel_loop3A_568 = arith.addi %parallel_loop3A_566, %parallel_loop3A_567 : i32
      %parallel_loop3A_569 = arith.index_cast %parallel_loop3A_568 : i32 to index
      %parallel_loop3A_570 = tpu.vector_load %arg10[%parallel_loop3A_569] {strides = array<i32>} : memref<32769xf32, #tpu.memory_space<vmem>>, vector<16xf32>,
      %parallel_loop3A_571 = vector.shape_cast %parallel_loop3A_570 : vector<16xf32> to vector<16xf32>
      %parallel_loop3A_572 = vector.shape_cast %parallel_loop3A_562 : vector<16xf32> to vector<16xf32>
      tpu.vector_store %arg10[%parallel_loop3A_569], %parallel_loop3A_572 {strides = array<i32>} : memref<32769xf32, #tpu.memory_space<vmem>>, vector<16xf32>,
      %parallel_loop3A_573 = arith.constant 48 : i32
      %parallel_loop3A_574 = arith.addi %parallel_loop3A_488, %parallel_loop3A_573 : i32
      %parallel_loop3A_575 = arith.index_cast %parallel_loop3A_574 : i32 to index
      %parallel_loop3A_576 = tpu.vector_load %arg7[%parallel_loop3A_575] {strides = array<i32>} : memref<4096xf32, #tpu.memory_space<vmem>>, vector<16xf32>,
      %parallel_loop3A_577 = vector.shape_cast %parallel_loop3A_576 : vector<16xf32> to vector<16xf32>
      %parallel_loop3A_578 = arith.index_cast %parallel_loop3A_574 : i32 to index
      %parallel_loop3A_579 = tpu.vector_load %arg9[%parallel_loop3A_578] {strides = array<i32>} : memref<4096xf32, #tpu.memory_space<vmem>>, vector<16xf32>,
      %parallel_loop3A_580 = vector.shape_cast %parallel_loop3A_579 : vector<16xf32> to vector<16xf32>
      %parallel_loop3A_581 = arith.mulf %parallel_loop3A_577, %parallel_loop3A_580 : vector<16xf32>
      %parallel_loop3A_582 = arith.constant 20480 : i32
      %parallel_loop3A_583 = arith.addi %parallel_loop3A_582, %parallel_loop3A_488 : i32
      %parallel_loop3A_584 = arith.constant 48 : i32
      %parallel_loop3A_585 = arith.addi %parallel_loop3A_583, %parallel_loop3A_584 : i32
      %parallel_loop3A_586 = arith.index_cast %parallel_loop3A_585 : i32 to index
      %parallel_loop3A_587 = tpu.vector_load %arg5[%parallel_loop3A_586] {strides = array<i32>} : memref<32768xf32, #tpu.memory_space<vmem>>, vector<16xf32>,
      %parallel_loop3A_588 = vector.shape_cast %parallel_loop3A_587 : vector<16xf32> to vector<16xf32>
      %parallel_loop3A_589 = arith.mulf %parallel_loop3A_581, %parallel_loop3A_588 : vector<16xf32>
      %parallel_loop3A_590 = math.exp %parallel_loop3A_589 : vector<16xf32>
      %parallel_loop3A_591 = arith.constant 20480 : i32
      %parallel_loop3A_592 = arith.addi %parallel_loop3A_591, %parallel_loop3A_488 : i32
      %parallel_loop3A_593 = arith.constant 48 : i32
      %parallel_loop3A_594 = arith.addi %parallel_loop3A_592, %parallel_loop3A_593 : i32
      %parallel_loop3A_595 = arith.constant 1 : i32
      %parallel_loop3A_596 = arith.addi %parallel_loop3A_594, %parallel_loop3A_595 : i32
      %parallel_loop3A_597 = arith.index_cast %parallel_loop3A_596 : i32 to index
      %parallel_loop3A_598 = tpu.vector_load %arg10[%parallel_loop3A_597] {strides = array<i32>} : memref<32769xf32, #tpu.memory_space<vmem>>, vector<16xf32>,
      %parallel_loop3A_599 = vector.shape_cast %parallel_loop3A_598 : vector<16xf32> to vector<16xf32>
      %parallel_loop3A_600 = vector.shape_cast %parallel_loop3A_590 : vector<16xf32> to vector<16xf32>
      tpu.vector_store %arg10[%parallel_loop3A_597], %parallel_loop3A_600 {strides = array<i32>} : memref<32769xf32, #tpu.memory_space<vmem>>, vector<16xf32>,
      %parallel_loop3A_601 = arith.constant 64 : i32
      %parallel_loop3A_602 = arith.addi %parallel_loop3A_488, %parallel_loop3A_601 : i32
      %parallel_loop3A_603 = arith.index_cast %parallel_loop3A_602 : i32 to index
      %parallel_loop3A_604 = tpu.vector_load %arg7[%parallel_loop3A_603] {strides = array<i32>} : memref<4096xf32, #tpu.memory_space<vmem>>, vector<16xf32>,
      %parallel_loop3A_605 = vector.shape_cast %parallel_loop3A_604 : vector<16xf32> to vector<16xf32>
      %parallel_loop3A_606 = arith.index_cast %parallel_loop3A_602 : i32 to index
      %parallel_loop3A_607 = tpu.vector_load %arg9[%parallel_loop3A_606] {strides = array<i32>} : memref<4096xf32, #tpu.memory_space<vmem>>, vector<16xf32>,
      %parallel_loop3A_608 = vector.shape_cast %parallel_loop3A_607 : vector<16xf32> to vector<16xf32>
      %parallel_loop3A_609 = arith.mulf %parallel_loop3A_605, %parallel_loop3A_608 : vector<16xf32>
      %parallel_loop3A_610 = arith.constant 20480 : i32
      %parallel_loop3A_611 = arith.addi %parallel_loop3A_610, %parallel_loop3A_488 : i32
      %parallel_loop3A_612 = arith.constant 64 : i32
      %parallel_loop3A_613 = arith.addi %parallel_loop3A_611, %parallel_loop3A_612 : i32
      %parallel_loop3A_614 = arith.index_cast %parallel_loop3A_613 : i32 to index
      %parallel_loop3A_615 = tpu.vector_load %arg5[%parallel_loop3A_614] {strides = array<i32>} : memref<32768xf32, #tpu.memory_space<vmem>>, vector<16xf32>,
      %parallel_loop3A_616 = vector.shape_cast %parallel_loop3A_615 : vector<16xf32> to vector<16xf32>
      %parallel_loop3A_617 = arith.mulf %parallel_loop3A_609, %parallel_loop3A_616 : vector<16xf32>
      %parallel_loop3A_618 = math.exp %parallel_loop3A_617 : vector<16xf32>
      %parallel_loop3A_619 = arith.constant 20480 : i32
      %parallel_loop3A_620 = arith.addi %parallel_loop3A_619, %parallel_loop3A_488 : i32
      %parallel_loop3A_621 = arith.constant 64 : i32
      %parallel_loop3A_622 = arith.addi %parallel_loop3A_620, %parallel_loop3A_621 : i32
      %parallel_loop3A_623 = arith.constant 1 : i32
      %parallel_loop3A_624 = arith.addi %parallel_loop3A_622, %parallel_loop3A_623 : i32
      %parallel_loop3A_625 = arith.index_cast %parallel_loop3A_624 : i32 to index
      %parallel_loop3A_626 = tpu.vector_load %arg10[%parallel_loop3A_625] {strides = array<i32>} : memref<32769xf32, #tpu.memory_space<vmem>>, vector<16xf32>,
      %parallel_loop3A_627 = vector.shape_cast %parallel_loop3A_626 : vector<16xf32> to vector<16xf32>
      %parallel_loop3A_628 = vector.shape_cast %parallel_loop3A_618 : vector<16xf32> to vector<16xf32>
      tpu.vector_store %arg10[%parallel_loop3A_625], %parallel_loop3A_628 {strides = array<i32>} : memref<32769xf32, #tpu.memory_space<vmem>>, vector<16xf32>,
      %parallel_loop3A_629 = arith.constant 80 : i32
      %parallel_loop3A_630 = arith.addi %parallel_loop3A_488, %parallel_loop3A_629 : i32
      %parallel_loop3A_631 = arith.index_cast %parallel_loop3A_630 : i32 to index
      %parallel_loop3A_632 = tpu.vector_load %arg7[%parallel_loop3A_631] {strides = array<i32>} : memref<4096xf32, #tpu.memory_space<vmem>>, vector<16xf32>,
      %parallel_loop3A_633 = vector.shape_cast %parallel_loop3A_632 : vector<16xf32> to vector<16xf32>
      %parallel_loop3A_634 = arith.index_cast %parallel_loop3A_630 : i32 to index
      %parallel_loop3A_635 = tpu.vector_load %arg9[%parallel_loop3A_634] {strides = array<i32>} : memref<4096xf32, #tpu.memory_space<vmem>>, vector<16xf32>,
      %parallel_loop3A_636 = vector.shape_cast %parallel_loop3A_635 : vector<16xf32> to vector<16xf32>
      %parallel_loop3A_637 = arith.mulf %parallel_loop3A_633, %parallel_loop3A_636 : vector<16xf32>
      %parallel_loop3A_638 = arith.constant 20480 : i32
      %parallel_loop3A_639 = arith.addi %parallel_loop3A_638, %parallel_loop3A_488 : i32
      %parallel_loop3A_640 = arith.constant 80 : i32
      %parallel_loop3A_641 = arith.addi %parallel_loop3A_639, %parallel_loop3A_640 : i32
      %parallel_loop3A_642 = arith.index_cast %parallel_loop3A_641 : i32 to index
      %parallel_loop3A_643 = tpu.vector_load %arg5[%parallel_loop3A_642] {strides = array<i32>} : memref<32768xf32, #tpu.memory_space<vmem>>, vector<16xf32>,
      %parallel_loop3A_644 = vector.shape_cast %parallel_loop3A_643 : vector<16xf32> to vector<16xf32>
      %parallel_loop3A_645 = arith.mulf %parallel_loop3A_637, %parallel_loop3A_644 : vector<16xf32>
      %parallel_loop3A_646 = math.exp %parallel_loop3A_645 : vector<16xf32>
      %parallel_loop3A_647 = arith.constant 20480 : i32
      %parallel_loop3A_648 = arith.addi %parallel_loop3A_647, %parallel_loop3A_488 : i32
      %parallel_loop3A_649 = arith.constant 80 : i32
      %parallel_loop3A_650 = arith.addi %parallel_loop3A_648, %parallel_loop3A_649 : i32
      %parallel_loop3A_651 = arith.constant 1 : i32
      %parallel_loop3A_652 = arith.addi %parallel_loop3A_650, %parallel_loop3A_651 : i32
      %parallel_loop3A_653 = arith.index_cast %parallel_loop3A_652 : i32 to index
      %parallel_loop3A_654 = tpu.vector_load %arg10[%parallel_loop3A_653] {strides = array<i32>} : memref<32769xf32, #tpu.memory_space<vmem>>, vector<16xf32>,
      %parallel_loop3A_655 = vector.shape_cast %parallel_loop3A_654 : vector<16xf32> to vector<16xf32>
      %parallel_loop3A_656 = vector.shape_cast %parallel_loop3A_646 : vector<16xf32> to vector<16xf32>
      tpu.vector_store %arg10[%parallel_loop3A_653], %parallel_loop3A_656 {strides = array<i32>} : memref<32769xf32, #tpu.memory_space<vmem>>, vector<16xf32>,
      %parallel_loop3A_657 = arith.constant 96 : i32
      %parallel_loop3A_658 = arith.addi %parallel_loop3A_488, %parallel_loop3A_657 : i32
      %parallel_loop3A_659 = arith.index_cast %parallel_loop3A_658 : i32 to index
      %parallel_loop3A_660 = tpu.vector_load %arg7[%parallel_loop3A_659] {strides = array<i32>} : memref<4096xf32, #tpu.memory_space<vmem>>, vector<16xf32>,
      %parallel_loop3A_661 = vector.shape_cast %parallel_loop3A_660 : vector<16xf32> to vector<16xf32>
      %parallel_loop3A_662 = arith.index_cast %parallel_loop3A_658 : i32 to index
      %parallel_loop3A_663 = tpu.vector_load %arg9[%parallel_loop3A_662] {strides = array<i32>} : memref<4096xf32, #tpu.memory_space<vmem>>, vector<16xf32>,
      %parallel_loop3A_664 = vector.shape_cast %parallel_loop3A_663 : vector<16xf32> to vector<16xf32>
      %parallel_loop3A_665 = arith.mulf %parallel_loop3A_661, %parallel_loop3A_664 : vector<16xf32>
      %parallel_loop3A_666 = arith.constant 20480 : i32
      %parallel_loop3A_667 = arith.addi %parallel_loop3A_666, %parallel_loop3A_488 : i32
      %parallel_loop3A_668 = arith.constant 96 : i32
      %parallel_loop3A_669 = arith.addi %parallel_loop3A_667, %parallel_loop3A_668 : i32
      %parallel_loop3A_670 = arith.index_cast %parallel_loop3A_669 : i32 to index
      %parallel_loop3A_671 = tpu.vector_load %arg5[%parallel_loop3A_670] {strides = array<i32>} : memref<32768xf32, #tpu.memory_space<vmem>>, vector<16xf32>,
      %parallel_loop3A_672 = vector.shape_cast %parallel_loop3A_671 : vector<16xf32> to vector<16xf32>
      %parallel_loop3A_673 = arith.mulf %parallel_loop3A_665, %parallel_loop3A_672 : vector<16xf32>
      %parallel_loop3A_674 = math.exp %parallel_loop3A_673 : vector<16xf32>
      %parallel_loop3A_675 = arith.constant 20480 : i32
      %parallel_loop3A_676 = arith.addi %parallel_loop3A_675, %parallel_loop3A_488 : i32
      %parallel_loop3A_677 = arith.constant 96 : i32
      %parallel_loop3A_678 = arith.addi %parallel_loop3A_676, %parallel_loop3A_677 : i32
      %parallel_loop3A_679 = arith.constant 1 : i32
      %parallel_loop3A_680 = arith.addi %parallel_loop3A_678, %parallel_loop3A_679 : i32
      %parallel_loop3A_681 = arith.index_cast %parallel_loop3A_680 : i32 to index
      %parallel_loop3A_682 = tpu.vector_load %arg10[%parallel_loop3A_681] {strides = array<i32>} : memref<32769xf32, #tpu.memory_space<vmem>>, vector<16xf32>,
      %parallel_loop3A_683 = vector.shape_cast %parallel_loop3A_682 : vector<16xf32> to vector<16xf32>
      %parallel_loop3A_684 = vector.shape_cast %parallel_loop3A_674 : vector<16xf32> to vector<16xf32>
      tpu.vector_store %arg10[%parallel_loop3A_681], %parallel_loop3A_684 {strides = array<i32>} : memref<32769xf32, #tpu.memory_space<vmem>>, vector<16xf32>,
      %parallel_loop3A_685 = arith.constant 112 : i32
      %parallel_loop3A_686 = arith.addi %parallel_loop3A_488, %parallel_loop3A_685 : i32
      %parallel_loop3A_687 = arith.index_cast %parallel_loop3A_686 : i32 to index
      %parallel_loop3A_688 = tpu.vector_load %arg7[%parallel_loop3A_687] {strides = array<i32>} : memref<4096xf32, #tpu.memory_space<vmem>>, vector<16xf32>,
      %parallel_loop3A_689 = vector.shape_cast %parallel_loop3A_688 : vector<16xf32> to vector<16xf32>
      %parallel_loop3A_690 = arith.index_cast %parallel_loop3A_686 : i32 to index
      %parallel_loop3A_691 = tpu.vector_load %arg9[%parallel_loop3A_690] {strides = array<i32>} : memref<4096xf32, #tpu.memory_space<vmem>>, vector<16xf32>,
      %parallel_loop3A_692 = vector.shape_cast %parallel_loop3A_691 : vector<16xf32> to vector<16xf32>
      %parallel_loop3A_693 = arith.mulf %parallel_loop3A_689, %parallel_loop3A_692 : vector<16xf32>
      %parallel_loop3A_694 = arith.constant 20480 : i32
      %parallel_loop3A_695 = arith.addi %parallel_loop3A_694, %parallel_loop3A_488 : i32
      %parallel_loop3A_696 = arith.constant 112 : i32
      %parallel_loop3A_697 = arith.addi %parallel_loop3A_695, %parallel_loop3A_696 : i32
      %parallel_loop3A_698 = arith.index_cast %parallel_loop3A_697 : i32 to index
      %parallel_loop3A_699 = tpu.vector_load %arg5[%parallel_loop3A_698] {strides = array<i32>} : memref<32768xf32, #tpu.memory_space<vmem>>, vector<16xf32>,
      %parallel_loop3A_700 = vector.shape_cast %parallel_loop3A_699 : vector<16xf32> to vector<16xf32>
      %parallel_loop3A_701 = arith.mulf %parallel_loop3A_693, %parallel_loop3A_700 : vector<16xf32>
      %parallel_loop3A_702 = math.exp %parallel_loop3A_701 : vector<16xf32>
      %parallel_loop3A_703 = arith.constant 20480 : i32
      %parallel_loop3A_704 = arith.addi %parallel_loop3A_703, %parallel_loop3A_488 : i32
      %parallel_loop3A_705 = arith.constant 112 : i32
      %parallel_loop3A_706 = arith.addi %parallel_loop3A_704, %parallel_loop3A_705 : i32
      %parallel_loop3A_707 = arith.constant 1 : i32
      %parallel_loop3A_708 = arith.addi %parallel_loop3A_706, %parallel_loop3A_707 : i32
      %parallel_loop3A_709 = arith.index_cast %parallel_loop3A_708 : i32 to index
      %parallel_loop3A_710 = tpu.vector_load %arg10[%parallel_loop3A_709] {strides = array<i32>} : memref<32769xf32, #tpu.memory_space<vmem>>, vector<16xf32>,
      %parallel_loop3A_711 = vector.shape_cast %parallel_loop3A_710 : vector<16xf32> to vector<16xf32>
      %parallel_loop3A_712 = vector.shape_cast %parallel_loop3A_702 : vector<16xf32> to vector<16xf32>
      tpu.vector_store %arg10[%parallel_loop3A_709], %parallel_loop3A_712 {strides = array<i32>} : memref<32769xf32, #tpu.memory_space<vmem>>, vector<16xf32>,
      %parallel_loop3A_713 = arith.addf %parallel_loop3A_506, %parallel_loop3A_534 : vector<16xf32>
      %parallel_loop3A_714 = arith.addf %parallel_loop3A_562, %parallel_loop3A_590 : vector<16xf32>
      %parallel_loop3A_715 = arith.addf %parallel_loop3A_618, %parallel_loop3A_646 : vector<16xf32>
      %parallel_loop3A_716 = arith.addf %parallel_loop3A_674, %parallel_loop3A_702 : vector<16xf32>
      %parallel_loop3A_717 = arith.addf %parallel_loop3A_713, %parallel_loop3A_714 : vector<16xf32>
      %parallel_loop3A_718 = arith.addf %parallel_loop3A_715, %parallel_loop3A_716 : vector<16xf32>
      %parallel_loop3A_719 = arith.addf %parallel_loop3A_717, %parallel_loop3A_718 : vector<16xf32>
      %parallel_loop3A_720 = arith.constant 3 : i32
      %parallel_loop3A_721 = arith.shrui %parallel_loop3A_488, %parallel_loop3A_720 : i32
      %parallel_loop3A_722 = arith.constant 2560 : i32
      %parallel_loop3A_723 = arith.addi %parallel_loop3A_722, %parallel_loop3A_721 : i32
      %parallel_loop3A_724 = arith.index_cast %parallel_loop3A_723 : i32 to index
      %parallel_loop3A_725 = tpu.vector_load %arg12[%parallel_loop3A_724] {strides = array<i32>} : memref<4096xf32, #tpu.memory_space<vmem>>, vector<16xf32>,
      %parallel_loop3A_726 = vector.shape_cast %parallel_loop3A_725 : vector<16xf32> to vector<16xf32>
      %parallel_loop3A_727 = vector.shape_cast %parallel_loop3A_719 : vector<16xf32> to vector<16xf32>
      tpu.vector_store %arg12[%parallel_loop3A_724], %parallel_loop3A_727 {strides = array<i32>} : memref<4096xf32, #tpu.memory_space<vmem>>, vector<16xf32>,
    } {sc.loop_unroll_factor = 1 : i64, sc.parallel_access}
    %add3A_306 = arith.constant 96 : i32
    %add3A_307 = arith.addi %add3A_306, %add3A_25 : i32
    %dma_wait3A_308 = arith.constant 0 : i32
    %dma_wait3A_309 = arith.constant 24576 : i32
    %dma_wait3A_310 = tpu.memref_slice %arg2[%add3A_307, %dma_wait3A_309] : memref<128x65536xf32, #tpu.memory_space<hbm>> -> memref<1x4096xf32, #tpu.memory_space<hbm>>
    %dma_wait3A_311 = tpu.memref_squeeze %dma_wait3A_310 : memref<1x4096xf32, #tpu.memory_space<hbm>> -> memref<4096xf32, #tpu.memory_space<hbm>>
    %dma_wait3A_312 = tpu.memref_slice %arg13[%dma_wait3A_308] : memref<2x!tpu.dma_semaphore, #tpu.memory_space<semaphore_mem>> -> memref<1x!tpu.dma_semaphore, #tpu.memory_space<semaphore_mem>>
    %dma_wait3A_313 = tpu.memref_squeeze %dma_wait3A_312 : memref<1x!tpu.dma_semaphore, #tpu.memory_space<semaphore_mem>> -> memref<!tpu.dma_semaphore, #tpu.memory_space<semaphore_mem>>
    %dma_wait3A_314 = arith.constant 24576 : i32
    %dma_wait3A_315 = tpu.memref_slice %arg2[%add3A_307, %dma_wait3A_314] : memref<128x65536xf32, #tpu.memory_space<hbm>> -> memref<1x4096xf32, #tpu.memory_space<hbm>>
    %dma_wait3A_316 = tpu.memref_squeeze %dma_wait3A_315 : memref<1x4096xf32, #tpu.memory_space<hbm>> -> memref<4096xf32, #tpu.memory_space<hbm>>
    tpu.wait_dma2 semaphore(%dma_wait3A_313 : memref<!tpu.dma_semaphore, #tpu.memory_space<semaphore_mem>>) src(%dma_wait3A_316 : memref<4096xf32, #tpu.memory_space<hbm>>) dst(%arg6 : memref<4096xf32, #tpu.memory_space<vmem>>)
    %add3A_317 = arith.constant 96 : i32
    %add3A_318 = arith.addi %add3A_317, %add3A_25 : i32
    %dma_wait3A_319 = arith.constant 0 : i32
    %dma_wait3A_320 = arith.constant 57344 : i32
    %dma_wait3A_321 = tpu.memref_slice %arg2[%add3A_318, %dma_wait3A_320] : memref<128x65536xf32, #tpu.memory_space<hbm>> -> memref<1x4096xf32, #tpu.memory_space<hbm>>
    %dma_wait3A_322 = tpu.memref_squeeze %dma_wait3A_321 : memref<1x4096xf32, #tpu.memory_space<hbm>> -> memref<4096xf32, #tpu.memory_space<hbm>>
    %dma_wait3A_323 = tpu.memref_slice %arg14[%dma_wait3A_319] : memref<2x!tpu.dma_semaphore, #tpu.memory_space<semaphore_mem>> -> memref<1x!tpu.dma_semaphore, #tpu.memory_space<semaphore_mem>>
    %dma_wait3A_324 = tpu.memref_squeeze %dma_wait3A_323 : memref<1x!tpu.dma_semaphore, #tpu.memory_space<semaphore_mem>> -> memref<!tpu.dma_semaphore, #tpu.memory_space<semaphore_mem>>
    %dma_wait3A_325 = arith.constant 57344 : i32
    %dma_wait3A_326 = tpu.memref_slice %arg2[%add3A_318, %dma_wait3A_325] : memref<128x65536xf32, #tpu.memory_space<hbm>> -> memref<1x4096xf32, #tpu.memory_space<hbm>>
    %dma_wait3A_327 = tpu.memref_squeeze %dma_wait3A_326 : memref<1x4096xf32, #tpu.memory_space<hbm>> -> memref<4096xf32, #tpu.memory_space<hbm>>
    tpu.wait_dma2 semaphore(%dma_wait3A_324 : memref<!tpu.dma_semaphore, #tpu.memory_space<semaphore_mem>>) src(%dma_wait3A_327 : memref<4096xf32, #tpu.memory_space<hbm>>) dst(%arg8 : memref<4096xf32, #tpu.memory_space<vmem>>)
    %add3A_328 = arith.constant 96 : i32
    %add3A_329 = arith.addi %add3A_328, %add3A_25 : i32
    %dma_start3A_330 = arith.constant 1 : i32
    %dma_start3A_331 = arith.constant 28672 : i32
    %dma_start3A_332 = tpu.memref_slice %arg2[%add3A_329, %dma_start3A_331] : memref<128x65536xf32, #tpu.memory_space<hbm>> -> memref<1x4096xf32, #tpu.memory_space<hbm>>
    %dma_start3A_333 = tpu.memref_squeeze %dma_start3A_332 : memref<1x4096xf32, #tpu.memory_space<hbm>> -> memref<4096xf32, #tpu.memory_space<hbm>>
    %dma_start3A_334 = tpu.memref_slice %arg13[%dma_start3A_330] : memref<2x!tpu.dma_semaphore, #tpu.memory_space<semaphore_mem>> -> memref<1x!tpu.dma_semaphore, #tpu.memory_space<semaphore_mem>>
    %dma_start3A_335 = tpu.memref_squeeze %dma_start3A_334 : memref<1x!tpu.dma_semaphore, #tpu.memory_space<semaphore_mem>> -> memref<!tpu.dma_semaphore, #tpu.memory_space<semaphore_mem>>
    %dma_start3A_336 = arith.constant 28672 : i32
    %dma_start3A_337 = tpu.memref_slice %arg2[%add3A_329, %dma_start3A_336] : memref<128x65536xf32, #tpu.memory_space<hbm>> -> memref<1x4096xf32, #tpu.memory_space<hbm>>
    %dma_start3A_338 = tpu.memref_squeeze %dma_start3A_337 : memref<1x4096xf32, #tpu.memory_space<hbm>> -> memref<4096xf32, #tpu.memory_space<hbm>>
    tpu.enqueue_dma source(%dma_start3A_338 : memref<4096xf32, #tpu.memory_space<hbm>>) target(%arg7 : memref<4096xf32, #tpu.memory_space<vmem>>) target_semaphore(%dma_start3A_335 : memref<!tpu.dma_semaphore, #tpu.memory_space<semaphore_mem>>)
    %add3A_339 = arith.constant 96 : i32
    %add3A_340 = arith.addi %add3A_339, %add3A_25 : i32
    %dma_start3A_341 = arith.constant 1 : i32
    %dma_start3A_342 = arith.constant 61440 : i32
    %dma_start3A_343 = tpu.memref_slice %arg2[%add3A_340, %dma_start3A_342] : memref<128x65536xf32, #tpu.memory_space<hbm>> -> memref<1x4096xf32, #tpu.memory_space<hbm>>
    %dma_start3A_344 = tpu.memref_squeeze %dma_start3A_343 : memref<1x4096xf32, #tpu.memory_space<hbm>> -> memref<4096xf32, #tpu.memory_space<hbm>>
    %dma_start3A_345 = tpu.memref_slice %arg14[%dma_start3A_341] : memref<2x!tpu.dma_semaphore, #tpu.memory_space<semaphore_mem>> -> memref<1x!tpu.dma_semaphore, #tpu.memory_space<semaphore_mem>>
    %dma_start3A_346 = tpu.memref_squeeze %dma_start3A_345 : memref<1x!tpu.dma_semaphore, #tpu.memory_space<semaphore_mem>> -> memref<!tpu.dma_semaphore, #tpu.memory_space<semaphore_mem>>
    %dma_start3A_347 = arith.constant 61440 : i32
    %dma_start3A_348 = tpu.memref_slice %arg2[%add3A_340, %dma_start3A_347] : memref<128x65536xf32, #tpu.memory_space<hbm>> -> memref<1x4096xf32, #tpu.memory_space<hbm>>
    %dma_start3A_349 = tpu.memref_squeeze %dma_start3A_348 : memref<1x4096xf32, #tpu.memory_space<hbm>> -> memref<4096xf32, #tpu.memory_space<hbm>>
    tpu.enqueue_dma source(%dma_start3A_349 : memref<4096xf32, #tpu.memory_space<hbm>>) target(%arg9 : memref<4096xf32, #tpu.memory_space<vmem>>) target_semaphore(%dma_start3A_346 : memref<!tpu.dma_semaphore, #tpu.memory_space<semaphore_mem>>)
    %parallel_loop3A_350 = arith.constant 0 : i32
    %parallel_loop3A_351 = arith.constant 4096 : i32
    %parallel_loop3A_352 = arith.constant 128 : i32
    scf.for %parallel_loop3A_488 = %parallel_loop3A_350 to %parallel_loop3A_351 step %parallel_loop3A_352  : i32 {
      %parallel_loop3A_489 = arith.constant 0 : i32
      %parallel_loop3A_490 = arith.addi %parallel_loop3A_488, %parallel_loop3A_489 : i32
      %parallel_loop3A_491 = arith.index_cast %parallel_loop3A_490 : i32 to index
      %parallel_loop3A_492 = tpu.vector_load %arg6[%parallel_loop3A_491] {strides = array<i32>} : memref<4096xf32, #tpu.memory_space<vmem>>, vector<16xf32>,
      %parallel_loop3A_493 = vector.shape_cast %parallel_loop3A_492 : vector<16xf32> to vector<16xf32>
      %parallel_loop3A_494 = arith.index_cast %parallel_loop3A_490 : i32 to index
      %parallel_loop3A_495 = tpu.vector_load %arg8[%parallel_loop3A_494] {strides = array<i32>} : memref<4096xf32, #tpu.memory_space<vmem>>, vector<16xf32>,
      %parallel_loop3A_496 = vector.shape_cast %parallel_loop3A_495 : vector<16xf32> to vector<16xf32>
      %parallel_loop3A_497 = arith.mulf %parallel_loop3A_493, %parallel_loop3A_496 : vector<16xf32>
      %parallel_loop3A_498 = arith.constant 24576 : i32
      %parallel_loop3A_499 = arith.addi %parallel_loop3A_498, %parallel_loop3A_488 : i32
      %parallel_loop3A_500 = arith.constant 0 : i32
      %parallel_loop3A_501 = arith.addi %parallel_loop3A_499, %parallel_loop3A_500 : i32
      %parallel_loop3A_502 = arith.index_cast %parallel_loop3A_501 : i32 to index
      %parallel_loop3A_503 = tpu.vector_load %arg5[%parallel_loop3A_502] {strides = array<i32>} : memref<32768xf32, #tpu.memory_space<vmem>>, vector<16xf32>,
      %parallel_loop3A_504 = vector.shape_cast %parallel_loop3A_503 : vector<16xf32> to vector<16xf32>
      %parallel_loop3A_505 = arith.mulf %parallel_loop3A_497, %parallel_loop3A_504 : vector<16xf32>
      %parallel_loop3A_506 = math.exp %parallel_loop3A_505 : vector<16xf32>
      %parallel_loop3A_507 = arith.constant 24576 : i32
      %parallel_loop3A_508 = arith.addi %parallel_loop3A_507, %parallel_loop3A_488 : i32
      %parallel_loop3A_509 = arith.constant 0 : i32
      %parallel_loop3A_510 = arith.addi %parallel_loop3A_508, %parallel_loop3A_509 : i32
      %parallel_loop3A_511 = arith.constant 1 : i32
      %parallel_loop3A_512 = arith.addi %parallel_loop3A_510, %parallel_loop3A_511 : i32
      %parallel_loop3A_513 = arith.index_cast %parallel_loop3A_512 : i32 to index
      %parallel_loop3A_514 = tpu.vector_load %arg10[%parallel_loop3A_513] {strides = array<i32>} : memref<32769xf32, #tpu.memory_space<vmem>>, vector<16xf32>,
      %parallel_loop3A_515 = vector.shape_cast %parallel_loop3A_514 : vector<16xf32> to vector<16xf32>
      %parallel_loop3A_516 = vector.shape_cast %parallel_loop3A_506 : vector<16xf32> to vector<16xf32>
      tpu.vector_store %arg10[%parallel_loop3A_513], %parallel_loop3A_516 {strides = array<i32>} : memref<32769xf32, #tpu.memory_space<vmem>>, vector<16xf32>,
      %parallel_loop3A_517 = arith.constant 16 : i32
      %parallel_loop3A_518 = arith.addi %parallel_loop3A_488, %parallel_loop3A_517 : i32
      %parallel_loop3A_519 = arith.index_cast %parallel_loop3A_518 : i32 to index
      %parallel_loop3A_520 = tpu.vector_load %arg6[%parallel_loop3A_519] {strides = array<i32>} : memref<4096xf32, #tpu.memory_space<vmem>>, vector<16xf32>,
      %parallel_loop3A_521 = vector.shape_cast %parallel_loop3A_520 : vector<16xf32> to vector<16xf32>
      %parallel_loop3A_522 = arith.index_cast %parallel_loop3A_518 : i32 to index
      %parallel_loop3A_523 = tpu.vector_load %arg8[%parallel_loop3A_522] {strides = array<i32>} : memref<4096xf32, #tpu.memory_space<vmem>>, vector<16xf32>,
      %parallel_loop3A_524 = vector.shape_cast %parallel_loop3A_523 : vector<16xf32> to vector<16xf32>
      %parallel_loop3A_525 = arith.mulf %parallel_loop3A_521, %parallel_loop3A_524 : vector<16xf32>
      %parallel_loop3A_526 = arith.constant 24576 : i32
      %parallel_loop3A_527 = arith.addi %parallel_loop3A_526, %parallel_loop3A_488 : i32
      %parallel_loop3A_528 = arith.constant 16 : i32
      %parallel_loop3A_529 = arith.addi %parallel_loop3A_527, %parallel_loop3A_528 : i32
      %parallel_loop3A_530 = arith.index_cast %parallel_loop3A_529 : i32 to index
      %parallel_loop3A_531 = tpu.vector_load %arg5[%parallel_loop3A_530] {strides = array<i32>} : memref<32768xf32, #tpu.memory_space<vmem>>, vector<16xf32>,
      %parallel_loop3A_532 = vector.shape_cast %parallel_loop3A_531 : vector<16xf32> to vector<16xf32>
      %parallel_loop3A_533 = arith.mulf %parallel_loop3A_525, %parallel_loop3A_532 : vector<16xf32>
      %parallel_loop3A_534 = math.exp %parallel_loop3A_533 : vector<16xf32>
      %parallel_loop3A_535 = arith.constant 24576 : i32
      %parallel_loop3A_536 = arith.addi %parallel_loop3A_535, %parallel_loop3A_488 : i32
      %parallel_loop3A_537 = arith.constant 16 : i32
      %parallel_loop3A_538 = arith.addi %parallel_loop3A_536, %parallel_loop3A_537 : i32
      %parallel_loop3A_539 = arith.constant 1 : i32
      %parallel_loop3A_540 = arith.addi %parallel_loop3A_538, %parallel_loop3A_539 : i32
      %parallel_loop3A_541 = arith.index_cast %parallel_loop3A_540 : i32 to index
      %parallel_loop3A_542 = tpu.vector_load %arg10[%parallel_loop3A_541] {strides = array<i32>} : memref<32769xf32, #tpu.memory_space<vmem>>, vector<16xf32>,
      %parallel_loop3A_543 = vector.shape_cast %parallel_loop3A_542 : vector<16xf32> to vector<16xf32>
      %parallel_loop3A_544 = vector.shape_cast %parallel_loop3A_534 : vector<16xf32> to vector<16xf32>
      tpu.vector_store %arg10[%parallel_loop3A_541], %parallel_loop3A_544 {strides = array<i32>} : memref<32769xf32, #tpu.memory_space<vmem>>, vector<16xf32>,
      %parallel_loop3A_545 = arith.constant 32 : i32
      %parallel_loop3A_546 = arith.addi %parallel_loop3A_488, %parallel_loop3A_545 : i32
      %parallel_loop3A_547 = arith.index_cast %parallel_loop3A_546 : i32 to index
      %parallel_loop3A_548 = tpu.vector_load %arg6[%parallel_loop3A_547] {strides = array<i32>} : memref<4096xf32, #tpu.memory_space<vmem>>, vector<16xf32>,
      %parallel_loop3A_549 = vector.shape_cast %parallel_loop3A_548 : vector<16xf32> to vector<16xf32>
      %parallel_loop3A_550 = arith.index_cast %parallel_loop3A_546 : i32 to index
      %parallel_loop3A_551 = tpu.vector_load %arg8[%parallel_loop3A_550] {strides = array<i32>} : memref<4096xf32, #tpu.memory_space<vmem>>, vector<16xf32>,
      %parallel_loop3A_552 = vector.shape_cast %parallel_loop3A_551 : vector<16xf32> to vector<16xf32>
      %parallel_loop3A_553 = arith.mulf %parallel_loop3A_549, %parallel_loop3A_552 : vector<16xf32>
      %parallel_loop3A_554 = arith.constant 24576 : i32
      %parallel_loop3A_555 = arith.addi %parallel_loop3A_554, %parallel_loop3A_488 : i32
      %parallel_loop3A_556 = arith.constant 32 : i32
      %parallel_loop3A_557 = arith.addi %parallel_loop3A_555, %parallel_loop3A_556 : i32
      %parallel_loop3A_558 = arith.index_cast %parallel_loop3A_557 : i32 to index
      %parallel_loop3A_559 = tpu.vector_load %arg5[%parallel_loop3A_558] {strides = array<i32>} : memref<32768xf32, #tpu.memory_space<vmem>>, vector<16xf32>,
      %parallel_loop3A_560 = vector.shape_cast %parallel_loop3A_559 : vector<16xf32> to vector<16xf32>
      %parallel_loop3A_561 = arith.mulf %parallel_loop3A_553, %parallel_loop3A_560 : vector<16xf32>
      %parallel_loop3A_562 = math.exp %parallel_loop3A_561 : vector<16xf32>
      %parallel_loop3A_563 = arith.constant 24576 : i32
      %parallel_loop3A_564 = arith.addi %parallel_loop3A_563, %parallel_loop3A_488 : i32
      %parallel_loop3A_565 = arith.constant 32 : i32
      %parallel_loop3A_566 = arith.addi %parallel_loop3A_564, %parallel_loop3A_565 : i32
      %parallel_loop3A_567 = arith.constant 1 : i32
      %parallel_loop3A_568 = arith.addi %parallel_loop3A_566, %parallel_loop3A_567 : i32
      %parallel_loop3A_569 = arith.index_cast %parallel_loop3A_568 : i32 to index
      %parallel_loop3A_570 = tpu.vector_load %arg10[%parallel_loop3A_569] {strides = array<i32>} : memref<32769xf32, #tpu.memory_space<vmem>>, vector<16xf32>,
      %parallel_loop3A_571 = vector.shape_cast %parallel_loop3A_570 : vector<16xf32> to vector<16xf32>
      %parallel_loop3A_572 = vector.shape_cast %parallel_loop3A_562 : vector<16xf32> to vector<16xf32>
      tpu.vector_store %arg10[%parallel_loop3A_569], %parallel_loop3A_572 {strides = array<i32>} : memref<32769xf32, #tpu.memory_space<vmem>>, vector<16xf32>,
      %parallel_loop3A_573 = arith.constant 48 : i32
      %parallel_loop3A_574 = arith.addi %parallel_loop3A_488, %parallel_loop3A_573 : i32
      %parallel_loop3A_575 = arith.index_cast %parallel_loop3A_574 : i32 to index
      %parallel_loop3A_576 = tpu.vector_load %arg6[%parallel_loop3A_575] {strides = array<i32>} : memref<4096xf32, #tpu.memory_space<vmem>>, vector<16xf32>,
      %parallel_loop3A_577 = vector.shape_cast %parallel_loop3A_576 : vector<16xf32> to vector<16xf32>
      %parallel_loop3A_578 = arith.index_cast %parallel_loop3A_574 : i32 to index
      %parallel_loop3A_579 = tpu.vector_load %arg8[%parallel_loop3A_578] {strides = array<i32>} : memref<4096xf32, #tpu.memory_space<vmem>>, vector<16xf32>,
      %parallel_loop3A_580 = vector.shape_cast %parallel_loop3A_579 : vector<16xf32> to vector<16xf32>
      %parallel_loop3A_581 = arith.mulf %parallel_loop3A_577, %parallel_loop3A_580 : vector<16xf32>
      %parallel_loop3A_582 = arith.constant 24576 : i32
      %parallel_loop3A_583 = arith.addi %parallel_loop3A_582, %parallel_loop3A_488 : i32
      %parallel_loop3A_584 = arith.constant 48 : i32
      %parallel_loop3A_585 = arith.addi %parallel_loop3A_583, %parallel_loop3A_584 : i32
      %parallel_loop3A_586 = arith.index_cast %parallel_loop3A_585 : i32 to index
      %parallel_loop3A_587 = tpu.vector_load %arg5[%parallel_loop3A_586] {strides = array<i32>} : memref<32768xf32, #tpu.memory_space<vmem>>, vector<16xf32>,
      %parallel_loop3A_588 = vector.shape_cast %parallel_loop3A_587 : vector<16xf32> to vector<16xf32>
      %parallel_loop3A_589 = arith.mulf %parallel_loop3A_581, %parallel_loop3A_588 : vector<16xf32>
      %parallel_loop3A_590 = math.exp %parallel_loop3A_589 : vector<16xf32>
      %parallel_loop3A_591 = arith.constant 24576 : i32
      %parallel_loop3A_592 = arith.addi %parallel_loop3A_591, %parallel_loop3A_488 : i32
      %parallel_loop3A_593 = arith.constant 48 : i32
      %parallel_loop3A_594 = arith.addi %parallel_loop3A_592, %parallel_loop3A_593 : i32
      %parallel_loop3A_595 = arith.constant 1 : i32
      %parallel_loop3A_596 = arith.addi %parallel_loop3A_594, %parallel_loop3A_595 : i32
      %parallel_loop3A_597 = arith.index_cast %parallel_loop3A_596 : i32 to index
      %parallel_loop3A_598 = tpu.vector_load %arg10[%parallel_loop3A_597] {strides = array<i32>} : memref<32769xf32, #tpu.memory_space<vmem>>, vector<16xf32>,
      %parallel_loop3A_599 = vector.shape_cast %parallel_loop3A_598 : vector<16xf32> to vector<16xf32>
      %parallel_loop3A_600 = vector.shape_cast %parallel_loop3A_590 : vector<16xf32> to vector<16xf32>
      tpu.vector_store %arg10[%parallel_loop3A_597], %parallel_loop3A_600 {strides = array<i32>} : memref<32769xf32, #tpu.memory_space<vmem>>, vector<16xf32>,
      %parallel_loop3A_601 = arith.constant 64 : i32
      %parallel_loop3A_602 = arith.addi %parallel_loop3A_488, %parallel_loop3A_601 : i32
      %parallel_loop3A_603 = arith.index_cast %parallel_loop3A_602 : i32 to index
      %parallel_loop3A_604 = tpu.vector_load %arg6[%parallel_loop3A_603] {strides = array<i32>} : memref<4096xf32, #tpu.memory_space<vmem>>, vector<16xf32>,
      %parallel_loop3A_605 = vector.shape_cast %parallel_loop3A_604 : vector<16xf32> to vector<16xf32>
      %parallel_loop3A_606 = arith.index_cast %parallel_loop3A_602 : i32 to index
      %parallel_loop3A_607 = tpu.vector_load %arg8[%parallel_loop3A_606] {strides = array<i32>} : memref<4096xf32, #tpu.memory_space<vmem>>, vector<16xf32>,
      %parallel_loop3A_608 = vector.shape_cast %parallel_loop3A_607 : vector<16xf32> to vector<16xf32>
      %parallel_loop3A_609 = arith.mulf %parallel_loop3A_605, %parallel_loop3A_608 : vector<16xf32>
      %parallel_loop3A_610 = arith.constant 24576 : i32
      %parallel_loop3A_611 = arith.addi %parallel_loop3A_610, %parallel_loop3A_488 : i32
      %parallel_loop3A_612 = arith.constant 64 : i32
      %parallel_loop3A_613 = arith.addi %parallel_loop3A_611, %parallel_loop3A_612 : i32
      %parallel_loop3A_614 = arith.index_cast %parallel_loop3A_613 : i32 to index
      %parallel_loop3A_615 = tpu.vector_load %arg5[%parallel_loop3A_614] {strides = array<i32>} : memref<32768xf32, #tpu.memory_space<vmem>>, vector<16xf32>,
      %parallel_loop3A_616 = vector.shape_cast %parallel_loop3A_615 : vector<16xf32> to vector<16xf32>
      %parallel_loop3A_617 = arith.mulf %parallel_loop3A_609, %parallel_loop3A_616 : vector<16xf32>
      %parallel_loop3A_618 = math.exp %parallel_loop3A_617 : vector<16xf32>
      %parallel_loop3A_619 = arith.constant 24576 : i32
      %parallel_loop3A_620 = arith.addi %parallel_loop3A_619, %parallel_loop3A_488 : i32
      %parallel_loop3A_621 = arith.constant 64 : i32
      %parallel_loop3A_622 = arith.addi %parallel_loop3A_620, %parallel_loop3A_621 : i32
      %parallel_loop3A_623 = arith.constant 1 : i32
      %parallel_loop3A_624 = arith.addi %parallel_loop3A_622, %parallel_loop3A_623 : i32
      %parallel_loop3A_625 = arith.index_cast %parallel_loop3A_624 : i32 to index
      %parallel_loop3A_626 = tpu.vector_load %arg10[%parallel_loop3A_625] {strides = array<i32>} : memref<32769xf32, #tpu.memory_space<vmem>>, vector<16xf32>,
      %parallel_loop3A_627 = vector.shape_cast %parallel_loop3A_626 : vector<16xf32> to vector<16xf32>
      %parallel_loop3A_628 = vector.shape_cast %parallel_loop3A_618 : vector<16xf32> to vector<16xf32>
      tpu.vector_store %arg10[%parallel_loop3A_625], %parallel_loop3A_628 {strides = array<i32>} : memref<32769xf32, #tpu.memory_space<vmem>>, vector<16xf32>,
      %parallel_loop3A_629 = arith.constant 80 : i32
      %parallel_loop3A_630 = arith.addi %parallel_loop3A_488, %parallel_loop3A_629 : i32
      %parallel_loop3A_631 = arith.index_cast %parallel_loop3A_630 : i32 to index
      %parallel_loop3A_632 = tpu.vector_load %arg6[%parallel_loop3A_631] {strides = array<i32>} : memref<4096xf32, #tpu.memory_space<vmem>>, vector<16xf32>,
      %parallel_loop3A_633 = vector.shape_cast %parallel_loop3A_632 : vector<16xf32> to vector<16xf32>
      %parallel_loop3A_634 = arith.index_cast %parallel_loop3A_630 : i32 to index
      %parallel_loop3A_635 = tpu.vector_load %arg8[%parallel_loop3A_634] {strides = array<i32>} : memref<4096xf32, #tpu.memory_space<vmem>>, vector<16xf32>,
      %parallel_loop3A_636 = vector.shape_cast %parallel_loop3A_635 : vector<16xf32> to vector<16xf32>
      %parallel_loop3A_637 = arith.mulf %parallel_loop3A_633, %parallel_loop3A_636 : vector<16xf32>
      %parallel_loop3A_638 = arith.constant 24576 : i32
      %parallel_loop3A_639 = arith.addi %parallel_loop3A_638, %parallel_loop3A_488 : i32
      %parallel_loop3A_640 = arith.constant 80 : i32
      %parallel_loop3A_641 = arith.addi %parallel_loop3A_639, %parallel_loop3A_640 : i32
      %parallel_loop3A_642 = arith.index_cast %parallel_loop3A_641 : i32 to index
      %parallel_loop3A_643 = tpu.vector_load %arg5[%parallel_loop3A_642] {strides = array<i32>} : memref<32768xf32, #tpu.memory_space<vmem>>, vector<16xf32>,
      %parallel_loop3A_644 = vector.shape_cast %parallel_loop3A_643 : vector<16xf32> to vector<16xf32>
      %parallel_loop3A_645 = arith.mulf %parallel_loop3A_637, %parallel_loop3A_644 : vector<16xf32>
      %parallel_loop3A_646 = math.exp %parallel_loop3A_645 : vector<16xf32>
      %parallel_loop3A_647 = arith.constant 24576 : i32
      %parallel_loop3A_648 = arith.addi %parallel_loop3A_647, %parallel_loop3A_488 : i32
      %parallel_loop3A_649 = arith.constant 80 : i32
      %parallel_loop3A_650 = arith.addi %parallel_loop3A_648, %parallel_loop3A_649 : i32
      %parallel_loop3A_651 = arith.constant 1 : i32
      %parallel_loop3A_652 = arith.addi %parallel_loop3A_650, %parallel_loop3A_651 : i32
      %parallel_loop3A_653 = arith.index_cast %parallel_loop3A_652 : i32 to index
      %parallel_loop3A_654 = tpu.vector_load %arg10[%parallel_loop3A_653] {strides = array<i32>} : memref<32769xf32, #tpu.memory_space<vmem>>, vector<16xf32>,
      %parallel_loop3A_655 = vector.shape_cast %parallel_loop3A_654 : vector<16xf32> to vector<16xf32>
      %parallel_loop3A_656 = vector.shape_cast %parallel_loop3A_646 : vector<16xf32> to vector<16xf32>
      tpu.vector_store %arg10[%parallel_loop3A_653], %parallel_loop3A_656 {strides = array<i32>} : memref<32769xf32, #tpu.memory_space<vmem>>, vector<16xf32>,
      %parallel_loop3A_657 = arith.constant 96 : i32
      %parallel_loop3A_658 = arith.addi %parallel_loop3A_488, %parallel_loop3A_657 : i32
      %parallel_loop3A_659 = arith.index_cast %parallel_loop3A_658 : i32 to index
      %parallel_loop3A_660 = tpu.vector_load %arg6[%parallel_loop3A_659] {strides = array<i32>} : memref<4096xf32, #tpu.memory_space<vmem>>, vector<16xf32>,
      %parallel_loop3A_661 = vector.shape_cast %parallel_loop3A_660 : vector<16xf32> to vector<16xf32>
      %parallel_loop3A_662 = arith.index_cast %parallel_loop3A_658 : i32 to index
      %parallel_loop3A_663 = tpu.vector_load %arg8[%parallel_loop3A_662] {strides = array<i32>} : memref<4096xf32, #tpu.memory_space<vmem>>, vector<16xf32>,
      %parallel_loop3A_664 = vector.shape_cast %parallel_loop3A_663 : vector<16xf32> to vector<16xf32>
      %parallel_loop3A_665 = arith.mulf %parallel_loop3A_661, %parallel_loop3A_664 : vector<16xf32>
      %parallel_loop3A_666 = arith.constant 24576 : i32
      %parallel_loop3A_667 = arith.addi %parallel_loop3A_666, %parallel_loop3A_488 : i32
      %parallel_loop3A_668 = arith.constant 96 : i32
      %parallel_loop3A_669 = arith.addi %parallel_loop3A_667, %parallel_loop3A_668 : i32
      %parallel_loop3A_670 = arith.index_cast %parallel_loop3A_669 : i32 to index
      %parallel_loop3A_671 = tpu.vector_load %arg5[%parallel_loop3A_670] {strides = array<i32>} : memref<32768xf32, #tpu.memory_space<vmem>>, vector<16xf32>,
      %parallel_loop3A_672 = vector.shape_cast %parallel_loop3A_671 : vector<16xf32> to vector<16xf32>
      %parallel_loop3A_673 = arith.mulf %parallel_loop3A_665, %parallel_loop3A_672 : vector<16xf32>
      %parallel_loop3A_674 = math.exp %parallel_loop3A_673 : vector<16xf32>
      %parallel_loop3A_675 = arith.constant 24576 : i32
      %parallel_loop3A_676 = arith.addi %parallel_loop3A_675, %parallel_loop3A_488 : i32
      %parallel_loop3A_677 = arith.constant 96 : i32
      %parallel_loop3A_678 = arith.addi %parallel_loop3A_676, %parallel_loop3A_677 : i32
      %parallel_loop3A_679 = arith.constant 1 : i32
      %parallel_loop3A_680 = arith.addi %parallel_loop3A_678, %parallel_loop3A_679 : i32
      %parallel_loop3A_681 = arith.index_cast %parallel_loop3A_680 : i32 to index
      %parallel_loop3A_682 = tpu.vector_load %arg10[%parallel_loop3A_681] {strides = array<i32>} : memref<32769xf32, #tpu.memory_space<vmem>>, vector<16xf32>,
      %parallel_loop3A_683 = vector.shape_cast %parallel_loop3A_682 : vector<16xf32> to vector<16xf32>
      %parallel_loop3A_684 = vector.shape_cast %parallel_loop3A_674 : vector<16xf32> to vector<16xf32>
      tpu.vector_store %arg10[%parallel_loop3A_681], %parallel_loop3A_684 {strides = array<i32>} : memref<32769xf32, #tpu.memory_space<vmem>>, vector<16xf32>,
      %parallel_loop3A_685 = arith.constant 112 : i32
      %parallel_loop3A_686 = arith.addi %parallel_loop3A_488, %parallel_loop3A_685 : i32
      %parallel_loop3A_687 = arith.index_cast %parallel_loop3A_686 : i32 to index
      %parallel_loop3A_688 = tpu.vector_load %arg6[%parallel_loop3A_687] {strides = array<i32>} : memref<4096xf32, #tpu.memory_space<vmem>>, vector<16xf32>,
      %parallel_loop3A_689 = vector.shape_cast %parallel_loop3A_688 : vector<16xf32> to vector<16xf32>
      %parallel_loop3A_690 = arith.index_cast %parallel_loop3A_686 : i32 to index
      %parallel_loop3A_691 = tpu.vector_load %arg8[%parallel_loop3A_690] {strides = array<i32>} : memref<4096xf32, #tpu.memory_space<vmem>>, vector<16xf32>,
      %parallel_loop3A_692 = vector.shape_cast %parallel_loop3A_691 : vector<16xf32> to vector<16xf32>
      %parallel_loop3A_693 = arith.mulf %parallel_loop3A_689, %parallel_loop3A_692 : vector<16xf32>
      %parallel_loop3A_694 = arith.constant 24576 : i32
      %parallel_loop3A_695 = arith.addi %parallel_loop3A_694, %parallel_loop3A_488 : i32
      %parallel_loop3A_696 = arith.constant 112 : i32
      %parallel_loop3A_697 = arith.addi %parallel_loop3A_695, %parallel_loop3A_696 : i32
      %parallel_loop3A_698 = arith.index_cast %parallel_loop3A_697 : i32 to index
      %parallel_loop3A_699 = tpu.vector_load %arg5[%parallel_loop3A_698] {strides = array<i32>} : memref<32768xf32, #tpu.memory_space<vmem>>, vector<16xf32>,
      %parallel_loop3A_700 = vector.shape_cast %parallel_loop3A_699 : vector<16xf32> to vector<16xf32>
      %parallel_loop3A_701 = arith.mulf %parallel_loop3A_693, %parallel_loop3A_700 : vector<16xf32>
      %parallel_loop3A_702 = math.exp %parallel_loop3A_701 : vector<16xf32>
      %parallel_loop3A_703 = arith.constant 24576 : i32
      %parallel_loop3A_704 = arith.addi %parallel_loop3A_703, %parallel_loop3A_488 : i32
      %parallel_loop3A_705 = arith.constant 112 : i32
      %parallel_loop3A_706 = arith.addi %parallel_loop3A_704, %parallel_loop3A_705 : i32
      %parallel_loop3A_707 = arith.constant 1 : i32
      %parallel_loop3A_708 = arith.addi %parallel_loop3A_706, %parallel_loop3A_707 : i32
      %parallel_loop3A_709 = arith.index_cast %parallel_loop3A_708 : i32 to index
      %parallel_loop3A_710 = tpu.vector_load %arg10[%parallel_loop3A_709] {strides = array<i32>} : memref<32769xf32, #tpu.memory_space<vmem>>, vector<16xf32>,
      %parallel_loop3A_711 = vector.shape_cast %parallel_loop3A_710 : vector<16xf32> to vector<16xf32>
      %parallel_loop3A_712 = vector.shape_cast %parallel_loop3A_702 : vector<16xf32> to vector<16xf32>
      tpu.vector_store %arg10[%parallel_loop3A_709], %parallel_loop3A_712 {strides = array<i32>} : memref<32769xf32, #tpu.memory_space<vmem>>, vector<16xf32>,
      %parallel_loop3A_713 = arith.addf %parallel_loop3A_506, %parallel_loop3A_534 : vector<16xf32>
      %parallel_loop3A_714 = arith.addf %parallel_loop3A_562, %parallel_loop3A_590 : vector<16xf32>
      %parallel_loop3A_715 = arith.addf %parallel_loop3A_618, %parallel_loop3A_646 : vector<16xf32>
      %parallel_loop3A_716 = arith.addf %parallel_loop3A_674, %parallel_loop3A_702 : vector<16xf32>
      %parallel_loop3A_717 = arith.addf %parallel_loop3A_713, %parallel_loop3A_714 : vector<16xf32>
      %parallel_loop3A_718 = arith.addf %parallel_loop3A_715, %parallel_loop3A_716 : vector<16xf32>
      %parallel_loop3A_719 = arith.addf %parallel_loop3A_717, %parallel_loop3A_718 : vector<16xf32>
      %parallel_loop3A_720 = arith.constant 3 : i32
      %parallel_loop3A_721 = arith.shrui %parallel_loop3A_488, %parallel_loop3A_720 : i32
      %parallel_loop3A_722 = arith.constant 3072 : i32
      %parallel_loop3A_723 = arith.addi %parallel_loop3A_722, %parallel_loop3A_721 : i32
      %parallel_loop3A_724 = arith.index_cast %parallel_loop3A_723 : i32 to index
      %parallel_loop3A_725 = tpu.vector_load %arg12[%parallel_loop3A_724] {strides = array<i32>} : memref<4096xf32, #tpu.memory_space<vmem>>, vector<16xf32>,
      %parallel_loop3A_726 = vector.shape_cast %parallel_loop3A_725 : vector<16xf32> to vector<16xf32>
      %parallel_loop3A_727 = vector.shape_cast %parallel_loop3A_719 : vector<16xf32> to vector<16xf32>
      tpu.vector_store %arg12[%parallel_loop3A_724], %parallel_loop3A_727 {strides = array<i32>} : memref<4096xf32, #tpu.memory_space<vmem>>, vector<16xf32>,
    } {sc.loop_unroll_factor = 1 : i64, sc.parallel_access}
    %add3A_353 = arith.constant 96 : i32
    %add3A_354 = arith.addi %add3A_353, %add3A_25 : i32
    %dma_wait3A_355 = arith.constant 1 : i32
    %dma_wait3A_356 = arith.constant 28672 : i32
    %dma_wait3A_357 = tpu.memref_slice %arg2[%add3A_354, %dma_wait3A_356] : memref<128x65536xf32, #tpu.memory_space<hbm>> -> memref<1x4096xf32, #tpu.memory_space<hbm>>
    %dma_wait3A_358 = tpu.memref_squeeze %dma_wait3A_357 : memref<1x4096xf32, #tpu.memory_space<hbm>> -> memref<4096xf32, #tpu.memory_space<hbm>>
    %dma_wait3A_359 = tpu.memref_slice %arg13[%dma_wait3A_355] : memref<2x!tpu.dma_semaphore, #tpu.memory_space<semaphore_mem>> -> memref<1x!tpu.dma_semaphore, #tpu.memory_space<semaphore_mem>>
    %dma_wait3A_360 = tpu.memref_squeeze %dma_wait3A_359 : memref<1x!tpu.dma_semaphore, #tpu.memory_space<semaphore_mem>> -> memref<!tpu.dma_semaphore, #tpu.memory_space<semaphore_mem>>
    %dma_wait3A_361 = arith.constant 28672 : i32
    %dma_wait3A_362 = tpu.memref_slice %arg2[%add3A_354, %dma_wait3A_361] : memref<128x65536xf32, #tpu.memory_space<hbm>> -> memref<1x4096xf32, #tpu.memory_space<hbm>>
    %dma_wait3A_363 = tpu.memref_squeeze %dma_wait3A_362 : memref<1x4096xf32, #tpu.memory_space<hbm>> -> memref<4096xf32, #tpu.memory_space<hbm>>
    tpu.wait_dma2 semaphore(%dma_wait3A_360 : memref<!tpu.dma_semaphore, #tpu.memory_space<semaphore_mem>>) src(%dma_wait3A_363 : memref<4096xf32, #tpu.memory_space<hbm>>) dst(%arg7 : memref<4096xf32, #tpu.memory_space<vmem>>)
    %add3A_364 = arith.constant 96 : i32
    %add3A_365 = arith.addi %add3A_364, %add3A_25 : i32
    %dma_wait3A_366 = arith.constant 1 : i32
    %dma_wait3A_367 = arith.constant 61440 : i32
    %dma_wait3A_368 = tpu.memref_slice %arg2[%add3A_365, %dma_wait3A_367] : memref<128x65536xf32, #tpu.memory_space<hbm>> -> memref<1x4096xf32, #tpu.memory_space<hbm>>
    %dma_wait3A_369 = tpu.memref_squeeze %dma_wait3A_368 : memref<1x4096xf32, #tpu.memory_space<hbm>> -> memref<4096xf32, #tpu.memory_space<hbm>>
    %dma_wait3A_370 = tpu.memref_slice %arg14[%dma_wait3A_366] : memref<2x!tpu.dma_semaphore, #tpu.memory_space<semaphore_mem>> -> memref<1x!tpu.dma_semaphore, #tpu.memory_space<semaphore_mem>>
    %dma_wait3A_371 = tpu.memref_squeeze %dma_wait3A_370 : memref<1x!tpu.dma_semaphore, #tpu.memory_space<semaphore_mem>> -> memref<!tpu.dma_semaphore, #tpu.memory_space<semaphore_mem>>
    %dma_wait3A_372 = arith.constant 61440 : i32
    %dma_wait3A_373 = tpu.memref_slice %arg2[%add3A_365, %dma_wait3A_372] : memref<128x65536xf32, #tpu.memory_space<hbm>> -> memref<1x4096xf32, #tpu.memory_space<hbm>>
    %dma_wait3A_374 = tpu.memref_squeeze %dma_wait3A_373 : memref<1x4096xf32, #tpu.memory_space<hbm>> -> memref<4096xf32, #tpu.memory_space<hbm>>
    tpu.wait_dma2 semaphore(%dma_wait3A_371 : memref<!tpu.dma_semaphore, #tpu.memory_space<semaphore_mem>>) src(%dma_wait3A_374 : memref<4096xf32, #tpu.memory_space<hbm>>) dst(%arg9 : memref<4096xf32, #tpu.memory_space<vmem>>)
    %parallel_loop3A_375 = arith.constant 0 : i32
    %parallel_loop3A_376 = arith.constant 4096 : i32
    %parallel_loop3A_377 = arith.constant 128 : i32
    scf.for %parallel_loop3A_488 = %parallel_loop3A_375 to %parallel_loop3A_376 step %parallel_loop3A_377  : i32 {
      %parallel_loop3A_489 = arith.constant 0 : i32
      %parallel_loop3A_490 = arith.addi %parallel_loop3A_488, %parallel_loop3A_489 : i32
      %parallel_loop3A_491 = arith.index_cast %parallel_loop3A_490 : i32 to index
      %parallel_loop3A_492 = tpu.vector_load %arg7[%parallel_loop3A_491] {strides = array<i32>} : memref<4096xf32, #tpu.memory_space<vmem>>, vector<16xf32>,
      %parallel_loop3A_493 = vector.shape_cast %parallel_loop3A_492 : vector<16xf32> to vector<16xf32>
      %parallel_loop3A_494 = arith.index_cast %parallel_loop3A_490 : i32 to index
      %parallel_loop3A_495 = tpu.vector_load %arg9[%parallel_loop3A_494] {strides = array<i32>} : memref<4096xf32, #tpu.memory_space<vmem>>, vector<16xf32>,
      %parallel_loop3A_496 = vector.shape_cast %parallel_loop3A_495 : vector<16xf32> to vector<16xf32>
      %parallel_loop3A_497 = arith.mulf %parallel_loop3A_493, %parallel_loop3A_496 : vector<16xf32>
      %parallel_loop3A_498 = arith.constant 28672 : i32
      %parallel_loop3A_499 = arith.addi %parallel_loop3A_498, %parallel_loop3A_488 : i32
      %parallel_loop3A_500 = arith.constant 0 : i32
      %parallel_loop3A_501 = arith.addi %parallel_loop3A_499, %parallel_loop3A_500 : i32
      %parallel_loop3A_502 = arith.index_cast %parallel_loop3A_501 : i32 to index
      %parallel_loop3A_503 = tpu.vector_load %arg5[%parallel_loop3A_502] {strides = array<i32>} : memref<32768xf32, #tpu.memory_space<vmem>>, vector<16xf32>,
      %parallel_loop3A_504 = vector.shape_cast %parallel_loop3A_503 : vector<16xf32> to vector<16xf32>
      %parallel_loop3A_505 = arith.mulf %parallel_loop3A_497, %parallel_loop3A_504 : vector<16xf32>
      %parallel_loop3A_506 = math.exp %parallel_loop3A_505 : vector<16xf32>
      %parallel_loop3A_507 = arith.constant 28672 : i32
      %parallel_loop3A_508 = arith.addi %parallel_loop3A_507, %parallel_loop3A_488 : i32
      %parallel_loop3A_509 = arith.constant 0 : i32
      %parallel_loop3A_510 = arith.addi %parallel_loop3A_508, %parallel_loop3A_509 : i32
      %parallel_loop3A_511 = arith.constant 1 : i32
      %parallel_loop3A_512 = arith.addi %parallel_loop3A_510, %parallel_loop3A_511 : i32
      %parallel_loop3A_513 = arith.index_cast %parallel_loop3A_512 : i32 to index
      %parallel_loop3A_514 = tpu.vector_load %arg10[%parallel_loop3A_513] {strides = array<i32>} : memref<32769xf32, #tpu.memory_space<vmem>>, vector<16xf32>,
      %parallel_loop3A_515 = vector.shape_cast %parallel_loop3A_514 : vector<16xf32> to vector<16xf32>
      %parallel_loop3A_516 = vector.shape_cast %parallel_loop3A_506 : vector<16xf32> to vector<16xf32>
      tpu.vector_store %arg10[%parallel_loop3A_513], %parallel_loop3A_516 {strides = array<i32>} : memref<32769xf32, #tpu.memory_space<vmem>>, vector<16xf32>,
      %parallel_loop3A_517 = arith.constant 16 : i32
      %parallel_loop3A_518 = arith.addi %parallel_loop3A_488, %parallel_loop3A_517 : i32
      %parallel_loop3A_519 = arith.index_cast %parallel_loop3A_518 : i32 to index
      %parallel_loop3A_520 = tpu.vector_load %arg7[%parallel_loop3A_519] {strides = array<i32>} : memref<4096xf32, #tpu.memory_space<vmem>>, vector<16xf32>,
      %parallel_loop3A_521 = vector.shape_cast %parallel_loop3A_520 : vector<16xf32> to vector<16xf32>
      %parallel_loop3A_522 = arith.index_cast %parallel_loop3A_518 : i32 to index
      %parallel_loop3A_523 = tpu.vector_load %arg9[%parallel_loop3A_522] {strides = array<i32>} : memref<4096xf32, #tpu.memory_space<vmem>>, vector<16xf32>,
      %parallel_loop3A_524 = vector.shape_cast %parallel_loop3A_523 : vector<16xf32> to vector<16xf32>
      %parallel_loop3A_525 = arith.mulf %parallel_loop3A_521, %parallel_loop3A_524 : vector<16xf32>
      %parallel_loop3A_526 = arith.constant 28672 : i32
      %parallel_loop3A_527 = arith.addi %parallel_loop3A_526, %parallel_loop3A_488 : i32
      %parallel_loop3A_528 = arith.constant 16 : i32
      %parallel_loop3A_529 = arith.addi %parallel_loop3A_527, %parallel_loop3A_528 : i32
      %parallel_loop3A_530 = arith.index_cast %parallel_loop3A_529 : i32 to index
      %parallel_loop3A_531 = tpu.vector_load %arg5[%parallel_loop3A_530] {strides = array<i32>} : memref<32768xf32, #tpu.memory_space<vmem>>, vector<16xf32>,
      %parallel_loop3A_532 = vector.shape_cast %parallel_loop3A_531 : vector<16xf32> to vector<16xf32>
      %parallel_loop3A_533 = arith.mulf %parallel_loop3A_525, %parallel_loop3A_532 : vector<16xf32>
      %parallel_loop3A_534 = math.exp %parallel_loop3A_533 : vector<16xf32>
      %parallel_loop3A_535 = arith.constant 28672 : i32
      %parallel_loop3A_536 = arith.addi %parallel_loop3A_535, %parallel_loop3A_488 : i32
      %parallel_loop3A_537 = arith.constant 16 : i32
      %parallel_loop3A_538 = arith.addi %parallel_loop3A_536, %parallel_loop3A_537 : i32
      %parallel_loop3A_539 = arith.constant 1 : i32
      %parallel_loop3A_540 = arith.addi %parallel_loop3A_538, %parallel_loop3A_539 : i32
      %parallel_loop3A_541 = arith.index_cast %parallel_loop3A_540 : i32 to index
      %parallel_loop3A_542 = tpu.vector_load %arg10[%parallel_loop3A_541] {strides = array<i32>} : memref<32769xf32, #tpu.memory_space<vmem>>, vector<16xf32>,
      %parallel_loop3A_543 = vector.shape_cast %parallel_loop3A_542 : vector<16xf32> to vector<16xf32>
      %parallel_loop3A_544 = vector.shape_cast %parallel_loop3A_534 : vector<16xf32> to vector<16xf32>
      tpu.vector_store %arg10[%parallel_loop3A_541], %parallel_loop3A_544 {strides = array<i32>} : memref<32769xf32, #tpu.memory_space<vmem>>, vector<16xf32>,
      %parallel_loop3A_545 = arith.constant 32 : i32
      %parallel_loop3A_546 = arith.addi %parallel_loop3A_488, %parallel_loop3A_545 : i32
      %parallel_loop3A_547 = arith.index_cast %parallel_loop3A_546 : i32 to index
      %parallel_loop3A_548 = tpu.vector_load %arg7[%parallel_loop3A_547] {strides = array<i32>} : memref<4096xf32, #tpu.memory_space<vmem>>, vector<16xf32>,
      %parallel_loop3A_549 = vector.shape_cast %parallel_loop3A_548 : vector<16xf32> to vector<16xf32>
      %parallel_loop3A_550 = arith.index_cast %parallel_loop3A_546 : i32 to index
      %parallel_loop3A_551 = tpu.vector_load %arg9[%parallel_loop3A_550] {strides = array<i32>} : memref<4096xf32, #tpu.memory_space<vmem>>, vector<16xf32>,
      %parallel_loop3A_552 = vector.shape_cast %parallel_loop3A_551 : vector<16xf32> to vector<16xf32>
      %parallel_loop3A_553 = arith.mulf %parallel_loop3A_549, %parallel_loop3A_552 : vector<16xf32>
      %parallel_loop3A_554 = arith.constant 28672 : i32
      %parallel_loop3A_555 = arith.addi %parallel_loop3A_554, %parallel_loop3A_488 : i32
      %parallel_loop3A_556 = arith.constant 32 : i32
      %parallel_loop3A_557 = arith.addi %parallel_loop3A_555, %parallel_loop3A_556 : i32
      %parallel_loop3A_558 = arith.index_cast %parallel_loop3A_557 : i32 to index
      %parallel_loop3A_559 = tpu.vector_load %arg5[%parallel_loop3A_558] {strides = array<i32>} : memref<32768xf32, #tpu.memory_space<vmem>>, vector<16xf32>,
      %parallel_loop3A_560 = vector.shape_cast %parallel_loop3A_559 : vector<16xf32> to vector<16xf32>
      %parallel_loop3A_561 = arith.mulf %parallel_loop3A_553, %parallel_loop3A_560 : vector<16xf32>
      %parallel_loop3A_562 = math.exp %parallel_loop3A_561 : vector<16xf32>
      %parallel_loop3A_563 = arith.constant 28672 : i32
      %parallel_loop3A_564 = arith.addi %parallel_loop3A_563, %parallel_loop3A_488 : i32
      %parallel_loop3A_565 = arith.constant 32 : i32
      %parallel_loop3A_566 = arith.addi %parallel_loop3A_564, %parallel_loop3A_565 : i32
      %parallel_loop3A_567 = arith.constant 1 : i32
      %parallel_loop3A_568 = arith.addi %parallel_loop3A_566, %parallel_loop3A_567 : i32
      %parallel_loop3A_569 = arith.index_cast %parallel_loop3A_568 : i32 to index
      %parallel_loop3A_570 = tpu.vector_load %arg10[%parallel_loop3A_569] {strides = array<i32>} : memref<32769xf32, #tpu.memory_space<vmem>>, vector<16xf32>,
      %parallel_loop3A_571 = vector.shape_cast %parallel_loop3A_570 : vector<16xf32> to vector<16xf32>
      %parallel_loop3A_572 = vector.shape_cast %parallel_loop3A_562 : vector<16xf32> to vector<16xf32>
      tpu.vector_store %arg10[%parallel_loop3A_569], %parallel_loop3A_572 {strides = array<i32>} : memref<32769xf32, #tpu.memory_space<vmem>>, vector<16xf32>,
      %parallel_loop3A_573 = arith.constant 48 : i32
      %parallel_loop3A_574 = arith.addi %parallel_loop3A_488, %parallel_loop3A_573 : i32
      %parallel_loop3A_575 = arith.index_cast %parallel_loop3A_574 : i32 to index
      %parallel_loop3A_576 = tpu.vector_load %arg7[%parallel_loop3A_575] {strides = array<i32>} : memref<4096xf32, #tpu.memory_space<vmem>>, vector<16xf32>,
      %parallel_loop3A_577 = vector.shape_cast %parallel_loop3A_576 : vector<16xf32> to vector<16xf32>
      %parallel_loop3A_578 = arith.index_cast %parallel_loop3A_574 : i32 to index
      %parallel_loop3A_579 = tpu.vector_load %arg9[%parallel_loop3A_578] {strides = array<i32>} : memref<4096xf32, #tpu.memory_space<vmem>>, vector<16xf32>,
      %parallel_loop3A_580 = vector.shape_cast %parallel_loop3A_579 : vector<16xf32> to vector<16xf32>
      %parallel_loop3A_581 = arith.mulf %parallel_loop3A_577, %parallel_loop3A_580 : vector<16xf32>
      %parallel_loop3A_582 = arith.constant 28672 : i32
      %parallel_loop3A_583 = arith.addi %parallel_loop3A_582, %parallel_loop3A_488 : i32
      %parallel_loop3A_584 = arith.constant 48 : i32
      %parallel_loop3A_585 = arith.addi %parallel_loop3A_583, %parallel_loop3A_584 : i32
      %parallel_loop3A_586 = arith.index_cast %parallel_loop3A_585 : i32 to index
      %parallel_loop3A_587 = tpu.vector_load %arg5[%parallel_loop3A_586] {strides = array<i32>} : memref<32768xf32, #tpu.memory_space<vmem>>, vector<16xf32>,
      %parallel_loop3A_588 = vector.shape_cast %parallel_loop3A_587 : vector<16xf32> to vector<16xf32>
      %parallel_loop3A_589 = arith.mulf %parallel_loop3A_581, %parallel_loop3A_588 : vector<16xf32>
      %parallel_loop3A_590 = math.exp %parallel_loop3A_589 : vector<16xf32>
      %parallel_loop3A_591 = arith.constant 28672 : i32
      %parallel_loop3A_592 = arith.addi %parallel_loop3A_591, %parallel_loop3A_488 : i32
      %parallel_loop3A_593 = arith.constant 48 : i32
      %parallel_loop3A_594 = arith.addi %parallel_loop3A_592, %parallel_loop3A_593 : i32
      %parallel_loop3A_595 = arith.constant 1 : i32
      %parallel_loop3A_596 = arith.addi %parallel_loop3A_594, %parallel_loop3A_595 : i32
      %parallel_loop3A_597 = arith.index_cast %parallel_loop3A_596 : i32 to index
      %parallel_loop3A_598 = tpu.vector_load %arg10[%parallel_loop3A_597] {strides = array<i32>} : memref<32769xf32, #tpu.memory_space<vmem>>, vector<16xf32>,
      %parallel_loop3A_599 = vector.shape_cast %parallel_loop3A_598 : vector<16xf32> to vector<16xf32>
      %parallel_loop3A_600 = vector.shape_cast %parallel_loop3A_590 : vector<16xf32> to vector<16xf32>
      tpu.vector_store %arg10[%parallel_loop3A_597], %parallel_loop3A_600 {strides = array<i32>} : memref<32769xf32, #tpu.memory_space<vmem>>, vector<16xf32>,
      %parallel_loop3A_601 = arith.constant 64 : i32
      %parallel_loop3A_602 = arith.addi %parallel_loop3A_488, %parallel_loop3A_601 : i32
      %parallel_loop3A_603 = arith.index_cast %parallel_loop3A_602 : i32 to index
      %parallel_loop3A_604 = tpu.vector_load %arg7[%parallel_loop3A_603] {strides = array<i32>} : memref<4096xf32, #tpu.memory_space<vmem>>, vector<16xf32>,
      %parallel_loop3A_605 = vector.shape_cast %parallel_loop3A_604 : vector<16xf32> to vector<16xf32>
      %parallel_loop3A_606 = arith.index_cast %parallel_loop3A_602 : i32 to index
      %parallel_loop3A_607 = tpu.vector_load %arg9[%parallel_loop3A_606] {strides = array<i32>} : memref<4096xf32, #tpu.memory_space<vmem>>, vector<16xf32>,
      %parallel_loop3A_608 = vector.shape_cast %parallel_loop3A_607 : vector<16xf32> to vector<16xf32>
      %parallel_loop3A_609 = arith.mulf %parallel_loop3A_605, %parallel_loop3A_608 : vector<16xf32>
      %parallel_loop3A_610 = arith.constant 28672 : i32
      %parallel_loop3A_611 = arith.addi %parallel_loop3A_610, %parallel_loop3A_488 : i32
      %parallel_loop3A_612 = arith.constant 64 : i32
      %parallel_loop3A_613 = arith.addi %parallel_loop3A_611, %parallel_loop3A_612 : i32
      %parallel_loop3A_614 = arith.index_cast %parallel_loop3A_613 : i32 to index
      %parallel_loop3A_615 = tpu.vector_load %arg5[%parallel_loop3A_614] {strides = array<i32>} : memref<32768xf32, #tpu.memory_space<vmem>>, vector<16xf32>,
      %parallel_loop3A_616 = vector.shape_cast %parallel_loop3A_615 : vector<16xf32> to vector<16xf32>
      %parallel_loop3A_617 = arith.mulf %parallel_loop3A_609, %parallel_loop3A_616 : vector<16xf32>
      %parallel_loop3A_618 = math.exp %parallel_loop3A_617 : vector<16xf32>
      %parallel_loop3A_619 = arith.constant 28672 : i32
      %parallel_loop3A_620 = arith.addi %parallel_loop3A_619, %parallel_loop3A_488 : i32
      %parallel_loop3A_621 = arith.constant 64 : i32
      %parallel_loop3A_622 = arith.addi %parallel_loop3A_620, %parallel_loop3A_621 : i32
      %parallel_loop3A_623 = arith.constant 1 : i32
      %parallel_loop3A_624 = arith.addi %parallel_loop3A_622, %parallel_loop3A_623 : i32
      %parallel_loop3A_625 = arith.index_cast %parallel_loop3A_624 : i32 to index
      %parallel_loop3A_626 = tpu.vector_load %arg10[%parallel_loop3A_625] {strides = array<i32>} : memref<32769xf32, #tpu.memory_space<vmem>>, vector<16xf32>,
      %parallel_loop3A_627 = vector.shape_cast %parallel_loop3A_626 : vector<16xf32> to vector<16xf32>
      %parallel_loop3A_628 = vector.shape_cast %parallel_loop3A_618 : vector<16xf32> to vector<16xf32>
      tpu.vector_store %arg10[%parallel_loop3A_625], %parallel_loop3A_628 {strides = array<i32>} : memref<32769xf32, #tpu.memory_space<vmem>>, vector<16xf32>,
      %parallel_loop3A_629 = arith.constant 80 : i32
      %parallel_loop3A_630 = arith.addi %parallel_loop3A_488, %parallel_loop3A_629 : i32
      %parallel_loop3A_631 = arith.index_cast %parallel_loop3A_630 : i32 to index
      %parallel_loop3A_632 = tpu.vector_load %arg7[%parallel_loop3A_631] {strides = array<i32>} : memref<4096xf32, #tpu.memory_space<vmem>>, vector<16xf32>,
      %parallel_loop3A_633 = vector.shape_cast %parallel_loop3A_632 : vector<16xf32> to vector<16xf32>
      %parallel_loop3A_634 = arith.index_cast %parallel_loop3A_630 : i32 to index
      %parallel_loop3A_635 = tpu.vector_load %arg9[%parallel_loop3A_634] {strides = array<i32>} : memref<4096xf32, #tpu.memory_space<vmem>>, vector<16xf32>,
      %parallel_loop3A_636 = vector.shape_cast %parallel_loop3A_635 : vector<16xf32> to vector<16xf32>
      %parallel_loop3A_637 = arith.mulf %parallel_loop3A_633, %parallel_loop3A_636 : vector<16xf32>
      %parallel_loop3A_638 = arith.constant 28672 : i32
      %parallel_loop3A_639 = arith.addi %parallel_loop3A_638, %parallel_loop3A_488 : i32
      %parallel_loop3A_640 = arith.constant 80 : i32
      %parallel_loop3A_641 = arith.addi %parallel_loop3A_639, %parallel_loop3A_640 : i32
      %parallel_loop3A_642 = arith.index_cast %parallel_loop3A_641 : i32 to index
      %parallel_loop3A_643 = tpu.vector_load %arg5[%parallel_loop3A_642] {strides = array<i32>} : memref<32768xf32, #tpu.memory_space<vmem>>, vector<16xf32>,
      %parallel_loop3A_644 = vector.shape_cast %parallel_loop3A_643 : vector<16xf32> to vector<16xf32>
      %parallel_loop3A_645 = arith.mulf %parallel_loop3A_637, %parallel_loop3A_644 : vector<16xf32>
      %parallel_loop3A_646 = math.exp %parallel_loop3A_645 : vector<16xf32>
      %parallel_loop3A_647 = arith.constant 28672 : i32
      %parallel_loop3A_648 = arith.addi %parallel_loop3A_647, %parallel_loop3A_488 : i32
      %parallel_loop3A_649 = arith.constant 80 : i32
      %parallel_loop3A_650 = arith.addi %parallel_loop3A_648, %parallel_loop3A_649 : i32
      %parallel_loop3A_651 = arith.constant 1 : i32
      %parallel_loop3A_652 = arith.addi %parallel_loop3A_650, %parallel_loop3A_651 : i32
      %parallel_loop3A_653 = arith.index_cast %parallel_loop3A_652 : i32 to index
      %parallel_loop3A_654 = tpu.vector_load %arg10[%parallel_loop3A_653] {strides = array<i32>} : memref<32769xf32, #tpu.memory_space<vmem>>, vector<16xf32>,
      %parallel_loop3A_655 = vector.shape_cast %parallel_loop3A_654 : vector<16xf32> to vector<16xf32>
      %parallel_loop3A_656 = vector.shape_cast %parallel_loop3A_646 : vector<16xf32> to vector<16xf32>
      tpu.vector_store %arg10[%parallel_loop3A_653], %parallel_loop3A_656 {strides = array<i32>} : memref<32769xf32, #tpu.memory_space<vmem>>, vector<16xf32>,
      %parallel_loop3A_657 = arith.constant 96 : i32
      %parallel_loop3A_658 = arith.addi %parallel_loop3A_488, %parallel_loop3A_657 : i32
      %parallel_loop3A_659 = arith.index_cast %parallel_loop3A_658 : i32 to index
      %parallel_loop3A_660 = tpu.vector_load %arg7[%parallel_loop3A_659] {strides = array<i32>} : memref<4096xf32, #tpu.memory_space<vmem>>, vector<16xf32>,
      %parallel_loop3A_661 = vector.shape_cast %parallel_loop3A_660 : vector<16xf32> to vector<16xf32>
      %parallel_loop3A_662 = arith.index_cast %parallel_loop3A_658 : i32 to index
      %parallel_loop3A_663 = tpu.vector_load %arg9[%parallel_loop3A_662] {strides = array<i32>} : memref<4096xf32, #tpu.memory_space<vmem>>, vector<16xf32>,
      %parallel_loop3A_664 = vector.shape_cast %parallel_loop3A_663 : vector<16xf32> to vector<16xf32>
      %parallel_loop3A_665 = arith.mulf %parallel_loop3A_661, %parallel_loop3A_664 : vector<16xf32>
      %parallel_loop3A_666 = arith.constant 28672 : i32
      %parallel_loop3A_667 = arith.addi %parallel_loop3A_666, %parallel_loop3A_488 : i32
      %parallel_loop3A_668 = arith.constant 96 : i32
      %parallel_loop3A_669 = arith.addi %parallel_loop3A_667, %parallel_loop3A_668 : i32
      %parallel_loop3A_670 = arith.index_cast %parallel_loop3A_669 : i32 to index
      %parallel_loop3A_671 = tpu.vector_load %arg5[%parallel_loop3A_670] {strides = array<i32>} : memref<32768xf32, #tpu.memory_space<vmem>>, vector<16xf32>,
      %parallel_loop3A_672 = vector.shape_cast %parallel_loop3A_671 : vector<16xf32> to vector<16xf32>
      %parallel_loop3A_673 = arith.mulf %parallel_loop3A_665, %parallel_loop3A_672 : vector<16xf32>
      %parallel_loop3A_674 = math.exp %parallel_loop3A_673 : vector<16xf32>
      %parallel_loop3A_675 = arith.constant 28672 : i32
      %parallel_loop3A_676 = arith.addi %parallel_loop3A_675, %parallel_loop3A_488 : i32
      %parallel_loop3A_677 = arith.constant 96 : i32
      %parallel_loop3A_678 = arith.addi %parallel_loop3A_676, %parallel_loop3A_677 : i32
      %parallel_loop3A_679 = arith.constant 1 : i32
      %parallel_loop3A_680 = arith.addi %parallel_loop3A_678, %parallel_loop3A_679 : i32
      %parallel_loop3A_681 = arith.index_cast %parallel_loop3A_680 : i32 to index
      %parallel_loop3A_682 = tpu.vector_load %arg10[%parallel_loop3A_681] {strides = array<i32>} : memref<32769xf32, #tpu.memory_space<vmem>>, vector<16xf32>,
      %parallel_loop3A_683 = vector.shape_cast %parallel_loop3A_682 : vector<16xf32> to vector<16xf32>
      %parallel_loop3A_684 = vector.shape_cast %parallel_loop3A_674 : vector<16xf32> to vector<16xf32>
      tpu.vector_store %arg10[%parallel_loop3A_681], %parallel_loop3A_684 {strides = array<i32>} : memref<32769xf32, #tpu.memory_space<vmem>>, vector<16xf32>,
      %parallel_loop3A_685 = arith.constant 112 : i32
      %parallel_loop3A_686 = arith.addi %parallel_loop3A_488, %parallel_loop3A_685 : i32
      %parallel_loop3A_687 = arith.index_cast %parallel_loop3A_686 : i32 to index
      %parallel_loop3A_688 = tpu.vector_load %arg7[%parallel_loop3A_687] {strides = array<i32>} : memref<4096xf32, #tpu.memory_space<vmem>>, vector<16xf32>,
      %parallel_loop3A_689 = vector.shape_cast %parallel_loop3A_688 : vector<16xf32> to vector<16xf32>
      %parallel_loop3A_690 = arith.index_cast %parallel_loop3A_686 : i32 to index
      %parallel_loop3A_691 = tpu.vector_load %arg9[%parallel_loop3A_690] {strides = array<i32>} : memref<4096xf32, #tpu.memory_space<vmem>>, vector<16xf32>,
      %parallel_loop3A_692 = vector.shape_cast %parallel_loop3A_691 : vector<16xf32> to vector<16xf32>
      %parallel_loop3A_693 = arith.mulf %parallel_loop3A_689, %parallel_loop3A_692 : vector<16xf32>
      %parallel_loop3A_694 = arith.constant 28672 : i32
      %parallel_loop3A_695 = arith.addi %parallel_loop3A_694, %parallel_loop3A_488 : i32
      %parallel_loop3A_696 = arith.constant 112 : i32
      %parallel_loop3A_697 = arith.addi %parallel_loop3A_695, %parallel_loop3A_696 : i32
      %parallel_loop3A_698 = arith.index_cast %parallel_loop3A_697 : i32 to index
      %parallel_loop3A_699 = tpu.vector_load %arg5[%parallel_loop3A_698] {strides = array<i32>} : memref<32768xf32, #tpu.memory_space<vmem>>, vector<16xf32>,
      %parallel_loop3A_700 = vector.shape_cast %parallel_loop3A_699 : vector<16xf32> to vector<16xf32>
      %parallel_loop3A_701 = arith.mulf %parallel_loop3A_693, %parallel_loop3A_700 : vector<16xf32>
      %parallel_loop3A_702 = math.exp %parallel_loop3A_701 : vector<16xf32>
      %parallel_loop3A_703 = arith.constant 28672 : i32
      %parallel_loop3A_704 = arith.addi %parallel_loop3A_703, %parallel_loop3A_488 : i32
      %parallel_loop3A_705 = arith.constant 112 : i32
      %parallel_loop3A_706 = arith.addi %parallel_loop3A_704, %parallel_loop3A_705 : i32
      %parallel_loop3A_707 = arith.constant 1 : i32
      %parallel_loop3A_708 = arith.addi %parallel_loop3A_706, %parallel_loop3A_707 : i32
      %parallel_loop3A_709 = arith.index_cast %parallel_loop3A_708 : i32 to index
      %parallel_loop3A_710 = tpu.vector_load %arg10[%parallel_loop3A_709] {strides = array<i32>} : memref<32769xf32, #tpu.memory_space<vmem>>, vector<16xf32>,
      %parallel_loop3A_711 = vector.shape_cast %parallel_loop3A_710 : vector<16xf32> to vector<16xf32>
      %parallel_loop3A_712 = vector.shape_cast %parallel_loop3A_702 : vector<16xf32> to vector<16xf32>
      tpu.vector_store %arg10[%parallel_loop3A_709], %parallel_loop3A_712 {strides = array<i32>} : memref<32769xf32, #tpu.memory_space<vmem>>, vector<16xf32>,
      %parallel_loop3A_713 = arith.addf %parallel_loop3A_506, %parallel_loop3A_534 : vector<16xf32>
      %parallel_loop3A_714 = arith.addf %parallel_loop3A_562, %parallel_loop3A_590 : vector<16xf32>
      %parallel_loop3A_715 = arith.addf %parallel_loop3A_618, %parallel_loop3A_646 : vector<16xf32>
      %parallel_loop3A_716 = arith.addf %parallel_loop3A_674, %parallel_loop3A_702 : vector<16xf32>
      %parallel_loop3A_717 = arith.addf %parallel_loop3A_713, %parallel_loop3A_714 : vector<16xf32>
      %parallel_loop3A_718 = arith.addf %parallel_loop3A_715, %parallel_loop3A_716 : vector<16xf32>
      %parallel_loop3A_719 = arith.addf %parallel_loop3A_717, %parallel_loop3A_718 : vector<16xf32>
      %parallel_loop3A_720 = arith.constant 3 : i32
      %parallel_loop3A_721 = arith.shrui %parallel_loop3A_488, %parallel_loop3A_720 : i32
      %parallel_loop3A_722 = arith.constant 3584 : i32
      %parallel_loop3A_723 = arith.addi %parallel_loop3A_722, %parallel_loop3A_721 : i32
      %parallel_loop3A_724 = arith.index_cast %parallel_loop3A_723 : i32 to index
      %parallel_loop3A_725 = tpu.vector_load %arg12[%parallel_loop3A_724] {strides = array<i32>} : memref<4096xf32, #tpu.memory_space<vmem>>, vector<16xf32>,
      %parallel_loop3A_726 = vector.shape_cast %parallel_loop3A_725 : vector<16xf32> to vector<16xf32>
      %parallel_loop3A_727 = vector.shape_cast %parallel_loop3A_719 : vector<16xf32> to vector<16xf32>
      tpu.vector_store %arg12[%parallel_loop3A_724], %parallel_loop3A_727 {strides = array<i32>} : memref<4096xf32, #tpu.memory_space<vmem>>, vector<16xf32>,
    } {sc.loop_unroll_factor = 1 : i64, sc.parallel_access}
    %broadcast_in_dim3A = arith.constant 0.000000e+00 : f32
    %broadcast_in_dim3A_378 = vector.broadcast %broadcast_in_dim3A : f32 to vector<16xf32>
    %parallel_loop3A_379 = arith.constant 0 : i32
    %parallel_loop3A_380 = arith.constant 4096 : i32
    %parallel_loop3A_381 = arith.constant 16 : i32
    %parallel_loop3A_382 = scf.for %parallel_loop3A_488 = %parallel_loop3A_379 to %parallel_loop3A_380 step %parallel_loop3A_381 iter_args(%parallel_loop3A_489 = %broadcast_in_dim3A_378) -> (vector<16xf32>)  : i32 {
      %parallel_loop3A_490 = arith.index_cast %parallel_loop3A_488 : i32 to index
      %parallel_loop3A_491 = tpu.vector_load %arg12[%parallel_loop3A_490] {strides = array<i32>} : memref<4096xf32, #tpu.memory_space<vmem>>, vector<16xf32>,
      %parallel_loop3A_492 = vector.shape_cast %parallel_loop3A_491 : vector<16xf32> to vector<16xf32>
      %parallel_loop3A_493 = arith.addf %parallel_loop3A_489, %parallel_loop3A_492 : vector<16xf32>
      scf.yield %parallel_loop3A_493 : vector<16xf32>
    } {sc.loop_unroll_factor = 1 : i64, sc.parallel_access}
    %broadcast_in_dim3A_383 = arith.constant 2.71828175 : f32
    %broadcast_in_dim3A_384 = vector.broadcast %broadcast_in_dim3A_383 : f32 to vector<16xf32>
    %iota3A = tpu.iota {dimensions = array<i32: 0>} : vector<16xi32>
    %add3A_385 = arith.constant 8 : i32
    %add3A_386 = vector.broadcast %add3A_385 : i32 to vector<16xi32>
    %add3A_387 = arith.addi %iota3A, %add3A_386 : vector<16xi32>
    %and3A = arith.constant 15 : i32
    %and3A_388 = vector.broadcast %and3A : i32 to vector<16xi32>
    %and3A_389 = arith.andi %add3A_387, %and3A_388 : vector<16xi32>
    %lt3A = arith.constant 0 : i32
    %lt3A_390 = vector.broadcast %lt3A : i32 to vector<16xi32>
    %lt3A_391 = arith.cmpi slt, %and3A_389, %lt3A_390 : vector<16xi32>
    %add3A_392 = arith.constant 16 : i32
    %add3A_393 = vector.broadcast %add3A_392 : i32 to vector<16xi32>
    %add3A_394 = arith.addi %and3A_389, %add3A_393 : vector<16xi32>
    %select_n3A = arith.select %lt3A_391, %add3A_394, %and3A_389 : vector<16xi1>, vector<16xi32>
    %broadcast_in_dim3A_395 = vector.shape_cast %select_n3A : vector<16xi32> to vector<16x1xi32>
    %gather3A = vector.shape_cast %broadcast_in_dim3A_395 : vector<16x1xi32> to vector<16xi32>
    %gather3A_396 = tpu.dynamic_gather %parallel_loop3A_382[%gather3A] in [0] : vector<16xf32>, vector<16xi32> -> vector<16xf32>
    %add3A_397 = arith.addf %parallel_loop3A_382, %gather3A_396 : vector<16xf32>
    %iota3A_398 = tpu.iota {dimensions = array<i32: 0>} : vector<16xi32>
    %add3A_399 = arith.constant 4 : i32
    %add3A_400 = vector.broadcast %add3A_399 : i32 to vector<16xi32>
    %add3A_401 = arith.addi %iota3A_398, %add3A_400 : vector<16xi32>
    %and3A_402 = arith.constant 15 : i32
    %and3A_403 = vector.broadcast %and3A_402 : i32 to vector<16xi32>
    %and3A_404 = arith.andi %add3A_401, %and3A_403 : vector<16xi32>
    %lt3A_405 = arith.constant 0 : i32
    %lt3A_406 = vector.broadcast %lt3A_405 : i32 to vector<16xi32>
    %lt3A_407 = arith.cmpi slt, %and3A_404, %lt3A_406 : vector<16xi32>
    %add3A_408 = arith.constant 16 : i32
    %add3A_409 = vector.broadcast %add3A_408 : i32 to vector<16xi32>
    %add3A_410 = arith.addi %and3A_404, %add3A_409 : vector<16xi32>
    %select_n3A_411 = arith.select %lt3A_407, %add3A_410, %and3A_404 : vector<16xi1>, vector<16xi32>
    %broadcast_in_dim3A_412 = vector.shape_cast %select_n3A_411 : vector<16xi32> to vector<16x1xi32>
    %gather3A_413 = vector.shape_cast %broadcast_in_dim3A_412 : vector<16x1xi32> to vector<16xi32>
    %gather3A_414 = tpu.dynamic_gather %add3A_397[%gather3A_413] in [0] : vector<16xf32>, vector<16xi32> -> vector<16xf32>
    %add3A_415 = arith.addf %add3A_397, %gather3A_414 : vector<16xf32>
    %iota3A_416 = tpu.iota {dimensions = array<i32: 0>} : vector<16xi32>
    %add3A_417 = arith.constant 2 : i32
    %add3A_418 = vector.broadcast %add3A_417 : i32 to vector<16xi32>
    %add3A_419 = arith.addi %iota3A_416, %add3A_418 : vector<16xi32>
    %and3A_420 = arith.constant 15 : i32
    %and3A_421 = vector.broadcast %and3A_420 : i32 to vector<16xi32>
    %and3A_422 = arith.andi %add3A_419, %and3A_421 : vector<16xi32>
    %lt3A_423 = arith.constant 0 : i32
    %lt3A_424 = vector.broadcast %lt3A_423 : i32 to vector<16xi32>
    %lt3A_425 = arith.cmpi slt, %and3A_422, %lt3A_424 : vector<16xi32>
    %add3A_426 = arith.constant 16 : i32
    %add3A_427 = vector.broadcast %add3A_426 : i32 to vector<16xi32>
    %add3A_428 = arith.addi %and3A_422, %add3A_427 : vector<16xi32>
    %select_n3A_429 = arith.select %lt3A_425, %add3A_428, %and3A_422 : vector<16xi1>, vector<16xi32>
    %broadcast_in_dim3A_430 = vector.shape_cast %select_n3A_429 : vector<16xi32> to vector<16x1xi32>
    %gather3A_431 = vector.shape_cast %broadcast_in_dim3A_430 : vector<16x1xi32> to vector<16xi32>
    %gather3A_432 = tpu.dynamic_gather %add3A_415[%gather3A_431] in [0] : vector<16xf32>, vector<16xi32> -> vector<16xf32>
    %add3A_433 = arith.addf %add3A_415, %gather3A_432 : vector<16xf32>
    %iota3A_434 = tpu.iota {dimensions = array<i32: 0>} : vector<16xi32>
    %add3A_435 = arith.constant 1 : i32
    %add3A_436 = vector.broadcast %add3A_435 : i32 to vector<16xi32>
    %add3A_437 = arith.addi %iota3A_434, %add3A_436 : vector<16xi32>
    %and3A_438 = arith.constant 15 : i32
    %and3A_439 = vector.broadcast %and3A_438 : i32 to vector<16xi32>
    %and3A_440 = arith.andi %add3A_437, %and3A_439 : vector<16xi32>
    %lt3A_441 = arith.constant 0 : i32
    %lt3A_442 = vector.broadcast %lt3A_441 : i32 to vector<16xi32>
    %lt3A_443 = arith.cmpi slt, %and3A_440, %lt3A_442 : vector<16xi32>
    %add3A_444 = arith.constant 16 : i32
    %add3A_445 = vector.broadcast %add3A_444 : i32 to vector<16xi32>
    %add3A_446 = arith.addi %and3A_440, %add3A_445 : vector<16xi32>
    %select_n3A_447 = arith.select %lt3A_443, %add3A_446, %and3A_440 : vector<16xi1>, vector<16xi32>
    %broadcast_in_dim3A_448 = vector.shape_cast %select_n3A_447 : vector<16xi32> to vector<16x1xi32>
    %gather3A_449 = vector.shape_cast %broadcast_in_dim3A_448 : vector<16x1xi32> to vector<16xi32>
    %gather3A_450 = tpu.dynamic_gather %add3A_433[%gather3A_449] in [0] : vector<16xf32>, vector<16xi32> -> vector<16xf32>
    %add3A_451 = arith.addf %add3A_433, %gather3A_450 : vector<16xf32>
    %add3A_452 = arith.addf %add3A_451, %broadcast_in_dim3A_384 : vector<16xf32>
    %broadcast_in_dim3A_453 = arith.constant 1.000000e+00 : f32
    %broadcast_in_dim3A_454 = vector.broadcast %broadcast_in_dim3A_453 : f32 to vector<16xf32>
    %div3A = arith.divf %broadcast_in_dim3A_454, %add3A_452 : vector<16xf32>
    %parallel_loop3A_455 = arith.constant 0 : i32
    %parallel_loop3A_456 = arith.constant 32768 : i32
    %parallel_loop3A_457 = arith.constant 128 : i32
    scf.for %parallel_loop3A_488 = %parallel_loop3A_455 to %parallel_loop3A_456 step %parallel_loop3A_457  : i32 {
      %parallel_loop3A_489 = arith.constant 0 : i32
      %parallel_loop3A_490 = arith.addi %parallel_loop3A_488, %parallel_loop3A_489 : i32
      %parallel_loop3A_491 = arith.constant 1 : i32
      %parallel_loop3A_492 = arith.addi %parallel_loop3A_490, %parallel_loop3A_491 : i32
      %parallel_loop3A_493 = arith.index_cast %parallel_loop3A_492 : i32 to index
      %parallel_loop3A_494 = tpu.vector_load %arg10[%parallel_loop3A_493] {strides = array<i32>} : memref<32769xf32, #tpu.memory_space<vmem>>, vector<16xf32>,
      %parallel_loop3A_495 = vector.shape_cast %parallel_loop3A_494 : vector<16xf32> to vector<16xf32>
      %parallel_loop3A_496 = arith.mulf %parallel_loop3A_495, %div3A : vector<16xf32>
      %parallel_loop3A_497 = arith.index_cast %parallel_loop3A_492 : i32 to index
      %parallel_loop3A_498 = tpu.vector_load %arg10[%parallel_loop3A_497] {strides = array<i32>} : memref<32769xf32, #tpu.memory_space<vmem>>, vector<16xf32>,
      %parallel_loop3A_499 = vector.shape_cast %parallel_loop3A_498 : vector<16xf32> to vector<16xf32>
      %parallel_loop3A_500 = vector.shape_cast %parallel_loop3A_496 : vector<16xf32> to vector<16xf32>
      tpu.vector_store %arg10[%parallel_loop3A_497], %parallel_loop3A_500 {strides = array<i32>} : memref<32769xf32, #tpu.memory_space<vmem>>, vector<16xf32>,
      %parallel_loop3A_501 = arith.constant 16 : i32
      %parallel_loop3A_502 = arith.addi %parallel_loop3A_488, %parallel_loop3A_501 : i32
      %parallel_loop3A_503 = arith.constant 1 : i32
      %parallel_loop3A_504 = arith.addi %parallel_loop3A_502, %parallel_loop3A_503 : i32
      %parallel_loop3A_505 = arith.index_cast %parallel_loop3A_504 : i32 to index
      %parallel_loop3A_506 = tpu.vector_load %arg10[%parallel_loop3A_505] {strides = array<i32>} : memref<32769xf32, #tpu.memory_space<vmem>>, vector<16xf32>,
      %parallel_loop3A_507 = vector.shape_cast %parallel_loop3A_506 : vector<16xf32> to vector<16xf32>
      %parallel_loop3A_508 = arith.mulf %parallel_loop3A_507, %div3A : vector<16xf32>
      %parallel_loop3A_509 = arith.index_cast %parallel_loop3A_504 : i32 to index
      %parallel_loop3A_510 = tpu.vector_load %arg10[%parallel_loop3A_509] {strides = array<i32>} : memref<32769xf32, #tpu.memory_space<vmem>>, vector<16xf32>,
      %parallel_loop3A_511 = vector.shape_cast %parallel_loop3A_510 : vector<16xf32> to vector<16xf32>
      %parallel_loop3A_512 = vector.shape_cast %parallel_loop3A_508 : vector<16xf32> to vector<16xf32>
      tpu.vector_store %arg10[%parallel_loop3A_509], %parallel_loop3A_512 {strides = array<i32>} : memref<32769xf32, #tpu.memory_space<vmem>>, vector<16xf32>,
      %parallel_loop3A_513 = arith.constant 32 : i32
      %parallel_loop3A_514 = arith.addi %parallel_loop3A_488, %parallel_loop3A_513 : i32
      %parallel_loop3A_515 = arith.constant 1 : i32
      %parallel_loop3A_516 = arith.addi %parallel_loop3A_514, %parallel_loop3A_515 : i32
      %parallel_loop3A_517 = arith.index_cast %parallel_loop3A_516 : i32 to index
      %parallel_loop3A_518 = tpu.vector_load %arg10[%parallel_loop3A_517] {strides = array<i32>} : memref<32769xf32, #tpu.memory_space<vmem>>, vector<16xf32>,
      %parallel_loop3A_519 = vector.shape_cast %parallel_loop3A_518 : vector<16xf32> to vector<16xf32>
      %parallel_loop3A_520 = arith.mulf %parallel_loop3A_519, %div3A : vector<16xf32>
      %parallel_loop3A_521 = arith.index_cast %parallel_loop3A_516 : i32 to index
      %parallel_loop3A_522 = tpu.vector_load %arg10[%parallel_loop3A_521] {strides = array<i32>} : memref<32769xf32, #tpu.memory_space<vmem>>, vector<16xf32>,
      %parallel_loop3A_523 = vector.shape_cast %parallel_loop3A_522 : vector<16xf32> to vector<16xf32>
      %parallel_loop3A_524 = vector.shape_cast %parallel_loop3A_520 : vector<16xf32> to vector<16xf32>
      tpu.vector_store %arg10[%parallel_loop3A_521], %parallel_loop3A_524 {strides = array<i32>} : memref<32769xf32, #tpu.memory_space<vmem>>, vector<16xf32>,
      %parallel_loop3A_525 = arith.constant 48 : i32
      %parallel_loop3A_526 = arith.addi %parallel_loop3A_488, %parallel_loop3A_525 : i32
      %parallel_loop3A_527 = arith.constant 1 : i32
      %parallel_loop3A_528 = arith.addi %parallel_loop3A_526, %parallel_loop3A_527 : i32
      %parallel_loop3A_529 = arith.index_cast %parallel_loop3A_528 : i32 to index
      %parallel_loop3A_530 = tpu.vector_load %arg10[%parallel_loop3A_529] {strides = array<i32>} : memref<32769xf32, #tpu.memory_space<vmem>>, vector<16xf32>,
      %parallel_loop3A_531 = vector.shape_cast %parallel_loop3A_530 : vector<16xf32> to vector<16xf32>
      %parallel_loop3A_532 = arith.mulf %parallel_loop3A_531, %div3A : vector<16xf32>
      %parallel_loop3A_533 = arith.index_cast %parallel_loop3A_528 : i32 to index
      %parallel_loop3A_534 = tpu.vector_load %arg10[%parallel_loop3A_533] {strides = array<i32>} : memref<32769xf32, #tpu.memory_space<vmem>>, vector<16xf32>,
      %parallel_loop3A_535 = vector.shape_cast %parallel_loop3A_534 : vector<16xf32> to vector<16xf32>
      %parallel_loop3A_536 = vector.shape_cast %parallel_loop3A_532 : vector<16xf32> to vector<16xf32>
      tpu.vector_store %arg10[%parallel_loop3A_533], %parallel_loop3A_536 {strides = array<i32>} : memref<32769xf32, #tpu.memory_space<vmem>>, vector<16xf32>,
      %parallel_loop3A_537 = arith.constant 64 : i32
      %parallel_loop3A_538 = arith.addi %parallel_loop3A_488, %parallel_loop3A_537 : i32
      %parallel_loop3A_539 = arith.constant 1 : i32
      %parallel_loop3A_540 = arith.addi %parallel_loop3A_538, %parallel_loop3A_539 : i32
      %parallel_loop3A_541 = arith.index_cast %parallel_loop3A_540 : i32 to index
      %parallel_loop3A_542 = tpu.vector_load %arg10[%parallel_loop3A_541] {strides = array<i32>} : memref<32769xf32, #tpu.memory_space<vmem>>, vector<16xf32>,
      %parallel_loop3A_543 = vector.shape_cast %parallel_loop3A_542 : vector<16xf32> to vector<16xf32>
      %parallel_loop3A_544 = arith.mulf %parallel_loop3A_543, %div3A : vector<16xf32>
      %parallel_loop3A_545 = arith.index_cast %parallel_loop3A_540 : i32 to index
      %parallel_loop3A_546 = tpu.vector_load %arg10[%parallel_loop3A_545] {strides = array<i32>} : memref<32769xf32, #tpu.memory_space<vmem>>, vector<16xf32>,
      %parallel_loop3A_547 = vector.shape_cast %parallel_loop3A_546 : vector<16xf32> to vector<16xf32>
      %parallel_loop3A_548 = vector.shape_cast %parallel_loop3A_544 : vector<16xf32> to vector<16xf32>
      tpu.vector_store %arg10[%parallel_loop3A_545], %parallel_loop3A_548 {strides = array<i32>} : memref<32769xf32, #tpu.memory_space<vmem>>, vector<16xf32>,
      %parallel_loop3A_549 = arith.constant 80 : i32
      %parallel_loop3A_550 = arith.addi %parallel_loop3A_488, %parallel_loop3A_549 : i32
      %parallel_loop3A_551 = arith.constant 1 : i32
      %parallel_loop3A_552 = arith.addi %parallel_loop3A_550, %parallel_loop3A_551 : i32
      %parallel_loop3A_553 = arith.index_cast %parallel_loop3A_552 : i32 to index
      %parallel_loop3A_554 = tpu.vector_load %arg10[%parallel_loop3A_553] {strides = array<i32>} : memref<32769xf32, #tpu.memory_space<vmem>>, vector<16xf32>,
      %parallel_loop3A_555 = vector.shape_cast %parallel_loop3A_554 : vector<16xf32> to vector<16xf32>
      %parallel_loop3A_556 = arith.mulf %parallel_loop3A_555, %div3A : vector<16xf32>
      %parallel_loop3A_557 = arith.index_cast %parallel_loop3A_552 : i32 to index
      %parallel_loop3A_558 = tpu.vector_load %arg10[%parallel_loop3A_557] {strides = array<i32>} : memref<32769xf32, #tpu.memory_space<vmem>>, vector<16xf32>,
      %parallel_loop3A_559 = vector.shape_cast %parallel_loop3A_558 : vector<16xf32> to vector<16xf32>
      %parallel_loop3A_560 = vector.shape_cast %parallel_loop3A_556 : vector<16xf32> to vector<16xf32>
      tpu.vector_store %arg10[%parallel_loop3A_557], %parallel_loop3A_560 {strides = array<i32>} : memref<32769xf32, #tpu.memory_space<vmem>>, vector<16xf32>,
      %parallel_loop3A_561 = arith.constant 96 : i32
      %parallel_loop3A_562 = arith.addi %parallel_loop3A_488, %parallel_loop3A_561 : i32
      %parallel_loop3A_563 = arith.constant 1 : i32
      %parallel_loop3A_564 = arith.addi %parallel_loop3A_562, %parallel_loop3A_563 : i32
      %parallel_loop3A_565 = arith.index_cast %parallel_loop3A_564 : i32 to index
      %parallel_loop3A_566 = tpu.vector_load %arg10[%parallel_loop3A_565] {strides = array<i32>} : memref<32769xf32, #tpu.memory_space<vmem>>, vector<16xf32>,
      %parallel_loop3A_567 = vector.shape_cast %parallel_loop3A_566 : vector<16xf32> to vector<16xf32>
      %parallel_loop3A_568 = arith.mulf %parallel_loop3A_567, %div3A : vector<16xf32>
      %parallel_loop3A_569 = arith.index_cast %parallel_loop3A_564 : i32 to index
      %parallel_loop3A_570 = tpu.vector_load %arg10[%parallel_loop3A_569] {strides = array<i32>} : memref<32769xf32, #tpu.memory_space<vmem>>, vector<16xf32>,
      %parallel_loop3A_571 = vector.shape_cast %parallel_loop3A_570 : vector<16xf32> to vector<16xf32>
      %parallel_loop3A_572 = vector.shape_cast %parallel_loop3A_568 : vector<16xf32> to vector<16xf32>
      tpu.vector_store %arg10[%parallel_loop3A_569], %parallel_loop3A_572 {strides = array<i32>} : memref<32769xf32, #tpu.memory_space<vmem>>, vector<16xf32>,
      %parallel_loop3A_573 = arith.constant 112 : i32
      %parallel_loop3A_574 = arith.addi %parallel_loop3A_488, %parallel_loop3A_573 : i32
      %parallel_loop3A_575 = arith.constant 1 : i32
      %parallel_loop3A_576 = arith.addi %parallel_loop3A_574, %parallel_loop3A_575 : i32
      %parallel_loop3A_577 = arith.index_cast %parallel_loop3A_576 : i32 to index
      %parallel_loop3A_578 = tpu.vector_load %arg10[%parallel_loop3A_577] {strides = array<i32>} : memref<32769xf32, #tpu.memory_space<vmem>>, vector<16xf32>,
      %parallel_loop3A_579 = vector.shape_cast %parallel_loop3A_578 : vector<16xf32> to vector<16xf32>
      %parallel_loop3A_580 = arith.mulf %parallel_loop3A_579, %div3A : vector<16xf32>
      %parallel_loop3A_581 = arith.index_cast %parallel_loop3A_576 : i32 to index
      %parallel_loop3A_582 = tpu.vector_load %arg10[%parallel_loop3A_581] {strides = array<i32>} : memref<32769xf32, #tpu.memory_space<vmem>>, vector<16xf32>,
      %parallel_loop3A_583 = vector.shape_cast %parallel_loop3A_582 : vector<16xf32> to vector<16xf32>
      %parallel_loop3A_584 = vector.shape_cast %parallel_loop3A_580 : vector<16xf32> to vector<16xf32>
      tpu.vector_store %arg10[%parallel_loop3A_581], %parallel_loop3A_584 {strides = array<i32>} : memref<32769xf32, #tpu.memory_space<vmem>>, vector<16xf32>,
    } {sc.loop_unroll_factor = 1 : i64, sc.parallel_access}
    %get3A = arith.constant 0 : index
    %get3A_458 = tpu.vector_load %arg10[%get3A] {strides = array<i32>} : memref<32769xf32, #tpu.memory_space<vmem>>, vector<16xf32>,
    %get3A_459 = vector.shape_cast %get3A_458 : vector<16xf32> to vector<16xf32>
    %iota3A_460 = tpu.iota {dimensions = array<i32: 0>} : vector<16xi32>
    %eq3A = arith.constant 0 : i32
    %eq3A_461 = vector.broadcast %eq3A : i32 to vector<16xi32>
    %eq3A_462 = arith.cmpi eq, %iota3A_460, %eq3A_461 : vector<16xi32>
    %mul3A_463 = arith.mulf %broadcast_in_dim3A_384, %div3A : vector<16xf32>
    %select_n3A_464 = arith.select %eq3A_462, %mul3A_463, %get3A_459 : vector<16xi1>, vector<16xf32>
    %swap3A = arith.constant 0 : index
    %swap3A_465 = tpu.vector_load %arg10[%swap3A] {strides = array<i32>} : memref<32769xf32, #tpu.memory_space<vmem>>, vector<16xf32>,
    %swap3A_466 = vector.shape_cast %swap3A_465 : vector<16xf32> to vector<16xf32>
    %swap3A_467 = vector.shape_cast %select_n3A_464 : vector<16xf32> to vector<16xf32>
    tpu.vector_store %arg10[%swap3A], %swap3A_467 {strides = array<i32>} : memref<32769xf32, #tpu.memory_space<vmem>>, vector<16xf32>,
    %dma_start3A_468 = arith.constant 0 : i32
    %dma_start3A_469 = arith.constant 0 : i32
    %dma_start3A_470 = tpu.memref_slice %arg4[%add3A_25, %dma_start3A_469] : memref<32x32769xf32, #tpu.memory_space<hbm>> -> memref<1x32769xf32, #tpu.memory_space<hbm>>
    %dma_start3A_471 = tpu.memref_squeeze %dma_start3A_470 : memref<1x32769xf32, #tpu.memory_space<hbm>> -> memref<32769xf32, #tpu.memory_space<hbm>>
    %dma_start3A_472 = tpu.memref_slice %arg15[%dma_start3A_468] : memref<2x!tpu.dma_semaphore, #tpu.memory_space<semaphore_mem>> -> memref<1x!tpu.dma_semaphore, #tpu.memory_space<semaphore_mem>>
    %dma_start3A_473 = tpu.memref_squeeze %dma_start3A_472 : memref<1x!tpu.dma_semaphore, #tpu.memory_space<semaphore_mem>> -> memref<!tpu.dma_semaphore, #tpu.memory_space<semaphore_mem>>
    %dma_start3A_474 = arith.constant 0 : i32
    %dma_start3A_475 = tpu.memref_slice %arg4[%add3A_25, %dma_start3A_474] : memref<32x32769xf32, #tpu.memory_space<hbm>> -> memref<1x32769xf32, #tpu.memory_space<hbm>>
    %dma_start3A_476 = tpu.memref_squeeze %dma_start3A_475 : memref<1x32769xf32, #tpu.memory_space<hbm>> -> memref<32769xf32, #tpu.memory_space<hbm>>
    tpu.enqueue_dma source(%arg10 : memref<32769xf32, #tpu.memory_space<vmem>>) target(%dma_start3A_476 : memref<32769xf32, #tpu.memory_space<hbm>>) target_semaphore(%dma_start3A_473 : memref<!tpu.dma_semaphore, #tpu.memory_space<semaphore_mem>>)
    %add3A_477 = arith.constant 0 : i32
    %add3A_478 = arith.addi %mul3A_2, %add3A_477 : i32
    %dma_wait3A_479 = arith.constant 0 : i32
    %dma_wait3A_480 = arith.constant 0 : i32
    %dma_wait3A_481 = tpu.memref_slice %arg4[%add3A_478, %dma_wait3A_480] : memref<32x32769xf32, #tpu.memory_space<hbm>> -> memref<1x32769xf32, #tpu.memory_space<hbm>>
    %dma_wait3A_482 = tpu.memref_squeeze %dma_wait3A_481 : memref<1x32769xf32, #tpu.memory_space<hbm>> -> memref<32769xf32, #tpu.memory_space<hbm>>
    %dma_wait3A_483 = tpu.memref_slice %arg15[%dma_wait3A_479] : memref<2x!tpu.dma_semaphore, #tpu.memory_space<semaphore_mem>> -> memref<1x!tpu.dma_semaphore, #tpu.memory_space<semaphore_mem>>
    %dma_wait3A_484 = tpu.memref_squeeze %dma_wait3A_483 : memref<1x!tpu.dma_semaphore, #tpu.memory_space<semaphore_mem>> -> memref<!tpu.dma_semaphore, #tpu.memory_space<semaphore_mem>>
    %dma_wait3A_485 = arith.constant 0 : i32
    %dma_wait3A_486 = tpu.memref_slice %arg4[%add3A_478, %dma_wait3A_485] : memref<32x32769xf32, #tpu.memory_space<hbm>> -> memref<1x32769xf32, #tpu.memory_space<hbm>>
    %dma_wait3A_487 = tpu.memref_squeeze %dma_wait3A_486 : memref<1x32769xf32, #tpu.memory_space<hbm>> -> memref<32769xf32, #tpu.memory_space<hbm>>
    tpu.wait_dma2 semaphore(%dma_wait3A_484 : memref<!tpu.dma_semaphore, #tpu.memory_space<semaphore_mem>>) src(%arg10 : memref<32769xf32, #tpu.memory_space<vmem>>) dst(%dma_wait3A_487 : memref<32769xf32, #tpu.memory_space<hbm>>)
    return
  }
}

module attributes {stable_mosaic.version = 14 : i64} {
  func.func @_tc_body(%arg0: i32, %arg1: memref<8x65536xf32, #tpu.memory_space<vmem>>, %arg2: memref<1x32768xf32, #tpu.memory_space<vmem>>, %arg3: memref<32x32769xf32, #tpu.memory_space<any>>, %arg4: memref<128x32769xf32, #tpu.memory_space<any>>, %arg5: memref<2x8x32769xf32, #tpu.memory_space<vmem>>, %arg6: memref<2x!tpu.dma_semaphore, #tpu.memory_space<semaphore_mem>>, %arg7: memref<!tpu.dma_semaphore, #tpu.memory_space<semaphore_mem>>) attributes {dimension_semantics = [#tpu.dimension_semantics<arbitrary>], iteration_bounds = array<i64: 12>, scalar_prefetch = 0 : i64, scratch_operands = 3 : i64, tpu.core_type = #tpu.core_type<tc>, window_params = [{transform_indices = @transform_0, window_bounds = array<i64: 8, 65536>}, {pipeline_mode = #tpu.pipeline_mode<synchronous>, transform_indices = @transform_1, window_bounds = array<i64: 1, 32768>}, {}, {}]} {
    %rem3A = arith.constant 2 : i32
    %rem3A_0 = arith.remsi %arg0, %rem3A : i32
    %eq3A = arith.constant 0 : i32
    %eq3A_1 = arith.cmpi eq, %arg0, %eq3A : i32
    %convert_element_type3A = arith.extui %eq3A_1 : i1 to i32
    %cond3A = arith.constant 0 : i32
    %cond3A_2 = arith.cmpi ne, %convert_element_type3A, %cond3A : i32
    scf.if %cond3A_2 {
      %dma_start3A_51 = arith.constant 96 : i32
      %dma_start3A_52 = arith.constant 0 : i32
      %dma_start3A_53 = tpu.memref_slice %arg4[%dma_start3A_51, %dma_start3A_52] : memref<128x32769xf32, #tpu.memory_space<any>> -> memref<32x32769xf32, #tpu.memory_space<any>>
      tpu.enqueue_dma source(%arg3 : memref<32x32769xf32, #tpu.memory_space<any>>) target(%dma_start3A_53 : memref<32x32769xf32, #tpu.memory_space<any>>) target_semaphore(%arg7 : memref<!tpu.dma_semaphore, #tpu.memory_space<semaphore_mem>>)
    } else {
    }
    %ge3A = arith.constant 2 : i32
    %ge3A_3 = arith.cmpi sge, %arg0, %ge3A : i32
    %convert_element_type3A_4 = arith.extui %ge3A_3 : i1 to i32
    %cond3A_5 = arith.constant 0 : i32
    %cond3A_6 = arith.cmpi ne, %convert_element_type3A_4, %cond3A_5 : i32
    scf.if %cond3A_6 {
      %sub3A_51 = arith.constant 2 : i32
      %sub3A_52 = arith.subi %arg0, %sub3A_51 : i32
      %mul3A_53 = arith.constant 8 : i32
      %mul3A_54 = arith.muli %sub3A_52, %mul3A_53 : i32
      %dma_wait3A = tpu.memref_slice %arg6[%rem3A_0] : memref<2x!tpu.dma_semaphore, #tpu.memory_space<semaphore_mem>> -> memref<1x!tpu.dma_semaphore, #tpu.memory_space<semaphore_mem>>
      %dma_wait3A_55 = tpu.memref_squeeze %dma_wait3A : memref<1x!tpu.dma_semaphore, #tpu.memory_space<semaphore_mem>> -> memref<!tpu.dma_semaphore, #tpu.memory_space<semaphore_mem>>
      %dma_wait3A_56 = arith.constant 0 : i32
      %dma_wait3A_57 = tpu.memref_slice %arg4[%mul3A_54, %dma_wait3A_56] : memref<128x32769xf32, #tpu.memory_space<any>> -> memref<8x32769xf32, #tpu.memory_space<any>>
      %dma_wait3A_58 = arith.constant 0 : i32
      %dma_wait3A_59 = arith.constant 0 : i32
      %dma_wait3A_60 = tpu.memref_slice %arg5[%rem3A_0, %dma_wait3A_58, %dma_wait3A_59] : memref<2x8x32769xf32, #tpu.memory_space<vmem>> -> memref<1x8x32769xf32, #tpu.memory_space<vmem>>
      %dma_wait3A_61 = tpu.memref_squeeze %dma_wait3A_60 : memref<1x8x32769xf32, #tpu.memory_space<vmem>> -> memref<8x32769xf32, #tpu.memory_space<vmem>>
      tpu.wait_dma2 semaphore(%dma_wait3A_55 : memref<!tpu.dma_semaphore, #tpu.memory_space<semaphore_mem>>) src(%dma_wait3A_61 : memref<8x32769xf32, #tpu.memory_space<vmem>>) dst(%dma_wait3A_57 : memref<8x32769xf32, #tpu.memory_space<any>>)
    } else {
    }
    %get3A = arith.constant 0 : index
    %get3A_7 = arith.constant 0 : index
    %get3A_8 = vector.load %arg1[%get3A, %get3A_7] : memref<8x65536xf32, #tpu.memory_space<vmem>>, vector<8x32768xf32>
    %get3A_9 = arith.constant 0 : index
    %get3A_10 = arith.constant 32768 : index
    %get3A_11 = vector.load %arg1[%get3A_9, %get3A_10] : memref<8x65536xf32, #tpu.memory_space<vmem>>, vector<8x32768xf32>
    %mul3A = arith.mulf %get3A_8, %get3A_11 : vector<8x32768xf32>
    %get3A_12 = arith.constant 0 : index
    %get3A_13 = arith.constant 0 : index
    %get3A_14 = vector.load %arg2[%get3A_12, %get3A_13] : memref<1x32768xf32, #tpu.memory_space<vmem>>, vector<1x32768xf32>
    %mul3A_15 = vector.broadcast %get3A_14 : vector<1x32768xf32> to vector<8x32768xf32>
    %mul3A_16 = arith.mulf %mul3A, %mul3A_15 : vector<8x32768xf32>
    %reduce_max3A = arith.constant dense<0xFF800000> : vector<8xf32>
    %reduce_max3A_17 = vector.multi_reduction <maximumf>, %mul3A_16, %reduce_max3A [1] : vector<8x32768xf32> to vector<8xf32>
    %broadcast_in_dim3A = vector.shape_cast %reduce_max3A_17 : vector<8xf32> to vector<8x1xf32>
    %max3A = arith.constant 1.000000e+00 : f32
    %max3A_18 = vector.broadcast %max3A : f32 to vector<8x1xf32>
    %max3A_19 = arith.maximumf %broadcast_in_dim3A, %max3A_18 : vector<8x1xf32>
    %sub3A = vector.broadcast %max3A_19 : vector<8x1xf32> to vector<8x32768xf32>
    %sub3A_20 = arith.subf %mul3A_16, %sub3A : vector<8x32768xf32>
    %exp3A = math.exp %sub3A_20 : vector<8x32768xf32>
    %sub3A_21 = arith.constant 1.000000e+00 : f32
    %sub3A_22 = vector.broadcast %sub3A_21 : f32 to vector<8x1xf32>
    %sub3A_23 = arith.subf %sub3A_22, %max3A_19 : vector<8x1xf32>
    %exp3A_24 = math.exp %sub3A_23 : vector<8x1xf32>
    %reduce_sum3A = arith.constant dense<0.000000e+00> : vector<8xf32>
    %reduce_sum3A_25 = vector.multi_reduction <add>, %exp3A, %reduce_sum3A [1] : vector<8x32768xf32> to vector<8xf32>
    %broadcast_in_dim3A_26 = vector.shape_cast %reduce_sum3A_25 : vector<8xf32> to vector<8x1xf32>
    %add3A = arith.addf %broadcast_in_dim3A_26, %exp3A_24 : vector<8x1xf32>
    %div3A = arith.constant 1.000000e+00 : f32
    %div3A_27 = vector.broadcast %div3A : f32 to vector<8x1xf32>
    %div3A_28 = arith.divf %div3A_27, %add3A : vector<8x1xf32>
    %mul3A_29 = arith.mulf %exp3A_24, %div3A_28 : vector<8x1xf32>
    %mul3A_30 = vector.broadcast %div3A_28 : vector<8x1xf32> to vector<8x32768xf32>
    %mul3A_31 = arith.mulf %exp3A, %mul3A_30 : vector<8x32768xf32>
    %concatenate3A = tpu.concatenate %mul3A_29, %mul3A_31 in 1 : vector<8x1xf32>, vector<8x32768xf32> -> vector<8x32769xf32>
    %swap3A = arith.index_cast %rem3A_0 : i32 to index
    %swap3A_32 = arith.constant 0 : index
    %swap3A_33 = arith.constant 0 : index
    %swap3A_34 = vector.load %arg5[%swap3A, %swap3A_32, %swap3A_33] : memref<2x8x32769xf32, #tpu.memory_space<vmem>>, vector<1x8x32769xf32>
    %swap3A_35 = vector.shape_cast %swap3A_34 : vector<1x8x32769xf32> to vector<8x32769xf32>
    %swap3A_36 = vector.shape_cast %concatenate3A : vector<8x32769xf32> to vector<1x8x32769xf32>
    tpu.vector_store %arg5[%swap3A, %swap3A_32, %swap3A_33], %swap3A_36 {strides = array<i32>} : memref<2x8x32769xf32, #tpu.memory_space<vmem>>, vector<1x8x32769xf32>,
    %mul3A_37 = arith.constant 8 : i32
    %mul3A_38 = arith.muli %arg0, %mul3A_37 : i32
    %dma_start3A = tpu.memref_slice %arg6[%rem3A_0] : memref<2x!tpu.dma_semaphore, #tpu.memory_space<semaphore_mem>> -> memref<1x!tpu.dma_semaphore, #tpu.memory_space<semaphore_mem>>
    %dma_start3A_39 = tpu.memref_squeeze %dma_start3A : memref<1x!tpu.dma_semaphore, #tpu.memory_space<semaphore_mem>> -> memref<!tpu.dma_semaphore, #tpu.memory_space<semaphore_mem>>
    %dma_start3A_40 = arith.constant 0 : i32
    %dma_start3A_41 = tpu.memref_slice %arg4[%mul3A_38, %dma_start3A_40] : memref<128x32769xf32, #tpu.memory_space<any>> -> memref<8x32769xf32, #tpu.memory_space<any>>
    %dma_start3A_42 = arith.constant 0 : i32
    %dma_start3A_43 = arith.constant 0 : i32
    %dma_start3A_44 = tpu.memref_slice %arg5[%rem3A_0, %dma_start3A_42, %dma_start3A_43] : memref<2x8x32769xf32, #tpu.memory_space<vmem>> -> memref<1x8x32769xf32, #tpu.memory_space<vmem>>
    %dma_start3A_45 = tpu.memref_squeeze %dma_start3A_44 : memref<1x8x32769xf32, #tpu.memory_space<vmem>> -> memref<8x32769xf32, #tpu.memory_space<vmem>>
    tpu.enqueue_dma source(%dma_start3A_45 : memref<8x32769xf32, #tpu.memory_space<vmem>>) target(%dma_start3A_41 : memref<8x32769xf32, #tpu.memory_space<any>>) target_semaphore(%dma_start3A_39 : memref<!tpu.dma_semaphore, #tpu.memory_space<semaphore_mem>>)
    %eq3A_46 = arith.constant 11 : i32
    %eq3A_47 = arith.cmpi eq, %arg0, %eq3A_46 : i32
    %convert_element_type3A_48 = arith.extui %eq3A_47 : i1 to i32
    %cond3A_49 = arith.constant 0 : i32
    %cond3A_50 = arith.cmpi ne, %convert_element_type3A_48, %cond3A_49 : i32
    scf.if %cond3A_50 {
      %sub3A_51 = arith.constant 1 : i32
      %sub3A_52 = arith.subi %arg0, %sub3A_51 : i32
      %rem3A_53 = arith.constant 2 : i32
      %rem3A_54 = arith.remsi %sub3A_52, %rem3A_53 : i32
      %sub3A_55 = arith.constant 1 : i32
      %sub3A_56 = arith.subi %arg0, %sub3A_55 : i32
      %mul3A_57 = arith.constant 8 : i32
      %mul3A_58 = arith.muli %sub3A_56, %mul3A_57 : i32
      %dma_wait3A = tpu.memref_slice %arg6[%rem3A_54] : memref<2x!tpu.dma_semaphore, #tpu.memory_space<semaphore_mem>> -> memref<1x!tpu.dma_semaphore, #tpu.memory_space<semaphore_mem>>
      %dma_wait3A_59 = tpu.memref_squeeze %dma_wait3A : memref<1x!tpu.dma_semaphore, #tpu.memory_space<semaphore_mem>> -> memref<!tpu.dma_semaphore, #tpu.memory_space<semaphore_mem>>
      %dma_wait3A_60 = arith.constant 0 : i32
      %dma_wait3A_61 = tpu.memref_slice %arg4[%mul3A_58, %dma_wait3A_60] : memref<128x32769xf32, #tpu.memory_space<any>> -> memref<8x32769xf32, #tpu.memory_space<any>>
      %dma_wait3A_62 = arith.constant 0 : i32
      %dma_wait3A_63 = arith.constant 0 : i32
      %dma_wait3A_64 = tpu.memref_slice %arg5[%rem3A_54, %dma_wait3A_62, %dma_wait3A_63] : memref<2x8x32769xf32, #tpu.memory_space<vmem>> -> memref<1x8x32769xf32, #tpu.memory_space<vmem>>
      %dma_wait3A_65 = tpu.memref_squeeze %dma_wait3A_64 : memref<1x8x32769xf32, #tpu.memory_space<vmem>> -> memref<8x32769xf32, #tpu.memory_space<vmem>>
      tpu.wait_dma2 semaphore(%dma_wait3A_59 : memref<!tpu.dma_semaphore, #tpu.memory_space<semaphore_mem>>) src(%dma_wait3A_65 : memref<8x32769xf32, #tpu.memory_space<vmem>>) dst(%dma_wait3A_61 : memref<8x32769xf32, #tpu.memory_space<any>>)
      %mul3A_66 = arith.constant 8 : i32
      %mul3A_67 = arith.muli %arg0, %mul3A_66 : i32
      %dma_wait3A_68 = tpu.memref_slice %arg6[%rem3A_0] : memref<2x!tpu.dma_semaphore, #tpu.memory_space<semaphore_mem>> -> memref<1x!tpu.dma_semaphore, #tpu.memory_space<semaphore_mem>>
      %dma_wait3A_69 = tpu.memref_squeeze %dma_wait3A_68 : memref<1x!tpu.dma_semaphore, #tpu.memory_space<semaphore_mem>> -> memref<!tpu.dma_semaphore, #tpu.memory_space<semaphore_mem>>
      %dma_wait3A_70 = arith.constant 0 : i32
      %dma_wait3A_71 = tpu.memref_slice %arg4[%mul3A_67, %dma_wait3A_70] : memref<128x32769xf32, #tpu.memory_space<any>> -> memref<8x32769xf32, #tpu.memory_space<any>>
      %dma_wait3A_72 = arith.constant 0 : i32
      %dma_wait3A_73 = arith.constant 0 : i32
      %dma_wait3A_74 = tpu.memref_slice %arg5[%rem3A_0, %dma_wait3A_72, %dma_wait3A_73] : memref<2x8x32769xf32, #tpu.memory_space<vmem>> -> memref<1x8x32769xf32, #tpu.memory_space<vmem>>
      %dma_wait3A_75 = tpu.memref_squeeze %dma_wait3A_74 : memref<1x8x32769xf32, #tpu.memory_space<vmem>> -> memref<8x32769xf32, #tpu.memory_space<vmem>>
      tpu.wait_dma2 semaphore(%dma_wait3A_69 : memref<!tpu.dma_semaphore, #tpu.memory_space<semaphore_mem>>) src(%dma_wait3A_75 : memref<8x32769xf32, #tpu.memory_space<vmem>>) dst(%dma_wait3A_71 : memref<8x32769xf32, #tpu.memory_space<any>>)
      %dma_wait3A_76 = arith.constant 96 : i32
      %dma_wait3A_77 = arith.constant 0 : i32
      %dma_wait3A_78 = tpu.memref_slice %arg4[%dma_wait3A_76, %dma_wait3A_77] : memref<128x32769xf32, #tpu.memory_space<any>> -> memref<32x32769xf32, #tpu.memory_space<any>>
      tpu.wait_dma2 semaphore(%arg7 : memref<!tpu.dma_semaphore, #tpu.memory_space<semaphore_mem>>) src(%arg3 : memref<32x32769xf32, #tpu.memory_space<any>>) dst(%dma_wait3A_78 : memref<32x32769xf32, #tpu.memory_space<any>>)
    } else {
    }
    return
  }
  func.func @transform_0(%arg0: i32) -> (i32, i32) {
    %c0_i32 = arith.constant 0 : i32
    %c0_i32_0 = arith.constant 0 : i32
    return %arg0, %c0_i32 : i32, i32
  }
  func.func @transform_1(%arg0: i32) -> (i32, i32) {
    %c0_i32 = arith.constant 0 : i32
    %c0_i32_0 = arith.constant 0 : i32
    %c0_i32_1 = arith.constant 0 : i32
    return %c0_i32, %c0_i32_0 : i32, i32
  }
}

</mosaic_0001>

<sc_bundles>
// kernel: kernel.4.cloned.1.call-start
scs
__scs_entry_jumppad:
0x0: {  	(pc) =	sbr.rel $0x88, $3  }
0x1: {  	(tag) =	ssettag $0x0;
	lr =	simm.s32 $0x1  }
0x2: {  	[smem:$0x3F9F] =	sst lr;
	_ =	strace $0xD0000000  }
0x3: {  	_ = 	snop  }
0x4: {  	_ = 	snop  }
0x5: {  	_ = 	snop  }
0x6: {  	_ = 	snop  }
0x7: {  	_ = 	snop  }
__scs_overlays_trampoline_lowered:
0x8: {  	[smem:$0x3FAE] =	sst s0  }
0x9: {  	[smem:$0x3FAF] =	sst s1  }
0xa: {  	[smem:$0x3FB0] =	sst s2  }
0xb: {  	[smem:$0x3FB1] =	sst s3  }
0xc: {  	[smem:$0x3FB2] =	sst s4  }
0xd: {  	[smem:$0x3FB3] =	sst s5  }
0xe: {  	[smem:$0x3FB4] =	sst s6  }
0xf: {  	[smem:$0x3FB5] =	sst s7  }
0x10: {  	[smem:$0x3FB6] =	sst s8  }
0x11: {  	[smem:$0x3FB7] =	sst s9;
	s0 =	simm.s32 @!p0 $0x0  }
0x12: {  	s1 =	sld [smem:$0x3F9D];
	s0 =	simm.s32 @p0 $0x1  }
0x13: {  	[smem:$0x3FB8] =	sst s0;
	s0 =	simm.s32 @!p1 $0x0  }
0x14: {  	s2 =	sld [smem:$0x3F9C];
	s0 =	simm.s32 @p1 $0x1  }
0x15: {  	[smem:$0x3FB9] =	sst s0;
	s0 =	simm.s32 @!p2 $0x0  }
0x16: {  	s3 =	sld [smem:$0x3FDB];
	s0 =	simm.s32 @p2 $0x1  }
0x17: {  	s4 =	simm.s32 $0x1BF5;
	[smem:$0x3FBB] =	sst s0  }
0x18: {  	s0 =	sld [smem:$0x3F9E];
	_ =	swait.ge [sflag:s4], $0x0  }
0x19: {  	s7 =	sld [smem:$0x3F9F]  }
0x1a: {  	s8 =	sadd.s32 $0xFFFFE003, lr  }
0x1b: {  	s9 =	sadd.s32 $0xFFFFFEF7, lr;
	s5 =	simm.s32 $0xFFFFFFFF;
	p2 =	slt.u32 s8, $0xFFFFF086  }
0x1c: {  	p1 =	slt.u32 s9, $0xF7A;
	s5 =	simm.s32 @!p2 $0x0  }
0x1d: {  	s5 =	simm.s32 @p1 $0x1;
	p0 =	seq.s32 s7, s2  }
0x1e: {  	s7 =	smul.u32 @!p0 $0xF7A, s2;
	p2 =	seq.s32 @!p0 s5, $0x0  }
0x1f: {  	s9 =	smul.u32 $0xF7A, s1;
	s8 =	simm.s32 @!p0 $0x1BF5;
	p2 =	por !p2, p0  }
0x20: {  	[sflag:s8] =	ssyncset.s32 @!p0 $0xFFFFF086;
	s6 =	sadd.s32 @!p0 s3, s7;
	s7 =	simm.s32 @!p0 $0x108  }
0x21: {  	s3 =	sadd.s32 s3, s9;
	s6 =	sadd.s32 @!p0 $0x88, s6;
	s7 =	simm.s32 @p2 $0x1082  }
0x22: {  	[simem:s7], [sflag:s8] =	dma.local @!p0 [hbm:s6], $0xF7A  }
0x23: {  	s9 =	sor.u32 $0xD0000000, s2;
	s6 =	simm.s32 $0x108;
	_ =	swait.ge @!p0 [sflag:s8], $0x0  }
0x24: {  	s3 =	sadd.s32 $0x88, s3;
	s6 =	simm.s32 @!p1 $0x1082;
	[sflag:s4] =	ssyncset.s32 $0xFFFFF086  }
0x25: {  	[simem:s6], [sflag:s4] =	dma.local [hbm:s3], $0xF7A  }
0x26: {  	[smem:$0x3F9F] =	sst s1;
	(tag) =	ssettag s2;
	_ =	strace s9  }
0x27: {  	s1 =	sld [smem:$0x3FAF]  }
0x28: {  	s2 =	sld [smem:$0x3FB0]  }
0x29: {  	s4 =	sld [smem:$0x3FB2]  }
0x2a: {  	p0 =	seq.s32 s5, $0x0;
	s5 =	sld [smem:$0x3FB3]  }
0x2b: {  	s6 =	sld [smem:$0x3FB4]  }
0x2c: {  	s7 =	sld [smem:$0x3FB5]  }
0x2d: {  	s3 =	simm.s32 $0x108;
	s8 =	sld [smem:$0x3FB6]  }
0x2e: {  	s3 =	simm.s32 @!p0 $0x1082;
	s9 =	sld [smem:$0x3FB7]  }
0x2f: {  	lr =	sadd.s32 s0, s3;
	s0 =	sld [smem:$0x3FAE]  }
0x30: {  	s3 =	sld [smem:$0x3FB1]  }
0x31: {  	[smem:$0x3FBA] =	sst s10  }
0x32: {  	s10 =	sld [smem:$0x3FB8];
	_ =	sdelay $0x3  }
0x33: {  	p0 =	seq.s32 s10, $0x1;
	s10 =	sld [smem:$0x3FBA];
	_ =	sdelay $0x3  }
0x34: {  	[smem:$0x3FBA] =	sst s10  }
0x35: {  	s10 =	sld [smem:$0x3FB9];
	_ =	sdelay $0x3  }
0x36: {  	p1 =	seq.s32 s10, $0x1;
	s10 =	sld [smem:$0x3FBA];
	_ =	sdelay $0x3  }
0x37: {  	[smem:$0x3FBA] =	sst s10  }
0x38: {  	s10 =	sld [smem:$0x3FBB]  }
0x39: {  	_ = 	snop;
	(pc) =	sbr.ind lr, $3  }
0x3a: {  	_ = 	snop  }
0x3b: {  	_ = 	snop  }
0x3c: {  	p2 =	seq.s32 s10, $0x1;
	s10 =	sld [smem:$0x3FBA]  }
0x3d: {  	_ =	shalt  }
0x3e: {  	_ =	shalt  }
0x3f: {  	_ =	shalt  }
0x40: {  	_ =	shalt  }
0x41: {  	_ =	shalt  }
0x42: {  	_ =	shalt  }
0x43: {  	_ =	shalt  }
0x44: {  	_ =	shalt  }
0x45: {  	_ =	shalt  }
0x46: {  	_ =	shalt  }
0x47: {  	_ =	shalt  }
0x48: {  	_ =	shalt  }
0x49: {  	_ =	shalt  }
0x4a: {  	_ =	shalt  }
0x4b: {  	_ =	shalt  }
0x4c: {  	_ =	shalt  }
0x4d: {  	_ =	shalt  }
0x4e: {  	_ =	shalt  }
0x4f: {  	_ =	shalt  }
0x50: {  	_ =	shalt  }
0x51: {  	_ =	shalt  }
0x52: {  	_ =	shalt  }
0x53: {  	_ =	shalt  }
0x54: {  	_ =	shalt  }
0x55: {  	_ =	shalt  }
0x56: {  	_ =	shalt  }
0x57: {  	_ =	shalt  }
0x58: {  	_ =	shalt  }
0x59: {  	_ =	shalt  }
0x5a: {  	_ =	shalt  }
0x5b: {  	_ =	shalt  }
0x5c: {  	_ =	shalt  }
0x5d: {  	_ =	shalt  }
0x5e: {  	_ =	shalt  }
0x5f: {  	_ =	shalt  }
0x60: {  	_ =	shalt  }
0x61: {  	_ =	shalt  }
0x62: {  	_ =	shalt  }
0x63: {  	_ =	shalt  }
0x64: {  	_ =	shalt  }
0x65: {  	_ =	shalt  }
0x66: {  	_ =	shalt  }
0x67: {  	_ =	shalt  }
0x68: {  	_ =	shalt  }
0x69: {  	_ =	shalt  }
0x6a: {  	_ =	shalt  }
0x6b: {  	_ =	shalt  }
0x6c: {  	_ =	shalt  }
0x6d: {  	_ =	shalt  }
0x6e: {  	_ =	shalt  }
0x6f: {  	_ =	shalt  }
0x70: {  	_ =	shalt  }
0x71: {  	_ =	shalt  }
0x72: {  	_ =	shalt  }
0x73: {  	_ =	shalt  }
0x74: {  	_ =	shalt  }
0x75: {  	_ =	shalt  }
0x76: {  	_ =	shalt  }
0x77: {  	_ =	shalt  }
0x78: {  	_ =	shalt  }
0x79: {  	_ =	shalt  }
0x7a: {  	_ =	shalt  }
0x7b: {  	_ =	shalt  }
0x7c: {  	_ =	shalt  }
0x7d: {  	_ =	shalt  }
0x7e: {  	_ =	shalt  }
0x7f: {  	_ =	shalt  }
0x80: {  	_ =	shalt  }
0x81: {  	_ =	shalt  }
0x82: {  	_ =	shalt  }
0x83: {  	_ =	shalt  }
0x84: {  	_ =	shalt  }
0x85: {  	_ =	shalt  }
0x86: {  	_ =	shalt  }
0x87: {  	_ =	shalt  }
.Lfunc_end0:
.L_simem_size_0:
called_computation_lowered:
.L_overlay_start_0:
0x88: {  	s2 =	sld [smem:$0x3FD9]  }
0x89: {  	s3 =	sld [smem:$0x3FFE];
	_ =	sdelay $0x1  }
0x8a: {  	s1 =	srdreg.scid  }
0x8b: {  	s0 =	sand.u32 $0x1, s1  }
0x8c: {  	s18 =	sshll.u32 s0, $0xA;
	s2 =	sadd.s32 s3, s2  }
0x8d: {  	s2 =	sadd.s32 s2, s18  }
0x8e: {  	[smem:$0x3FC6] =	sst s2  }
0x8f: {  	_ = 	snop  }
0x90: {  	s2 =	sld [smem:$0x3FC9]  }
0x91: {  	s19 =	sld [smem:$0x3FC8]  }
0x92: {  	s4 =	sld [smem:$0x3FD0];
	(tm) =	ssettm $0x1  }
0x93: {  	s5 =	sld [smem:$0x3FFB];
	_ =	sdelay $0x3  }
0x94: {  	_ =	strace s5  }
0x95: {  	s5 =	sld [smem:$0x3FFC];
	_ =	sdelay $0x3  }
0x96: {  	_ =	strace s5  }
0x97: {  	s5 =	sld [smem:$0x3FFD];
	_ =	sdelay $0x3  }
0x98: {  	_ =	strace s5  }
0x99: {  	_ =	strace $0x8FFFFFFF  }
0x9a: {  	s20 =	sld [smem:$0x3FDB];
	_ =	sdelay $0x1  }
0x9b: {  	s6 =	simm.s32 $_scs_section_size  }
0x9c: {  	s7 =	simm.s32 $_size__tile_overlayer_lowered;
	s8 =	simm.s32 $_tile_overlayer_lowered  }
0x9d: {  	s23 =	simm.s32 $0x1BFF;
	s22 =	sshll.u32 s8, $0x1;
	s5 =	sadd.s32 s6, s20  }
0x9e: {  	s9 =	simm.s32 $0x0;
	s21 =	sshll.u32 s7, $0x1;
	s7 =	sadd.s32 s22, s5  }
0x9f: {  	[timem:s9], [sflag:s23] =	dma.local [hbm:s7], s21  }
0xa0: {  	_ =	swait.ge [sflag:s23], s21  }
0xa1: {  	s6 =	ssub.s32 $0x0, s21;
	[sflag:s23] =	ssyncset.done $0x0  }
0xa2: {  	[sflag:s23] =	ssyncadd.s32 s6;
	_ =	sdelay $0x1  }
0xa3: {  	s24 =	simm.s32 $0x1B8B  }
0xa4: {  	_ =	swait.ge [sflag:s24], $0x1  }
0xa5: {  	[sflag:s24] =	ssyncset.done $0x0  }
0xa6: {  	s25 =	simm.s32 $0x1B8E;
	[sflag:s24] =	ssyncadd.s32 $0xFFFFFFFF  }
0xa7: {  	s26 =	simm.s32 $execute0_lowered;
	[smem:$0x3FD2] =	sst s25  }
0xa8: {  	s6 =	sshll.u32 s26, $0x1;
	_ =	strace $0x80000046;
	[dreg:$0x1] =	wrdreg $0xFFFFFFFF  }
0xa9: {  	s28 =	simm.s32 $_size_execute0_lowered;
	s5 =	sadd.s32 s5, s6;
	[dreg:$0x0] =	wrdreg $0x0  }
0xaa: {  	s6 =	sshll.u32 s28, $0x1;
	[dreg:$0x2] =	wrdreg s5  }
0xab: {  	[dreg:$0x3] =	wrdreg s6  }
0xac: {  	[dreg:$0x4] =	wrdreg $0xC0  }
0xad: {  	_ =	task [dreg:s9], $0x5FFFF  }
0xae: {  	[dreg:$0x1] =	wrdreg $0xFFFFFFFF  }
0xaf: {  	[dreg:$0x0] =	wrdreg $0x60  }
0xb0: {  	[dreg:$0x2] =	wrdreg s2  }
0xb1: {  	[dreg:$0x3] =	wrdreg s19  }
0xb2: {  	[dreg:$0x4] =	wrdreg s4  }
0xb3: {  	[dreg:$0x5] =	wrdreg $0x9  }
0xb4: {  	_ =	task.clear_ibuf [dreg:s9], $0x6FFFF;
	_ =	strace $0x90000046  }
0xb5: {  	s29 =	simm.s32 $0x9;
	_ =	strace $0x80000048  }
0xb6: {  	_ =	swait.ge [sflag:s29], $0x1  }
0xb7: {  	[sflag:s29] =	ssyncadd.s32 $0xFFFFFFFF  }
0xb8: {  	_ =	strace $0x90000048  }
0xb9: {  	_ =	sfence  }
0xba: {  	s30 =	sld [smem:$0x0];
	_ =	sdelay $0x2  }
0xbb: {  	s31 =	sshll.u32 s1, $0xD;
	s1 =	sshrl.u32 s1, $0x2  }
0xbc: {  	s3 =	sand.u32 $0x4000, s31;
	s1 =	sadd.s32 s1, s30  }
0xbd: {  	s0 =	sor.u32 s3, s0;
	s1 =	sshll.u32 s1, $0x11  }
0xbe: {  	s0 =	sor.u32 s1, s0  }
0xbf: {  	s0 =	sadd.s32 $0x8F2B, s0  }
0xc0: {  	[sflag:s0] =	ssyncadd.remote.s32 $0x1  }
0xc1: {  	_ =	sfence.sel $0xFFFF  }
0xc2: {  	[dreg:$0x0] =	wrdreg $0xFFFFFFFF;
	(pc) =	sbr.abs _section_cstart, $3  }
0xc3: {  	[dreg:$0x1] =	wrdreg $0xFFFFFFFF  }
0xc4: {  	_ =	task.clear_ibuf [dreg:s9], $0x2FFFF;
	_ =	strace $0x9FFFFFFF  }
0xc5: {  	(tm) =	ssettm $0x7FFFFFFF  }
tec
execute0_lowered:
.L_overlay_start_1:
0x0: {  	(tag) =	ssettag $0x1  }
0x1: {  	s1 =	srdreg.scid;
	s7 =	stileid.u32  }
0x2: {  	s0 =	rddreg [dreg:$0x0];
	s1 =	sand.u32 $0x1, s1;
	s3 =	sshll.u32 s7, $0x8  }
0x3: {  	s4 =	sshll.u32 s7, $0x11;
	s5 =	sshll.u32 s1, $0x7;
	s3 =	sand.u32 $0x300, s3  }
0x4: {  	s6 =	sand.u32 $0x180000, s4;
	s1 =	ssub.s32 $0x2, s1;
	s3 =	sor.u32 s5, s3  }
0x5: {  	s2 =	rddreg [dreg:$0x2];
	s12 =	sshrl.u32 s1, $0x1;
	s5 =	sor.u32 s6, s3  }
0x6: {  	s8 =	simm.s32 $0x0;
	s1 =	ssub.s32 s1, s12;
	s5 =	sshrl.u32 s5, $0x3  }
0x7: {  	[smem:$0x7FF] =	sst s8;
	s31 =	smax.u32 s1, $0x1;
	s5 =	sadd.s32 s5, s0  }
0x8: {  	_ =	strace $0x80000047;
	[smem:$0x7FD] =	sst s31;
	s13 =	sadd.s32 $0xC0000, s5  }
0x9: {  	s14 =	sadd.s32 $0xC8000, s5;
	[smem:$0x7EC] =	sst s13  }
0xa: {  	s10 =	simm.s32 $0x3;
	s15 =	sadd.s32 $0xC1000, s5;
	[smem:$0x7ED] =	sst s14  }
0xb: {  	s11 =	simm.s32 $0x9000;
	s16 =	sadd.s32 $0xC9000, s5;
	[smem:$0x7EE] =	sst s15  }
0xc: {  	s22 =	sshrl.u32 s7, $0x2;
	s17 =	sadd.s32 $0xC2000, s5;
	[smem:$0x7EF] =	sst s16  }
0xd: {  	v0 =	vimm.s32 $0xFEDCBA98;
	s8 =	simm.s32 $0x400;
	s18 =	sadd.s32 $0xCA000, s5;
	[smem:$0x7F0] =	sst s17  }
0xe: {  	v1 =	vimm.s32 $0x76543210;
	v2 =	vimm.s32 $0x3210FEDC;
	s4 =	sor.u32 s4, s3;
	s19 =	sadd.s32 $0xC3000, s5;
	[smem:$0x7F1] =	sst s18  }
0xf: {  	v3 =	vimm.s32 $0xBA987654;
	s6 =	smul.u32 $0x40400, s22;
	s20 =	sadd.s32 $0xCB000, s5;
	[smem:$0x7F2] =	sst s19  }
0x10: {  	v4 =	vimm.s32 $0x10FEDCBA;
	s12 =	simm.s32 $0xB000;
	s21 =	sadd.s32 $0xC4000, s5;
	[smem:$0x7F3] =	sst s20  }
0x11: {  	v5 =	vimm.s32 $0x98765432;
	v6 =	vimm.s32 $0xFEDCBA9;
	s4 =	sshrl.u32 s4, $0x3;
	s24 =	sadd.s32 $0xC5000, s5;
	[smem:$0x7F4] =	sst s21  }
0x12: {  	v7 =	vimm.s32 $0x87654321;
	v0 =	vunpack.c.l.s4.s8 v0;
	v1 =	vunpack.c.l.s4.s8 v1;
	s23 =	sor.u32 $0xCC000, s4;
	s9 =	sadd.s32 $0xC6000, s5;
	[smem:$0x7F5] =	sst s24  }
0x13: {  	v2 =	vunpack.c.l.s4.s8 v2;
	v3 =	vunpack.c.l.s4.s8 v3;
	v4 =	vunpack.c.l.s4.s8 v4;
	s25 =	sor.u32 $0xCD000, s4;
	s7 =	sadd.s32 s0, s23;
	[smem:$0x7F6] =	sst s9  }
0x14: {  	v5 =	vunpack.c.l.s4.s8 v5;
	v6 =	vunpack.c.l.s4.s8 v6;
	v7 =	vunpack.c.l.s4.s8 v7;
	s26 =	sor.u32 $0xCE000, s4;
	s28 =	sadd.s32 s0, s25;
	[smem:$0x7F7] =	sst s7  }
0x15: {  	v0 =	vunpack.c.0.s8.s32 v0;
	v1 =	vunpack.c.0.s8.s32 v1;
	v2 =	vunpack.c.0.s8.s32 v2;
	s3 =	sor.u32 s6, s3;
	s5 =	sadd.s32 $0xC7000, s5;
	[smem:$0x7F8] =	sst s28  }
0x16: {  	v3 =	vunpack.c.0.s8.s32 v3;
	v4 =	vunpack.c.0.s8.s32 v4;
	v5 =	vunpack.c.0.s8.s32 v5;
	s4 =	sor.u32 $0xCF000, s4;
	s29 =	sadd.s32 s0, s26;
	[smem:$0x7F9] =	sst s5  }
0x17: {  	v6 =	vunpack.c.0.s8.s32 v6;
	v7 =	vunpack.c.0.s8.s32 v7;
	v0 =	vand.u32 $0xF, v0;
	s3 =	sshrl.u32 s3, $0x3;
	s0 =	sadd.s32 s0, s4;
	[smem:$0x7FA] =	sst s29  }
0x18: {  	v0 =	vcombine.low v0, v1;
	v1 =	vcombine.low v3, v2;
	[smem:$0x7FB] =	sst s0;
	s30 =	sadd.s32 s2, s3;
	s7 =	simm.s32 $0x80  }
0x19: {  	vm0 =	vmmov $0x1;
	v2 =	vcombine.low v5, v4;
	v3 =	vcombine.low v7, v6;
	s9 =	simm.s32 $0x1;
	s2 =	simm.s32 $0x0;
	[smem:$0x7FC] =	sst s30  }
.LBB2_1:
0x1a: {  	s0 =	sld [smem:$0x7EC];
	_ =	sdelay $0x1  }
0x1b: {  	s1 =	simm.s32 $0x8000;
	s22 =	sld [smem:$0x7ED]  }
0x1c: {  	[tilespmem:s1], [sflag:$0x1] =	stream.strided.gather [hbm4b:s0+s7], $0x1000, s8, s7, $0x38;
	[tilespmem:$0x15080] =	vst v63  }
0x1d: {  	[smem:$0x7E6] =	sst s2;
	s23 =	simm.s32 $0xA000  }
0x1e: {  	[tilespmem:s23], [sflag:$0x3] =	stream.strided.gather [hbm4b:s22+s7], $0x1000, s8, s7, $0x38;
	[tilespmem:$0x15080] =	vst v63  }
0x1f: {  	s24 =	rddreg [dreg:$0x1];
	s25 =	simm.s32 $0x0;
	s26 =	simm.s32 $0x7  }
0x20: {  	[tilespmem:s25], [sflag:$0x7] =	stream.linear.gather [hbm4b:s24+s25], $0x8000, $0x38;
	[tilespmem:$0x15080] =	vst v63  }
0x21: {  	_ =	swait.ge [sflag:s26], $0x8000  }
0x22: {  	[sflag:s26] =	ssyncset.done $0x0  }
0x23: {  	[sflag:s26] =	ssyncadd.s32 $0xFFFF8000  }
0x24: {  	_ =	swait.ge [sflag:s9], $0x1000  }
0x25: {  	[sflag:s9] =	ssyncset.done $0x0  }
0x26: {  	[sflag:s9] =	ssyncadd.s32 $0xFFFFF000  }
0x27: {  	_ =	swait.ge [sflag:s10], $0x1000  }
0x28: {  	s30 =	sld [smem:$0x7EE]  }
0x29: {  	[sflag:s10] =	ssyncset.done $0x0  }
0x2a: {  	s1 =	sld [smem:$0x7EF];
	[sflag:s10] =	ssyncadd.s32 $0xFFFFF000  }
0x2b: {  	[tilespmem:s11], [sflag:$0x2] =	stream.strided.gather [hbm4b:s30+s7], $0x1000, s8, s7, $0x38;
	[tilespmem:$0x15080] =	vst v63  }
0x2c: {  	s3 =	simm.s32 $0xA040  }
0x2d: {  	[tilespmem:s12], [sflag:$0x4] =	stream.strided.gather [hbm4b:s1+s7], $0x1000, s8, s7, $0x38;
	[tilespmem:$0x15080] =	vst v63  }
0x2e: {  	s4 =	simm.s32 $0x8040;
	v4 =	vld [tilespmem:s3+$0xFFFFFFC0]  }
0x2f: {  	v5 =	vld [tilespmem:s4+$0xFFFFFFC0]  }
0x30: {  	s0 =	simm.s32 $0x40  }
0x31: {  	v6 =	vld [tilespmem:s0+$0xFFFFFFC0];
	_ =	sdelay $0x2  }
0x32: {  	v4 =	vmul.f32 v4, v5;
	_ =	sdelay $0x1  }
0x33: {  	v4 =	vmul.f32 v6, v4;
	_ =	sdelay $0x1  }
0x34: {  	v4 =	vmul.f32 $1.442695020e+00, v4;
	_ =	sdelay $0x1  }
0x35: {  	(erf) = vpow2.f32 v4;
	_ =	sdelay $0x6  }
0x36: {  	s2 =	simm.s32 $0x80C0  }
0x37: {  	s7 =	simm.s32 $0xA0C0;
	v6 =	vld [tilespmem:s2+$0xFFFFFFC0]  }
0x38: {  	s22 =	simm.s32 $0xC0;
	s8 =	simm.s32 $0xC041;
	v4 =	vld [tilespmem:s7+$0xFFFFFFC0];
	v5 =	vpop (erf)  }
0x39: {  	v7 =	vld [tilespmem:s22+$0xFFFFFFC0];
	[tilespmem:s8+$0xFFFFFFC0] =	vst v5  }
0x3a: {  	v8 =	vld [tilespmem:s3+$0xFFFFFFD0]  }
0x3b: {  	v9 =	vld [tilespmem:s4+$0xFFFFFFD0];
	_ =	sdelay $0x1  }
0x3c: {  	v4 =	vmul.f32 v4, v6;
	v10 =	vld [tilespmem:s0+$0xFFFFFFD0];
	_ =	sdelay $0x1  }
0x3d: {  	v4 =	vmul.f32 v7, v4  }
0x3e: {  	v6 =	vmul.f32 v8, v9  }
0x3f: {  	v4 =	vmul.f32 $1.442695020e+00, v4  }
0x40: {  	v6 =	vmul.f32 v10, v6  }
0x41: {  	(erf) = vpow2.f32 v4  }
0x42: {  	v4 =	vmul.f32 $1.442695020e+00, v6;
	_ =	sdelay $0x1  }
0x43: {  	(erf) = vpow2.f32 v4;
	_ =	sdelay $0x3  }
0x44: {  	s5 =	simm.s32 $0x8140  }
0x45: {  	s6 =	simm.s32 $0xA140;
	v7 =	vld [tilespmem:s5+$0xFFFFFFC0]  }
0x46: {  	s21 =	simm.s32 $0xC0C1;
	s12 =	simm.s32 $0x140;
	v4 =	vld [tilespmem:s6+$0xFFFFFFC0];
	v6 =	vpop (erf)  }
0x47: {  	v9 =	vld [tilespmem:s12+$0xFFFFFFC0];
	[tilespmem:s21+$0xFFFFFFC0] =	vst v6  }
0x48: {  	v10 =	vld [tilespmem:s7+$0xFFFFFFD0]  }
0x49: {  	v11 =	vld [tilespmem:s2+$0xFFFFFFD0];
	v8 =	vpop (erf)  }
0x4a: {  	v12 =	vld [tilespmem:s22+$0xFFFFFFD0];
	[tilespmem:s8+$0xFFFFFFD0] =	vst v8  }
0x4b: {  	v4 =	vmul.f32 v4, v7;
	v13 =	vld [tilespmem:s3+$0xFFFFFFE0]  }
0x4c: {  	v7 =	vld [tilespmem:s4+$0xFFFFFFE0]  }
0x4d: {  	v4 =	vmul.f32 v9, v4  }
0x4e: {  	v10 =	vmul.f32 v10, v11;
	v9 =	vld [tilespmem:s0+$0xFFFFFFE0]  }
0x4f: {  	v4 =	vmul.f32 $1.442695020e+00, v4  }
0x50: {  	v10 =	vmul.f32 v12, v10  }
0x51: {  	(erf) = vpow2.f32 v4;
	v7 =	vmul.f32 v13, v7  }
0x52: {  	v4 =	vmul.f32 $1.442695020e+00, v10  }
0x53: {  	v7 =	vmul.f32 v9, v7  }
0x54: {  	(erf) = vpow2.f32 v4  }
0x55: {  	v4 =	vmul.f32 $1.442695020e+00, v7;
	_ =	sdelay $0x1  }
0x56: {  	(erf) = vpow2.f32 v4  }
0x57: {  	s17 =	simm.s32 $0x81C0  }
0x58: {  	s14 =	simm.s32 $0xA1C0;
	v7 =	vld [tilespmem:s17+$0xFFFFFFC0]  }
0x59: {  	s15 =	simm.s32 $0x1C0;
	s31 =	simm.s32 $0xC141;
	v9 =	vpop (erf);
	v4 =	vld [tilespmem:s14+$0xFFFFFFC0]  }
0x5a: {  	v10 =	vld [tilespmem:s15+$0xFFFFFFC0];
	[tilespmem:s31+$0xFFFFFFC0] =	vst v9  }
0x5b: {  	v13 =	vld [tilespmem:s6+$0xFFFFFFD0]  }
0x5c: {  	v11 =	vpop (erf);
	v14 =	vld [tilespmem:s5+$0xFFFFFFD0]  }
0x5d: {  	v15 =	vld [tilespmem:s12+$0xFFFFFFD0];
	[tilespmem:s21+$0xFFFFFFD0] =	vst v11  }
0x5e: {  	v16 =	vld [tilespmem:s7+$0xFFFFFFE0];
	v4 =	vmul.f32 v4, v7  }
0x5f: {  	v7 =	vld [tilespmem:s2+$0xFFFFFFE0];
	v12 =	vpop (erf)  }
0x60: {  	v17 =	vld [tilespmem:s22+$0xFFFFFFE0];
	v4 =	vmul.f32 v10, v4;
	[tilespmem:s8+$0xFFFFFFE0] =	vst v12  }
0x61: {  	v13 =	vmul.f32 v13, v14;
	v10 =	vld [tilespmem:s4+$0xFFFFFFF0]  }
0x62: {  	v4 =	vmul.f32 $1.442695020e+00, v4;
	v14 =	vld [tilespmem:s3+$0xFFFFFFF0]  }
0x63: {  	v13 =	vmul.f32 v15, v13  }
0x64: {  	v7 =	vmul.f32 v16, v7;
	v15 =	vld [tilespmem:s0+$0xFFFFFFF0];
	(erf) = vpow2.f32 v4  }
0x65: {  	v4 =	vmul.f32 $1.442695020e+00, v13  }
0x66: {  	v7 =	vmul.f32 v17, v7  }
0x67: {  	(erf) = vpow2.f32 v4;
	v10 =	vmul.f32 v14, v10  }
0x68: {  	v4 =	vmul.f32 $1.442695020e+00, v7  }
0x69: {  	v7 =	vmul.f32 v15, v10  }
0x6a: {  	(erf) = vpow2.f32 v4  }
0x6b: {  	s25 =	simm.s32 $0x8240;
	v4 =	vmul.f32 $1.442695020e+00, v7  }
0x6c: {  	s30 =	simm.s32 $0x240;
	v10 =	vld [tilespmem:s25+$0xFFFFFFC0]  }
0x6d: {  	s13 =	simm.s32 $0xA240;
	s29 =	simm.s32 $0xC1C1;
	v7 =	vld [tilespmem:s30+$0xFFFFFFC0];
	v15 =	vpop (erf);
	(erf) = vpow2.f32 v4  }
0x6e: {  	[tilespmem:s29+$0xFFFFFFC0] =	vst v15;
	v4 =	vld [tilespmem:s13+$0xFFFFFFC0]  }
0x6f: {  	v13 =	vld [tilespmem:s15+$0xFFFFFFD0]  }
0x70: {  	v17 =	vpop (erf);
	v14 =	vld [tilespmem:s14+$0xFFFFFFD0]  }
0x71: {  	v19 =	vld [tilespmem:s17+$0xFFFFFFD0];
	[tilespmem:s31+$0xFFFFFFD0] =	vst v17  }
0x72: {  	v20 =	vld [tilespmem:s12+$0xFFFFFFE0]  }
0x73: {  	v21 =	vld [tilespmem:s6+$0xFFFFFFE0];
	v16 =	vpop (erf);
	v4 =	vmul.f32 v4, v10  }
0x74: {  	[tilespmem:s21+$0xFFFFFFE0] =	vst v16;
	v10 =	vld [tilespmem:s5+$0xFFFFFFE0]  }
0x75: {  	v22 =	vld [tilespmem:s2+$0xFFFFFFF0];
	v4 =	vmul.f32 v7, v4  }
0x76: {  	v7 =	vmul.f32 v14, v19;
	v14 =	vld [tilespmem:s22+$0xFFFFFFF0];
	v18 =	vpop (erf)  }
0x77: {  	v19 =	vld [tilespmem:s7+$0xFFFFFFF0];
	v4 =	vmul.f32 $1.442695020e+00, v4;
	[tilespmem:s8+$0xFFFFFFF0] =	vst v18  }
0x78: {  	v7 =	vmul.f32 v13, v7;
	v13 =	vld [tilespmem:s4+$0x0]  }
0x79: {  	v10 =	vmul.f32 v21, v10;
	v23 =	vld [tilespmem:s3+$0x0];
	(erf) = vpow2.f32 v4  }
0x7a: {  	v4 =	vmul.f32 $1.442695020e+00, v7  }
0x7b: {  	v7 =	vld [tilespmem:s0+$0x0];
	v10 =	vmul.f32 v20, v10  }
0x7c: {  	v19 =	vmul.f32 v19, v22;
	(erf) = vpow2.f32 v4  }
0x7d: {  	v4 =	vmul.f32 $1.442695020e+00, v10  }
0x7e: {  	v10 =	vmul.f32 v23, v13;
	v13 =	vmul.f32 v14, v19  }
0x7f: {  	(erf) = vpow2.f32 v4  }
0x80: {  	s20 =	simm.s32 $0x2C0;
	v4 =	vmul.f32 v7, v10;
	v7 =	vmul.f32 $1.442695020e+00, v13  }
0x81: {  	s10 =	simm.s32 $0x82C0;
	v10 =	vld [tilespmem:s20+$0xFFFFFFC0]  }
0x82: {  	s18 =	simm.s32 $0xC241;
	s24 =	simm.s32 $0xA2C0;
	v13 =	vld [tilespmem:s10+$0xFFFFFFC0];
	v4 =	vmul.f32 $1.442695020e+00, v4;
	(erf) = vpow2.f32 v7;
	v20 =	vpop (erf)  }
0x83: {  	v7 =	vld [tilespmem:s24+$0xFFFFFFC0];
	[tilespmem:s18+$0xFFFFFFC0] =	vst v20  }
0x84: {  	(erf) = vpow2.f32 v4;
	v4 =	vld [tilespmem:s30+$0xFFFFFFD0]  }
0x85: {  	v22 =	vpop (erf);
	v14 =	vld [tilespmem:s13+$0xFFFFFFD0]  }
0x86: {  	v19 =	vld [tilespmem:s25+$0xFFFFFFD0];
	[tilespmem:s29+$0xFFFFFFD0] =	vst v22  }
0x87: {  	v25 =	vld [tilespmem:s15+$0xFFFFFFE0]  }
0x88: {  	v26 =	vld [tilespmem:s14+$0xFFFFFFE0];
	v21 =	vpop (erf);
	v7 =	vmul.f32 v7, v13  }
0x89: {  	v27 =	vld [tilespmem:s17+$0xFFFFFFE0];
	[tilespmem:s31+$0xFFFFFFE0] =	vst v21  }
0x8a: {  	v13 =	vld [tilespmem:s5+$0xFFFFFFF0];
	v7 =	vmul.f32 v10, v7  }
0x8b: {  	v28 =	vld [tilespmem:s12+$0xFFFFFFF0];
	v10 =	vmul.f32 v14, v19;
	v24 =	vpop (erf)  }
0x8c: {  	v14 =	vld [tilespmem:s6+$0xFFFFFFF0];
	v7 =	vmul.f32 $1.442695020e+00, v7;
	[tilespmem:s21+$0xFFFFFFF0] =	vst v24  }
0x8d: {  	v4 =	vmul.f32 v4, v10;
	v19 =	vld [tilespmem:s2+$0x0]  }
0x8e: {  	v26 =	vmul.f32 v26, v27;
	v23 =	vpop (erf);
	v10 =	vld [tilespmem:s7+$0x0];
	(erf) = vpow2.f32 v7  }
0x8f: {  	v4 =	vmul.f32 $1.442695020e+00, v4;
	v7 =	vld [tilespmem:s22+$0x0];
	[tilespmem:s8+$0x0] =	vst v23  }
0x90: {  	v25 =	vmul.f32 v25, v26;
	v27 =	vld [tilespmem:s4+$0x10]  }
0x91: {  	v13 =	vmul.f32 v14, v13;
	v26 =	vld [tilespmem:s3+$0x10];
	(erf) = vpow2.f32 v4  }
0x92: {  	v14 =	vmul.f32 $1.442695020e+00, v25  }
0x93: {  	v4 =	vld [tilespmem:s0+$0x10];
	v13 =	vmul.f32 v28, v13;
	v10 =	vmul.f32 v10, v19  }
0x94: {  	(erf) = vpow2.f32 v14  }
0x95: {  	s19 =	simm.s32 $0x340;
	v7 =	vmul.f32 v7, v10;
	v10 =	vmul.f32 $1.442695020e+00, v13  }
0x96: {  	s26 =	simm.s32 $0xA340;
	v14 =	vld [tilespmem:s19+$0xFFFFFFC0];
	v13 =	vmul.f32 v26, v27  }
0x97: {  	s23 =	simm.s32 $0x8340;
	s11 =	simm.s32 $0xC2C1;
	v7 =	vmul.f32 $1.442695020e+00, v7;
	(erf) = vpow2.f32 v10;
	v10 =	vld [tilespmem:s26+$0xFFFFFFC0];
	v25 =	vpop (erf)  }
0x98: {  	v4 =	vmul.f32 v4, v13;
	v13 =	vld [tilespmem:s23+$0xFFFFFFC0];
	[tilespmem:s11+$0xFFFFFFC0] =	vst v25  }
0x99: {  	(erf) = vpow2.f32 v7;
	v7 =	vld [tilespmem:s20+$0xFFFFFFD0]  }
0x9a: {  	v4 =	vmul.f32 $1.442695020e+00, v4;
	v28 =	vpop (erf);
	v19 =	vld [tilespmem:s24+$0xFFFFFFD0]  }
0x9b: {  	v30 =	vld [tilespmem:s10+$0xFFFFFFD0];
	[tilespmem:s18+$0xFFFFFFD0] =	vst v28  }
0x9c: {  	(erf) = vpow2.f32 v4;
	v4 =	vld [tilespmem:s30+$0xFFFFFFE0]  }
0x9d: {  	v26 =	vpop (erf);
	v31 =	vld [tilespmem:s13+$0xFFFFFFE0]  }
0x9e: {  	v32 =	vld [tilespmem:s25+$0xFFFFFFE0];
	[tilespmem:s29+$0xFFFFFFE0] =	vst v26  }
0x9f: {  	v33 =	vld [tilespmem:s17+$0xFFFFFFF0]  }
0xa0: {  	v34 =	vld [tilespmem:s15+$0xFFFFFFF0];
	v29 =	vpop (erf)  }
0xa1: {  	v35 =	vld [tilespmem:s14+$0xFFFFFFF0];
	[tilespmem:s31+$0xFFFFFFF0] =	vst v29  }
0xa2: {  	v10 =	vmul.f32 v10, v13;
	v36 =	vld [tilespmem:s5+$0x0]  }
0xa3: {  	v27 =	vpop (erf);
	v13 =	vld [tilespmem:s6+$0x0]  }
0xa4: {  	v19 =	vmul.f32 v19, v30;
	v10 =	vmul.f32 v14, v10;
	v14 =	vld [tilespmem:s12+$0x0];
	[tilespmem:s21+$0x0] =	vst v27  }
0xa5: {  	v37 =	vld [tilespmem:s2+$0x10];
	v30 =	vpop (erf)  }
0xa6: {  	v7 =	vmul.f32 v7, v19;
	v19 =	vmul.f32 v31, v32;
	v61 =	vld [tilespmem:s7+$0x10];
	[tilespmem:s8+$0x10] =	vst v30  }
0xa7: {  	v10 =	vmul.f32 $1.442695020e+00, v10;
	v31 =	vld [tilespmem:s4+$0x20]  }
0xa8: {  	v7 =	vmul.f32 $1.442695020e+00, v7;
	v4 =	vmul.f32 v4, v19;
	v19 =	vld [tilespmem:s3+$0x20]  }
0xa9: {  	(erf) = vpow2.f32 v10;
	v10 =	vmul.f32 v35, v33;
	v38 =	vld [tilespmem:s22+$0x10]  }
0xaa: {  	(erf) = vpow2.f32 v7;
	v4 =	vmul.f32 $1.442695020e+00, v4;
	v7 =	vld [tilespmem:s0+$0x20]  }
0xab: {  	v10 =	vmul.f32 v34, v10;
	v13 =	vmul.f32 v13, v36  }
0xac: {  	(erf) = vpow2.f32 v4;
	v4 =	vmul.f32 v61, v37  }
0xad: {  	v13 =	vmul.f32 v14, v13;
	v14 =	vmul.f32 v19, v31  }
0xae: {  	v10 =	vmul.f32 $1.442695020e+00, v10;
	v4 =	vmul.f32 v38, v4  }
0xaf: {  	v13 =	vmul.f32 $1.442695020e+00, v13;
	v7 =	vmul.f32 v7, v14  }
0xb0: {  	(erf) = vpow2.f32 v10;
	v4 =	vmul.f32 $1.442695020e+00, v4  }
0xb1: {  	(erf) = vpow2.f32 v13;
	v7 =	vmul.f32 $1.442695020e+00, v7  }
0xb2: {  	(erf) = vpow2.f32 v4  }
0xb3: {  	(erf) = vpow2.f32 v7;
	_ =	sdelay $0x2  }
0xb4: {  	v34 =	vpop (erf)  }
0xb5: {  	v35 =	vpop (erf)  }
0xb6: {  	v36 =	vpop (erf)  }
0xb7: {  	s16 =	simm.s32 $0xC041;
	v37 =	vpop (erf)  }
0xb8: {  	s1 =	simm.s32 $0x83C0;
	[dreg:$0x1b] =	wrdreg s16;
	v31 =	vpop (erf)  }
0xb9: {  	s16 =	simm.s32 $0xA3C0;
	v19 =	vld [tilespmem:s1+$0xFFFFFFC0];
	v38 =	vpop (erf)  }
0xba: {  	v14 =	vld [tilespmem:s16+$0xFFFFFFC0];
	[tilespmem:s11+$0xFFFFFFD0] =	vst v35;
	v4 =	vpop (erf)  }
0xbb: {  	v40 =	vld [tilespmem:s20+$0xFFFFFFE0];
	[tilespmem:s8+$0x20] =	vst v4  }
0xbc: {  	v10 =	vld [tilespmem:s4+$0x30]  }
0xbd: {  	v13 =	vld [tilespmem:s3+$0x30];
	s4 =	simm.s32 $0x3C0;
	s3 =	simm.s32 $0xC341  }
0xbe: {  	v7 =	vld [tilespmem:s4+$0xFFFFFFC0];
	[tilespmem:s3+$0xFFFFFFC0] =	vst v34  }
0xbf: {  	v63 =	vld [tilespmem:s26+$0xFFFFFFD0]  }
0xc0: {  	v39 =	vld [tilespmem:s23+$0xFFFFFFD0]  }
0xc1: {  	v41 =	vld [tilespmem:s24+$0xFFFFFFE0]  }
0xc2: {  	v62 =	vld [tilespmem:s19+$0xFFFFFFD0]  }
0xc3: {  	v42 =	vld [tilespmem:s10+$0xFFFFFFE0];
	[tilespmem:s18+$0xFFFFFFE0] =	vst v36;
	v14 =	vmul.f32 v14, v19  }
0xc4: {  	v43 =	vld [tilespmem:s13+$0xFFFFFFF0]  }
0xc5: {  	v19 =	vld [tilespmem:s25+$0xFFFFFFF0];
	[tilespmem:s29+$0xFFFFFFF0] =	vst v37;
	v7 =	vmul.f32 v7, v14;
	v14 =	vmul.f32 v63, v39  }
0xc6: {  	v45 =	vld [tilespmem:s17+$0x0]  }
0xc7: {  	v46 =	vld [tilespmem:s14+$0x0];
	v7 =	vmul.f32 $1.442695020e+00, v7;
	v14 =	vmul.f32 v62, v14  }
0xc8: {  	v47 =	vld [tilespmem:s30+$0xFFFFFFF0];
	v41 =	vmul.f32 v41, v42  }
0xc9: {  	[tilespmem:s31+$0x0] =	vst v31;
	(erf) = vpow2.f32 v7;
	v7 =	vld [tilespmem:s15+$0x0];
	v14 =	vmul.f32 $1.442695020e+00, v14  }
0xca: {  	[tilespmem:s21+$0x10] =	vst v38;
	s8 =	simm.s32 $0x80C0  }
0xcb: {  	v40 =	vmul.f32 v40, v41;
	v48 =	vld [tilespmem:s5+$0x10];
	[dreg:$0xd] =	wrdreg s8;
	(erf) = vpow2.f32 v14  }
0xcc: {  	s9 =	simm.s32 $0xA0C0;
	v19 =	vmul.f32 v43, v19;
	v49 =	vld [tilespmem:s2+$0x20];
	v14 =	vmul.f32 v46, v45  }
0xcd: {  	v40 =	vmul.f32 $1.442695020e+00, v40;
	v50 =	vld [tilespmem:s6+$0x10];
	[dreg:$0x9] =	wrdreg s9  }
0xce: {  	v19 =	vmul.f32 v47, v19;
	v52 =	vld [tilespmem:s12+$0x10];
	s12 =	simm.s32 $0xC0;
	v7 =	vmul.f32 v7, v14  }
0xcf: {  	v51 =	vld [tilespmem:s7+$0x20];
	[smem:$0x7E7] =	sst s12  }
0xd0: {  	s8 =	simm.s32 $0x440;
	(erf) = vpow2.f32 v40;
	v53 =	vld [tilespmem:s0+$0x30];
	v14 =	vmul.f32 $1.442695020e+00, v19  }
0xd1: {  	v44 =	vld [tilespmem:s8+$0xFFFFFFC0];
	v54 =	vmul.f32 $1.442695020e+00, v7  }
0xd2: {  	s25 =	simm.s32 $0xA440;
	s7 =	simm.s32 $0xC3C1;
	v19 =	vld [tilespmem:s22+$0x20];
	(erf) = vpow2.f32 v14;
	v14 =	vmul.f32 v50, v48;
	v7 =	vpop (erf)  }
0xd3: {  	s28 =	simm.s32 $0x8440;
	v10 =	vmul.f32 v13, v10;
	v56 =	vld [tilespmem:s25+$0xFFFFFFC0];
	s22 =	simm.s32 $0x3C0;
	[tilespmem:s7+$0xFFFFFFC0] =	vst v7  }
0xd4: {  	v57 =	vld [tilespmem:s28+$0xFFFFFFC0];
	(erf) = vpow2.f32 v54;
	v14 =	vmul.f32 v52, v14;
	[dreg:$0x10] =	wrdreg s22;
	v59 =	vpop (erf)  }
0xd5: {  	s6 =	simm.s32 $0x83C0;
	v55 =	vmul.f32 v51, v49;
	v10 =	vmul.f32 v53, v10;
	v58 =	vld [tilespmem:s4+$0xFFFFFFD0];
	[tilespmem:s3+$0xFFFFFFD0] =	vst v59  }
0xd6: {  	s12 =	simm.s32 $0x340;
	v14 =	vmul.f32 $1.442695020e+00, v14;
	v60 =	vld [tilespmem:s16+$0xFFFFFFD0];
	[dreg:$0x13] =	wrdreg s6  }
0xd7: {  	v13 =	vmul.f32 v19, v55;
	v61 =	vld [tilespmem:s1+$0xFFFFFFD0];
	[smem:$0x7E8] =	sst s12  }
0xd8: {  	(erf) = vpow2.f32 v14;
	v45 =	vld [tilespmem:s19+$0xFFFFFFE0];
	s19 =	simm.s32 $0xC2C1  }
0xd9: {  	v13 =	vmul.f32 $1.442695020e+00, v13;
	v14 =	vmul.f32 $1.442695020e+00, v10;
	v10 =	vpop (erf);
	v46 =	vld [tilespmem:s26+$0xFFFFFFE0];
	[dreg:$0x16] =	wrdreg s19  }
0xda: {  	[tilespmem:s11+$0xFFFFFFE0] =	vst v10;
	v47 =	vld [tilespmem:s23+$0xFFFFFFE0]  }
0xdb: {  	(erf) = vpow2.f32 v13;
	v13 =	vadd.f32 v8, v5;
	v8 =	vadd.f32 v17, v9;
	v32 =	vld [tilespmem:s20+$0xFFFFFFF0];
	s20 =	simm.s32 $0xC241  }
0xdc: {  	v9 =	vadd.f32 v22, v15;
	v5 =	vmul.f32 v56, v57;
	(erf) = vpow2.f32 v14;
	v22 =	vpop (erf);
	v48 =	vld [tilespmem:s10+$0xFFFFFFF0];
	[smem:$0x7E9] =	sst s20  }
0xdd: {  	s5 =	simm.s32 $0xA140;
	s9 =	simm.s32 $0x140;
	v15 =	vpop (erf);
	[tilespmem:s18+$0xFFFFFFF0] =	vst v22;
	v62 =	vld [tilespmem:s24+$0xFFFFFFF0];
	s24 =	simm.s32 $0x8240  }
0xde: {  	s2 =	simm.s32 $0xA340;
	s0 =	simm.s32 $0x8140;
	v19 =	vadd.f32 v18, v12;
	s22 =	simm.s32 $0xA3C0;
	v17 =	vadd.f32 v24, v16;
	v18 =	vmul.f32 v44, v5;
	[tilespmem:s29+$0x0] =	vst v15;
	v33 =	vld [tilespmem:s24+$0x0]  }
0xdf: {  	s16 =	simm.s32 $0xC341;
	s4 =	simm.s32 $0x8340;
	s6 =	simm.s32 $0xA440;
	v14 =	vadd.f32 v11, v6;
	v6 =	vadd.f32 v28, v20;
	v16 =	vmul.f32 v60, v61;
	v28 =	vld [tilespmem:s15+$0x10]  }
0xe0: {  	s12 =	simm.s32 $0x82C0;
	s1 =	simm.s32 $0xA2C0;
	v5 =	vadd.f32 v35, v25;
	v24 =	vmul.f32 $1.442695020e+00, v18;
	s23 =	simm.s32 $0x10;
	v25 =	vld [tilespmem:s13+$0x0]  }
0xe1: {  	v12 =	vadd.f32 v37, v26;
	v20 =	vadd.f32 v30, v23;
	s26 =	simm.s32 $0x0;
	s19 =	simm.s32 $0x2C0;
	v23 =	vmul.f32 v58, v16;
	v26 =	vld [tilespmem:s17+$0x10];
	v63 =	vpop (erf);
	[dreg:$0x1a] =	wrdreg s23  }
0xe2: {  	v11 =	vadd.f32 v29, v21;
	s11 =	simm.s32 $0xC1C1;
	s10 =	simm.s32 $0xC141;
	s20 =	simm.s32 $0x440;
	[tilespmem:s31+$0x10] =	vst v63  }
0xe3: {  	v21 =	vadd.f32 v22, v36;
	v18 =	vadd.f32 v38, v27;
	s18 =	simm.s32 $0x1C0;
	v29 =	vmul.f32 v46, v47;
	v27 =	vld [tilespmem:s30+$0x0];
	s30 =	simm.s32 $0x10;
	[smem:$0x7EA] =	sst s26  }
0xe4: {  	(erf) = vpow2.f32 v24;
	s29 =	simm.s32 $0x400;
	v16 =	vadd.f32 v59, v34;
	s15 =	simm.s32 $0x240;
	v24 =	vpop (erf);
	v30 =	vmul.f32 $1.442695020e+00, v23;
	[smem:$0x7EB] =	sst s30  }
0xe5: {  	s23 =	simm.s32 $0x8440;
	v22 =	vadd.f32 v63, v31;
	s31 =	simm.s32 $0xC0C1;
	s26 =	simm.s32 $0xC3C1;
	v31 =	vmul.f32 v45, v29;
	v29 =	vld [tilespmem:s0+$0x20];
	[tilespmem:s21+$0x20] =	vst v24;
	v34 =	vmul.f32 v62, v48;
	v23 =	vpop (erf)  }
.LBB2_2:
0xe6: {  	s30 =	rddreg [dreg:$0x1a]  }
0xe7: {  	s3 =	rddreg [dreg:$0xd]  }
0xe8: {  	s21 =	smov.u32 s0;
	s0 =	rddreg [dreg:$0x9]  }
0xe9: {  	[dreg:$0xd] =	wrdreg s21  }
0xea: {  	v60 =	vld [tilespmem:s3+$0x30];
	s3 =	smov.u32 s17;
	s21 =	smov.u32 s24;
	s24 =	sld [smem:$0x7E7]  }
0xeb: {  	[smem:$0x7E4] =	sst s3  }
0xec: {  	s17 =	smov.u32 s5;
	[smem:$0x7E3] =	sst s21  }
0xed: {  	[dreg:$0x9] =	wrdreg s17  }
0xee: {  	s21 =	smov.u32 s13;
	s13 =	smov.u32 s2;
	s2 =	rddreg [dreg:$0x1b]  }
0xef: {  	v35 =	vadd.f32 v23, v4;
	s8 =	sadd.s32 $0x80, s8;
	(erf) = vpow2.f32 v30;
	v30 =	vld [tilespmem:s5+$0x20];
	s3 =	sld [smem:$0x7EA]  }
0xf0: {  	v4 =	vmov v24;
	s25 =	sadd.s32 $0x80, s25;
	s30 =	sadd.s32 $0x10, s30;
	v24 =	vmul.f32 $1.442695020e+00, v31;
	v31 =	vld [tilespmem:s14+$0x10];
	s17 =	sld [smem:$0x7EB];
	v25 =	vmul.f32 v25, v33  }
0xf1: {  	v32 =	vmul.f32 v32, v34;
	v61 =	vadd.f32 v19, v13;
	s28 =	sadd.s32 $0x80, s28;
	s7 =	sadd.s32 $0x80, s7;
	v20 =	vadd.f32 v35, v20;
	[dreg:$0x1a] =	wrdreg s30  }
0xf2: {  	v13 =	vmov v14;
	s5 =	smov.u32 s14;
	(erf) = vpow2.f32 v24;
	[smem:$0x7E5] =	sst s21;
	s21 =	smov.u32 s22;
	v24 =	vmul.f32 v27, v25;
	v25 =	vld [tilespmem:s0+$0x30]  }
0xf3: {  	v14 =	vmovc v8;
	v8 =	vmovc v9;
	v9 =	vmov v6;
	v62 =	vld [tilespmem:s9+$0x20];
	v34 =	vadd.f32 v20, v61;
	v27 =	vmul.f32 $1.442695020e+00, v32;
	s14 =	sand.u32 $0x1F0, s3;
	s22 =	smov.u32 s17;
	s3 =	sld [smem:$0x7E8]  }
0xf4: {  	v6 =	vmovc v5;
	v5 =	vmovc v16;
	v19 =	vmov v17;
	s0 =	smov.u32 s1;
	s1 =	smov.u32 s4;
	[smem:$0x7EA] =	sst s22;
	v16 =	vmul.f32 $1.442695020e+00, v24;
	v24 =	vmul.f32 v30, v29;
	v29 =	vld [tilespmem:s24+$0x30];
	[tilespmem:s2+$0x30] =	vst v23  }
0xf5: {  	v17 =	vmovc v11;
	v11 =	vmovc v12;
	v12 =	vmov v21;
	(erf) = vpow2.f32 v27;
	v21 =	vmul.f32 v31, v26;
	s2 =	smov.u32 s9;
	s9 =	smov.u32 s18;
	s18 =	rddreg [dreg:$0x10];
	v23 =	vld [tilespmem:s8+$0xFFFFFFC0];
	[tilespmem:s14+$0x14080] =	vst v34  }
0xf6: {  	s4 =	smov.u32 s23;
	v20 =	vmov v18;
	v18 =	vmov v22;
	s24 =	smov.u32 s30;
	v26 =	vpop (erf);
	s30 =	rddreg [dreg:$0x13];
	v22 =	vld [tilespmem:s25+$0xFFFFFFC0];
	(erf) = vpow2.f32 v16  }
0xf7: {  	s29 =	sadd.s32 $0x80, s29;
	[dreg:$0x13] =	wrdreg s4;
	v27 =	vld [tilespmem:s28+$0xFFFFFFC0];
	[tilespmem:s7+$0xFFFFFFC0] =	vst v26;
	v21 =	vmul.f32 v28, v21;
	v25 =	vmul.f32 v25, v60  }
0xf8: {  	p0 =	slt.u32 s29, $0xF80;
	[smem:$0x7EB] =	sst s24;
	v24 =	vmul.f32 v62, v24;
	v28 =	vld [tilespmem:s20+$0xFFFFFFD0];
	v16 =	vpop (erf)  }
0xf9: {  	s17 =	smov.u32 s15;
	[smem:$0x7E7] =	sst s2;
	s24 =	smov.u32 s20;
	v30 =	vld [tilespmem:s6+$0xFFFFFFD0];
	v21 =	vmul.f32 $1.442695020e+00, v21;
	[tilespmem:s26+$0xFFFFFFD0] =	vst v16;
	v25 =	vmul.f32 v29, v25  }
0xfa: {  	s14 =	smov.u32 s19;
	s19 =	smov.u32 s18;
	[dreg:$0x10] =	wrdreg s24;
	v24 =	vmul.f32 $1.442695020e+00, v24;
	v16 =	vadd.f32 v16, v7;
	v7 =	vmov v26;
	v26 =	vld [tilespmem:s23+$0xFFFFFFD0]  }
0xfb: {  	s22 =	smov.u32 s6;
	s15 =	smov.u32 s3;
	[smem:$0x7E8] =	sst s19;
	v31 =	vpop (erf);
	v29 =	vld [tilespmem:s19+$0xFFFFFFE0];
	(erf) = vpow2.f32 v21;
	v25 =	vmul.f32 $1.442695020e+00, v25  }
0xfc: {  	s18 =	smov.u32 s30;
	s30 =	smov.u32 s10;
	v34 =	vld [tilespmem:s21+$0xFFFFFFE0];
	[tilespmem:s16+$0xFFFFFFE0] =	vst v31;
	s19 =	sld [smem:$0x7E9];
	(erf) = vpow2.f32 v24  }
0xfd: {  	s2 =	smov.u32 s21;
	s24 =	smov.u32 s12;
	s21 =	rddreg [dreg:$0x16];
	v24 =	vld [tilespmem:s18+$0xFFFFFFE0];
	(erf) = vpow2.f32 v25  }
0xfe: {  	s12 =	smov.u32 s31;
	s31 =	smov.u32 s11;
	s3 =	smov.u32 s21;
	v63 =	vld [tilespmem:s1+$0xFFFFFFF0];
	v21 =	vpop (erf)  }
0xff: {  	s4 =	smov.u32 s18;
	s20 =	smov.u32 s8;
	v22 =	vmul.f32 v22, v27;
	v32 =	vld [tilespmem:s15+$0xFFFFFFF0];
	s10 =	smov.u32 s19;
	[tilespmem:s3+$0xFFFFFFF0] =	vst v21;
	v25 =	vmul.f32 v30, v26;
	v36 =	vpop (erf)  }
0x100: {  	[dreg:$0x1b] =	wrdreg s12;
	s12 =	smov.u32 s1;
	s21 =	smov.u32 s16;
	v27 =	vld [tilespmem:s13+$0xFFFFFFF0];
	[tilespmem:s10+$0x0] =	vst v36  }
0x101: {  	s1 =	smov.u32 s13;
	s18 =	smov.u32 s17;
	v22 =	vmul.f32 v23, v22;
	v23 =	vmul.f32 v28, v25;
	v28 =	vld [tilespmem:s17+$0x10];
	s17 =	sld [smem:$0x7E3]  }
.Ltmp0:
0x102: {  	[dreg:$0x16] =	wrdreg s21;
	s13 =	smov.u32 s0;
	v33 =	vld [tilespmem:s24+$0x0];
	(pc) =	sbr.rel @p0 .LBB2_2-.Ltmp0, $4  }
0x103: {  	s6 =	smov.u32 s25;
	s23 =	smov.u32 s28;
	s0 =	sld [smem:$0x7E4];
	v22 =	vmul.f32 $1.442695020e+00, v22;
	v25 =	vld [tilespmem:s13+$0x0]  }
0x104: {  	s16 =	smov.u32 s26;
	s26 =	smov.u32 s7;
	[smem:$0x7E9] =	sst s3;
	v21 =	vadd.f32 v21, v10;
	v10 =	vmov v31;
	v37 =	vmul.f32 v34, v24;
	v24 =	vpop (erf);
	v26 =	vld [tilespmem:s17+$0x10]  }
0x105: {  	s19 =	smov.u32 s15;
	s15 =	smov.u32 s14;
	s11 =	smov.u32 s10;
	(erf) = vpow2.f32 v22;
	v34 =	vmul.f32 v27, v63;
	v27 =	vld [tilespmem:s14+$0x0];
	[tilespmem:s31+$0x10] =	vst v24;
	v22 =	vadd.f32 v24, v15;
	v24 =	vpop (erf)  }
0x106: {  	s10 =	smov.u32 s31;
	v31 =	vmul.f32 v29, v37;
	v30 =	vmul.f32 $1.442695020e+00, v23;
	s14 =	sld [smem:$0x7E5];
	s31 =	smov.u32 s30;
	v15 =	vmov v36;
	v29 =	vld [tilespmem:s0+$0x20];
	[tilespmem:s30+$0x20] =	vst v24;
	v23 =	vpop (erf)  }
0x107: {  	_ = 	snop  }
0x108: {  	(erf) = vpow2.f32 v30;
	v30 =	vmul.f32 $1.442695020e+00, v31  }
0x109: {  	v32 =	vmul.f32 v32, v34;
	v25 =	vmul.f32 v25, v33  }
0x10a: {  	(erf) = vpow2.f32 v30;
	v30 =	vld [tilespmem:s14+$0x10]  }
0x10b: {  	v55 =	vld [tilespmem:s5+$0x20];
	v25 =	vmul.f32 v27, v25;
	v27 =	vmul.f32 $1.442695020e+00, v32;
	_ =	sdelay $0x1  }
0x10c: {  	v36 =	vld [tilespmem:s9+$0x20];
	(erf) = vpow2.f32 v27  }
0x10d: {  	s3 =	rddreg [dreg:$0xd]  }
0x10e: {  	s8 =	rddreg [dreg:$0x9];
	s28 =	sadd.s32 $0x80, s7;
	v31 =	vld [tilespmem:s3+$0x30];
	v35 =	vmul.f32 $1.442695020e+00, v25;
	v25 =	vpop (erf);
	v26 =	vmul.f32 v30, v26  }
0x10f: {  	s21 =	sld [smem:$0x7E7];
	v54 =	vld [tilespmem:s8+$0x30];
	v29 =	vmul.f32 v55, v29;
	[tilespmem:s28+$0xFFFFFFC0] =	vst v25  }
0x110: {  	(erf) = vpow2.f32 v35;
	v30 =	vld [tilespmem:s6+$0xFFFFFFD0]  }
0x111: {  	v29 =	vmul.f32 v36, v29;
	v58 =	vld [tilespmem:s23+$0xFFFFFFD0];
	v27 =	vpop (erf)  }
0x112: {  	v56 =	vld [tilespmem:s21+$0x30];
	v28 =	vmul.f32 v28, v26;
	[tilespmem:s26+$0xFFFFFFD0] =	vst v27;
	v26 =	vpop (erf)  }
0x113: {  	s29 =	smov.u32 s24;
	v57 =	vld [tilespmem:s20+$0xFFFFFFD0];
	s24 =	rddreg [dreg:$0x10];
	[tilespmem:s16+$0xFFFFFFE0] =	vst v26  }
0x114: {  	v31 =	vmul.f32 v54, v31;
	s7 =	rddreg [dreg:$0x13]  }
0x115: {  	v60 =	vmul.f32 $1.442695020e+00, v29;
	v59 =	vld [tilespmem:s22+$0xFFFFFFE0];
	v28 =	vmul.f32 $1.442695020e+00, v28;
	v29 =	vpop (erf);
	s25 =	rddreg [dreg:$0x16]  }
0x116: {  	s3 =	smov.u32 s23;
	v37 =	vld [tilespmem:s24+$0xFFFFFFE0];
	v30 =	vmul.f32 v30, v58;
	s23 =	sld [smem:$0x7E8];
	[tilespmem:s25+$0xFFFFFFF0] =	vst v29  }
0x117: {  	v31 =	vmul.f32 v56, v31;
	v39 =	vld [tilespmem:s4+$0xFFFFFFF0];
	s30 =	sld [smem:$0x7E9]  }
0x118: {  	(erf) = vpow2.f32 v28;
	v61 =	vld [tilespmem:s2+$0xFFFFFFF0];
	v30 =	vmul.f32 v57, v30  }
0x119: {  	v31 =	vmul.f32 $1.442695020e+00, v31;
	v38 =	vld [tilespmem:s7+$0xFFFFFFE0];
	v28 =	vpop (erf)  }
0x11a: {  	(erf) = vpow2.f32 v60;
	v40 =	vld [tilespmem:s23+$0xFFFFFFF0];
	v30 =	vmul.f32 $1.442695020e+00, v30;
	[tilespmem:s30+$0x0] =	vst v28  }
0x11b: {  	(erf) = vpow2.f32 v31;
	v43 =	vld [tilespmem:s29+$0x10]  }
0x11c: {  	(erf) = vpow2.f32 v30;
	v30 =	vld [tilespmem:s13+$0x10];
	_ =	sdelay $0x1  }
0x11d: {  	v62 =	vld [tilespmem:s12+$0x0];
	v45 =	vmul.f32 v61, v39;
	v42 =	vmul.f32 v59, v38  }
0x11e: {  	v63 =	vld [tilespmem:s1+$0x0]  }
0x11f: {  	v46 =	vld [tilespmem:s15+$0x10];
	v31 =	vmul.f32 v37, v42;
	v48 =	vmul.f32 v40, v45  }
0x120: {  	v44 =	vld [tilespmem:s19+$0x0];
	v32 =	vpop (erf);
	v30 =	vmul.f32 v30, v43  }
0x121: {  	v47 =	vmul.f32 $1.442695020e+00, v31;
	v34 =	vmul.f32 $1.442695020e+00, v48;
	[tilespmem:s11+$0x10] =	vst v32  }
0x122: {  	v51 =	vld [tilespmem:s17+$0x20]  }
0x123: {  	v33 =	vmul.f32 v63, v62;
	v52 =	vld [tilespmem:s14+$0x20];
	v31 =	vpop (erf);
	(erf) = vpow2.f32 v47  }
0x124: {  	v54 =	vld [tilespmem:s18+$0x20];
	[tilespmem:s10+$0x20] =	vst v31;
	v37 =	vmul.f32 v46, v30;
	v30 =	vpop (erf)  }
0x125: {  	v33 =	vmul.f32 v44, v33;
	(erf) = vpow2.f32 v34;
	v49 =	vld [tilespmem:s0+$0x30];
	v34 =	vpop (erf)  }
0x126: {  	s8 =	smov.u32 s6;
	v50 =	vld [tilespmem:s5+$0x30];
	[tilespmem:s28+$0xFFFFFFD0] =	vst v34  }
0x127: {  	v33 =	vmul.f32 $1.442695020e+00, v33;
	v55 =	vld [tilespmem:s8+$0xFFFFFFE0]  }
0x128: {  	v53 =	vmul.f32 $1.442695020e+00, v37;
	v41 =	vld [tilespmem:s3+$0xFFFFFFE0]  }
0x129: {  	v42 =	vld [tilespmem:s9+$0x30];
	(erf) = vpow2.f32 v33  }
0x12a: {  	(erf) = vpow2.f32 v53;
	v43 =	vld [tilespmem:s20+$0xFFFFFFE0]  }
0x12b: {  	v38 =	vmul.f32 v52, v51  }
0x12c: {  	v35 =	vmul.f32 v50, v49;
	v33 =	vpop (erf)  }
0x12d: {  	v37 =	vmul.f32 v54, v38;
	[tilespmem:s26+$0xFFFFFFE0] =	vst v33;
	v57 =	vmul.f32 v55, v41  }
0x12e: {  	v58 =	vmul.f32 v42, v35;
	v56 =	vld [tilespmem:s7+$0xFFFFFFF0]  }
0x12f: {  	v37 =	vmul.f32 $1.442695020e+00, v37;
	v45 =	vld [tilespmem:s22+$0xFFFFFFF0];
	v43 =	vmul.f32 v43, v57  }
0x130: {  	v40 =	vmul.f32 $1.442695020e+00, v58  }
0x131: {  	v36 =	vpop (erf);
	(erf) = vpow2.f32 v37;
	v44 =	vld [tilespmem:s24+$0xFFFFFFF0];
	v43 =	vmul.f32 $1.442695020e+00, v43  }
0x132: {  	[tilespmem:s16+$0xFFFFFFF0] =	vst v36;
	v35 =	vpop (erf);
	(erf) = vpow2.f32 v40  }
0x133: {  	s21 =	smov.u32 s2;
	v59 =	vld [tilespmem:s4+$0x0];
	v38 =	vpop (erf);
	(erf) = vpow2.f32 v43  }
0x134: {  	v60 =	vld [tilespmem:s21+$0x0];
	v39 =	vmul.f32 v45, v56  }
0x135: {  	v61 =	vld [tilespmem:s23+$0x0];
	[tilespmem:s25+$0x0] =	vst v35  }
0x136: {  	v46 =	vld [tilespmem:s12+$0x10];
	v39 =	vmul.f32 v44, v39  }
0x137: {  	v47 =	vld [tilespmem:s1+$0x10]  }
0x138: {  	v48 =	vld [tilespmem:s19+$0x10];
	[tilespmem:s30+$0x10] =	vst v38;
	v39 =	vmul.f32 $1.442695020e+00, v39  }
0x139: {  	v62 =	vld [tilespmem:s29+$0x20]  }
0x13a: {  	v63 =	vld [tilespmem:s13+$0x20];
	v40 =	vpop (erf)  }
0x13b: {  	v49 =	vld [tilespmem:s15+$0x20];
	[tilespmem:s11+$0x20] =	vst v40;
	v37 =	vpop (erf)  }
0x13c: {  	v41 =	vmul.f32 v60, v59;
	v51 =	vld [tilespmem:s17+$0x30];
	(erf) = vpow2.f32 v39;
	v39 =	vpop (erf)  }
0x13d: {  	v52 =	vld [tilespmem:s14+$0x30];
	[tilespmem:s28+$0xFFFFFFE0] =	vst v39  }
0x13e: {  	v50 =	vmul.f32 v47, v46;
	v41 =	vmul.f32 v61, v41;
	v54 =	vld [tilespmem:s3+$0xFFFFFFF0]  }
0x13f: {  	v55 =	vld [tilespmem:s8+$0xFFFFFFF0]  }
0x140: {  	v42 =	vmul.f32 v48, v50;
	v41 =	vmul.f32 $1.442695020e+00, v41;
	v56 =	vld [tilespmem:s18+$0x30]  }
0x141: {  	v43 =	vmul.f32 v63, v62;
	v57 =	vld [tilespmem:s20+$0xFFFFFFF0]  }
0x142: {  	v42 =	vmul.f32 $1.442695020e+00, v42;
	(erf) = vpow2.f32 v41  }
0x143: {  	v43 =	vmul.f32 v49, v43;
	v44 =	vmul.f32 v52, v51  }
0x144: {  	(erf) = vpow2.f32 v42;
	v42 =	vmul.f32 v55, v54  }
0x145: {  	v44 =	vmul.f32 v56, v44  }
0x146: {  	v53 =	vmul.f32 $1.442695020e+00, v43;
	v46 =	vmul.f32 v57, v42  }
0x147: {  	v44 =	vmul.f32 $1.442695020e+00, v44  }
0x148: {  	(erf) = vpow2.f32 v53;
	v43 =	vpop (erf);
	v46 =	vmul.f32 $1.442695020e+00, v46  }
0x149: {  	(erf) = vpow2.f32 v44;
	[tilespmem:s26+$0xFFFFFFF0] =	vst v43  }
0x14a: {  	v58 =	vld [tilespmem:s7+$0x0];
	(erf) = vpow2.f32 v46  }
0x14b: {  	v41 =	vpop (erf);
	v59 =	vld [tilespmem:s22+$0x0]  }
0x14c: {  	[tilespmem:s16+$0x0] =	vst v41;
	v50 =	vld [tilespmem:s24+$0x0]  }
0x14d: {  	v49 =	vld [tilespmem:s4+$0x10]  }
0x14e: {  	v45 =	vpop (erf);
	v51 =	vld [tilespmem:s21+$0x10]  }
0x14f: {  	v52 =	vld [tilespmem:s23+$0x10];
	[tilespmem:s25+$0x10] =	vst v45  }
0x150: {  	v53 =	vld [tilespmem:s12+$0x20]  }
0x151: {  	v54 =	vld [tilespmem:s1+$0x20];
	v42 =	vpop (erf)  }
0x152: {  	v60 =	vld [tilespmem:s19+$0x20];
	[tilespmem:s30+$0x20] =	vst v42;
	v44 =	vpop (erf)  }
0x153: {  	v48 =	vmul.f32 v59, v58;
	v47 =	vld [tilespmem:s29+$0x30];
	v46 =	vpop (erf)  }
0x154: {  	v55 =	vld [tilespmem:s13+$0x30];
	[tilespmem:s28+$0xFFFFFFF0] =	vst v46  }
0x155: {  	v49 =	vmul.f32 v51, v49;
	v48 =	vmul.f32 v50, v48;
	v61 =	vld [tilespmem:s3+$0x0]  }
0x156: {  	v62 =	vld [tilespmem:s8+$0x0]  }
0x157: {  	v63 =	vld [tilespmem:s15+$0x30];
	v49 =	vmul.f32 v52, v49;
	v48 =	vmul.f32 $1.442695020e+00, v48  }
0x158: {  	v53 =	vmul.f32 v54, v53;
	v58 =	vld [tilespmem:s20+$0x0]  }
0x159: {  	v57 =	vmul.f32 $1.442695020e+00, v49;
	(erf) = vpow2.f32 v48  }
0x15a: {  	v50 =	vmul.f32 v60, v53;
	v47 =	vmul.f32 v55, v47  }
0x15b: {  	(erf) = vpow2.f32 v57;
	v60 =	vmul.f32 v62, v61  }
0x15c: {  	v59 =	vmul.f32 $1.442695020e+00, v50;
	v47 =	vmul.f32 v63, v47  }
0x15d: {  	v61 =	vmul.f32 v58, v60  }
0x15e: {  	(erf) = vpow2.f32 v59;
	v47 =	vmul.f32 $1.442695020e+00, v47  }
0x15f: {  	v48 =	vmul.f32 $1.442695020e+00, v61  }
0x160: {  	(erf) = vpow2.f32 v47  }
0x161: {  	(erf) = vpow2.f32 v48  }
0x162: {  	v47 =	vpop (erf)  }
0x163: {  	[tilespmem:s26+$0x0] =	vst v47  }
0x164: {  	v49 =	vpop (erf);
	v50 =	vld [tilespmem:s7+$0x10]  }
0x165: {  	[tilespmem:s16+$0x10] =	vst v49;
	v54 =	vld [tilespmem:s22+$0x10]  }
0x166: {  	v51 =	vld [tilespmem:s4+$0x20]  }
0x167: {  	v52 =	vpop (erf);
	v53 =	vld [tilespmem:s21+$0x20]  }
0x168: {  	[tilespmem:s25+$0x20] =	vst v52;
	v58 =	vld [tilespmem:s23+$0x20]  }
0x169: {  	v55 =	vld [tilespmem:s12+$0x30];
	v56 =	vpop (erf)  }
0x16a: {  	v48 =	vld [tilespmem:s24+$0x10];
	v59 =	vpop (erf)  }
0x16b: {  	v57 =	vld [tilespmem:s1+$0x30];
	[tilespmem:s28+$0x0] =	vst v59  }
0x16c: {  	v61 =	vld [tilespmem:s3+$0x10]  }
0x16d: {  	v50 =	vmul.f32 v54, v50;
	v54 =	vld [tilespmem:s8+$0x10]  }
0x16e: {  	v60 =	vld [tilespmem:s19+$0x30]  }
0x16f: {  	v48 =	vmul.f32 v48, v50;
	v62 =	vld [tilespmem:s20+$0x10]  }
0x170: {  	v51 =	vmul.f32 v53, v51  }
0x171: {  	v63 =	vmul.f32 v57, v55;
	v48 =	vmul.f32 $1.442695020e+00, v48  }
0x172: {  	v51 =	vmul.f32 v58, v51;
	v54 =	vmul.f32 v54, v61  }
0x173: {  	v53 =	vmul.f32 v60, v63;
	(erf) = vpow2.f32 v48  }
0x174: {  	v51 =	vmul.f32 $1.442695020e+00, v51;
	v57 =	vmul.f32 v62, v54  }
0x175: {  	v58 =	vmul.f32 $1.442695020e+00, v53  }
0x176: {  	(erf) = vpow2.f32 v51;
	v48 =	vmul.f32 $1.442695020e+00, v57  }
0x177: {  	(erf) = vpow2.f32 v58  }
0x178: {  	(erf) = vpow2.f32 v48;
	_ =	sdelay $0x3  }
0x179: {  	v48 =	vpop (erf)  }
0x17a: {  	[tilespmem:s26+$0x10] =	vst v48  }
0x17b: {  	v51 =	vld [tilespmem:s7+$0x20]  }
0x17c: {  	v50 =	vpop (erf);
	v53 =	vld [tilespmem:s22+$0x20]  }
0x17d: {  	[tilespmem:s16+$0x20] =	vst v50;
	v54 =	vpop (erf);
	v60 =	vld [tilespmem:s24+$0x20]  }
0x17e: {  	v55 =	vld [tilespmem:s4+$0x30];
	v58 =	vpop (erf)  }
0x17f: {  	v57 =	vld [tilespmem:s21+$0x30];
	[tilespmem:s28+$0x10] =	vst v58  }
0x180: {  	v61 =	vld [tilespmem:s3+$0x20]  }
0x181: {  	v62 =	vld [tilespmem:s8+$0x20]  }
0x182: {  	v63 =	vld [tilespmem:s23+$0x30]  }
0x183: {  	v51 =	vmul.f32 v53, v51;
	v53 =	vld [tilespmem:s20+$0x20];
	_ =	sdelay $0x1  }
0x184: {  	v55 =	vmul.f32 v57, v55;
	v51 =	vmul.f32 v60, v51  }
0x185: {  	v60 =	vmul.f32 v62, v61  }
0x186: {  	v55 =	vmul.f32 v63, v55;
	v51 =	vmul.f32 $1.442695020e+00, v51  }
0x187: {  	v53 =	vmul.f32 v53, v60  }
0x188: {  	v55 =	vmul.f32 $1.442695020e+00, v55;
	(erf) = vpow2.f32 v51  }
0x189: {  	v61 =	vmul.f32 $1.442695020e+00, v53  }
0x18a: {  	(erf) = vpow2.f32 v55  }
0x18b: {  	(erf) = vpow2.f32 v61;
	_ =	sdelay $0x5  }
0x18c: {  	v51 =	vpop (erf)  }
0x18d: {  	[tilespmem:s26+$0x20] =	vst v51  }
0x18e: {  	v53 =	vpop (erf);
	v55 =	vld [tilespmem:s7+$0x30]  }
0x18f: {  	v57 =	vld [tilespmem:s22+$0x30];
	v60 =	vpop (erf)  }
0x190: {  	v61 =	vld [tilespmem:s24+$0x30];
	[tilespmem:s28+$0x20] =	vst v60  }
0x191: {  	v4 =	vadd.f32 v23, v4;
	v13 =	vadd.f32 v19, v13;
	v62 =	vld [tilespmem:s3+$0x30]  }
0x192: {  	v14 =	vadd.f32 v17, v14;
	v8 =	vadd.f32 v11, v8;
	v19 =	vld [tilespmem:s8+$0x30]  }
0x193: {  	v9 =	vadd.f32 v12, v9;
	v4 =	vadd.f32 v4, v20  }
0x194: {  	v10 =	vadd.f32 v29, v10;
	v20 =	vadd.f32 v30, v24;
	v24 =	vld [tilespmem:s20+$0x30]  }
0x195: {  	v6 =	vadd.f32 v21, v6;
	v4 =	vadd.f32 v4, v13;
	v13 =	vmul.f32 v57, v55  }
0x196: {  	v7 =	vadd.f32 v27, v7;
	v5 =	vadd.f32 v10, v5  }
0x197: {  	v17 =	vadd.f32 v20, v18;
	v13 =	vmul.f32 v61, v13;
	s21 =	rddreg [dreg:$0x1b];
	v18 =	vmul.f32 v19, v62  }
0x198: {  	v15 =	vadd.f32 v32, v15;
	v20 =	vadd.f32 v37, v31;
	[tilespmem:s21+$0x30] =	vst v23  }
0x199: {  	v14 =	vadd.f32 v17, v14;
	v13 =	vmul.f32 $1.442695020e+00, v13;
	s0 =	sld [smem:$0x7EA];
	v18 =	vmul.f32 v24, v18  }
0x19a: {  	v17 =	vadd.f32 v34, v25;
	v11 =	vadd.f32 v20, v22  }
0x19b: {  	v25 =	vadd.f32 v38, v28;
	(erf) = vpow2.f32 v13;
	v13 =	vmul.f32 $1.442695020e+00, v18  }
0x19c: {  	v8 =	vadd.f32 v11, v8;
	[tilespmem:s31+$0x30] =	vst v30;
	s22 =	sand.u32 $0x1F0, s0;
	v24 =	vadd.f32 v44, v40  }
0x19d: {  	v11 =	vadd.f32 v43, v33;
	[tilespmem:s22+$0x14080] =	vst v4;
	v4 =	vadd.f32 v45, v35;
	(erf) = vpow2.f32 v13  }
0x19e: {  	s23 =	sld [smem:$0x7EB];
	v12 =	vadd.f32 v24, v15;
	v15 =	vadd.f32 v54, v52  }
0x19f: {  	s18 =	smov.u32 s30;
	v7 =	vadd.f32 v11, v7;
	s30 =	rddreg [dreg:$0x1a];
	[tilespmem:s10+$0x30] =	vst v37;
	v13 =	vadd.f32 v56, v42  }
0x1a0: {  	v19 =	vadd.f32 v36, v26;
	[tilespmem:s11+$0x30] =	vst v44;
	v4 =	vadd.f32 v15, v4  }
0x1a1: {  	[tilespmem:s18+$0x30] =	vst v56;
	s0 =	sadd.s32 $0x10, s30;
	s24 =	sand.u32 $0x1F0, s23;
	v9 =	vadd.f32 v12, v9;
	v13 =	vadd.f32 v13, v25  }
0x1a2: {  	s3 =	sand.u32 $0x1F0, s0;
	s2 =	sadd.s32 $0x10, s0;
	[tilespmem:s24+$0x14080] =	vst v14;
	v14 =	vadd.f32 v49, v41;
	v4 =	vadd.f32 v4, v5  }
0x1a3: {  	[tilespmem:s3+$0x14080] =	vst v8;
	s4 =	sand.u32 $0x1F0, s2;
	s2 =	sadd.s32 $0x10, s2;
	v5 =	vadd.f32 v53, v50;
	v6 =	vadd.f32 v13, v6  }
0x1a4: {  	v10 =	vadd.f32 v58, v59;
	v8 =	vadd.f32 v48, v47;
	s5 =	sand.u32 $0x1F0, s2;
	[tilespmem:s4+$0x14080] =	vst v9  }
0x1a5: {  	s2 =	sadd.s32 $0x10, s2;
	v9 =	vpop (erf);
	v5 =	vadd.f32 v5, v14;
	[tilespmem:s5+$0x14080] =	vst v6;
	v6 =	vadd.f32 v19, v16  }
0x1a6: {  	[tilespmem:s25+$0x30] =	vst v54;
	v12 =	vadd.f32 v46, v39;
	s6 =	sand.u32 $0x1F0, s2;
	v13 =	vadd.f32 v9, v51;
	v11 =	vpop (erf)  }
0x1a7: {  	s2 =	sadd.s32 $0x10, s2;
	[tilespmem:s6+$0x14080] =	vst v4;
	v4 =	vadd.f32 v5, v6;
	v5 =	vadd.f32 v11, v60  }
0x1a8: {  	[tilespmem:s16+$0x30] =	vst v53;
	s7 =	sand.u32 $0x1F0, s2;
	v8 =	vadd.f32 v13, v8  }
0x1a9: {  	[tilespmem:s7+$0x14080] =	vst v4;
	v4 =	vadd.f32 v12, v17;
	v5 =	vadd.f32 v5, v10  }
0x1aa: {  	s2 =	sadd.s32 $0x10, s2;
	[tilespmem:s26+$0x30] =	vst v9;
	v6 =	vadd.f32 v8, v7  }
0x1ab: {  	s8 =	sand.u32 $0x1F0, s2;
	s9 =	sadd.s32 $0x10, s2;
	[tilespmem:s28+$0x30] =	vst v11;
	v4 =	vadd.f32 v5, v4  }
0x1ac: {  	s10 =	sand.u32 $0x1F0, s9;
	[tilespmem:s8+$0x14080] =	vst v6  }
0x1ad: {  	s11 =	simm.s32 $0x2;
	[tilespmem:s10+$0x14080] =	vst v4  }
0x1ae: {  	_ =	swait.ge [sflag:s11], $0x1000  }
0x1af: {  	[sflag:s11] =	ssyncset.done $0x0  }
0x1b0: {  	s12 =	simm.s32 $0x4;
	[sflag:s11] =	ssyncadd.s32 $0xFFFFF000  }
0x1b1: {  	_ =	swait.ge [sflag:s12], $0x1000  }
0x1b2: {  	s13 =	sld [smem:$0x7F0]  }
0x1b3: {  	s14 =	simm.s32 $0x80;
	s15 =	simm.s32 $0x400;
	[sflag:s12] =	ssyncset.done $0x0  }
0x1b4: {  	s16 =	simm.s32 $0x8000;
	s17 =	sld [smem:$0x7F1];
	[sflag:s12] =	ssyncadd.s32 $0xFFFFF000  }
0x1b5: {  	[tilespmem:s16], [sflag:$0x1] =	stream.strided.gather [hbm4b:s13+s14], $0x1000, s15, s14, $0x38;
	[tilespmem:$0x15080] =	vst v63  }
0x1b6: {  	s18 =	simm.s32 $0xA000;
	s3 =	simm.s32 $0xB040  }
0x1b7: {  	[tilespmem:s18], [sflag:$0x3] =	stream.strided.gather [hbm4b:s17+s14], $0x1000, s15, s14, $0x38;
	[tilespmem:$0x15080] =	vst v63  }
0x1b8: {  	s4 =	simm.s32 $0x9040;
	v4 =	vld [tilespmem:s3+$0xFFFFFFC0]  }
0x1b9: {  	v5 =	vld [tilespmem:s4+$0xFFFFFFC0]  }
0x1ba: {  	s0 =	simm.s32 $0x1070  }
0x1bb: {  	v6 =	vld [tilespmem:s0+$0xFFFFFF90];
	_ =	sdelay $0x2  }
0x1bc: {  	v4 =	vmul.f32 v4, v5;
	_ =	sdelay $0x1  }
0x1bd: {  	v4 =	vmul.f32 v6, v4;
	_ =	sdelay $0x1  }
0x1be: {  	v4 =	vmul.f32 $1.442695020e+00, v4;
	_ =	sdelay $0x1  }
0x1bf: {  	(erf) = vpow2.f32 v4;
	_ =	sdelay $0x6  }
0x1c0: {  	s8 =	simm.s32 $0x90C0  }
0x1c1: {  	s7 =	simm.s32 $0xB0C0;
	v6 =	vld [tilespmem:s8+$0xFFFFFFC0]  }
0x1c2: {  	s9 =	simm.s32 $0xD071;
	s13 =	simm.s32 $0x10F0;
	v4 =	vld [tilespmem:s7+$0xFFFFFFC0];
	v5 =	vpop (erf)  }
0x1c3: {  	v7 =	vld [tilespmem:s13+$0xFFFFFF90];
	[tilespmem:s9+$0xFFFFFF90] =	vst v5  }
0x1c4: {  	v8 =	vld [tilespmem:s3+$0xFFFFFFD0]  }
0x1c5: {  	v9 =	vld [tilespmem:s4+$0xFFFFFFD0];
	_ =	sdelay $0x1  }
0x1c6: {  	v4 =	vmul.f32 v4, v6;
	v10 =	vld [tilespmem:s0+$0xFFFFFFA0];
	_ =	sdelay $0x1  }
0x1c7: {  	v4 =	vmul.f32 v7, v4  }
0x1c8: {  	v6 =	vmul.f32 v8, v9  }
0x1c9: {  	v4 =	vmul.f32 $1.442695020e+00, v4  }
0x1ca: {  	v6 =	vmul.f32 v10, v6  }
0x1cb: {  	(erf) = vpow2.f32 v4  }
0x1cc: {  	v4 =	vmul.f32 $1.442695020e+00, v6;
	_ =	sdelay $0x1  }
0x1cd: {  	(erf) = vpow2.f32 v4;
	_ =	sdelay $0x3  }
0x1ce: {  	s6 =	simm.s32 $0x9140  }
0x1cf: {  	s2 =	simm.s32 $0xB140;
	v7 =	vld [tilespmem:s6+$0xFFFFFFC0]  }
0x1d0: {  	s1 =	simm.s32 $0x1170;
	s22 =	simm.s32 $0xD0F1;
	v4 =	vld [tilespmem:s2+$0xFFFFFFC0];
	v6 =	vpop (erf)  }
0x1d1: {  	v9 =	vld [tilespmem:s1+$0xFFFFFF90];
	[tilespmem:s22+$0xFFFFFF90] =	vst v6  }
0x1d2: {  	v10 =	vld [tilespmem:s7+$0xFFFFFFD0]  }
0x1d3: {  	v11 =	vld [tilespmem:s8+$0xFFFFFFD0];
	v8 =	vpop (erf)  }
0x1d4: {  	v12 =	vld [tilespmem:s13+$0xFFFFFFA0];
	[tilespmem:s9+$0xFFFFFFA0] =	vst v8  }
0x1d5: {  	v4 =	vmul.f32 v4, v7;
	v13 =	vld [tilespmem:s3+$0xFFFFFFE0]  }
0x1d6: {  	v7 =	vld [tilespmem:s4+$0xFFFFFFE0]  }
0x1d7: {  	v4 =	vmul.f32 v9, v4  }
0x1d8: {  	v10 =	vmul.f32 v10, v11;
	v9 =	vld [tilespmem:s0+$0xFFFFFFB0]  }
0x1d9: {  	v4 =	vmul.f32 $1.442695020e+00, v4  }
0x1da: {  	v10 =	vmul.f32 v12, v10  }
0x1db: {  	(erf) = vpow2.f32 v4;
	v7 =	vmul.f32 v13, v7  }
0x1dc: {  	v4 =	vmul.f32 $1.442695020e+00, v10  }
0x1dd: {  	v7 =	vmul.f32 v9, v7  }
0x1de: {  	(erf) = vpow2.f32 v4  }
0x1df: {  	v4 =	vmul.f32 $1.442695020e+00, v7;
	_ =	sdelay $0x1  }
0x1e0: {  	(erf) = vpow2.f32 v4  }
0x1e1: {  	s17 =	simm.s32 $0x91C0  }
0x1e2: {  	s14 =	simm.s32 $0xB1C0;
	v7 =	vld [tilespmem:s17+$0xFFFFFFC0]  }
0x1e3: {  	s26 =	simm.s32 $0xD171;
	s15 =	simm.s32 $0x11F0;
	v9 =	vpop (erf);
	v4 =	vld [tilespmem:s14+$0xFFFFFFC0]  }
0x1e4: {  	v10 =	vld [tilespmem:s15+$0xFFFFFF90];
	[tilespmem:s26+$0xFFFFFF90] =	vst v9  }
0x1e5: {  	v13 =	vld [tilespmem:s2+$0xFFFFFFD0]  }
0x1e6: {  	v11 =	vpop (erf);
	v14 =	vld [tilespmem:s6+$0xFFFFFFD0]  }
0x1e7: {  	v15 =	vld [tilespmem:s1+$0xFFFFFFA0];
	[tilespmem:s22+$0xFFFFFFA0] =	vst v11  }
0x1e8: {  	v16 =	vld [tilespmem:s7+$0xFFFFFFE0];
	v4 =	vmul.f32 v4, v7  }
0x1e9: {  	v7 =	vld [tilespmem:s8+$0xFFFFFFE0];
	v12 =	vpop (erf)  }
0x1ea: {  	v17 =	vld [tilespmem:s13+$0xFFFFFFB0];
	v4 =	vmul.f32 v10, v4;
	[tilespmem:s9+$0xFFFFFFB0] =	vst v12  }
0x1eb: {  	v13 =	vmul.f32 v13, v14;
	v10 =	vld [tilespmem:s4+$0xFFFFFFF0]  }
0x1ec: {  	v4 =	vmul.f32 $1.442695020e+00, v4;
	v14 =	vld [tilespmem:s3+$0xFFFFFFF0]  }
0x1ed: {  	v13 =	vmul.f32 v15, v13  }
0x1ee: {  	v7 =	vmul.f32 v16, v7;
	v15 =	vld [tilespmem:s0+$0xFFFFFFC0];
	(erf) = vpow2.f32 v4  }
0x1ef: {  	v4 =	vmul.f32 $1.442695020e+00, v13  }
0x1f0: {  	v7 =	vmul.f32 v17, v7  }
0x1f1: {  	(erf) = vpow2.f32 v4;
	v10 =	vmul.f32 v14, v10  }
0x1f2: {  	v4 =	vmul.f32 $1.442695020e+00, v7  }
0x1f3: {  	v7 =	vmul.f32 v15, v10  }
0x1f4: {  	(erf) = vpow2.f32 v4  }
0x1f5: {  	s18 =	simm.s32 $0x9240;
	v4 =	vmul.f32 $1.442695020e+00, v7  }
0x1f6: {  	s30 =	simm.s32 $0x1270;
	v10 =	vld [tilespmem:s18+$0xFFFFFFC0]  }
0x1f7: {  	s29 =	simm.s32 $0xD1F1;
	s19 =	simm.s32 $0xB240;
	v7 =	vld [tilespmem:s30+$0xFFFFFF90];
	v15 =	vpop (erf);
	(erf) = vpow2.f32 v4  }
0x1f8: {  	[tilespmem:s29+$0xFFFFFF90] =	vst v15;
	v4 =	vld [tilespmem:s19+$0xFFFFFFC0]  }
0x1f9: {  	v13 =	vld [tilespmem:s15+$0xFFFFFFA0]  }
0x1fa: {  	v17 =	vpop (erf);
	v14 =	vld [tilespmem:s14+$0xFFFFFFD0]  }
0x1fb: {  	v19 =	vld [tilespmem:s17+$0xFFFFFFD0];
	[tilespmem:s26+$0xFFFFFFA0] =	vst v17  }
0x1fc: {  	v20 =	vld [tilespmem:s1+$0xFFFFFFB0]  }
0x1fd: {  	v21 =	vld [tilespmem:s2+$0xFFFFFFE0];
	v16 =	vpop (erf);
	v4 =	vmul.f32 v4, v10  }
0x1fe: {  	[tilespmem:s22+$0xFFFFFFB0] =	vst v16;
	v10 =	vld [tilespmem:s6+$0xFFFFFFE0]  }
0x1ff: {  	v22 =	vld [tilespmem:s8+$0xFFFFFFF0];
	v4 =	vmul.f32 v7, v4  }
0x200: {  	v7 =	vmul.f32 v14, v19;
	v14 =	vld [tilespmem:s13+$0xFFFFFFC0];
	v18 =	vpop (erf)  }
0x201: {  	v19 =	vld [tilespmem:s7+$0xFFFFFFF0];
	v4 =	vmul.f32 $1.442695020e+00, v4;
	[tilespmem:s9+$0xFFFFFFC0] =	vst v18  }
0x202: {  	v7 =	vmul.f32 v13, v7;
	v13 =	vld [tilespmem:s4+$0x0]  }
0x203: {  	v10 =	vmul.f32 v21, v10;
	v23 =	vld [tilespmem:s3+$0x0];
	(erf) = vpow2.f32 v4  }
0x204: {  	v4 =	vmul.f32 $1.442695020e+00, v7  }
0x205: {  	v7 =	vld [tilespmem:s0+$0xFFFFFFD0];
	v10 =	vmul.f32 v20, v10  }
0x206: {  	v19 =	vmul.f32 v19, v22;
	(erf) = vpow2.f32 v4  }
0x207: {  	v4 =	vmul.f32 $1.442695020e+00, v10  }
0x208: {  	v10 =	vmul.f32 v23, v13;
	v13 =	vmul.f32 v14, v19  }
0x209: {  	(erf) = vpow2.f32 v4  }
0x20a: {  	s12 =	simm.s32 $0x12F0;
	v4 =	vmul.f32 v7, v10;
	v7 =	vmul.f32 $1.442695020e+00, v13  }
0x20b: {  	s5 =	simm.s32 $0x92C0;
	v10 =	vld [tilespmem:s12+$0xFFFFFF90]  }
0x20c: {  	s31 =	simm.s32 $0xB2C0;
	s10 =	simm.s32 $0xD271;
	v13 =	vld [tilespmem:s5+$0xFFFFFFC0];
	v4 =	vmul.f32 $1.442695020e+00, v4;
	(erf) = vpow2.f32 v7;
	v20 =	vpop (erf)  }
0x20d: {  	v7 =	vld [tilespmem:s31+$0xFFFFFFC0];
	[tilespmem:s10+$0xFFFFFF90] =	vst v20  }
0x20e: {  	s20 =	simm.s32 $0xB240;
	(erf) = vpow2.f32 v4;
	v4 =	vld [tilespmem:s30+$0xFFFFFFA0]  }
0x20f: {  	v22 =	vpop (erf);
	v14 =	vld [tilespmem:s20+$0xFFFFFFD0]  }
0x210: {  	v19 =	vld [tilespmem:s18+$0xFFFFFFD0];
	[tilespmem:s29+$0xFFFFFFA0] =	vst v22  }
0x211: {  	v25 =	vld [tilespmem:s15+$0xFFFFFFB0]  }
0x212: {  	v26 =	vld [tilespmem:s14+$0xFFFFFFE0];
	v21 =	vpop (erf);
	v7 =	vmul.f32 v7, v13  }
0x213: {  	v27 =	vld [tilespmem:s17+$0xFFFFFFE0];
	[tilespmem:s26+$0xFFFFFFB0] =	vst v21  }
0x214: {  	v13 =	vld [tilespmem:s6+$0xFFFFFFF0];
	v7 =	vmul.f32 v10, v7  }
0x215: {  	v28 =	vld [tilespmem:s1+$0xFFFFFFC0];
	v10 =	vmul.f32 v14, v19;
	v24 =	vpop (erf)  }
0x216: {  	v14 =	vld [tilespmem:s2+$0xFFFFFFF0];
	v7 =	vmul.f32 $1.442695020e+00, v7;
	[tilespmem:s22+$0xFFFFFFC0] =	vst v24  }
0x217: {  	v4 =	vmul.f32 v4, v10;
	v19 =	vld [tilespmem:s8+$0x0]  }
0x218: {  	v26 =	vmul.f32 v26, v27;
	v23 =	vpop (erf);
	v10 =	vld [tilespmem:s7+$0x0];
	(erf) = vpow2.f32 v7  }
0x219: {  	v4 =	vmul.f32 $1.442695020e+00, v4;
	v7 =	vld [tilespmem:s13+$0xFFFFFFD0];
	[tilespmem:s9+$0xFFFFFFD0] =	vst v23  }
0x21a: {  	v25 =	vmul.f32 v25, v26;
	v27 =	vld [tilespmem:s4+$0x10]  }
0x21b: {  	v13 =	vmul.f32 v14, v13;
	v26 =	vld [tilespmem:s3+$0x10];
	(erf) = vpow2.f32 v4  }
0x21c: {  	v14 =	vmul.f32 $1.442695020e+00, v25  }
0x21d: {  	v4 =	vld [tilespmem:s0+$0xFFFFFFE0];
	v13 =	vmul.f32 v28, v13;
	v10 =	vmul.f32 v10, v19  }
0x21e: {  	(erf) = vpow2.f32 v14  }
0x21f: {  	s19 =	simm.s32 $0x1370;
	v7 =	vmul.f32 v7, v10;
	v10 =	vmul.f32 $1.442695020e+00, v13  }
0x220: {  	s23 =	simm.s32 $0xB340;
	v14 =	vld [tilespmem:s19+$0xFFFFFF90];
	v13 =	vmul.f32 v26, v27  }
0x221: {  	s24 =	simm.s32 $0x9340;
	s11 =	simm.s32 $0xD2F1;
	v7 =	vmul.f32 $1.442695020e+00, v7;
	(erf) = vpow2.f32 v10;
	v10 =	vld [tilespmem:s23+$0xFFFFFFC0];
	v25 =	vpop (erf)  }
0x222: {  	v4 =	vmul.f32 v4, v13;
	v13 =	vld [tilespmem:s24+$0xFFFFFFC0];
	[tilespmem:s11+$0xFFFFFF90] =	vst v25  }
0x223: {  	(erf) = vpow2.f32 v7;
	v7 =	vld [tilespmem:s12+$0xFFFFFFA0]  }
0x224: {  	v4 =	vmul.f32 $1.442695020e+00, v4;
	v28 =	vpop (erf);
	v19 =	vld [tilespmem:s31+$0xFFFFFFD0]  }
0x225: {  	v30 =	vld [tilespmem:s5+$0xFFFFFFD0];
	[tilespmem:s10+$0xFFFFFFA0] =	vst v28  }
0x226: {  	s21 =	simm.s32 $0xB240;
	(erf) = vpow2.f32 v4;
	v4 =	vld [tilespmem:s30+$0xFFFFFFB0]  }
0x227: {  	v26 =	vpop (erf);
	v31 =	vld [tilespmem:s21+$0xFFFFFFE0]  }
0x228: {  	v62 =	vld [tilespmem:s18+$0xFFFFFFE0];
	[tilespmem:s29+$0xFFFFFFB0] =	vst v26  }
0x229: {  	v63 =	vld [tilespmem:s17+$0xFFFFFFF0]  }
0x22a: {  	v40 =	vld [tilespmem:s15+$0xFFFFFFC0];
	v29 =	vpop (erf)  }
0x22b: {  	v41 =	vld [tilespmem:s14+$0xFFFFFFF0];
	[tilespmem:s26+$0xFFFFFFC0] =	vst v29  }
0x22c: {  	v10 =	vmul.f32 v10, v13;
	v42 =	vld [tilespmem:s6+$0x0]  }
0x22d: {  	v27 =	vpop (erf);
	v13 =	vld [tilespmem:s2+$0x0]  }
0x22e: {  	v19 =	vmul.f32 v19, v30;
	v10 =	vmul.f32 v14, v10;
	v14 =	vld [tilespmem:s1+$0xFFFFFFD0];
	[tilespmem:s22+$0xFFFFFFD0] =	vst v27  }
0x22f: {  	v43 =	vld [tilespmem:s8+$0x10];
	v30 =	vpop (erf)  }
0x230: {  	v7 =	vmul.f32 v7, v19;
	v19 =	vmul.f32 v31, v62;
	v44 =	vld [tilespmem:s7+$0x10];
	[tilespmem:s9+$0xFFFFFFE0] =	vst v30  }
0x231: {  	v10 =	vmul.f32 $1.442695020e+00, v10;
	v31 =	vld [tilespmem:s4+$0x20]  }
0x232: {  	v7 =	vmul.f32 $1.442695020e+00, v7;
	v4 =	vmul.f32 v4, v19;
	v19 =	vld [tilespmem:s3+$0x20]  }
0x233: {  	(erf) = vpow2.f32 v10;
	v10 =	vmul.f32 v41, v63;
	v45 =	vld [tilespmem:s13+$0xFFFFFFE0]  }
0x234: {  	(erf) = vpow2.f32 v7;
	v4 =	vmul.f32 $1.442695020e+00, v4;
	v7 =	vld [tilespmem:s0+$0xFFFFFFF0]  }
0x235: {  	v10 =	vmul.f32 v40, v10;
	v13 =	vmul.f32 v13, v42  }
0x236: {  	(erf) = vpow2.f32 v4;
	v4 =	vmul.f32 v44, v43  }
0x237: {  	v13 =	vmul.f32 v14, v13;
	v14 =	vmul.f32 v19, v31  }
0x238: {  	v10 =	vmul.f32 $1.442695020e+00, v10;
	v4 =	vmul.f32 v45, v4  }
0x239: {  	v13 =	vmul.f32 $1.442695020e+00, v13;
	v7 =	vmul.f32 v7, v14  }
0x23a: {  	(erf) = vpow2.f32 v10;
	v4 =	vmul.f32 $1.442695020e+00, v4  }
0x23b: {  	(erf) = vpow2.f32 v13;
	v7 =	vmul.f32 $1.442695020e+00, v7  }
0x23c: {  	(erf) = vpow2.f32 v4  }
0x23d: {  	(erf) = vpow2.f32 v7;
	_ =	sdelay $0x2  }
0x23e: {  	v34 =	vpop (erf)  }
0x23f: {  	v35 =	vpop (erf)  }
0x240: {  	v36 =	vpop (erf)  }
0x241: {  	s20 =	simm.s32 $0xD071;
	v37 =	vpop (erf)  }
0x242: {  	[dreg:$0x1e] =	wrdreg s20;
	s20 =	simm.s32 $0x93C0;
	v31 =	vpop (erf)  }
0x243: {  	s16 =	simm.s32 $0xB3C0;
	v19 =	vld [tilespmem:s20+$0xFFFFFFC0];
	v38 =	vpop (erf)  }
0x244: {  	v14 =	vld [tilespmem:s16+$0xFFFFFFC0];
	[tilespmem:s11+$0xFFFFFFA0] =	vst v35;
	v4 =	vpop (erf)  }
0x245: {  	v49 =	vld [tilespmem:s12+$0xFFFFFFB0];
	[tilespmem:s9+$0xFFFFFFF0] =	vst v4  }
0x246: {  	s9 =	simm.s32 $0x13F0;
	v13 =	vld [tilespmem:s3+$0x30];
	s3 =	simm.s32 $0xD371  }
0x247: {  	v7 =	vld [tilespmem:s9+$0xFFFFFF90];
	[tilespmem:s3+$0xFFFFFF90] =	vst v34  }
0x248: {  	v47 =	vld [tilespmem:s23+$0xFFFFFFD0]  }
0x249: {  	v48 =	vld [tilespmem:s24+$0xFFFFFFD0]  }
0x24a: {  	v50 =	vld [tilespmem:s31+$0xFFFFFFE0]  }
0x24b: {  	v46 =	vld [tilespmem:s19+$0xFFFFFFA0]  }
0x24c: {  	s25 =	simm.s32 $0xB240;
	v51 =	vld [tilespmem:s5+$0xFFFFFFE0];
	[tilespmem:s10+$0xFFFFFFB0] =	vst v36;
	v14 =	vmul.f32 v14, v19  }
0x24d: {  	v52 =	vld [tilespmem:s25+$0xFFFFFFF0]  }
0x24e: {  	v19 =	vld [tilespmem:s18+$0xFFFFFFF0];
	[tilespmem:s29+$0xFFFFFFC0] =	vst v37;
	v7 =	vmul.f32 v7, v14;
	v14 =	vmul.f32 v47, v48  }
0x24f: {  	v53 =	vld [tilespmem:s17+$0x0]  }
0x250: {  	v54 =	vld [tilespmem:s14+$0x0];
	v7 =	vmul.f32 $1.442695020e+00, v7;
	v14 =	vmul.f32 v46, v14  }
0x251: {  	v55 =	vld [tilespmem:s30+$0xFFFFFFC0];
	v41 =	vmul.f32 v50, v51  }
0x252: {  	[tilespmem:s26+$0xFFFFFFD0] =	vst v31;
	(erf) = vpow2.f32 v7;
	v7 =	vld [tilespmem:s15+$0xFFFFFFD0];
	v14 =	vmul.f32 $1.442695020e+00, v14  }
0x253: {  	s25 =	simm.s32 $0x90C0;
	v56 =	vld [tilespmem:s6+$0x10];
	[tilespmem:s22+$0xFFFFFFE0] =	vst v38  }
0x254: {  	v40 =	vmul.f32 v49, v41;
	v10 =	vld [tilespmem:s4+$0x30];
	[dreg:$0xe] =	wrdreg s25;
	(erf) = vpow2.f32 v14  }
0x255: {  	v19 =	vmul.f32 v52, v19;
	s6 =	simm.s32 $0xB0C0;
	v57 =	vld [tilespmem:s8+$0x20];
	v14 =	vmul.f32 v54, v53  }
0x256: {  	v40 =	vmul.f32 $1.442695020e+00, v40;
	v58 =	vld [tilespmem:s2+$0x10];
	[dreg:$0xb] =	wrdreg s6  }
0x257: {  	v19 =	vmul.f32 v55, v19;
	s8 =	simm.s32 $0x10F0;
	v59 =	vld [tilespmem:s7+$0x20];
	v7 =	vmul.f32 v7, v14  }
0x258: {  	v60 =	vld [tilespmem:s1+$0xFFFFFFE0];
	[smem:$0x7DF] =	sst s8  }
0x259: {  	s8 =	simm.s32 $0x1470;
	v61 =	vld [tilespmem:s0+$0x0];
	(erf) = vpow2.f32 v40;
	v14 =	vmul.f32 $1.442695020e+00, v19  }
0x25a: {  	v63 =	vld [tilespmem:s8+$0xFFFFFF90];
	v62 =	vmul.f32 $1.442695020e+00, v7  }
0x25b: {  	s25 =	simm.s32 $0xB440;
	s7 =	simm.s32 $0xD3F1;
	v19 =	vld [tilespmem:s13+$0xFFFFFFF0];
	(erf) = vpow2.f32 v14;
	v14 =	vmul.f32 v58, v56;
	v7 =	vpop (erf)  }
0x25c: {  	s28 =	simm.s32 $0x9440;
	s21 =	simm.s32 $0x13F0;
	v10 =	vmul.f32 v13, v10;
	v52 =	vld [tilespmem:s25+$0xFFFFFFC0];
	[tilespmem:s7+$0xFFFFFF90] =	vst v7  }
0x25d: {  	v53 =	vld [tilespmem:s28+$0xFFFFFFC0];
	v51 =	vmul.f32 v59, v57;
	v14 =	vmul.f32 v60, v14;
	[dreg:$0x11] =	wrdreg s21;
	v55 =	vpop (erf)  }
0x25e: {  	v10 =	vmul.f32 v61, v10;
	(erf) = vpow2.f32 v62;
	v54 =	vld [tilespmem:s9+$0xFFFFFFA0];
	[tilespmem:s3+$0xFFFFFFA0] =	vst v55;
	s3 =	simm.s32 $0x93C0  }
0x25f: {  	s6 =	simm.s32 $0x1370;
	v14 =	vmul.f32 $1.442695020e+00, v14;
	v56 =	vld [tilespmem:s16+$0xFFFFFFD0];
	[dreg:$0x14] =	wrdreg s3  }
0x260: {  	v13 =	vmul.f32 v19, v51;
	v57 =	vld [tilespmem:s20+$0xFFFFFFD0];
	[smem:$0x7E0] =	sst s6  }
0x261: {  	s9 =	simm.s32 $0xD2F1;
	(erf) = vpow2.f32 v14;
	v58 =	vld [tilespmem:s19+$0xFFFFFFB0]  }
0x262: {  	v13 =	vmul.f32 $1.442695020e+00, v13;
	v14 =	vmul.f32 $1.442695020e+00, v10;
	v10 =	vpop (erf);
	v59 =	vld [tilespmem:s23+$0xFFFFFFE0];
	[dreg:$0x17] =	wrdreg s9  }
0x263: {  	[tilespmem:s11+$0xFFFFFFB0] =	vst v10;
	v60 =	vld [tilespmem:s24+$0xFFFFFFE0]  }
0x264: {  	s4 =	simm.s32 $0xB140;
	(erf) = vpow2.f32 v13;
	v13 =	vadd.f32 v8, v5;
	v8 =	vadd.f32 v17, v9;
	v61 =	vld [tilespmem:s5+$0xFFFFFFF0]  }
0x265: {  	s2 =	simm.s32 $0x1170;
	s1 =	simm.s32 $0xB340;
	s0 =	simm.s32 $0x9140;
	v9 =	vadd.f32 v22, v15;
	v5 =	vmul.f32 v52, v53;
	(erf) = vpow2.f32 v14;
	v22 =	vpop (erf);
	v32 =	vld [tilespmem:s12+$0xFFFFFFC0]  }
0x266: {  	s13 =	simm.s32 $0x9240;
	s21 =	simm.s32 $0xB3C0;
	s16 =	simm.s32 $0xD371;
	[tilespmem:s10+$0xFFFFFFC0] =	vst v22;
	v62 =	vld [tilespmem:s31+$0xFFFFFFF0]  }
0x267: {  	v19 =	vadd.f32 v18, v12;
	s20 =	simm.s32 $0xB240;
	s6 =	simm.s32 $0x9440;
	v18 =	vmul.f32 v63, v5;
	s10 =	simm.s32 $0xB240;
	v15 =	vpop (erf);
	v33 =	vld [tilespmem:s18+$0x0]  }
0x268: {  	v17 =	vadd.f32 v24, v16;
	s9 =	simm.s32 $0x9340;
	s19 =	simm.s32 $0x12F0;
	s23 =	simm.s32 $0xB2C0;
	v5 =	vadd.f32 v35, v25;
	v25 =	vld [tilespmem:s10+$0x0];
	[tilespmem:s29+$0xFFFFFFD0] =	vst v15;
	v16 =	vmul.f32 v56, v57  }
0x269: {  	v14 =	vadd.f32 v11, v6;
	v6 =	vadd.f32 v28, v20;
	s24 =	simm.s32 $0x92C0;
	s11 =	simm.s32 $0xD1F1;
	v24 =	vmul.f32 $1.442695020e+00, v18;
	v28 =	vld [tilespmem:s15+$0xFFFFFFE0];
	s15 =	simm.s32 $0x0  }
0x26a: {  	v12 =	vadd.f32 v37, v26;
	v20 =	vadd.f32 v30, v23;
	s12 =	simm.s32 $0xD271;
	s18 =	simm.s32 $0x11F0;
	v26 =	vld [tilespmem:s17+$0x10];
	[smem:$0x7E1] =	sst s15;
	v23 =	vmul.f32 v54, v16;
	v63 =	vpop (erf)  }
0x26b: {  	v11 =	vadd.f32 v29, v21;
	s10 =	simm.s32 $0xD171;
	s5 =	simm.s32 $0x1470;
	[tilespmem:s26+$0xFFFFFFE0] =	vst v63;
	s26 =	simm.s32 $0x10  }
0x26c: {  	v21 =	vadd.f32 v22, v36;
	v18 =	vadd.f32 v38, v27;
	s31 =	simm.s32 $0xD0F1;
	v29 =	vmul.f32 v59, v60;
	v27 =	vld [tilespmem:s30+$0xFFFFFFD0];
	s30 =	simm.s32 $0x10;
	[dreg:$0x1d] =	wrdreg s26  }
0x26d: {  	s29 =	simm.s32 $0x400;
	(erf) = vpow2.f32 v24;
	s15 =	simm.s32 $0x1270;
	v16 =	vadd.f32 v55, v34;
	v24 =	vpop (erf);
	v34 =	vmul.f32 v62, v61;
	[smem:$0x7E2] =	sst s30  }
0x26e: {  	v22 =	vadd.f32 v63, v31;
	v30 =	vmul.f32 $1.442695020e+00, v23;
	v31 =	vmul.f32 v58, v29;
	s26 =	simm.s32 $0xD3F1;
	v29 =	vld [tilespmem:s0+$0x20];
	[tilespmem:s22+$0xFFFFFFF0] =	vst v24;
	s22 =	simm.s32 $0xB440;
	v23 =	vpop (erf)  }
.LBB2_4:
0x26f: {  	s30 =	rddreg [dreg:$0x1d]  }
0x270: {  	s3 =	rddreg [dreg:$0xe]  }
0x271: {  	s30 =	sadd.s32 $0x10, s30;
	v60 =	vld [tilespmem:s3+$0x30];
	s3 =	smov.u32 s0  }
0x272: {  	s0 =	smov.u32 s23;
	s23 =	smov.u32 s21;
	s21 =	sld [smem:$0x7DF]  }
0x273: {  	(erf) = vpow2.f32 v30;
	v30 =	vld [tilespmem:s4+$0x20];
	[dreg:$0xe] =	wrdreg s3;
	s3 =	smov.u32 s17;
	s17 =	smov.u32 s13  }
0x274: {  	v35 =	vadd.f32 v23, v4;
	v4 =	vmov v24;
	v24 =	vmul.f32 $1.442695020e+00, v31;
	v31 =	vld [tilespmem:s14+$0x10];
	s13 =	smov.u32 s4;
	s4 =	smov.u32 s14;
	s14 =	sld [smem:$0x7E1]  }
0x275: {  	[dreg:$0x1d] =	wrdreg s30  }
0x276: {  	[smem:$0x7DC] =	sst s3  }
0x277: {  	[smem:$0x7DD] =	sst s17  }
0x278: {  	s3 =	rddreg [dreg:$0xb]  }
0x279: {  	v25 =	vmul.f32 v25, v33;
	[dreg:$0xb] =	wrdreg s13  }
0x27a: {  	v32 =	vmul.f32 v32, v34;
	v61 =	vadd.f32 v19, v13;
	s17 =	smov.u32 s20;
	s20 =	sld [smem:$0x7E2]  }
0x27b: {  	s29 =	sadd.s32 $0x80, s29;
	v62 =	vld [tilespmem:s2+$0xFFFFFFF0];
	s8 =	sadd.s32 $0x80, s8;
	v20 =	vadd.f32 v35, v20;
	(erf) = vpow2.f32 v24;
	[smem:$0x7DE] =	sst s17;
	v24 =	vmul.f32 v27, v25  }
0x27c: {  	v13 =	vmovc v14;
	v14 =	vmovc v8;
	v8 =	vmov v9;
	v9 =	vmov v6;
	v25 =	vld [tilespmem:s3+$0x30];
	v27 =	vmul.f32 $1.442695020e+00, v32;
	s3 =	smov.u32 s2;
	s2 =	rddreg [dreg:$0x1e];
	s17 =	sand.u32 $0x1F0, s14  }
0x27d: {  	v6 =	vmovc v5;
	v5 =	vmovc v16;
	v34 =	vadd.f32 v20, v61;
	s14 =	smov.u32 s19;
	s19 =	rddreg [dreg:$0x14];
	v16 =	vmul.f32 $1.442695020e+00, v24;
	v24 =	vmul.f32 v30, v29;
	v29 =	vld [tilespmem:s21+$0x0];
	s21 =	smov.u32 s20  }
0x27e: {  	v19 =	vmov v17;
	s25 =	sadd.s32 $0x80, s25;
	[tilespmem:s2+$0x0] =	vst v23;
	s20 =	smov.u32 s3;
	[smem:$0x7E1] =	sst s21  }
0x27f: {  	v17 =	vmovc v11;
	v11 =	vmovc v12;
	s28 =	sadd.s32 $0x80, s28;
	s7 =	sadd.s32 $0x80, s7;
	v12 =	vmov v21;
	(erf) = vpow2.f32 v27;
	v21 =	vmul.f32 v31, v26;
	v23 =	vld [tilespmem:s8+$0xFFFFFF90];
	[tilespmem:s17+$0x14280] =	vst v34;
	[smem:$0x7DF] =	sst s20  }
0x280: {  	p0 =	slt.u32 s29, $0xF80;
	v20 =	vmov v18;
	v18 =	vmov v22;
	v26 =	vpop (erf);
	s2 =	smov.u32 s18;
	s21 =	sld [smem:$0x7E0];
	v22 =	vld [tilespmem:s25+$0xFFFFFFC0];
	(erf) = vpow2.f32 v16  }
0x281: {  	s18 =	smov.u32 s5;
	s17 =	smov.u32 s30;
	s30 =	rddreg [dreg:$0x11];
	v27 =	vld [tilespmem:s28+$0xFFFFFFC0];
	[tilespmem:s7+$0xFFFFFF90] =	vst v26;
	v21 =	vmul.f32 v28, v21;
	v25 =	vmul.f32 v25, v60  }
0x282: {  	s13 =	smov.u32 s1;
	s1 =	smov.u32 s23;
	[dreg:$0x11] =	wrdreg s18;
	v24 =	vmul.f32 v62, v24;
	v28 =	vld [tilespmem:s5+$0xFFFFFFA0];
	v16 =	vpop (erf)  }
0x283: {  	s20 =	smov.u32 s24;
	s18 =	smov.u32 s9;
	s24 =	smov.u32 s19;
	v30 =	vld [tilespmem:s22+$0xFFFFFFD0];
	v21 =	vmul.f32 $1.442695020e+00, v21;
	[tilespmem:s26+$0xFFFFFFA0] =	vst v16;
	v25 =	vmul.f32 v29, v25  }
0x284: {  	s9 =	smov.u32 s31;
	[smem:$0x7E2] =	sst s17;
	s3 =	smov.u32 s30;
	v24 =	vmul.f32 $1.442695020e+00, v24;
	v16 =	vadd.f32 v16, v7;
	v7 =	vmov v26;
	v26 =	vld [tilespmem:s6+$0xFFFFFFD0]  }
0x285: {  	s31 =	smov.u32 s11;
	s30 =	smov.u32 s6;
	[dreg:$0x1e] =	wrdreg s9;
	v31 =	vpop (erf);
	v29 =	vld [tilespmem:s3+$0xFFFFFFB0];
	(erf) = vpow2.f32 v21;
	v25 =	vmul.f32 $1.442695020e+00, v25  }
0x286: {  	s17 =	smov.u32 s15;
	s9 =	smov.u32 s24;
	[dreg:$0x14] =	wrdreg s30;
	v34 =	vld [tilespmem:s23+$0xFFFFFFE0];
	[tilespmem:s16+$0xFFFFFFB0] =	vst v31;
	(erf) = vpow2.f32 v24  }
0x287: {  	s30 =	smov.u32 s10;
	s10 =	smov.u32 s12;
	s12 =	rddreg [dreg:$0x17];
	v24 =	vld [tilespmem:s24+$0xFFFFFFE0];
	(erf) = vpow2.f32 v25  }
0x288: {  	s5 =	smov.u32 s8;
	s15 =	smov.u32 s21;
	s23 =	smov.u32 s12;
	v63 =	vld [tilespmem:s18+$0xFFFFFFF0];
	v21 =	vpop (erf)  }
0x289: {  	[smem:$0x7E0] =	sst s3;
	s21 =	smov.u32 s22;
	s24 =	smov.u32 s16;
	v22 =	vmul.f32 v22, v27;
	v32 =	vld [tilespmem:s15+$0xFFFFFFC0];
	[tilespmem:s23+$0xFFFFFFC0] =	vst v21;
	v25 =	vmul.f32 v30, v26;
	v36 =	vpop (erf)  }
0x28a: {  	s22 =	smov.u32 s25;
	s11 =	smov.u32 s10;
	[dreg:$0x17] =	wrdreg s24;
	v27 =	vld [tilespmem:s13+$0xFFFFFFF0];
	[tilespmem:s10+$0xFFFFFFD0] =	vst v36  }
0x28b: {  	s24 =	smov.u32 s18;
	s18 =	smov.u32 s17;
	v22 =	vmul.f32 v23, v22;
	v23 =	vmul.f32 v28, v25;
	v28 =	vld [tilespmem:s17+$0xFFFFFFE0];
	s17 =	sld [smem:$0x7DD]  }
.Ltmp1:
0x28c: {  	s19 =	smov.u32 s15;
	s3 =	smov.u32 s0;
	v33 =	vld [tilespmem:s20+$0x0];
	(pc) =	sbr.rel @p0 .LBB2_4-.Ltmp1, $4  }
0x28d: {  	s6 =	smov.u32 s28;
	s0 =	sld [smem:$0x7DC];
	s16 =	smov.u32 s26;
	v22 =	vmul.f32 $1.442695020e+00, v22;
	v25 =	vld [tilespmem:s3+$0x0]  }
0x28e: {  	s26 =	smov.u32 s7;
	s12 =	smov.u32 s23;
	s15 =	smov.u32 s14;
	v21 =	vadd.f32 v21, v10;
	v10 =	vmov v31;
	v37 =	vmul.f32 v34, v24;
	v24 =	vpop (erf);
	v26 =	vld [tilespmem:s17+$0x10]  }
0x28f: {  	s23 =	smov.u32 s13;
	s13 =	smov.u32 s20;
	s10 =	smov.u32 s31;
	(erf) = vpow2.f32 v22;
	v34 =	vmul.f32 v27, v63;
	v27 =	vld [tilespmem:s14+$0xFFFFFFD0];
	[tilespmem:s31+$0xFFFFFFE0] =	vst v24;
	v22 =	vadd.f32 v24, v15;
	v24 =	vpop (erf)  }
0x290: {  	s20 =	smov.u32 s3;
	v31 =	vmul.f32 v29, v37;
	v30 =	vmul.f32 $1.442695020e+00, v23;
	s14 =	sld [smem:$0x7DE];
	s31 =	smov.u32 s30;
	v15 =	vmov v36;
	v29 =	vld [tilespmem:s0+$0x20];
	[tilespmem:s30+$0xFFFFFFF0] =	vst v24;
	v23 =	vpop (erf)  }
0x291: {  	_ = 	snop  }
0x292: {  	v25 =	vmul.f32 v25, v33  }
0x293: {  	(erf) = vpow2.f32 v30;
	v30 =	vmul.f32 $1.442695020e+00, v31  }
0x294: {  	v25 =	vmul.f32 v27, v25  }
0x295: {  	v32 =	vmul.f32 v32, v34;
	(erf) = vpow2.f32 v30;
	v30 =	vld [tilespmem:s14+$0x10]  }
0x296: {  	v55 =	vld [tilespmem:s4+$0x20]  }
0x297: {  	s3 =	rddreg [dreg:$0xe];
	v36 =	vld [tilespmem:s2+$0xFFFFFFF0];
	v27 =	vmul.f32 $1.442695020e+00, v32  }
0x298: {  	s25 =	rddreg [dreg:$0xb];
	s28 =	sadd.s32 $0x80, s7;
	v31 =	vld [tilespmem:s3+$0x30];
	v35 =	vmul.f32 $1.442695020e+00, v25;
	v25 =	vpop (erf)  }
0x299: {  	s30 =	sld [smem:$0x7DF];
	v54 =	vld [tilespmem:s25+$0x30];
	(erf) = vpow2.f32 v27;
	[tilespmem:s28+$0xFFFFFF90] =	vst v25  }
0x29a: {  	(erf) = vpow2.f32 v35;
	v26 =	vmul.f32 v30, v26;
	v30 =	vld [tilespmem:s22+$0xFFFFFFD0]  }
0x29b: {  	v58 =	vld [tilespmem:s6+$0xFFFFFFD0]  }
0x29c: {  	v56 =	vld [tilespmem:s30+$0x0];
	v29 =	vmul.f32 v55, v29  }
0x29d: {  	v57 =	vld [tilespmem:s5+$0xFFFFFFA0];
	v27 =	vpop (erf);
	v28 =	vmul.f32 v28, v26  }
0x29e: {  	v29 =	vmul.f32 v36, v29;
	[tilespmem:s26+$0xFFFFFFA0] =	vst v27  }
0x29f: {  	s30 =	smov.u32 s5;
	v31 =	vmul.f32 v54, v31;
	s5 =	rddreg [dreg:$0x11];
	v26 =	vpop (erf);
	v59 =	vld [tilespmem:s21+$0xFFFFFFE0];
	v28 =	vmul.f32 $1.442695020e+00, v28  }
0x2a0: {  	v37 =	vld [tilespmem:s5+$0xFFFFFFB0];
	[tilespmem:s16+$0xFFFFFFB0] =	vst v26;
	v30 =	vmul.f32 v30, v58  }
0x2a1: {  	v31 =	vmul.f32 v56, v31;
	v60 =	vmul.f32 $1.442695020e+00, v29;
	v39 =	vld [tilespmem:s9+$0xFFFFFFF0];
	s8 =	sld [smem:$0x7E0]  }
0x2a2: {  	s7 =	smov.u32 s22;
	s22 =	rddreg [dreg:$0x14];
	(erf) = vpow2.f32 v28;
	v29 =	vpop (erf);
	v61 =	vld [tilespmem:s1+$0xFFFFFFF0];
	v30 =	vmul.f32 v57, v30  }
0x2a3: {  	v31 =	vmul.f32 $1.442695020e+00, v31;
	v38 =	vld [tilespmem:s22+$0xFFFFFFE0];
	v28 =	vpop (erf)  }
0x2a4: {  	s25 =	rddreg [dreg:$0x17];
	(erf) = vpow2.f32 v60;
	v40 =	vld [tilespmem:s8+$0xFFFFFFC0];
	[tilespmem:s12+$0xFFFFFFD0] =	vst v28;
	v30 =	vmul.f32 $1.442695020e+00, v30  }
0x2a5: {  	(erf) = vpow2.f32 v31;
	v43 =	vld [tilespmem:s13+$0x10]  }
0x2a6: {  	(erf) = vpow2.f32 v30;
	v30 =	vld [tilespmem:s20+$0x10]  }
0x2a7: {  	[tilespmem:s25+$0xFFFFFFC0] =	vst v29  }
0x2a8: {  	v62 =	vld [tilespmem:s24+$0x0];
	v45 =	vmul.f32 v61, v39;
	v42 =	vmul.f32 v59, v38  }
0x2a9: {  	v63 =	vld [tilespmem:s23+$0x0]  }
0x2aa: {  	v46 =	vld [tilespmem:s15+$0xFFFFFFE0];
	v31 =	vmul.f32 v37, v42;
	v48 =	vmul.f32 v40, v45  }
0x2ab: {  	v44 =	vld [tilespmem:s19+$0xFFFFFFD0];
	v32 =	vpop (erf);
	v30 =	vmul.f32 v30, v43  }
0x2ac: {  	v47 =	vmul.f32 $1.442695020e+00, v31;
	v34 =	vmul.f32 $1.442695020e+00, v48;
	[tilespmem:s11+$0xFFFFFFE0] =	vst v32  }
0x2ad: {  	v51 =	vld [tilespmem:s17+$0x20]  }
0x2ae: {  	v33 =	vmul.f32 v63, v62;
	v52 =	vld [tilespmem:s14+$0x20];
	v31 =	vpop (erf);
	(erf) = vpow2.f32 v47  }
0x2af: {  	v54 =	vld [tilespmem:s18+$0xFFFFFFF0];
	[tilespmem:s10+$0xFFFFFFF0] =	vst v31;
	v37 =	vmul.f32 v46, v30;
	v30 =	vpop (erf)  }
0x2b0: {  	v33 =	vmul.f32 v44, v33;
	(erf) = vpow2.f32 v34;
	v49 =	vld [tilespmem:s0+$0x30];
	v34 =	vpop (erf)  }
0x2b1: {  	v50 =	vld [tilespmem:s4+$0x30];
	[tilespmem:s28+$0xFFFFFFA0] =	vst v34  }
0x2b2: {  	s3 =	smov.u32 s6;
	v33 =	vmul.f32 $1.442695020e+00, v33;
	v55 =	vld [tilespmem:s7+$0xFFFFFFE0]  }
0x2b3: {  	v53 =	vmul.f32 $1.442695020e+00, v37;
	v41 =	vld [tilespmem:s3+$0xFFFFFFE0]  }
0x2b4: {  	v42 =	vld [tilespmem:s2+$0x0];
	(erf) = vpow2.f32 v33  }
0x2b5: {  	(erf) = vpow2.f32 v53;
	v43 =	vld [tilespmem:s30+$0xFFFFFFB0]  }
0x2b6: {  	v38 =	vmul.f32 v52, v51  }
0x2b7: {  	v35 =	vmul.f32 v50, v49;
	v33 =	vpop (erf)  }
0x2b8: {  	v37 =	vmul.f32 v54, v38;
	[tilespmem:s26+$0xFFFFFFB0] =	vst v33;
	v57 =	vmul.f32 v55, v41  }
0x2b9: {  	v58 =	vmul.f32 v42, v35;
	v56 =	vld [tilespmem:s22+$0xFFFFFFF0]  }
0x2ba: {  	v37 =	vmul.f32 $1.442695020e+00, v37;
	v45 =	vld [tilespmem:s21+$0xFFFFFFF0];
	v43 =	vmul.f32 v43, v57  }
0x2bb: {  	v40 =	vmul.f32 $1.442695020e+00, v58  }
0x2bc: {  	v36 =	vpop (erf);
	(erf) = vpow2.f32 v37;
	v44 =	vld [tilespmem:s5+$0xFFFFFFC0];
	v43 =	vmul.f32 $1.442695020e+00, v43  }
0x2bd: {  	[tilespmem:s16+$0xFFFFFFC0] =	vst v36;
	v35 =	vpop (erf);
	(erf) = vpow2.f32 v40  }
0x2be: {  	v59 =	vld [tilespmem:s9+$0x0];
	v38 =	vpop (erf);
	(erf) = vpow2.f32 v43  }
0x2bf: {  	v60 =	vld [tilespmem:s1+$0x0];
	v39 =	vmul.f32 v45, v56  }
0x2c0: {  	v61 =	vld [tilespmem:s8+$0xFFFFFFD0];
	[tilespmem:s25+$0xFFFFFFD0] =	vst v35  }
0x2c1: {  	v46 =	vld [tilespmem:s24+$0x10];
	v39 =	vmul.f32 v44, v39  }
0x2c2: {  	v47 =	vld [tilespmem:s23+$0x10]  }
0x2c3: {  	v48 =	vld [tilespmem:s19+$0xFFFFFFE0];
	[tilespmem:s12+$0xFFFFFFE0] =	vst v38;
	v39 =	vmul.f32 $1.442695020e+00, v39  }
0x2c4: {  	v62 =	vld [tilespmem:s13+$0x20]  }
0x2c5: {  	v63 =	vld [tilespmem:s20+$0x20];
	v40 =	vpop (erf)  }
0x2c6: {  	v49 =	vld [tilespmem:s15+$0xFFFFFFF0];
	[tilespmem:s11+$0xFFFFFFF0] =	vst v40;
	v37 =	vpop (erf)  }
0x2c7: {  	v41 =	vmul.f32 v60, v59;
	v51 =	vld [tilespmem:s17+$0x30];
	(erf) = vpow2.f32 v39;
	v39 =	vpop (erf)  }
0x2c8: {  	v52 =	vld [tilespmem:s14+$0x30];
	[tilespmem:s28+$0xFFFFFFB0] =	vst v39  }
0x2c9: {  	v50 =	vmul.f32 v47, v46;
	v41 =	vmul.f32 v61, v41;
	v54 =	vld [tilespmem:s3+$0xFFFFFFF0]  }
0x2ca: {  	v55 =	vld [tilespmem:s7+$0xFFFFFFF0]  }
0x2cb: {  	v42 =	vmul.f32 v48, v50;
	v41 =	vmul.f32 $1.442695020e+00, v41;
	v56 =	vld [tilespmem:s18+$0x0]  }
0x2cc: {  	v43 =	vmul.f32 v63, v62;
	v57 =	vld [tilespmem:s30+$0xFFFFFFC0]  }
0x2cd: {  	v42 =	vmul.f32 $1.442695020e+00, v42;
	(erf) = vpow2.f32 v41  }
0x2ce: {  	v43 =	vmul.f32 v49, v43;
	v44 =	vmul.f32 v52, v51  }
0x2cf: {  	(erf) = vpow2.f32 v42;
	v42 =	vmul.f32 v55, v54  }
0x2d0: {  	v44 =	vmul.f32 v56, v44  }
0x2d1: {  	v53 =	vmul.f32 $1.442695020e+00, v43;
	v46 =	vmul.f32 v57, v42  }
0x2d2: {  	v44 =	vmul.f32 $1.442695020e+00, v44  }
0x2d3: {  	(erf) = vpow2.f32 v53;
	v43 =	vpop (erf);
	v46 =	vmul.f32 $1.442695020e+00, v46  }
0x2d4: {  	(erf) = vpow2.f32 v44;
	[tilespmem:s26+$0xFFFFFFC0] =	vst v43  }
0x2d5: {  	v58 =	vld [tilespmem:s22+$0x0];
	(erf) = vpow2.f32 v46  }
0x2d6: {  	v41 =	vpop (erf);
	v59 =	vld [tilespmem:s21+$0x0]  }
0x2d7: {  	[tilespmem:s16+$0xFFFFFFD0] =	vst v41;
	v50 =	vld [tilespmem:s5+$0xFFFFFFD0]  }
0x2d8: {  	v49 =	vld [tilespmem:s9+$0x10]  }
0x2d9: {  	v45 =	vpop (erf);
	v51 =	vld [tilespmem:s1+$0x10]  }
0x2da: {  	v52 =	vld [tilespmem:s8+$0xFFFFFFE0];
	[tilespmem:s25+$0xFFFFFFE0] =	vst v45  }
0x2db: {  	v53 =	vld [tilespmem:s24+$0x20]  }
0x2dc: {  	v54 =	vld [tilespmem:s23+$0x20];
	v42 =	vpop (erf)  }
0x2dd: {  	v60 =	vld [tilespmem:s19+$0xFFFFFFF0];
	[tilespmem:s12+$0xFFFFFFF0] =	vst v42;
	v44 =	vpop (erf)  }
0x2de: {  	v48 =	vmul.f32 v59, v58;
	v47 =	vld [tilespmem:s13+$0x30];
	v46 =	vpop (erf)  }
0x2df: {  	v55 =	vld [tilespmem:s20+$0x30];
	[tilespmem:s28+$0xFFFFFFC0] =	vst v46  }
0x2e0: {  	v49 =	vmul.f32 v51, v49;
	v48 =	vmul.f32 v50, v48;
	v61 =	vld [tilespmem:s3+$0x0]  }
0x2e1: {  	v62 =	vld [tilespmem:s7+$0x0]  }
0x2e2: {  	v63 =	vld [tilespmem:s15+$0x0];
	v49 =	vmul.f32 v52, v49;
	v48 =	vmul.f32 $1.442695020e+00, v48  }
0x2e3: {  	v53 =	vmul.f32 v54, v53;
	v58 =	vld [tilespmem:s30+$0xFFFFFFD0]  }
0x2e4: {  	v57 =	vmul.f32 $1.442695020e+00, v49;
	(erf) = vpow2.f32 v48  }
0x2e5: {  	v50 =	vmul.f32 v60, v53;
	v47 =	vmul.f32 v55, v47  }
0x2e6: {  	(erf) = vpow2.f32 v57;
	v60 =	vmul.f32 v62, v61  }
0x2e7: {  	v59 =	vmul.f32 $1.442695020e+00, v50;
	v47 =	vmul.f32 v63, v47  }
0x2e8: {  	v61 =	vmul.f32 v58, v60  }
0x2e9: {  	(erf) = vpow2.f32 v59;
	v47 =	vmul.f32 $1.442695020e+00, v47  }
0x2ea: {  	v48 =	vmul.f32 $1.442695020e+00, v61  }
0x2eb: {  	(erf) = vpow2.f32 v47  }
0x2ec: {  	(erf) = vpow2.f32 v48  }
0x2ed: {  	v47 =	vpop (erf)  }
0x2ee: {  	[tilespmem:s26+$0xFFFFFFD0] =	vst v47  }
0x2ef: {  	v49 =	vpop (erf);
	v50 =	vld [tilespmem:s22+$0x10]  }
0x2f0: {  	[tilespmem:s16+$0xFFFFFFE0] =	vst v49;
	v54 =	vld [tilespmem:s21+$0x10]  }
0x2f1: {  	v51 =	vld [tilespmem:s9+$0x20]  }
0x2f2: {  	v52 =	vpop (erf);
	v53 =	vld [tilespmem:s1+$0x20]  }
0x2f3: {  	[tilespmem:s25+$0xFFFFFFF0] =	vst v52;
	v58 =	vld [tilespmem:s8+$0xFFFFFFF0]  }
0x2f4: {  	v55 =	vld [tilespmem:s24+$0x30];
	v56 =	vpop (erf)  }
0x2f5: {  	v48 =	vld [tilespmem:s5+$0xFFFFFFE0];
	v59 =	vpop (erf)  }
0x2f6: {  	v57 =	vld [tilespmem:s23+$0x30];
	[tilespmem:s28+$0xFFFFFFD0] =	vst v59  }
0x2f7: {  	v61 =	vld [tilespmem:s3+$0x10]  }
0x2f8: {  	v50 =	vmul.f32 v54, v50;
	v54 =	vld [tilespmem:s7+$0x10]  }
0x2f9: {  	v60 =	vld [tilespmem:s19+$0x0]  }
0x2fa: {  	v48 =	vmul.f32 v48, v50;
	v62 =	vld [tilespmem:s30+$0xFFFFFFE0]  }
0x2fb: {  	v51 =	vmul.f32 v53, v51  }
0x2fc: {  	v63 =	vmul.f32 v57, v55;
	v48 =	vmul.f32 $1.442695020e+00, v48  }
0x2fd: {  	v51 =	vmul.f32 v58, v51;
	v54 =	vmul.f32 v54, v61  }
0x2fe: {  	v53 =	vmul.f32 v60, v63;
	(erf) = vpow2.f32 v48  }
0x2ff: {  	v51 =	vmul.f32 $1.442695020e+00, v51;
	v57 =	vmul.f32 v62, v54  }
0x300: {  	v58 =	vmul.f32 $1.442695020e+00, v53  }
0x301: {  	(erf) = vpow2.f32 v51;
	v48 =	vmul.f32 $1.442695020e+00, v57  }
0x302: {  	(erf) = vpow2.f32 v58  }
0x303: {  	(erf) = vpow2.f32 v48;
	_ =	sdelay $0x3  }
0x304: {  	v48 =	vpop (erf)  }
0x305: {  	[tilespmem:s26+$0xFFFFFFE0] =	vst v48  }
0x306: {  	v51 =	vld [tilespmem:s22+$0x20]  }
0x307: {  	v50 =	vpop (erf);
	v53 =	vld [tilespmem:s21+$0x20]  }
0x308: {  	[tilespmem:s16+$0xFFFFFFF0] =	vst v50;
	v54 =	vpop (erf);
	v60 =	vld [tilespmem:s5+$0xFFFFFFF0]  }
0x309: {  	v55 =	vld [tilespmem:s9+$0x30];
	v58 =	vpop (erf)  }
0x30a: {  	v57 =	vld [tilespmem:s1+$0x30];
	[tilespmem:s28+$0xFFFFFFE0] =	vst v58  }
0x30b: {  	v61 =	vld [tilespmem:s3+$0x20]  }
0x30c: {  	v62 =	vld [tilespmem:s7+$0x20]  }
0x30d: {  	v63 =	vld [tilespmem:s8+$0x0]  }
0x30e: {  	v51 =	vmul.f32 v53, v51;
	v53 =	vld [tilespmem:s30+$0xFFFFFFF0];
	_ =	sdelay $0x1  }
0x30f: {  	v55 =	vmul.f32 v57, v55;
	v51 =	vmul.f32 v60, v51  }
0x310: {  	v60 =	vmul.f32 v62, v61  }
0x311: {  	v55 =	vmul.f32 v63, v55;
	v51 =	vmul.f32 $1.442695020e+00, v51  }
0x312: {  	v53 =	vmul.f32 v53, v60  }
0x313: {  	v55 =	vmul.f32 $1.442695020e+00, v55;
	(erf) = vpow2.f32 v51  }
0x314: {  	v61 =	vmul.f32 $1.442695020e+00, v53  }
0x315: {  	(erf) = vpow2.f32 v55  }
0x316: {  	(erf) = vpow2.f32 v61;
	_ =	sdelay $0x5  }
0x317: {  	v51 =	vpop (erf)  }
0x318: {  	[tilespmem:s26+$0xFFFFFFF0] =	vst v51  }
0x319: {  	v53 =	vpop (erf);
	v55 =	vld [tilespmem:s22+$0x30]  }
0x31a: {  	v57 =	vld [tilespmem:s21+$0x30];
	v60 =	vpop (erf)  }
0x31b: {  	v61 =	vld [tilespmem:s5+$0x0];
	[tilespmem:s28+$0xFFFFFFF0] =	vst v60  }
0x31c: {  	v4 =	vadd.f32 v23, v4;
	v13 =	vadd.f32 v19, v13;
	v62 =	vld [tilespmem:s3+$0x30]  }
0x31d: {  	v14 =	vadd.f32 v17, v14;
	v8 =	vadd.f32 v11, v8;
	v19 =	vld [tilespmem:s7+$0x30]  }
0x31e: {  	v9 =	vadd.f32 v12, v9;
	v4 =	vadd.f32 v4, v20  }
0x31f: {  	v10 =	vadd.f32 v29, v10;
	v20 =	vadd.f32 v30, v24;
	v24 =	vld [tilespmem:s30+$0x0]  }
0x320: {  	v6 =	vadd.f32 v21, v6;
	v4 =	vadd.f32 v4, v13;
	v13 =	vmul.f32 v57, v55  }
0x321: {  	v7 =	vadd.f32 v27, v7;
	v5 =	vadd.f32 v10, v5  }
0x322: {  	v17 =	vadd.f32 v20, v18;
	v13 =	vmul.f32 v61, v13;
	s21 =	rddreg [dreg:$0x1e];
	v18 =	vmul.f32 v19, v62  }
0x323: {  	v15 =	vadd.f32 v32, v15;
	v20 =	vadd.f32 v37, v31;
	[tilespmem:s21+$0x0] =	vst v23  }
0x324: {  	v14 =	vadd.f32 v17, v14;
	v13 =	vmul.f32 $1.442695020e+00, v13;
	s0 =	sld [smem:$0x7E1];
	v18 =	vmul.f32 v24, v18  }
0x325: {  	v17 =	vadd.f32 v34, v25;
	v11 =	vadd.f32 v20, v22  }
0x326: {  	v25 =	vadd.f32 v38, v28;
	(erf) = vpow2.f32 v13;
	v13 =	vmul.f32 $1.442695020e+00, v18  }
0x327: {  	v8 =	vadd.f32 v11, v8;
	[tilespmem:s31+$0x0] =	vst v30;
	s22 =	sand.u32 $0x1F0, s0;
	v24 =	vadd.f32 v44, v40  }
0x328: {  	v11 =	vadd.f32 v43, v33;
	[tilespmem:s22+$0x14280] =	vst v4;
	v4 =	vadd.f32 v45, v35;
	(erf) = vpow2.f32 v13  }
0x329: {  	s23 =	sld [smem:$0x7E2];
	v12 =	vadd.f32 v24, v15;
	v15 =	vadd.f32 v54, v52  }
0x32a: {  	v7 =	vadd.f32 v11, v7;
	s30 =	rddreg [dreg:$0x1d];
	[tilespmem:s10+$0x0] =	vst v37;
	v13 =	vadd.f32 v56, v42  }
0x32b: {  	v19 =	vadd.f32 v36, v26;
	[tilespmem:s11+$0x0] =	vst v44;
	v4 =	vadd.f32 v15, v4  }
0x32c: {  	[tilespmem:s12+$0x0] =	vst v56;
	s0 =	sadd.s32 $0x10, s30;
	s24 =	sand.u32 $0x1F0, s23;
	v9 =	vadd.f32 v12, v9;
	v13 =	vadd.f32 v13, v25  }
0x32d: {  	s3 =	sand.u32 $0x1F0, s0;
	s2 =	sadd.s32 $0x10, s0;
	[tilespmem:s24+$0x14280] =	vst v14;
	v14 =	vadd.f32 v49, v41;
	v4 =	vadd.f32 v4, v5  }
0x32e: {  	[tilespmem:s3+$0x14280] =	vst v8;
	s4 =	sand.u32 $0x1F0, s2;
	s2 =	sadd.s32 $0x10, s2;
	v5 =	vadd.f32 v53, v50;
	v6 =	vadd.f32 v13, v6  }
0x32f: {  	v10 =	vadd.f32 v58, v59;
	v8 =	vadd.f32 v48, v47;
	s5 =	sand.u32 $0x1F0, s2;
	[tilespmem:s4+$0x14280] =	vst v9  }
0x330: {  	s2 =	sadd.s32 $0x10, s2;
	v9 =	vpop (erf);
	v5 =	vadd.f32 v5, v14;
	[tilespmem:s5+$0x14280] =	vst v6;
	v6 =	vadd.f32 v19, v16  }
0x331: {  	[tilespmem:s25+$0x0] =	vst v54;
	v12 =	vadd.f32 v46, v39;
	s6 =	sand.u32 $0x1F0, s2;
	v13 =	vadd.f32 v9, v51;
	v11 =	vpop (erf)  }
0x332: {  	s2 =	sadd.s32 $0x10, s2;
	[tilespmem:s6+$0x14280] =	vst v4;
	v4 =	vadd.f32 v5, v6;
	v5 =	vadd.f32 v11, v60  }
0x333: {  	[tilespmem:s16+$0x0] =	vst v53;
	s7 =	sand.u32 $0x1F0, s2;
	v8 =	vadd.f32 v13, v8  }
0x334: {  	[tilespmem:s7+$0x14280] =	vst v4;
	v4 =	vadd.f32 v12, v17;
	v5 =	vadd.f32 v5, v10  }
0x335: {  	s2 =	sadd.s32 $0x10, s2;
	[tilespmem:s26+$0x0] =	vst v9;
	v6 =	vadd.f32 v8, v7  }
0x336: {  	s8 =	sand.u32 $0x1F0, s2;
	s9 =	sadd.s32 $0x10, s2;
	[tilespmem:s28+$0x0] =	vst v11;
	v4 =	vadd.f32 v5, v4  }
0x337: {  	s10 =	sand.u32 $0x1F0, s9;
	[tilespmem:s8+$0x14280] =	vst v6  }
0x338: {  	s11 =	simm.s32 $0x1;
	[tilespmem:s10+$0x14280] =	vst v4  }
0x339: {  	_ =	swait.ge [sflag:s11], $0x1000  }
0x33a: {  	[sflag:s11] =	ssyncset.done $0x0  }
0x33b: {  	s12 =	simm.s32 $0x3;
	[sflag:s11] =	ssyncadd.s32 $0xFFFFF000  }
0x33c: {  	_ =	swait.ge [sflag:s12], $0x1000  }
0x33d: {  	s13 =	sld [smem:$0x7F2]  }
0x33e: {  	s14 =	simm.s32 $0x80;
	s15 =	simm.s32 $0x400;
	[sflag:s12] =	ssyncset.done $0x0  }
0x33f: {  	s16 =	simm.s32 $0x9000;
	s17 =	sld [smem:$0x7F3];
	[sflag:s12] =	ssyncadd.s32 $0xFFFFF000  }
0x340: {  	[tilespmem:s16], [sflag:$0x2] =	stream.strided.gather [hbm4b:s13+s14], $0x1000, s15, s14, $0x38;
	[tilespmem:$0x15080] =	vst v63  }
0x341: {  	s18 =	simm.s32 $0xB000;
	s3 =	simm.s32 $0xA040  }
0x342: {  	[tilespmem:s18], [sflag:$0x4] =	stream.strided.gather [hbm4b:s17+s14], $0x1000, s15, s14, $0x38;
	[tilespmem:$0x15080] =	vst v63  }
0x343: {  	s4 =	simm.s32 $0x8040;
	v4 =	vld [tilespmem:s3+$0xFFFFFFC0]  }
0x344: {  	v5 =	vld [tilespmem:s4+$0xFFFFFFC0]  }
0x345: {  	s0 =	simm.s32 $0x2070  }
0x346: {  	v6 =	vld [tilespmem:s0+$0xFFFFFF90];
	_ =	sdelay $0x2  }
0x347: {  	v4 =	vmul.f32 v4, v5;
	_ =	sdelay $0x1  }
0x348: {  	v4 =	vmul.f32 v6, v4;
	_ =	sdelay $0x1  }
0x349: {  	v4 =	vmul.f32 $1.442695020e+00, v4;
	_ =	sdelay $0x1  }
0x34a: {  	(erf) = vpow2.f32 v4;
	_ =	sdelay $0x6  }
0x34b: {  	s8 =	simm.s32 $0x80C0  }
0x34c: {  	s7 =	simm.s32 $0xA0C0;
	v6 =	vld [tilespmem:s8+$0xFFFFFFC0]  }
0x34d: {  	s9 =	simm.s32 $0xE071;
	s13 =	simm.s32 $0x20F0;
	v4 =	vld [tilespmem:s7+$0xFFFFFFC0];
	v5 =	vpop (erf)  }
0x34e: {  	v7 =	vld [tilespmem:s13+$0xFFFFFF90];
	[tilespmem:s9+$0xFFFFFF90] =	vst v5  }
0x34f: {  	v8 =	vld [tilespmem:s3+$0xFFFFFFD0]  }
0x350: {  	v9 =	vld [tilespmem:s4+$0xFFFFFFD0];
	_ =	sdelay $0x1  }
0x351: {  	v4 =	vmul.f32 v4, v6;
	v10 =	vld [tilespmem:s0+$0xFFFFFFA0];
	_ =	sdelay $0x1  }
0x352: {  	v4 =	vmul.f32 v7, v4  }
0x353: {  	v6 =	vmul.f32 v8, v9  }
0x354: {  	v4 =	vmul.f32 $1.442695020e+00, v4  }
0x355: {  	v6 =	vmul.f32 v10, v6  }
0x356: {  	(erf) = vpow2.f32 v4  }
0x357: {  	v4 =	vmul.f32 $1.442695020e+00, v6;
	_ =	sdelay $0x1  }
0x358: {  	(erf) = vpow2.f32 v4;
	_ =	sdelay $0x3  }
0x359: {  	s6 =	simm.s32 $0x8140  }
0x35a: {  	s2 =	simm.s32 $0xA140;
	v7 =	vld [tilespmem:s6+$0xFFFFFFC0]  }
0x35b: {  	s1 =	simm.s32 $0x2170;
	s22 =	simm.s32 $0xE0F1;
	v4 =	vld [tilespmem:s2+$0xFFFFFFC0];
	v6 =	vpop (erf)  }
0x35c: {  	v9 =	vld [tilespmem:s1+$0xFFFFFF90];
	[tilespmem:s22+$0xFFFFFF90] =	vst v6  }
0x35d: {  	v10 =	vld [tilespmem:s7+$0xFFFFFFD0]  }
0x35e: {  	v11 =	vld [tilespmem:s8+$0xFFFFFFD0];
	v8 =	vpop (erf)  }
0x35f: {  	v12 =	vld [tilespmem:s13+$0xFFFFFFA0];
	[tilespmem:s9+$0xFFFFFFA0] =	vst v8  }
0x360: {  	v4 =	vmul.f32 v4, v7;
	v13 =	vld [tilespmem:s3+$0xFFFFFFE0]  }
0x361: {  	v7 =	vld [tilespmem:s4+$0xFFFFFFE0]  }
0x362: {  	v4 =	vmul.f32 v9, v4  }
0x363: {  	v10 =	vmul.f32 v10, v11;
	v9 =	vld [tilespmem:s0+$0xFFFFFFB0]  }
0x364: {  	v4 =	vmul.f32 $1.442695020e+00, v4  }
0x365: {  	v10 =	vmul.f32 v12, v10  }
0x366: {  	(erf) = vpow2.f32 v4;
	v7 =	vmul.f32 v13, v7  }
0x367: {  	v4 =	vmul.f32 $1.442695020e+00, v10  }
0x368: {  	v7 =	vmul.f32 v9, v7  }
0x369: {  	(erf) = vpow2.f32 v4  }
0x36a: {  	v4 =	vmul.f32 $1.442695020e+00, v7;
	_ =	sdelay $0x1  }
0x36b: {  	(erf) = vpow2.f32 v4  }
0x36c: {  	s17 =	simm.s32 $0x81C0  }
0x36d: {  	s14 =	simm.s32 $0xA1C0;
	v7 =	vld [tilespmem:s17+$0xFFFFFFC0]  }
0x36e: {  	s26 =	simm.s32 $0xE171;
	s15 =	simm.s32 $0x21F0;
	v9 =	vpop (erf);
	v4 =	vld [tilespmem:s14+$0xFFFFFFC0]  }
0x36f: {  	v10 =	vld [tilespmem:s15+$0xFFFFFF90];
	[tilespmem:s26+$0xFFFFFF90] =	vst v9  }
0x370: {  	v13 =	vld [tilespmem:s2+$0xFFFFFFD0]  }
0x371: {  	v11 =	vpop (erf);
	v14 =	vld [tilespmem:s6+$0xFFFFFFD0]  }
0x372: {  	v15 =	vld [tilespmem:s1+$0xFFFFFFA0];
	[tilespmem:s22+$0xFFFFFFA0] =	vst v11  }
0x373: {  	v16 =	vld [tilespmem:s7+$0xFFFFFFE0];
	v4 =	vmul.f32 v4, v7  }
0x374: {  	v7 =	vld [tilespmem:s8+$0xFFFFFFE0];
	v12 =	vpop (erf)  }
0x375: {  	v17 =	vld [tilespmem:s13+$0xFFFFFFB0];
	v4 =	vmul.f32 v10, v4;
	[tilespmem:s9+$0xFFFFFFB0] =	vst v12  }
0x376: {  	v13 =	vmul.f32 v13, v14;
	v10 =	vld [tilespmem:s4+$0xFFFFFFF0]  }
0x377: {  	v4 =	vmul.f32 $1.442695020e+00, v4;
	v14 =	vld [tilespmem:s3+$0xFFFFFFF0]  }
0x378: {  	v13 =	vmul.f32 v15, v13  }
0x379: {  	v7 =	vmul.f32 v16, v7;
	v15 =	vld [tilespmem:s0+$0xFFFFFFC0];
	(erf) = vpow2.f32 v4  }
0x37a: {  	v4 =	vmul.f32 $1.442695020e+00, v13  }
0x37b: {  	v7 =	vmul.f32 v17, v7  }
0x37c: {  	(erf) = vpow2.f32 v4;
	v10 =	vmul.f32 v14, v10  }
0x37d: {  	v4 =	vmul.f32 $1.442695020e+00, v7  }
0x37e: {  	v7 =	vmul.f32 v15, v10  }
0x37f: {  	(erf) = vpow2.f32 v4  }
0x380: {  	s18 =	simm.s32 $0x8240;
	v4 =	vmul.f32 $1.442695020e+00, v7  }
0x381: {  	s30 =	simm.s32 $0x2270;
	v10 =	vld [tilespmem:s18+$0xFFFFFFC0]  }
0x382: {  	s29 =	simm.s32 $0xE1F1;
	s19 =	simm.s32 $0xA240;
	v7 =	vld [tilespmem:s30+$0xFFFFFF90];
	v15 =	vpop (erf);
	(erf) = vpow2.f32 v4  }
0x383: {  	[tilespmem:s29+$0xFFFFFF90] =	vst v15;
	v4 =	vld [tilespmem:s19+$0xFFFFFFC0]  }
0x384: {  	v13 =	vld [tilespmem:s15+$0xFFFFFFA0]  }
0x385: {  	v17 =	vpop (erf);
	v14 =	vld [tilespmem:s14+$0xFFFFFFD0]  }
0x386: {  	v19 =	vld [tilespmem:s17+$0xFFFFFFD0];
	[tilespmem:s26+$0xFFFFFFA0] =	vst v17  }
0x387: {  	v20 =	vld [tilespmem:s1+$0xFFFFFFB0]  }
0x388: {  	v21 =	vld [tilespmem:s2+$0xFFFFFFE0];
	v16 =	vpop (erf);
	v4 =	vmul.f32 v4, v10  }
0x389: {  	[tilespmem:s22+$0xFFFFFFB0] =	vst v16;
	v10 =	vld [tilespmem:s6+$0xFFFFFFE0]  }
0x38a: {  	v22 =	vld [tilespmem:s8+$0xFFFFFFF0];
	v4 =	vmul.f32 v7, v4  }
0x38b: {  	v7 =	vmul.f32 v14, v19;
	v14 =	vld [tilespmem:s13+$0xFFFFFFC0];
	v18 =	vpop (erf)  }
0x38c: {  	v19 =	vld [tilespmem:s7+$0xFFFFFFF0];
	v4 =	vmul.f32 $1.442695020e+00, v4;
	[tilespmem:s9+$0xFFFFFFC0] =	vst v18  }
0x38d: {  	v7 =	vmul.f32 v13, v7;
	v13 =	vld [tilespmem:s4+$0x0]  }
0x38e: {  	v10 =	vmul.f32 v21, v10;
	v23 =	vld [tilespmem:s3+$0x0];
	(erf) = vpow2.f32 v4  }
0x38f: {  	v4 =	vmul.f32 $1.442695020e+00, v7  }
0x390: {  	v7 =	vld [tilespmem:s0+$0xFFFFFFD0];
	v10 =	vmul.f32 v20, v10  }
0x391: {  	v19 =	vmul.f32 v19, v22;
	(erf) = vpow2.f32 v4  }
0x392: {  	v4 =	vmul.f32 $1.442695020e+00, v10  }
0x393: {  	v10 =	vmul.f32 v23, v13;
	v13 =	vmul.f32 v14, v19  }
0x394: {  	(erf) = vpow2.f32 v4  }
0x395: {  	s12 =	simm.s32 $0x22F0;
	v4 =	vmul.f32 v7, v10;
	v7 =	vmul.f32 $1.442695020e+00, v13  }
0x396: {  	s5 =	simm.s32 $0x82C0;
	v10 =	vld [tilespmem:s12+$0xFFFFFF90]  }
0x397: {  	s31 =	simm.s32 $0xA2C0;
	s10 =	simm.s32 $0xE271;
	v13 =	vld [tilespmem:s5+$0xFFFFFFC0];
	v4 =	vmul.f32 $1.442695020e+00, v4;
	(erf) = vpow2.f32 v7;
	v20 =	vpop (erf)  }
0x398: {  	v7 =	vld [tilespmem:s31+$0xFFFFFFC0];
	[tilespmem:s10+$0xFFFFFF90] =	vst v20  }
0x399: {  	s20 =	simm.s32 $0xA240;
	(erf) = vpow2.f32 v4;
	v4 =	vld [tilespmem:s30+$0xFFFFFFA0]  }
0x39a: {  	v22 =	vpop (erf);
	v14 =	vld [tilespmem:s20+$0xFFFFFFD0]  }
0x39b: {  	v19 =	vld [tilespmem:s18+$0xFFFFFFD0];
	[tilespmem:s29+$0xFFFFFFA0] =	vst v22  }
0x39c: {  	v25 =	vld [tilespmem:s15+$0xFFFFFFB0]  }
0x39d: {  	v26 =	vld [tilespmem:s14+$0xFFFFFFE0];
	v21 =	vpop (erf);
	v7 =	vmul.f32 v7, v13  }
0x39e: {  	v27 =	vld [tilespmem:s17+$0xFFFFFFE0];
	[tilespmem:s26+$0xFFFFFFB0] =	vst v21  }
0x39f: {  	v13 =	vld [tilespmem:s6+$0xFFFFFFF0];
	v7 =	vmul.f32 v10, v7  }
0x3a0: {  	v28 =	vld [tilespmem:s1+$0xFFFFFFC0];
	v10 =	vmul.f32 v14, v19;
	v24 =	vpop (erf)  }
0x3a1: {  	v14 =	vld [tilespmem:s2+$0xFFFFFFF0];
	v7 =	vmul.f32 $1.442695020e+00, v7;
	[tilespmem:s22+$0xFFFFFFC0] =	vst v24  }
0x3a2: {  	v4 =	vmul.f32 v4, v10;
	v19 =	vld [tilespmem:s8+$0x0]  }
0x3a3: {  	v26 =	vmul.f32 v26, v27;
	v23 =	vpop (erf);
	v10 =	vld [tilespmem:s7+$0x0];
	(erf) = vpow2.f32 v7  }
0x3a4: {  	v4 =	vmul.f32 $1.442695020e+00, v4;
	v7 =	vld [tilespmem:s13+$0xFFFFFFD0];
	[tilespmem:s9+$0xFFFFFFD0] =	vst v23  }
0x3a5: {  	v25 =	vmul.f32 v25, v26;
	v27 =	vld [tilespmem:s4+$0x10]  }
0x3a6: {  	v13 =	vmul.f32 v14, v13;
	v26 =	vld [tilespmem:s3+$0x10];
	(erf) = vpow2.f32 v4  }
0x3a7: {  	v14 =	vmul.f32 $1.442695020e+00, v25  }
0x3a8: {  	v4 =	vld [tilespmem:s0+$0xFFFFFFE0];
	v13 =	vmul.f32 v28, v13;
	v10 =	vmul.f32 v10, v19  }
0x3a9: {  	(erf) = vpow2.f32 v14  }
0x3aa: {  	s19 =	simm.s32 $0x2370;
	v7 =	vmul.f32 v7, v10;
	v10 =	vmul.f32 $1.442695020e+00, v13  }
0x3ab: {  	s23 =	simm.s32 $0xA340;
	v14 =	vld [tilespmem:s19+$0xFFFFFF90];
	v13 =	vmul.f32 v26, v27  }
0x3ac: {  	s24 =	simm.s32 $0x8340;
	s11 =	simm.s32 $0xE2F1;
	v7 =	vmul.f32 $1.442695020e+00, v7;
	(erf) = vpow2.f32 v10;
	v10 =	vld [tilespmem:s23+$0xFFFFFFC0];
	v25 =	vpop (erf)  }
0x3ad: {  	v4 =	vmul.f32 v4, v13;
	v13 =	vld [tilespmem:s24+$0xFFFFFFC0];
	[tilespmem:s11+$0xFFFFFF90] =	vst v25  }
0x3ae: {  	(erf) = vpow2.f32 v7;
	v7 =	vld [tilespmem:s12+$0xFFFFFFA0]  }
0x3af: {  	v4 =	vmul.f32 $1.442695020e+00, v4;
	v28 =	vpop (erf);
	v19 =	vld [tilespmem:s31+$0xFFFFFFD0]  }
0x3b0: {  	v30 =	vld [tilespmem:s5+$0xFFFFFFD0];
	[tilespmem:s10+$0xFFFFFFA0] =	vst v28  }
0x3b1: {  	s21 =	simm.s32 $0xA240;
	(erf) = vpow2.f32 v4;
	v4 =	vld [tilespmem:s30+$0xFFFFFFB0]  }
0x3b2: {  	v26 =	vpop (erf);
	v31 =	vld [tilespmem:s21+$0xFFFFFFE0]  }
0x3b3: {  	v62 =	vld [tilespmem:s18+$0xFFFFFFE0];
	[tilespmem:s29+$0xFFFFFFB0] =	vst v26  }
0x3b4: {  	v63 =	vld [tilespmem:s17+$0xFFFFFFF0]  }
0x3b5: {  	v40 =	vld [tilespmem:s15+$0xFFFFFFC0];
	v29 =	vpop (erf)  }
0x3b6: {  	v41 =	vld [tilespmem:s14+$0xFFFFFFF0];
	[tilespmem:s26+$0xFFFFFFC0] =	vst v29  }
0x3b7: {  	v10 =	vmul.f32 v10, v13;
	v42 =	vld [tilespmem:s6+$0x0]  }
0x3b8: {  	v27 =	vpop (erf);
	v13 =	vld [tilespmem:s2+$0x0]  }
0x3b9: {  	v19 =	vmul.f32 v19, v30;
	v10 =	vmul.f32 v14, v10;
	v14 =	vld [tilespmem:s1+$0xFFFFFFD0];
	[tilespmem:s22+$0xFFFFFFD0] =	vst v27  }
0x3ba: {  	v43 =	vld [tilespmem:s8+$0x10];
	v30 =	vpop (erf)  }
0x3bb: {  	v7 =	vmul.f32 v7, v19;
	v19 =	vmul.f32 v31, v62;
	v44 =	vld [tilespmem:s7+$0x10];
	[tilespmem:s9+$0xFFFFFFE0] =	vst v30  }
0x3bc: {  	v10 =	vmul.f32 $1.442695020e+00, v10;
	v31 =	vld [tilespmem:s4+$0x20]  }
0x3bd: {  	v7 =	vmul.f32 $1.442695020e+00, v7;
	v4 =	vmul.f32 v4, v19;
	v19 =	vld [tilespmem:s3+$0x20]  }
0x3be: {  	(erf) = vpow2.f32 v10;
	v10 =	vmul.f32 v41, v63;
	v45 =	vld [tilespmem:s13+$0xFFFFFFE0]  }
0x3bf: {  	(erf) = vpow2.f32 v7;
	v4 =	vmul.f32 $1.442695020e+00, v4;
	v7 =	vld [tilespmem:s0+$0xFFFFFFF0]  }
0x3c0: {  	v10 =	vmul.f32 v40, v10;
	v13 =	vmul.f32 v13, v42  }
0x3c1: {  	(erf) = vpow2.f32 v4;
	v4 =	vmul.f32 v44, v43  }
0x3c2: {  	v13 =	vmul.f32 v14, v13;
	v14 =	vmul.f32 v19, v31  }
0x3c3: {  	v10 =	vmul.f32 $1.442695020e+00, v10;
	v4 =	vmul.f32 v45, v4  }
0x3c4: {  	v13 =	vmul.f32 $1.442695020e+00, v13;
	v7 =	vmul.f32 v7, v14  }
0x3c5: {  	(erf) = vpow2.f32 v10;
	v4 =	vmul.f32 $1.442695020e+00, v4  }
0x3c6: {  	(erf) = vpow2.f32 v13;
	v7 =	vmul.f32 $1.442695020e+00, v7  }
0x3c7: {  	(erf) = vpow2.f32 v4  }
0x3c8: {  	(erf) = vpow2.f32 v7;
	_ =	sdelay $0x2  }
0x3c9: {  	v34 =	vpop (erf)  }
0x3ca: {  	v35 =	vpop (erf)  }
0x3cb: {  	v36 =	vpop (erf)  }
0x3cc: {  	s20 =	simm.s32 $0xE071;
	v37 =	vpop (erf)  }
0x3cd: {  	[smem:$0x7D7] =	sst s20;
	s20 =	simm.s32 $0x83C0;
	v31 =	vpop (erf)  }
0x3ce: {  	s16 =	simm.s32 $0xA3C0;
	v19 =	vld [tilespmem:s20+$0xFFFFFFC0];
	v38 =	vpop (erf)  }
0x3cf: {  	v14 =	vld [tilespmem:s16+$0xFFFFFFC0];
	[tilespmem:s11+$0xFFFFFFA0] =	vst v35;
	v4 =	vpop (erf)  }
0x3d0: {  	v49 =	vld [tilespmem:s12+$0xFFFFFFB0];
	[tilespmem:s9+$0xFFFFFFF0] =	vst v4  }
0x3d1: {  	s9 =	simm.s32 $0x23F0;
	v13 =	vld [tilespmem:s3+$0x30];
	s3 =	simm.s32 $0xE371  }
0x3d2: {  	v7 =	vld [tilespmem:s9+$0xFFFFFF90];
	[tilespmem:s3+$0xFFFFFF90] =	vst v34  }
0x3d3: {  	v47 =	vld [tilespmem:s23+$0xFFFFFFD0]  }
0x3d4: {  	v48 =	vld [tilespmem:s24+$0xFFFFFFD0]  }
0x3d5: {  	v50 =	vld [tilespmem:s31+$0xFFFFFFE0]  }
0x3d6: {  	v46 =	vld [tilespmem:s19+$0xFFFFFFA0]  }
0x3d7: {  	s25 =	simm.s32 $0xA240;
	v51 =	vld [tilespmem:s5+$0xFFFFFFE0];
	[tilespmem:s10+$0xFFFFFFB0] =	vst v36;
	v14 =	vmul.f32 v14, v19  }
0x3d8: {  	v52 =	vld [tilespmem:s25+$0xFFFFFFF0]  }
0x3d9: {  	v19 =	vld [tilespmem:s18+$0xFFFFFFF0];
	[tilespmem:s29+$0xFFFFFFC0] =	vst v37;
	v7 =	vmul.f32 v7, v14;
	v14 =	vmul.f32 v47, v48  }
0x3da: {  	v53 =	vld [tilespmem:s17+$0x0]  }
0x3db: {  	v54 =	vld [tilespmem:s14+$0x0];
	v7 =	vmul.f32 $1.442695020e+00, v7;
	v14 =	vmul.f32 v46, v14  }
0x3dc: {  	v55 =	vld [tilespmem:s30+$0xFFFFFFC0];
	v41 =	vmul.f32 v50, v51  }
0x3dd: {  	[tilespmem:s26+$0xFFFFFFD0] =	vst v31;
	(erf) = vpow2.f32 v7;
	v7 =	vld [tilespmem:s15+$0xFFFFFFD0];
	v14 =	vmul.f32 $1.442695020e+00, v14  }
0x3de: {  	s25 =	simm.s32 $0x80C0;
	v56 =	vld [tilespmem:s6+$0x10];
	[tilespmem:s22+$0xFFFFFFE0] =	vst v38  }
0x3df: {  	v40 =	vmul.f32 v49, v41;
	v10 =	vld [tilespmem:s4+$0x30];
	[dreg:$0xf] =	wrdreg s25;
	(erf) = vpow2.f32 v14  }
0x3e0: {  	v19 =	vmul.f32 v52, v19;
	s6 =	simm.s32 $0xA0C0;
	v57 =	vld [tilespmem:s8+$0x20];
	v14 =	vmul.f32 v54, v53  }
0x3e1: {  	v40 =	vmul.f32 $1.442695020e+00, v40;
	v58 =	vld [tilespmem:s2+$0x10];
	[dreg:$0xc] =	wrdreg s6  }
0x3e2: {  	v19 =	vmul.f32 v55, v19;
	s8 =	simm.s32 $0x20F0;
	v59 =	vld [tilespmem:s7+$0x20];
	v7 =	vmul.f32 v7, v14  }
0x3e3: {  	v60 =	vld [tilespmem:s1+$0xFFFFFFE0];
	[smem:$0x7D8] =	sst s8  }
0x3e4: {  	s8 =	simm.s32 $0x2470;
	v61 =	vld [tilespmem:s0+$0x0];
	(erf) = vpow2.f32 v40;
	v14 =	vmul.f32 $1.442695020e+00, v19  }
0x3e5: {  	v63 =	vld [tilespmem:s8+$0xFFFFFF90];
	v62 =	vmul.f32 $1.442695020e+00, v7  }
0x3e6: {  	s25 =	simm.s32 $0xA440;
	s7 =	simm.s32 $0xE3F1;
	v19 =	vld [tilespmem:s13+$0xFFFFFFF0];
	(erf) = vpow2.f32 v14;
	v14 =	vmul.f32 v58, v56;
	v7 =	vpop (erf)  }
0x3e7: {  	s28 =	simm.s32 $0x8440;
	s21 =	simm.s32 $0x23F0;
	v10 =	vmul.f32 v13, v10;
	v52 =	vld [tilespmem:s25+$0xFFFFFFC0];
	[tilespmem:s7+$0xFFFFFF90] =	vst v7  }
0x3e8: {  	v53 =	vld [tilespmem:s28+$0xFFFFFFC0];
	v51 =	vmul.f32 v59, v57;
	v14 =	vmul.f32 v60, v14;
	[dreg:$0x12] =	wrdreg s21;
	v55 =	vpop (erf)  }
0x3e9: {  	v10 =	vmul.f32 v61, v10;
	(erf) = vpow2.f32 v62;
	v54 =	vld [tilespmem:s9+$0xFFFFFFA0];
	[tilespmem:s3+$0xFFFFFFA0] =	vst v55;
	s3 =	simm.s32 $0x83C0  }
0x3ea: {  	s6 =	simm.s32 $0x2370;
	v14 =	vmul.f32 $1.442695020e+00, v14;
	v56 =	vld [tilespmem:s16+$0xFFFFFFD0];
	[dreg:$0x15] =	wrdreg s3  }
0x3eb: {  	v13 =	vmul.f32 v19, v51;
	v57 =	vld [tilespmem:s20+$0xFFFFFFD0];
	[smem:$0x7D9] =	sst s6  }
0x3ec: {  	s9 =	simm.s32 $0xE2F1;
	(erf) = vpow2.f32 v14;
	v58 =	vld [tilespmem:s19+$0xFFFFFFB0]  }
0x3ed: {  	v13 =	vmul.f32 $1.442695020e+00, v13;
	v14 =	vmul.f32 $1.442695020e+00, v10;
	v10 =	vpop (erf);
	v59 =	vld [tilespmem:s23+$0xFFFFFFE0];
	[dreg:$0x18] =	wrdreg s9  }
0x3ee: {  	[tilespmem:s11+$0xFFFFFFB0] =	vst v10;
	v60 =	vld [tilespmem:s24+$0xFFFFFFE0]  }
0x3ef: {  	s4 =	simm.s32 $0xA140;
	(erf) = vpow2.f32 v13;
	v13 =	vadd.f32 v8, v5;
	v8 =	vadd.f32 v17, v9;
	v61 =	vld [tilespmem:s5+$0xFFFFFFF0]  }
0x3f0: {  	s2 =	simm.s32 $0x2170;
	s1 =	simm.s32 $0xA340;
	s0 =	simm.s32 $0x8140;
	v9 =	vadd.f32 v22, v15;
	v5 =	vmul.f32 v52, v53;
	(erf) = vpow2.f32 v14;
	v22 =	vpop (erf);
	v32 =	vld [tilespmem:s12+$0xFFFFFFC0]  }
0x3f1: {  	s13 =	simm.s32 $0x8240;
	s21 =	simm.s32 $0xA3C0;
	s16 =	simm.s32 $0xE371;
	[tilespmem:s10+$0xFFFFFFC0] =	vst v22;
	v62 =	vld [tilespmem:s31+$0xFFFFFFF0]  }
0x3f2: {  	v19 =	vadd.f32 v18, v12;
	s20 =	simm.s32 $0xA240;
	s6 =	simm.s32 $0x8440;
	v18 =	vmul.f32 v63, v5;
	s10 =	simm.s32 $0xA240;
	v15 =	vpop (erf);
	v33 =	vld [tilespmem:s18+$0x0]  }
0x3f3: {  	v17 =	vadd.f32 v24, v16;
	s9 =	simm.s32 $0x8340;
	s19 =	simm.s32 $0x22F0;
	s23 =	simm.s32 $0xA2C0;
	v5 =	vadd.f32 v35, v25;
	v25 =	vld [tilespmem:s10+$0x0];
	[tilespmem:s29+$0xFFFFFFD0] =	vst v15;
	v16 =	vmul.f32 v56, v57  }
0x3f4: {  	v14 =	vadd.f32 v11, v6;
	v6 =	vadd.f32 v28, v20;
	s24 =	simm.s32 $0x82C0;
	s11 =	simm.s32 $0xE1F1;
	v24 =	vmul.f32 $1.442695020e+00, v18;
	v28 =	vld [tilespmem:s15+$0xFFFFFFE0];
	s15 =	simm.s32 $0x0  }
0x3f5: {  	v12 =	vadd.f32 v37, v26;
	v20 =	vadd.f32 v30, v23;
	s12 =	simm.s32 $0xE271;
	s18 =	simm.s32 $0x21F0;
	v26 =	vld [tilespmem:s17+$0x10];
	[smem:$0x7DA] =	sst s15;
	v23 =	vmul.f32 v54, v16;
	v63 =	vpop (erf)  }
0x3f6: {  	v11 =	vadd.f32 v29, v21;
	s10 =	simm.s32 $0xE171;
	s5 =	simm.s32 $0x2470;
	[tilespmem:s26+$0xFFFFFFE0] =	vst v63;
	s26 =	simm.s32 $0x10  }
0x3f7: {  	v21 =	vadd.f32 v22, v36;
	v18 =	vadd.f32 v38, v27;
	s31 =	simm.s32 $0xE0F1;
	v29 =	vmul.f32 v59, v60;
	v27 =	vld [tilespmem:s30+$0xFFFFFFD0];
	s30 =	simm.s32 $0x10;
	[dreg:$0x1f] =	wrdreg s26  }
0x3f8: {  	s29 =	simm.s32 $0x400;
	(erf) = vpow2.f32 v24;
	s15 =	simm.s32 $0x2270;
	v16 =	vadd.f32 v55, v34;
	v24 =	vpop (erf);
	v34 =	vmul.f32 v62, v61;
	[smem:$0x7DB] =	sst s30  }
0x3f9: {  	v22 =	vadd.f32 v63, v31;
	v30 =	vmul.f32 $1.442695020e+00, v23;
	v31 =	vmul.f32 v58, v29;
	s26 =	simm.s32 $0xE3F1;
	v29 =	vld [tilespmem:s0+$0x20];
	[tilespmem:s22+$0xFFFFFFF0] =	vst v24;
	s22 =	simm.s32 $0xA440;
	v23 =	vpop (erf)  }
.LBB2_6:
0x3fa: {  	s30 =	rddreg [dreg:$0x1f]  }
0x3fb: {  	s3 =	rddreg [dreg:$0xf]  }
0x3fc: {  	s30 =	sadd.s32 $0x10, s30;
	v60 =	vld [tilespmem:s3+$0x30];
	s3 =	smov.u32 s0  }
0x3fd: {  	s0 =	smov.u32 s23;
	s23 =	smov.u32 s21;
	s21 =	sld [smem:$0x7D8]  }
0x3fe: {  	(erf) = vpow2.f32 v30;
	v30 =	vld [tilespmem:s4+$0x20];
	[dreg:$0xf] =	wrdreg s3;
	s3 =	smov.u32 s17;
	s17 =	smov.u32 s13  }
0x3ff: {  	v35 =	vadd.f32 v23, v4;
	v4 =	vmov v24;
	v24 =	vmul.f32 $1.442695020e+00, v31;
	v31 =	vld [tilespmem:s14+$0x10];
	s13 =	smov.u32 s4;
	s4 =	smov.u32 s14;
	s14 =	sld [smem:$0x7DA]  }
0x400: {  	[dreg:$0x1f] =	wrdreg s30  }
0x401: {  	[smem:$0x7D4] =	sst s3  }
0x402: {  	[smem:$0x7D5] =	sst s17  }
0x403: {  	v25 =	vmul.f32 v25, v33;
	s3 =	rddreg [dreg:$0xc]  }
0x404: {  	s29 =	sadd.s32 $0x80, s29;
	v32 =	vmul.f32 v32, v34;
	v61 =	vadd.f32 v19, v13;
	v62 =	vld [tilespmem:s2+$0xFFFFFFF0];
	s17 =	smov.u32 s20;
	s20 =	sld [smem:$0x7DB]  }
0x405: {  	s8 =	sadd.s32 $0x80, s8;
	v20 =	vadd.f32 v35, v20;
	(erf) = vpow2.f32 v24;
	v24 =	vmul.f32 v27, v25;
	v25 =	vld [tilespmem:s3+$0x30];
	s3 =	smov.u32 s2;
	s2 =	sld [smem:$0x7D7]  }
0x406: {  	v13 =	vmov v14;
	s25 =	sadd.s32 $0x80, s25;
	s28 =	sadd.s32 $0x80, s28;
	[dreg:$0xc] =	wrdreg s13  }
0x407: {  	v14 =	vmovc v8;
	v8 =	vmovc v9;
	v9 =	vmov v6;
	s7 =	sadd.s32 $0x80, s7;
	[smem:$0x7D6] =	sst s17;
	v34 =	vadd.f32 v20, v61;
	v27 =	vmul.f32 $1.442695020e+00, v32;
	s17 =	sand.u32 $0x1F0, s14  }
0x408: {  	v6 =	vmovc v5;
	v5 =	vmovc v16;
	v19 =	vmov v17;
	s14 =	smov.u32 s19;
	s19 =	rddreg [dreg:$0x15];
	v16 =	vmul.f32 $1.442695020e+00, v24;
	v24 =	vmul.f32 v30, v29;
	v29 =	vld [tilespmem:s21+$0x0];
	s21 =	smov.u32 s20;
	[tilespmem:s2+$0x0] =	vst v23  }
0x409: {  	v17 =	vmovc v11;
	v11 =	vmovc v12;
	p0 =	slt.u32 s29, $0xF80;
	v12 =	vmov v21;
	(erf) = vpow2.f32 v27;
	v21 =	vmul.f32 v31, v26;
	s20 =	smov.u32 s3;
	[smem:$0x7DA] =	sst s21;
	v23 =	vld [tilespmem:s8+$0xFFFFFF90];
	[tilespmem:s17+$0x14480] =	vst v34  }
0x40a: {  	s13 =	smov.u32 s1;
	s1 =	smov.u32 s23;
	v20 =	vmov v18;
	v18 =	vmov v22;
	v26 =	vpop (erf);
	[smem:$0x7D8] =	sst s20;
	(erf) = vpow2.f32 v16;
	v22 =	vld [tilespmem:s25+$0xFFFFFFC0]  }
0x40b: {  	s2 =	smov.u32 s18;
	s21 =	sld [smem:$0x7D9];
	s18 =	smov.u32 s5;
	v21 =	vmul.f32 v28, v21;
	v27 =	vld [tilespmem:s28+$0xFFFFFFC0];
	[tilespmem:s7+$0xFFFFFF90] =	vst v26;
	v25 =	vmul.f32 v25, v60  }
0x40c: {  	s20 =	smov.u32 s24;
	s17 =	smov.u32 s30;
	v24 =	vmul.f32 v62, v24;
	s30 =	rddreg [dreg:$0x12];
	v28 =	vld [tilespmem:s5+$0xFFFFFFA0];
	v16 =	vpop (erf)  }
0x40d: {  	s24 =	smov.u32 s19;
	[dreg:$0x12] =	wrdreg s18;
	s18 =	smov.u32 s9;
	v30 =	vld [tilespmem:s22+$0xFFFFFFD0];
	v21 =	vmul.f32 $1.442695020e+00, v21;
	[tilespmem:s26+$0xFFFFFFA0] =	vst v16;
	v25 =	vmul.f32 v29, v25  }
0x40e: {  	s9 =	smov.u32 s31;
	[smem:$0x7DB] =	sst s17;
	s3 =	smov.u32 s30;
	v24 =	vmul.f32 $1.442695020e+00, v24;
	v16 =	vadd.f32 v16, v7;
	v7 =	vmov v26;
	v26 =	vld [tilespmem:s6+$0xFFFFFFD0]  }
0x40f: {  	s31 =	smov.u32 s11;
	s30 =	smov.u32 s6;
	[smem:$0x7D7] =	sst s9;
	v31 =	vpop (erf);
	v29 =	vld [tilespmem:s3+$0xFFFFFFB0];
	(erf) = vpow2.f32 v21;
	v25 =	vmul.f32 $1.442695020e+00, v25  }
0x410: {  	s17 =	smov.u32 s15;
	s9 =	smov.u32 s24;
	[dreg:$0x15] =	wrdreg s30;
	v34 =	vld [tilespmem:s23+$0xFFFFFFE0];
	[tilespmem:s16+$0xFFFFFFB0] =	vst v31;
	(erf) = vpow2.f32 v24  }
0x411: {  	s30 =	smov.u32 s10;
	s10 =	smov.u32 s12;
	s12 =	rddreg [dreg:$0x18];
	v24 =	vld [tilespmem:s24+$0xFFFFFFE0];
	(erf) = vpow2.f32 v25  }
0x412: {  	s15 =	smov.u32 s21;
	s5 =	smov.u32 s8;
	s23 =	smov.u32 s12;
	v63 =	vld [tilespmem:s18+$0xFFFFFFF0];
	v21 =	vpop (erf)  }
0x413: {  	s21 =	smov.u32 s22;
	[smem:$0x7D9] =	sst s3;
	s24 =	smov.u32 s16;
	v32 =	vld [tilespmem:s15+$0xFFFFFFC0];
	v22 =	vmul.f32 v22, v27;
	[tilespmem:s23+$0xFFFFFFC0] =	vst v21;
	v25 =	vmul.f32 v30, v26;
	v36 =	vpop (erf)  }
0x414: {  	s22 =	smov.u32 s25;
	s19 =	smov.u32 s15;
	[dreg:$0x18] =	wrdreg s24;
	v27 =	vld [tilespmem:s13+$0xFFFFFFF0];
	[tilespmem:s10+$0xFFFFFFD0] =	vst v36  }
0x415: {  	s24 =	smov.u32 s18;
	s18 =	smov.u32 s17;
	v22 =	vmul.f32 v23, v22;
	v23 =	vmul.f32 v28, v25;
	v28 =	vld [tilespmem:s17+$0xFFFFFFE0];
	s17 =	sld [smem:$0x7D5]  }
.Ltmp2:
0x416: {  	s11 =	smov.u32 s10;
	s3 =	smov.u32 s0;
	v33 =	vld [tilespmem:s20+$0x0];
	(pc) =	sbr.rel @p0 .LBB2_6-.Ltmp2, $4  }
0x417: {  	s6 =	smov.u32 s28;
	s0 =	sld [smem:$0x7D4];
	s16 =	smov.u32 s26;
	v22 =	vmul.f32 $1.442695020e+00, v22;
	v25 =	vld [tilespmem:s3+$0x0]  }
0x418: {  	s26 =	smov.u32 s7;
	s12 =	smov.u32 s23;
	s15 =	smov.u32 s14;
	v21 =	vadd.f32 v21, v10;
	v10 =	vmov v31;
	v37 =	vmul.f32 v34, v24;
	v24 =	vpop (erf);
	v26 =	vld [tilespmem:s17+$0x10]  }
0x419: {  	s23 =	smov.u32 s13;
	s13 =	smov.u32 s20;
	s10 =	smov.u32 s31;
	(erf) = vpow2.f32 v22;
	v34 =	vmul.f32 v27, v63;
	v27 =	vld [tilespmem:s14+$0xFFFFFFD0];
	[tilespmem:s31+$0xFFFFFFE0] =	vst v24;
	v22 =	vadd.f32 v24, v15;
	v24 =	vpop (erf)  }
0x41a: {  	s20 =	smov.u32 s3;
	v31 =	vmul.f32 v29, v37;
	v30 =	vmul.f32 $1.442695020e+00, v23;
	s14 =	sld [smem:$0x7D6];
	s31 =	smov.u32 s30;
	v15 =	vmov v36;
	v29 =	vld [tilespmem:s0+$0x20];
	[tilespmem:s30+$0xFFFFFFF0] =	vst v24;
	v23 =	vpop (erf)  }
0x41b: {  	_ = 	snop  }
0x41c: {  	v25 =	vmul.f32 v25, v33  }
0x41d: {  	(erf) = vpow2.f32 v30;
	v30 =	vmul.f32 $1.442695020e+00, v31  }
0x41e: {  	v25 =	vmul.f32 v27, v25  }
0x41f: {  	v32 =	vmul.f32 v32, v34;
	(erf) = vpow2.f32 v30;
	v30 =	vld [tilespmem:s14+$0x10]  }
0x420: {  	v55 =	vld [tilespmem:s4+$0x20]  }
0x421: {  	s3 =	rddreg [dreg:$0xf];
	v36 =	vld [tilespmem:s2+$0xFFFFFFF0];
	v27 =	vmul.f32 $1.442695020e+00, v32  }
0x422: {  	s8 =	rddreg [dreg:$0xc];
	s28 =	sadd.s32 $0x80, s7;
	v31 =	vld [tilespmem:s3+$0x30];
	v35 =	vmul.f32 $1.442695020e+00, v25;
	v25 =	vpop (erf)  }
0x423: {  	s25 =	sld [smem:$0x7D8];
	v54 =	vld [tilespmem:s8+$0x30];
	(erf) = vpow2.f32 v27;
	[tilespmem:s28+$0xFFFFFF90] =	vst v25  }
0x424: {  	(erf) = vpow2.f32 v35;
	v26 =	vmul.f32 v30, v26;
	v30 =	vld [tilespmem:s22+$0xFFFFFFD0]  }
0x425: {  	v58 =	vld [tilespmem:s6+$0xFFFFFFD0]  }
0x426: {  	v56 =	vld [tilespmem:s25+$0x0];
	v29 =	vmul.f32 v55, v29  }
0x427: {  	v57 =	vld [tilespmem:s5+$0xFFFFFFA0];
	v27 =	vpop (erf);
	v28 =	vmul.f32 v28, v26  }
0x428: {  	v29 =	vmul.f32 v36, v29;
	[tilespmem:s26+$0xFFFFFFA0] =	vst v27  }
0x429: {  	s30 =	smov.u32 s5;
	v31 =	vmul.f32 v54, v31;
	s5 =	rddreg [dreg:$0x12];
	v26 =	vpop (erf);
	v59 =	vld [tilespmem:s21+$0xFFFFFFE0];
	v28 =	vmul.f32 $1.442695020e+00, v28  }
0x42a: {  	v37 =	vld [tilespmem:s5+$0xFFFFFFB0];
	[tilespmem:s16+$0xFFFFFFB0] =	vst v26;
	v30 =	vmul.f32 v30, v58  }
0x42b: {  	v31 =	vmul.f32 v56, v31;
	v60 =	vmul.f32 $1.442695020e+00, v29;
	v39 =	vld [tilespmem:s9+$0xFFFFFFF0];
	s8 =	sld [smem:$0x7D9]  }
0x42c: {  	s7 =	smov.u32 s22;
	s22 =	rddreg [dreg:$0x15];
	(erf) = vpow2.f32 v28;
	v29 =	vpop (erf);
	v61 =	vld [tilespmem:s1+$0xFFFFFFF0];
	v30 =	vmul.f32 v57, v30  }
0x42d: {  	v31 =	vmul.f32 $1.442695020e+00, v31;
	v38 =	vld [tilespmem:s22+$0xFFFFFFE0];
	v28 =	vpop (erf)  }
0x42e: {  	s25 =	rddreg [dreg:$0x18];
	(erf) = vpow2.f32 v60;
	v40 =	vld [tilespmem:s8+$0xFFFFFFC0];
	[tilespmem:s12+$0xFFFFFFD0] =	vst v28;
	v30 =	vmul.f32 $1.442695020e+00, v30  }
0x42f: {  	(erf) = vpow2.f32 v31;
	v43 =	vld [tilespmem:s13+$0x10]  }
0x430: {  	(erf) = vpow2.f32 v30;
	v30 =	vld [tilespmem:s20+$0x10]  }
0x431: {  	[tilespmem:s25+$0xFFFFFFC0] =	vst v29  }
0x432: {  	v62 =	vld [tilespmem:s24+$0x0];
	v45 =	vmul.f32 v61, v39;
	v42 =	vmul.f32 v59, v38  }
0x433: {  	v63 =	vld [tilespmem:s23+$0x0]  }
0x434: {  	v46 =	vld [tilespmem:s15+$0xFFFFFFE0];
	v31 =	vmul.f32 v37, v42;
	v48 =	vmul.f32 v40, v45  }
0x435: {  	v44 =	vld [tilespmem:s19+$0xFFFFFFD0];
	v32 =	vpop (erf);
	v30 =	vmul.f32 v30, v43  }
0x436: {  	v47 =	vmul.f32 $1.442695020e+00, v31;
	v34 =	vmul.f32 $1.442695020e+00, v48;
	[tilespmem:s11+$0xFFFFFFE0] =	vst v32  }
0x437: {  	v51 =	vld [tilespmem:s17+$0x20]  }
0x438: {  	v33 =	vmul.f32 v63, v62;
	v52 =	vld [tilespmem:s14+$0x20];
	v31 =	vpop (erf);
	(erf) = vpow2.f32 v47  }
0x439: {  	v54 =	vld [tilespmem:s18+$0xFFFFFFF0];
	[tilespmem:s10+$0xFFFFFFF0] =	vst v31;
	v37 =	vmul.f32 v46, v30;
	v30 =	vpop (erf)  }
0x43a: {  	v33 =	vmul.f32 v44, v33;
	(erf) = vpow2.f32 v34;
	v49 =	vld [tilespmem:s0+$0x30];
	v34 =	vpop (erf)  }
0x43b: {  	v50 =	vld [tilespmem:s4+$0x30];
	[tilespmem:s28+$0xFFFFFFA0] =	vst v34  }
0x43c: {  	s3 =	smov.u32 s6;
	v33 =	vmul.f32 $1.442695020e+00, v33;
	v55 =	vld [tilespmem:s7+$0xFFFFFFE0]  }
0x43d: {  	v53 =	vmul.f32 $1.442695020e+00, v37;
	v41 =	vld [tilespmem:s3+$0xFFFFFFE0]  }
0x43e: {  	v42 =	vld [tilespmem:s2+$0x0];
	(erf) = vpow2.f32 v33  }
0x43f: {  	(erf) = vpow2.f32 v53;
	v43 =	vld [tilespmem:s30+$0xFFFFFFB0]  }
0x440: {  	v38 =	vmul.f32 v52, v51  }
0x441: {  	v35 =	vmul.f32 v50, v49;
	v33 =	vpop (erf)  }
0x442: {  	v37 =	vmul.f32 v54, v38;
	[tilespmem:s26+$0xFFFFFFB0] =	vst v33;
	v57 =	vmul.f32 v55, v41  }
0x443: {  	v58 =	vmul.f32 v42, v35;
	v56 =	vld [tilespmem:s22+$0xFFFFFFF0]  }
0x444: {  	v37 =	vmul.f32 $1.442695020e+00, v37;
	v45 =	vld [tilespmem:s21+$0xFFFFFFF0];
	v43 =	vmul.f32 v43, v57  }
0x445: {  	v40 =	vmul.f32 $1.442695020e+00, v58  }
0x446: {  	v36 =	vpop (erf);
	(erf) = vpow2.f32 v37;
	v44 =	vld [tilespmem:s5+$0xFFFFFFC0];
	v43 =	vmul.f32 $1.442695020e+00, v43  }
0x447: {  	[tilespmem:s16+$0xFFFFFFC0] =	vst v36;
	v35 =	vpop (erf);
	(erf) = vpow2.f32 v40  }
0x448: {  	v59 =	vld [tilespmem:s9+$0x0];
	v38 =	vpop (erf);
	(erf) = vpow2.f32 v43  }
0x449: {  	v60 =	vld [tilespmem:s1+$0x0];
	v39 =	vmul.f32 v45, v56  }
0x44a: {  	v61 =	vld [tilespmem:s8+$0xFFFFFFD0];
	[tilespmem:s25+$0xFFFFFFD0] =	vst v35  }
0x44b: {  	v46 =	vld [tilespmem:s24+$0x10];
	v39 =	vmul.f32 v44, v39  }
0x44c: {  	v47 =	vld [tilespmem:s23+$0x10]  }
0x44d: {  	v48 =	vld [tilespmem:s19+$0xFFFFFFE0];
	[tilespmem:s12+$0xFFFFFFE0] =	vst v38;
	v39 =	vmul.f32 $1.442695020e+00, v39  }
0x44e: {  	v62 =	vld [tilespmem:s13+$0x20]  }
0x44f: {  	v63 =	vld [tilespmem:s20+$0x20];
	v40 =	vpop (erf)  }
0x450: {  	v49 =	vld [tilespmem:s15+$0xFFFFFFF0];
	[tilespmem:s11+$0xFFFFFFF0] =	vst v40;
	v37 =	vpop (erf)  }
0x451: {  	v41 =	vmul.f32 v60, v59;
	v51 =	vld [tilespmem:s17+$0x30];
	(erf) = vpow2.f32 v39;
	v39 =	vpop (erf)  }
0x452: {  	v52 =	vld [tilespmem:s14+$0x30];
	[tilespmem:s28+$0xFFFFFFB0] =	vst v39  }
0x453: {  	v50 =	vmul.f32 v47, v46;
	v41 =	vmul.f32 v61, v41;
	v54 =	vld [tilespmem:s3+$0xFFFFFFF0]  }
0x454: {  	v55 =	vld [tilespmem:s7+$0xFFFFFFF0]  }
0x455: {  	v42 =	vmul.f32 v48, v50;
	v41 =	vmul.f32 $1.442695020e+00, v41;
	v56 =	vld [tilespmem:s18+$0x0]  }
0x456: {  	v43 =	vmul.f32 v63, v62;
	v57 =	vld [tilespmem:s30+$0xFFFFFFC0]  }
0x457: {  	v42 =	vmul.f32 $1.442695020e+00, v42;
	(erf) = vpow2.f32 v41  }
0x458: {  	v43 =	vmul.f32 v49, v43;
	v44 =	vmul.f32 v52, v51  }
0x459: {  	(erf) = vpow2.f32 v42;
	v42 =	vmul.f32 v55, v54  }
0x45a: {  	v44 =	vmul.f32 v56, v44  }
0x45b: {  	v53 =	vmul.f32 $1.442695020e+00, v43;
	v46 =	vmul.f32 v57, v42  }
0x45c: {  	v44 =	vmul.f32 $1.442695020e+00, v44  }
0x45d: {  	(erf) = vpow2.f32 v53;
	v43 =	vpop (erf);
	v46 =	vmul.f32 $1.442695020e+00, v46  }
0x45e: {  	(erf) = vpow2.f32 v44;
	[tilespmem:s26+$0xFFFFFFC0] =	vst v43  }
0x45f: {  	v58 =	vld [tilespmem:s22+$0x0];
	(erf) = vpow2.f32 v46  }
0x460: {  	v41 =	vpop (erf);
	v59 =	vld [tilespmem:s21+$0x0]  }
0x461: {  	[tilespmem:s16+$0xFFFFFFD0] =	vst v41;
	v50 =	vld [tilespmem:s5+$0xFFFFFFD0]  }
0x462: {  	v49 =	vld [tilespmem:s9+$0x10]  }
0x463: {  	v45 =	vpop (erf);
	v51 =	vld [tilespmem:s1+$0x10]  }
0x464: {  	v52 =	vld [tilespmem:s8+$0xFFFFFFE0];
	[tilespmem:s25+$0xFFFFFFE0] =	vst v45  }
0x465: {  	v53 =	vld [tilespmem:s24+$0x20]  }
0x466: {  	v54 =	vld [tilespmem:s23+$0x20];
	v42 =	vpop (erf)  }
0x467: {  	v60 =	vld [tilespmem:s19+$0xFFFFFFF0];
	[tilespmem:s12+$0xFFFFFFF0] =	vst v42;
	v44 =	vpop (erf)  }
0x468: {  	v48 =	vmul.f32 v59, v58;
	v47 =	vld [tilespmem:s13+$0x30];
	v46 =	vpop (erf)  }
0x469: {  	v55 =	vld [tilespmem:s20+$0x30];
	[tilespmem:s28+$0xFFFFFFC0] =	vst v46  }
0x46a: {  	v49 =	vmul.f32 v51, v49;
	v48 =	vmul.f32 v50, v48;
	v61 =	vld [tilespmem:s3+$0x0]  }
0x46b: {  	v62 =	vld [tilespmem:s7+$0x0]  }
0x46c: {  	v63 =	vld [tilespmem:s15+$0x0];
	v49 =	vmul.f32 v52, v49;
	v48 =	vmul.f32 $1.442695020e+00, v48  }
0x46d: {  	v53 =	vmul.f32 v54, v53;
	v58 =	vld [tilespmem:s30+$0xFFFFFFD0]  }
0x46e: {  	v57 =	vmul.f32 $1.442695020e+00, v49;
	(erf) = vpow2.f32 v48  }
0x46f: {  	v50 =	vmul.f32 v60, v53;
	v47 =	vmul.f32 v55, v47  }
0x470: {  	(erf) = vpow2.f32 v57;
	v60 =	vmul.f32 v62, v61  }
0x471: {  	v59 =	vmul.f32 $1.442695020e+00, v50;
	v47 =	vmul.f32 v63, v47  }
0x472: {  	v61 =	vmul.f32 v58, v60  }
0x473: {  	(erf) = vpow2.f32 v59;
	v47 =	vmul.f32 $1.442695020e+00, v47  }
0x474: {  	v48 =	vmul.f32 $1.442695020e+00, v61  }
0x475: {  	(erf) = vpow2.f32 v47  }
0x476: {  	(erf) = vpow2.f32 v48  }
0x477: {  	v47 =	vpop (erf)  }
0x478: {  	[tilespmem:s26+$0xFFFFFFD0] =	vst v47  }
0x479: {  	v49 =	vpop (erf);
	v50 =	vld [tilespmem:s22+$0x10]  }
0x47a: {  	[tilespmem:s16+$0xFFFFFFE0] =	vst v49;
	v54 =	vld [tilespmem:s21+$0x10]  }
0x47b: {  	v51 =	vld [tilespmem:s9+$0x20]  }
0x47c: {  	v52 =	vpop (erf);
	v53 =	vld [tilespmem:s1+$0x20]  }
0x47d: {  	[tilespmem:s25+$0xFFFFFFF0] =	vst v52;
	v58 =	vld [tilespmem:s8+$0xFFFFFFF0]  }
0x47e: {  	v55 =	vld [tilespmem:s24+$0x30];
	v56 =	vpop (erf)  }
0x47f: {  	v48 =	vld [tilespmem:s5+$0xFFFFFFE0];
	v59 =	vpop (erf)  }
0x480: {  	v57 =	vld [tilespmem:s23+$0x30];
	[tilespmem:s28+$0xFFFFFFD0] =	vst v59  }
0x481: {  	v61 =	vld [tilespmem:s3+$0x10]  }
0x482: {  	v50 =	vmul.f32 v54, v50;
	v54 =	vld [tilespmem:s7+$0x10]  }
0x483: {  	v60 =	vld [tilespmem:s19+$0x0]  }
0x484: {  	v48 =	vmul.f32 v48, v50;
	v62 =	vld [tilespmem:s30+$0xFFFFFFE0]  }
0x485: {  	v51 =	vmul.f32 v53, v51  }
0x486: {  	v63 =	vmul.f32 v57, v55;
	v48 =	vmul.f32 $1.442695020e+00, v48  }
0x487: {  	v51 =	vmul.f32 v58, v51;
	v54 =	vmul.f32 v54, v61  }
0x488: {  	v53 =	vmul.f32 v60, v63;
	(erf) = vpow2.f32 v48  }
0x489: {  	v51 =	vmul.f32 $1.442695020e+00, v51;
	v57 =	vmul.f32 v62, v54  }
0x48a: {  	v58 =	vmul.f32 $1.442695020e+00, v53  }
0x48b: {  	(erf) = vpow2.f32 v51;
	v48 =	vmul.f32 $1.442695020e+00, v57  }
0x48c: {  	(erf) = vpow2.f32 v58  }
0x48d: {  	(erf) = vpow2.f32 v48;
	_ =	sdelay $0x3  }
0x48e: {  	v48 =	vpop (erf)  }
0x48f: {  	[tilespmem:s26+$0xFFFFFFE0] =	vst v48  }
0x490: {  	v51 =	vld [tilespmem:s22+$0x20]  }
0x491: {  	v50 =	vpop (erf);
	v53 =	vld [tilespmem:s21+$0x20]  }
0x492: {  	[tilespmem:s16+$0xFFFFFFF0] =	vst v50;
	v54 =	vpop (erf);
	v60 =	vld [tilespmem:s5+$0xFFFFFFF0]  }
0x493: {  	v55 =	vld [tilespmem:s9+$0x30];
	v58 =	vpop (erf)  }
0x494: {  	v57 =	vld [tilespmem:s1+$0x30];
	[tilespmem:s28+$0xFFFFFFE0] =	vst v58  }
0x495: {  	v61 =	vld [tilespmem:s3+$0x20]  }
0x496: {  	v62 =	vld [tilespmem:s7+$0x20]  }
0x497: {  	v63 =	vld [tilespmem:s8+$0x0]  }
0x498: {  	v51 =	vmul.f32 v53, v51;
	v53 =	vld [tilespmem:s30+$0xFFFFFFF0];
	_ =	sdelay $0x1  }
0x499: {  	v55 =	vmul.f32 v57, v55;
	v51 =	vmul.f32 v60, v51  }
0x49a: {  	v60 =	vmul.f32 v62, v61  }
0x49b: {  	v55 =	vmul.f32 v63, v55;
	v51 =	vmul.f32 $1.442695020e+00, v51  }
0x49c: {  	v53 =	vmul.f32 v53, v60  }
0x49d: {  	v55 =	vmul.f32 $1.442695020e+00, v55;
	(erf) = vpow2.f32 v51  }
0x49e: {  	v61 =	vmul.f32 $1.442695020e+00, v53  }
0x49f: {  	(erf) = vpow2.f32 v55  }
0x4a0: {  	(erf) = vpow2.f32 v61;
	_ =	sdelay $0x5  }
0x4a1: {  	v51 =	vpop (erf)  }
0x4a2: {  	[tilespmem:s26+$0xFFFFFFF0] =	vst v51  }
0x4a3: {  	v53 =	vpop (erf);
	v55 =	vld [tilespmem:s22+$0x30]  }
0x4a4: {  	v57 =	vld [tilespmem:s21+$0x30];
	v60 =	vpop (erf)  }
0x4a5: {  	v61 =	vld [tilespmem:s5+$0x0];
	[tilespmem:s28+$0xFFFFFFF0] =	vst v60  }
0x4a6: {  	v4 =	vadd.f32 v23, v4;
	v13 =	vadd.f32 v19, v13;
	v62 =	vld [tilespmem:s3+$0x30]  }
0x4a7: {  	v14 =	vadd.f32 v17, v14;
	v8 =	vadd.f32 v11, v8;
	v19 =	vld [tilespmem:s7+$0x30]  }
0x4a8: {  	v9 =	vadd.f32 v12, v9;
	v4 =	vadd.f32 v4, v20  }
0x4a9: {  	v10 =	vadd.f32 v29, v10;
	v20 =	vadd.f32 v30, v24;
	v24 =	vld [tilespmem:s30+$0x0]  }
0x4aa: {  	v6 =	vadd.f32 v21, v6;
	v4 =	vadd.f32 v4, v13;
	v13 =	vmul.f32 v57, v55;
	s20 =	sld [smem:$0x7D7]  }
0x4ab: {  	v7 =	vadd.f32 v27, v7;
	v5 =	vadd.f32 v10, v5  }
0x4ac: {  	v17 =	vadd.f32 v20, v18;
	v13 =	vmul.f32 v61, v13;
	v18 =	vmul.f32 v19, v62  }
0x4ad: {  	v15 =	vadd.f32 v32, v15;
	v20 =	vadd.f32 v37, v31;
	[tilespmem:s20+$0x0] =	vst v23  }
0x4ae: {  	v14 =	vadd.f32 v17, v14;
	v13 =	vmul.f32 $1.442695020e+00, v13;
	s0 =	sld [smem:$0x7DA];
	v18 =	vmul.f32 v24, v18  }
0x4af: {  	v17 =	vadd.f32 v34, v25;
	v11 =	vadd.f32 v20, v22  }
0x4b0: {  	v25 =	vadd.f32 v38, v28;
	(erf) = vpow2.f32 v13;
	v13 =	vmul.f32 $1.442695020e+00, v18  }
0x4b1: {  	v8 =	vadd.f32 v11, v8;
	[tilespmem:s31+$0x0] =	vst v30;
	v24 =	vadd.f32 v44, v40;
	s21 =	sand.u32 $0x1F0, s0  }
0x4b2: {  	v11 =	vadd.f32 v43, v33;
	[tilespmem:s21+$0x14480] =	vst v4;
	v4 =	vadd.f32 v45, v35;
	(erf) = vpow2.f32 v13  }
0x4b3: {  	v12 =	vadd.f32 v24, v15;
	s22 =	sld [smem:$0x7DB];
	v15 =	vadd.f32 v54, v52  }
0x4b4: {  	v7 =	vadd.f32 v11, v7;
	s24 =	rddreg [dreg:$0x1f];
	[tilespmem:s10+$0x0] =	vst v37;
	v13 =	vadd.f32 v56, v42  }
0x4b5: {  	v19 =	vadd.f32 v36, v26;
	[tilespmem:s11+$0x0] =	vst v44;
	v4 =	vadd.f32 v15, v4  }
0x4b6: {  	[tilespmem:s12+$0x0] =	vst v56;
	s0 =	sadd.s32 $0x10, s24;
	v9 =	vadd.f32 v12, v9;
	s23 =	sand.u32 $0x1F0, s22;
	v13 =	vadd.f32 v13, v25  }
0x4b7: {  	s2 =	sadd.s32 $0x10, s0;
	[tilespmem:s23+$0x14480] =	vst v14;
	v14 =	vadd.f32 v49, v41;
	v4 =	vadd.f32 v4, v5  }
0x4b8: {  	[tilespmem:s25+$0x0] =	vst v54;
	s4 =	sand.u32 $0x1F0, s2;
	s2 =	sadd.s32 $0x10, s2;
	v5 =	vadd.f32 v53, v50;
	v6 =	vadd.f32 v13, v6  }
0x4b9: {  	v10 =	vadd.f32 v58, v59;
	v12 =	vadd.f32 v46, v39;
	[tilespmem:s4+$0x14480] =	vst v9;
	s5 =	sand.u32 $0x1F0, s2  }
0x4ba: {  	s3 =	sand.u32 $0x1F0, s0;
	s2 =	sadd.s32 $0x10, s2;
	v9 =	vpop (erf);
	v5 =	vadd.f32 v5, v14;
	[tilespmem:s5+$0x14480] =	vst v6;
	v6 =	vadd.f32 v19, v16  }
0x4bb: {  	[tilespmem:s3+$0x14480] =	vst v8;
	v8 =	vadd.f32 v48, v47;
	s6 =	sand.u32 $0x1F0, s2;
	v13 =	vadd.f32 v9, v51;
	v11 =	vpop (erf)  }
0x4bc: {  	s2 =	sadd.s32 $0x10, s2;
	[tilespmem:s6+$0x14480] =	vst v4;
	v4 =	vadd.f32 v5, v6;
	v5 =	vadd.f32 v11, v60  }
0x4bd: {  	[tilespmem:s16+$0x0] =	vst v53;
	s7 =	sand.u32 $0x1F0, s2;
	v8 =	vadd.f32 v13, v8  }
0x4be: {  	[tilespmem:s7+$0x14480] =	vst v4;
	v4 =	vadd.f32 v12, v17;
	v5 =	vadd.f32 v5, v10  }
0x4bf: {  	s2 =	sadd.s32 $0x10, s2;
	[tilespmem:s26+$0x0] =	vst v9;
	v6 =	vadd.f32 v8, v7  }
0x4c0: {  	s8 =	sand.u32 $0x1F0, s2;
	s9 =	sadd.s32 $0x10, s2;
	[tilespmem:s28+$0x0] =	vst v11;
	v4 =	vadd.f32 v5, v4  }
0x4c1: {  	s10 =	sand.u32 $0x1F0, s9;
	[tilespmem:s8+$0x14480] =	vst v6  }
0x4c2: {  	s11 =	simm.s32 $0x2;
	[tilespmem:s10+$0x14480] =	vst v4  }
0x4c3: {  	_ =	swait.ge [sflag:s11], $0x1000  }
0x4c4: {  	[sflag:s11] =	ssyncset.done $0x0  }
0x4c5: {  	s12 =	simm.s32 $0x4;
	[sflag:s11] =	ssyncadd.s32 $0xFFFFF000  }
0x4c6: {  	_ =	swait.ge [sflag:s12], $0x1000  }
0x4c7: {  	s13 =	sld [smem:$0x7F4]  }
0x4c8: {  	s14 =	simm.s32 $0x80;
	s15 =	simm.s32 $0x400;
	[sflag:s12] =	ssyncset.done $0x0  }
0x4c9: {  	s16 =	simm.s32 $0x8000;
	s17 =	sld [smem:$0x7F7];
	[sflag:s12] =	ssyncadd.s32 $0xFFFFF000  }
0x4ca: {  	[tilespmem:s16], [sflag:$0x1] =	stream.strided.gather [hbm4b:s13+s14], $0x1000, s15, s14, $0x38;
	[tilespmem:$0x15080] =	vst v63  }
0x4cb: {  	s18 =	simm.s32 $0xA000;
	s2 =	simm.s32 $0xB040  }
0x4cc: {  	[tilespmem:s18], [sflag:$0x3] =	stream.strided.gather [hbm4b:s17+s14], $0x1000, s15, s14, $0x38;
	[tilespmem:$0x15080] =	vst v63  }
0x4cd: {  	s3 =	simm.s32 $0x9040;
	v4 =	vld [tilespmem:s2+$0xFFFFFFC0]  }
0x4ce: {  	v5 =	vld [tilespmem:s3+$0xFFFFFFC0]  }
0x4cf: {  	s0 =	simm.s32 $0x3070  }
0x4d0: {  	v6 =	vld [tilespmem:s0+$0xFFFFFF90];
	_ =	sdelay $0x2  }
0x4d1: {  	v4 =	vmul.f32 v4, v5;
	_ =	sdelay $0x1  }
0x4d2: {  	v4 =	vmul.f32 v6, v4;
	_ =	sdelay $0x1  }
0x4d3: {  	v4 =	vmul.f32 $1.442695020e+00, v4;
	_ =	sdelay $0x1  }
0x4d4: {  	(erf) = vpow2.f32 v4;
	_ =	sdelay $0x6  }
0x4d5: {  	s5 =	simm.s32 $0x90C0  }
0x4d6: {  	s4 =	simm.s32 $0xB0C0;
	v6 =	vld [tilespmem:s5+$0xFFFFFFC0]  }
0x4d7: {  	s29 =	simm.s32 $0xF071;
	s9 =	simm.s32 $0x30F0;
	v4 =	vld [tilespmem:s4+$0xFFFFFFC0];
	v5 =	vpop (erf)  }
0x4d8: {  	v7 =	vld [tilespmem:s9+$0xFFFFFF90];
	[tilespmem:s29+$0xFFFFFF90] =	vst v5  }
0x4d9: {  	v8 =	vld [tilespmem:s2+$0xFFFFFFD0]  }
0x4da: {  	v9 =	vld [tilespmem:s3+$0xFFFFFFD0];
	_ =	sdelay $0x1  }
0x4db: {  	v4 =	vmul.f32 v4, v6;
	v10 =	vld [tilespmem:s0+$0xFFFFFFA0];
	_ =	sdelay $0x1  }
0x4dc: {  	v4 =	vmul.f32 v7, v4  }
0x4dd: {  	v6 =	vmul.f32 v8, v9  }
0x4de: {  	v4 =	vmul.f32 $1.442695020e+00, v4  }
0x4df: {  	v6 =	vmul.f32 v10, v6  }
0x4e0: {  	(erf) = vpow2.f32 v4  }
0x4e1: {  	v4 =	vmul.f32 $1.442695020e+00, v6;
	_ =	sdelay $0x1  }
0x4e2: {  	(erf) = vpow2.f32 v4;
	_ =	sdelay $0x3  }
0x4e3: {  	s7 =	simm.s32 $0x9140  }
0x4e4: {  	s21 =	simm.s32 $0xB140;
	v6 =	vld [tilespmem:s7+$0xFFFFFFC0]  }
0x4e5: {  	s6 =	simm.s32 $0x3170;
	s11 =	simm.s32 $0xF0F1;
	v7 =	vpop (erf);
	v4 =	vld [tilespmem:s21+$0xFFFFFFC0]  }
0x4e6: {  	v9 =	vld [tilespmem:s6+$0xFFFFFF90];
	[tilespmem:s11+$0xFFFFFF90] =	vst v7  }
0x4e7: {  	v10 =	vld [tilespmem:s4+$0xFFFFFFD0]  }
0x4e8: {  	v11 =	vld [tilespmem:s5+$0xFFFFFFD0];
	v8 =	vpop (erf)  }
0x4e9: {  	v12 =	vld [tilespmem:s9+$0xFFFFFFA0];
	[tilespmem:s29+$0xFFFFFFA0] =	vst v8  }
0x4ea: {  	v4 =	vmul.f32 v4, v6;
	v13 =	vld [tilespmem:s2+$0xFFFFFFE0]  }
0x4eb: {  	v6 =	vld [tilespmem:s3+$0xFFFFFFE0]  }
0x4ec: {  	v4 =	vmul.f32 v9, v4  }
0x4ed: {  	v10 =	vmul.f32 v10, v11;
	v9 =	vld [tilespmem:s0+$0xFFFFFFB0]  }
0x4ee: {  	v4 =	vmul.f32 $1.442695020e+00, v4  }
0x4ef: {  	v10 =	vmul.f32 v12, v10  }
0x4f0: {  	(erf) = vpow2.f32 v4;
	v6 =	vmul.f32 v13, v6  }
0x4f1: {  	v4 =	vmul.f32 $1.442695020e+00, v10  }
0x4f2: {  	v6 =	vmul.f32 v9, v6  }
0x4f3: {  	(erf) = vpow2.f32 v4  }
0x4f4: {  	v4 =	vmul.f32 $1.442695020e+00, v6;
	_ =	sdelay $0x1  }
0x4f5: {  	(erf) = vpow2.f32 v4  }
0x4f6: {  	s16 =	simm.s32 $0x91C0  }
0x4f7: {  	s8 =	simm.s32 $0xB1C0;
	v6 =	vld [tilespmem:s16+$0xFFFFFFC0]  }
0x4f8: {  	s19 =	simm.s32 $0xF171;
	s18 =	simm.s32 $0x31F0;
	v9 =	vpop (erf);
	v4 =	vld [tilespmem:s8+$0xFFFFFFC0]  }
0x4f9: {  	v10 =	vld [tilespmem:s18+$0xFFFFFF90];
	[tilespmem:s19+$0xFFFFFF90] =	vst v9  }
0x4fa: {  	v12 =	vld [tilespmem:s21+$0xFFFFFFD0]  }
0x4fb: {  	v11 =	vpop (erf);
	v14 =	vld [tilespmem:s7+$0xFFFFFFD0]  }
0x4fc: {  	v15 =	vld [tilespmem:s6+$0xFFFFFFA0];
	[tilespmem:s11+$0xFFFFFFA0] =	vst v11  }
0x4fd: {  	v16 =	vld [tilespmem:s4+$0xFFFFFFE0];
	v4 =	vmul.f32 v4, v6  }
0x4fe: {  	v6 =	vld [tilespmem:s5+$0xFFFFFFE0];
	v13 =	vpop (erf)  }
0x4ff: {  	v17 =	vld [tilespmem:s9+$0xFFFFFFB0];
	v4 =	vmul.f32 v10, v4;
	[tilespmem:s29+$0xFFFFFFB0] =	vst v13  }
0x500: {  	v12 =	vmul.f32 v12, v14;
	v10 =	vld [tilespmem:s3+$0xFFFFFFF0]  }
0x501: {  	v4 =	vmul.f32 $1.442695020e+00, v4;
	v14 =	vld [tilespmem:s2+$0xFFFFFFF0]  }
0x502: {  	v12 =	vmul.f32 v15, v12  }
0x503: {  	v6 =	vmul.f32 v16, v6;
	v15 =	vld [tilespmem:s0+$0xFFFFFFC0];
	(erf) = vpow2.f32 v4  }
0x504: {  	v4 =	vmul.f32 $1.442695020e+00, v12  }
0x505: {  	v6 =	vmul.f32 v17, v6  }
0x506: {  	(erf) = vpow2.f32 v4;
	v10 =	vmul.f32 v14, v10  }
0x507: {  	v4 =	vmul.f32 $1.442695020e+00, v6  }
0x508: {  	v6 =	vmul.f32 v15, v10  }
0x509: {  	(erf) = vpow2.f32 v4  }
0x50a: {  	s28 =	simm.s32 $0x9240;
	v4 =	vmul.f32 $1.442695020e+00, v6  }
0x50b: {  	s22 =	simm.s32 $0x3270;
	v10 =	vld [tilespmem:s28+$0xFFFFFFC0]  }
0x50c: {  	s1 =	simm.s32 $0xF1F1;
	s15 =	simm.s32 $0xB240;
	v6 =	vld [tilespmem:s22+$0xFFFFFF90];
	v15 =	vpop (erf);
	(erf) = vpow2.f32 v4  }
0x50d: {  	[tilespmem:s1+$0xFFFFFF90] =	vst v15;
	v4 =	vld [tilespmem:s15+$0xFFFFFFC0]  }
0x50e: {  	v12 =	vld [tilespmem:s18+$0xFFFFFFA0]  }
0x50f: {  	s20 =	simm.s32 $0xF171;
	v17 =	vpop (erf);
	v14 =	vld [tilespmem:s8+$0xFFFFFFD0]  }
0x510: {  	v19 =	vld [tilespmem:s16+$0xFFFFFFD0];
	[tilespmem:s20+$0xFFFFFFA0] =	vst v17  }
0x511: {  	v20 =	vld [tilespmem:s6+$0xFFFFFFB0]  }
0x512: {  	v21 =	vld [tilespmem:s21+$0xFFFFFFE0];
	v16 =	vpop (erf);
	v4 =	vmul.f32 v4, v10  }
0x513: {  	[tilespmem:s11+$0xFFFFFFB0] =	vst v16;
	v10 =	vld [tilespmem:s7+$0xFFFFFFE0]  }
0x514: {  	v22 =	vld [tilespmem:s5+$0xFFFFFFF0];
	v4 =	vmul.f32 v6, v4  }
0x515: {  	v6 =	vmul.f32 v14, v19;
	v14 =	vld [tilespmem:s9+$0xFFFFFFC0];
	v18 =	vpop (erf)  }
0x516: {  	v19 =	vld [tilespmem:s4+$0xFFFFFFF0];
	v4 =	vmul.f32 $1.442695020e+00, v4;
	[tilespmem:s29+$0xFFFFFFC0] =	vst v18  }
0x517: {  	v6 =	vmul.f32 v12, v6;
	v12 =	vld [tilespmem:s3+$0x0]  }
0x518: {  	v10 =	vmul.f32 v21, v10;
	v23 =	vld [tilespmem:s2+$0x0];
	(erf) = vpow2.f32 v4  }
0x519: {  	v4 =	vmul.f32 $1.442695020e+00, v6  }
0x51a: {  	v6 =	vld [tilespmem:s0+$0xFFFFFFD0];
	v10 =	vmul.f32 v20, v10  }
0x51b: {  	v19 =	vmul.f32 v19, v22;
	(erf) = vpow2.f32 v4  }
0x51c: {  	v4 =	vmul.f32 $1.442695020e+00, v10  }
0x51d: {  	v10 =	vmul.f32 v23, v12;
	v12 =	vmul.f32 v14, v19  }
0x51e: {  	(erf) = vpow2.f32 v4  }
0x51f: {  	s12 =	simm.s32 $0x32F0;
	v4 =	vmul.f32 v6, v10;
	v6 =	vmul.f32 $1.442695020e+00, v12  }
0x520: {  	s17 =	simm.s32 $0x92C0;
	v10 =	vld [tilespmem:s12+$0xFFFFFF90]  }
0x521: {  	s22 =	simm.s32 $0xF271;
	s20 =	simm.s32 $0xB2C0;
	v12 =	vld [tilespmem:s17+$0xFFFFFFC0];
	v4 =	vmul.f32 $1.442695020e+00, v4;
	(erf) = vpow2.f32 v6;
	v20 =	vpop (erf)  }
0x522: {  	s23 =	simm.s32 $0x3270;
	v6 =	vld [tilespmem:s20+$0xFFFFFFC0];
	[tilespmem:s22+$0xFFFFFF90] =	vst v20  }
0x523: {  	(erf) = vpow2.f32 v4;
	v4 =	vld [tilespmem:s23+$0xFFFFFFA0]  }
0x524: {  	v22 =	vpop (erf);
	v14 =	vld [tilespmem:s15+$0xFFFFFFD0]  }
0x525: {  	v19 =	vld [tilespmem:s28+$0xFFFFFFD0];
	[tilespmem:s1+$0xFFFFFFA0] =	vst v22  }
0x526: {  	v25 =	vld [tilespmem:s18+$0xFFFFFFB0]  }
0x527: {  	s24 =	simm.s32 $0xF171;
	v26 =	vld [tilespmem:s8+$0xFFFFFFE0];
	v21 =	vpop (erf);
	v6 =	vmul.f32 v6, v12  }
0x528: {  	v27 =	vld [tilespmem:s16+$0xFFFFFFE0];
	[tilespmem:s24+$0xFFFFFFB0] =	vst v21  }
0x529: {  	v12 =	vld [tilespmem:s7+$0xFFFFFFF0];
	v6 =	vmul.f32 v10, v6  }
0x52a: {  	v28 =	vld [tilespmem:s6+$0xFFFFFFC0];
	v10 =	vmul.f32 v14, v19;
	v24 =	vpop (erf)  }
0x52b: {  	v14 =	vld [tilespmem:s21+$0xFFFFFFF0];
	v6 =	vmul.f32 $1.442695020e+00, v6;
	[tilespmem:s11+$0xFFFFFFC0] =	vst v24  }
0x52c: {  	v4 =	vmul.f32 v4, v10;
	v19 =	vld [tilespmem:s5+$0x0]  }
0x52d: {  	v26 =	vmul.f32 v26, v27;
	v23 =	vpop (erf);
	v10 =	vld [tilespmem:s4+$0x0];
	(erf) = vpow2.f32 v6  }
0x52e: {  	v4 =	vmul.f32 $1.442695020e+00, v4;
	v6 =	vld [tilespmem:s9+$0xFFFFFFD0];
	[tilespmem:s29+$0xFFFFFFD0] =	vst v23  }
0x52f: {  	v25 =	vmul.f32 v25, v26;
	v27 =	vld [tilespmem:s3+$0x10]  }
0x530: {  	v12 =	vmul.f32 v14, v12;
	v26 =	vld [tilespmem:s2+$0x10];
	(erf) = vpow2.f32 v4  }
0x531: {  	v14 =	vmul.f32 $1.442695020e+00, v25  }
0x532: {  	v4 =	vld [tilespmem:s0+$0xFFFFFFE0];
	v12 =	vmul.f32 v28, v12;
	v10 =	vmul.f32 v10, v19  }
0x533: {  	(erf) = vpow2.f32 v14  }
0x534: {  	s13 =	simm.s32 $0x3370;
	v6 =	vmul.f32 v6, v10;
	v10 =	vmul.f32 $1.442695020e+00, v12  }
0x535: {  	s14 =	simm.s32 $0xB340;
	v14 =	vld [tilespmem:s13+$0xFFFFFF90];
	v12 =	vmul.f32 v26, v27  }
0x536: {  	s10 =	simm.s32 $0xF2F1;
	s23 =	simm.s32 $0x9340;
	v6 =	vmul.f32 $1.442695020e+00, v6;
	(erf) = vpow2.f32 v10;
	v10 =	vld [tilespmem:s14+$0xFFFFFFC0];
	v25 =	vpop (erf)  }
0x537: {  	v4 =	vmul.f32 v4, v12;
	v12 =	vld [tilespmem:s23+$0xFFFFFFC0];
	[tilespmem:s10+$0xFFFFFF90] =	vst v25  }
0x538: {  	(erf) = vpow2.f32 v6;
	v6 =	vld [tilespmem:s12+$0xFFFFFFA0]  }
0x539: {  	v4 =	vmul.f32 $1.442695020e+00, v4;
	v28 =	vpop (erf);
	v19 =	vld [tilespmem:s20+$0xFFFFFFD0]  }
0x53a: {  	s25 =	simm.s32 $0x3270;
	v30 =	vld [tilespmem:s17+$0xFFFFFFD0];
	[tilespmem:s22+$0xFFFFFFA0] =	vst v28  }
0x53b: {  	(erf) = vpow2.f32 v4;
	v4 =	vld [tilespmem:s25+$0xFFFFFFB0]  }
0x53c: {  	v26 =	vpop (erf);
	v31 =	vld [tilespmem:s15+$0xFFFFFFE0]  }
0x53d: {  	v62 =	vld [tilespmem:s28+$0xFFFFFFE0];
	[tilespmem:s1+$0xFFFFFFB0] =	vst v26  }
0x53e: {  	v63 =	vld [tilespmem:s16+$0xFFFFFFF0]  }
0x53f: {  	s26 =	simm.s32 $0xF171;
	v40 =	vld [tilespmem:s18+$0xFFFFFFC0];
	v29 =	vpop (erf)  }
0x540: {  	v41 =	vld [tilespmem:s8+$0xFFFFFFF0];
	[tilespmem:s26+$0xFFFFFFC0] =	vst v29  }
0x541: {  	v10 =	vmul.f32 v10, v12;
	v42 =	vld [tilespmem:s7+$0x0]  }
0x542: {  	v27 =	vpop (erf);
	v12 =	vld [tilespmem:s21+$0x0]  }
0x543: {  	v19 =	vmul.f32 v19, v30;
	v10 =	vmul.f32 v14, v10;
	v14 =	vld [tilespmem:s6+$0xFFFFFFD0];
	[tilespmem:s11+$0xFFFFFFD0] =	vst v27  }
0x544: {  	v43 =	vld [tilespmem:s5+$0x10];
	v30 =	vpop (erf)  }
0x545: {  	v6 =	vmul.f32 v6, v19;
	v19 =	vmul.f32 v31, v62;
	v44 =	vld [tilespmem:s4+$0x10];
	[tilespmem:s29+$0xFFFFFFE0] =	vst v30  }
0x546: {  	v10 =	vmul.f32 $1.442695020e+00, v10;
	v31 =	vld [tilespmem:s3+$0x20]  }
0x547: {  	v6 =	vmul.f32 $1.442695020e+00, v6;
	v4 =	vmul.f32 v4, v19;
	v19 =	vld [tilespmem:s2+$0x20]  }
0x548: {  	(erf) = vpow2.f32 v10;
	v10 =	vmul.f32 v41, v63;
	v45 =	vld [tilespmem:s9+$0xFFFFFFE0]  }
0x549: {  	(erf) = vpow2.f32 v6;
	v4 =	vmul.f32 $1.442695020e+00, v4;
	v6 =	vld [tilespmem:s0+$0xFFFFFFF0]  }
0x54a: {  	v10 =	vmul.f32 v40, v10;
	v12 =	vmul.f32 v12, v42  }
0x54b: {  	(erf) = vpow2.f32 v4;
	v4 =	vmul.f32 v44, v43  }
0x54c: {  	v12 =	vmul.f32 v14, v12;
	v14 =	vmul.f32 v19, v31  }
0x54d: {  	v10 =	vmul.f32 $1.442695020e+00, v10;
	v4 =	vmul.f32 v45, v4  }
0x54e: {  	v12 =	vmul.f32 $1.442695020e+00, v12;
	v6 =	vmul.f32 v6, v14  }
0x54f: {  	(erf) = vpow2.f32 v10;
	v4 =	vmul.f32 $1.442695020e+00, v4  }
0x550: {  	(erf) = vpow2.f32 v12;
	v6 =	vmul.f32 $1.442695020e+00, v6  }
0x551: {  	(erf) = vpow2.f32 v4  }
0x552: {  	(erf) = vpow2.f32 v6;
	_ =	sdelay $0x2  }
0x553: {  	v33 =	vpop (erf)  }
0x554: {  	v34 =	vpop (erf)  }
0x555: {  	v35 =	vpop (erf)  }
0x556: {  	s30 =	simm.s32 $0x93C0;
	v36 =	vpop (erf)  }
0x557: {  	s31 =	simm.s32 $0xB3C0;
	v19 =	vld [tilespmem:s30+$0xFFFFFFC0];
	v31 =	vpop (erf)  }
0x558: {  	v14 =	vld [tilespmem:s31+$0xFFFFFFC0];
	[tilespmem:s10+$0xFFFFFFA0] =	vst v34;
	v37 =	vpop (erf)  }
0x559: {  	v49 =	vld [tilespmem:s12+$0xFFFFFFB0];
	v4 =	vpop (erf)  }
0x55a: {  	v50 =	vld [tilespmem:s20+$0xFFFFFFE0];
	[tilespmem:s29+$0xFFFFFFF0] =	vst v4  }
0x55b: {  	s19 =	simm.s32 $0x33F0;
	v12 =	vld [tilespmem:s2+$0x30];
	s2 =	simm.s32 $0xF371  }
0x55c: {  	v6 =	vld [tilespmem:s19+$0xFFFFFF90];
	[tilespmem:s2+$0xFFFFFF90] =	vst v33  }
0x55d: {  	v47 =	vld [tilespmem:s14+$0xFFFFFFD0]  }
0x55e: {  	v48 =	vld [tilespmem:s23+$0xFFFFFFD0]  }
0x55f: {  	v51 =	vld [tilespmem:s17+$0xFFFFFFE0]  }
0x560: {  	[tilespmem:s22+$0xFFFFFFB0] =	vst v35;
	v14 =	vmul.f32 v14, v19;
	v46 =	vld [tilespmem:s13+$0xFFFFFFA0]  }
0x561: {  	s25 =	simm.s32 $0x3270;
	v52 =	vld [tilespmem:s15+$0xFFFFFFF0]  }
0x562: {  	v55 =	vld [tilespmem:s25+$0xFFFFFFC0];
	[tilespmem:s1+$0xFFFFFFC0] =	vst v36;
	v6 =	vmul.f32 v6, v14  }
0x563: {  	v53 =	vld [tilespmem:s16+$0x0];
	v14 =	vmul.f32 v47, v48  }
0x564: {  	v54 =	vld [tilespmem:s8+$0x0];
	v6 =	vmul.f32 $1.442695020e+00, v6  }
0x565: {  	s24 =	simm.s32 $0xF171;
	v19 =	vld [tilespmem:s28+$0xFFFFFFF0];
	v14 =	vmul.f32 v46, v14  }
0x566: {  	[tilespmem:s24+$0xFFFFFFD0] =	vst v31;
	(erf) = vpow2.f32 v6;
	v6 =	vld [tilespmem:s18+$0xFFFFFFD0]  }
0x567: {  	s8 =	simm.s32 $0x90C0;
	v56 =	vld [tilespmem:s7+$0x10];
	[tilespmem:s11+$0xFFFFFFE0] =	vst v37;
	v14 =	vmul.f32 $1.442695020e+00, v14  }
0x568: {  	v41 =	vmul.f32 v50, v51;
	v10 =	vld [tilespmem:s3+$0x30];
	[dreg:$0x5] =	wrdreg s8  }
0x569: {  	s24 =	simm.s32 $0xB0C0;
	v57 =	vld [tilespmem:s5+$0x20];
	(erf) = vpow2.f32 v14;
	v14 =	vmul.f32 v54, v53  }
0x56a: {  	v58 =	vld [tilespmem:s21+$0x10];
	[dreg:$0x4] =	wrdreg s24  }
0x56b: {  	s25 =	simm.s32 $0x30F0;
	v40 =	vmul.f32 v49, v41;
	v59 =	vld [tilespmem:s4+$0x20];
	v6 =	vmul.f32 v6, v14  }
0x56c: {  	v19 =	vmul.f32 v52, v19;
	v60 =	vld [tilespmem:s6+$0xFFFFFFE0];
	[dreg:$0x7] =	wrdreg s25  }
0x56d: {  	v40 =	vmul.f32 $1.442695020e+00, v40;
	s8 =	simm.s32 $0x3470;
	v61 =	vld [tilespmem:s0+$0x0]  }
0x56e: {  	v19 =	vmul.f32 v55, v19;
	s24 =	simm.s32 $0xB440;
	v63 =	vld [tilespmem:s8+$0xFFFFFF90]  }
0x56f: {  	s7 =	simm.s32 $0xF3F1;
	s25 =	simm.s32 $0x9440;
	v52 =	vld [tilespmem:s24+$0xFFFFFFC0];
	(erf) = vpow2.f32 v40;
	v62 =	vmul.f32 $1.442695020e+00, v6;
	v6 =	vpop (erf)  }
0x570: {  	s3 =	simm.s32 $0x33F0;
	v53 =	vld [tilespmem:s25+$0xFFFFFFC0];
	v14 =	vmul.f32 $1.442695020e+00, v19;
	[tilespmem:s7+$0xFFFFFF90] =	vst v6  }
0x571: {  	v10 =	vmul.f32 v12, v10;
	v19 =	vld [tilespmem:s9+$0xFFFFFFF0];
	[dreg:$0x8] =	wrdreg s3  }
0x572: {  	s5 =	simm.s32 $0xF371;
	(erf) = vpow2.f32 v14;
	v14 =	vmul.f32 v58, v56;
	v54 =	vld [tilespmem:s19+$0xFFFFFFA0]  }
0x573: {  	v55 =	vpop (erf);
	v56 =	vld [tilespmem:s31+$0xFFFFFFD0];
	[smem:$0x7CF] =	sst s5  }
0x574: {  	v10 =	vmul.f32 v61, v10;
	s9 =	simm.s32 $0x93C0;
	v14 =	vmul.f32 v60, v14;
	[tilespmem:s2+$0xFFFFFFA0] =	vst v55  }
0x575: {  	v51 =	vmul.f32 v59, v57;
	(erf) = vpow2.f32 v62;
	s19 =	simm.s32 $0x3370;
	[dreg:$0xa] =	wrdreg s9  }
0x576: {  	v14 =	vmul.f32 $1.442695020e+00, v14;
	v57 =	vld [tilespmem:s30+$0xFFFFFFD0];
	[dreg:$0x19] =	wrdreg s19  }
0x577: {  	v12 =	vmul.f32 v19, v51;
	s2 =	simm.s32 $0xF2F1;
	v58 =	vld [tilespmem:s13+$0xFFFFFFB0]  }
0x578: {  	(erf) = vpow2.f32 v14;
	v14 =	vmul.f32 $1.442695020e+00, v10;
	v10 =	vpop (erf);
	v59 =	vld [tilespmem:s14+$0xFFFFFFE0];
	[dreg:$0x6] =	wrdreg s2  }
0x579: {  	s3 =	simm.s32 $0x9340;
	[tilespmem:s10+$0xFFFFFFB0] =	vst v10  }
0x57a: {  	v12 =	vmul.f32 $1.442695020e+00, v12;
	[smem:$0x7D0] =	sst s3  }
0x57b: {  	v60 =	vld [tilespmem:s23+$0xFFFFFFE0]  }
0x57c: {  	s5 =	simm.s32 $0xF271;
	(erf) = vpow2.f32 v12;
	v12 =	vadd.f32 v8, v5;
	v8 =	vadd.f32 v17, v9;
	v61 =	vld [tilespmem:s17+$0xFFFFFFF0]  }
0x57d: {  	s26 =	simm.s32 $0xB1C0;
	v9 =	vadd.f32 v22, v15;
	v5 =	vmul.f32 v52, v53;
	(erf) = vpow2.f32 v14;
	v22 =	vpop (erf);
	v32 =	vld [tilespmem:s12+$0xFFFFFFC0];
	[smem:$0x7D1] =	sst s5  }
0x57e: {  	s4 =	simm.s32 $0x3170;
	s6 =	simm.s32 $0xB3C0;
	v19 =	vadd.f32 v18, v13;
	s31 =	simm.s32 $0x91C0;
	v15 =	vpop (erf);
	[tilespmem:s22+$0xFFFFFFC0] =	vst v22;
	v62 =	vld [tilespmem:s20+$0xFFFFFFF0]  }
0x57f: {  	s9 =	simm.s32 $0xB340;
	v14 =	vadd.f32 v11, v7;
	s19 =	simm.s32 $0x92C0;
	v7 =	vadd.f32 v28, v20;
	s30 =	simm.s32 $0xB440;
	v18 =	vmul.f32 v63, v5;
	[tilespmem:s1+$0xFFFFFFD0] =	vst v15;
	v28 =	vld [tilespmem:s28+$0x0]  }
0x580: {  	v17 =	vadd.f32 v24, v16;
	s14 =	simm.s32 $0x9240;
	v5 =	vadd.f32 v34, v25;
	s13 =	simm.s32 $0x3270;
	s2 =	simm.s32 $0xF0F1;
	v16 =	vmul.f32 v56, v57;
	v25 =	vld [tilespmem:s18+$0xFFFFFFE0]  }
0x581: {  	v11 =	vadd.f32 v29, v21;
	s10 =	simm.s32 $0x0;
	s3 =	simm.s32 $0xB2C0;
	v24 =	vmul.f32 $1.442695020e+00, v18;
	s17 =	simm.s32 $0x32F0;
	v29 =	vld [tilespmem:s15+$0x0]  }
0x582: {  	v13 =	vadd.f32 v36, v26;
	v20 =	vadd.f32 v30, v23;
	s12 =	simm.s32 $0xF1F1;
	v26 =	vld [tilespmem:s16+$0x10];
	[smem:$0x7D2] =	sst s10;
	s18 =	simm.s32 $0xF171;
	v23 =	vmul.f32 v54, v16;
	v63 =	vpop (erf)  }
0x583: {  	s23 =	simm.s32 $0x31F0;
	s5 =	simm.s32 $0x9440;
	s20 =	simm.s32 $0x10;
	[tilespmem:s18+$0xFFFFFFE0] =	vst v63  }
0x584: {  	v21 =	vadd.f32 v22, v35;
	v18 =	vadd.f32 v37, v27;
	s1 =	simm.s32 $0x9140;
	s22 =	simm.s32 $0x10;
	v30 =	vld [tilespmem:s13+$0xFFFFFFD0];
	v27 =	vmul.f32 v59, v60;
	[dreg:$0x1c] =	wrdreg s20  }
0x585: {  	(erf) = vpow2.f32 v24;
	s28 =	simm.s32 $0x400;
	s16 =	simm.s32 $0x3270;
	v16 =	vadd.f32 v55, v33;
	v24 =	vpop (erf);
	v33 =	vmul.f32 $1.442695020e+00, v23;
	[smem:$0x7D3] =	sst s22  }
0x586: {  	s10 =	simm.s32 $0xF171;
	v22 =	vadd.f32 v63, v31;
	s20 =	simm.s32 $0x3470;
	s22 =	simm.s32 $0xF3F1;
	v34 =	vmul.f32 v62, v61;
	[tilespmem:s11+$0xFFFFFFF0] =	vst v24;
	v31 =	vmul.f32 v58, v27;
	v27 =	vld [tilespmem:s1+$0x20];
	v23 =	vpop (erf)  }
.LBB2_8:
0x587: {  	s11 =	rddreg [dreg:$0x1c]  }
0x588: {  	s0 =	rddreg [dreg:$0x5]  }
0x589: {  	s18 =	smov.u32 s1;
	s1 =	smov.u32 s14;
	s14 =	rddreg [dreg:$0x4]  }
0x58a: {  	s13 =	smov.u32 s31;
	[dreg:$0x5] =	wrdreg s18  }
0x58b: {  	[smem:$0x7CE] =	sst s13  }
0x58c: {  	s18 =	smov.u32 s21;
	s13 =	sld [smem:$0x7D2]  }
0x58d: {  	s11 =	sadd.s32 $0x10, s11;
	[dreg:$0x4] =	wrdreg s18  }
0x58e: {  	s31 =	smov.u32 s26;
	[dreg:$0x1c] =	wrdreg s11  }
0x58f: {  	v35 =	vadd.f32 v23, v4;
	v4 =	vmovc v24;
	v24 =	vmul.f32 $1.442695020e+00, v31;
	s18 =	smov.u32 s3;
	v28 =	vmul.f32 v29, v28;
	v29 =	vld [tilespmem:s26+$0x10];
	s26 =	smov.u32 s15;
	s15 =	sld [smem:$0x7D3]  }
0x590: {  	v60 =	vld [tilespmem:s21+$0x20];
	(erf) = vpow2.f32 v33;
	v31 =	vmul.f32 v32, v34;
	s3 =	sand.u32 $0x1F0, s13;
	s13 =	smov.u32 s11;
	s11 =	sld [smem:$0x7D0]  }
0x591: {  	(erf) = vpow2.f32 v24;
	v24 =	vmul.f32 v30, v28;
	v28 =	vld [tilespmem:s14+$0x30];
	s14 =	smov.u32 s9;
	s9 =	rddreg [dreg:$0x7]  }
0x592: {  	s28 =	sadd.s32 $0x80, s28;
	v62 =	vadd.f32 v19, v12;
	v61 =	vld [tilespmem:s0+$0x30];
	v20 =	vadd.f32 v35, v20;
	[smem:$0x7D3] =	sst s13;
	s21 =	smov.u32 s15  }
0x593: {  	v30 =	vmul.f32 $1.442695020e+00, v31;
	v31 =	vld [tilespmem:s4+$0xFFFFFFF0];
	s15 =	smov.u32 s4;
	s4 =	smov.u32 s23;
	s23 =	rddreg [dreg:$0x8]  }
0x594: {  	v12 =	vmovc v14;
	v14 =	vmovc v8;
	v8 =	vmov v9;
	v9 =	vmov v7;
	s8 =	sadd.s32 $0x80, s8;
	s24 =	sadd.s32 $0x80, s24;
	v34 =	vadd.f32 v20, v62;
	[smem:$0x7D2] =	sst s21  }
0x595: {  	v7 =	vmovc v5;
	v5 =	vmovc v16;
	v19 =	vmov v17;
	s25 =	sadd.s32 $0x80, s25;
	s7 =	sadd.s32 $0x80, s7;
	v16 =	vmul.f32 $1.442695020e+00, v24;
	v24 =	vmul.f32 v60, v27;
	v27 =	vld [tilespmem:s9+$0x0];
	[tilespmem:s29+$0x0] =	vst v23;
	[dreg:$0x7] =	wrdreg s15  }
0x596: {  	v17 =	vmovc v11;
	v11 =	vmovc v13;
	p0 =	slt.u32 s28, $0xF80;
	v13 =	vmov v21;
	(erf) = vpow2.f32 v30;
	s15 =	smov.u32 s17;
	s17 =	rddreg [dreg:$0x19];
	v23 =	vld [tilespmem:s8+$0xFFFFFF90];
	v21 =	vmul.f32 v29, v26;
	[tilespmem:s3+$0x14680] =	vst v34  }
0x597: {  	v20 =	vmov v18;
	v18 =	vmov v22;
	s21 =	smov.u32 s16;
	s9 =	smov.u32 s20;
	v26 =	vpop (erf);
	s16 =	smov.u32 s17;
	v22 =	vld [tilespmem:s24+$0xFFFFFFC0];
	(erf) = vpow2.f32 v16  }
0x598: {  	s3 =	smov.u32 s23;
	[dreg:$0x8] =	wrdreg s9;
	s9 =	smov.u32 s5;
	v29 =	vld [tilespmem:s25+$0xFFFFFFC0];
	[tilespmem:s7+$0xFFFFFF90] =	vst v26;
	v21 =	vmul.f32 v25, v21;
	v25 =	vmul.f32 v28, v61  }
0x599: {  	s17 =	smov.u32 s11;
	v28 =	vld [tilespmem:s20+$0xFFFFFFA0];
	v24 =	vmul.f32 v31, v24;
	s20 =	smov.u32 s19;
	s19 =	rddreg [dreg:$0xa];
	v16 =	vpop (erf)  }
0x59a: {  	s11 =	smov.u32 s9;
	v30 =	vld [tilespmem:s30+$0xFFFFFFD0];
	s23 =	smov.u32 s19;
	s19 =	sld [smem:$0x7CF];
	[tilespmem:s22+$0xFFFFFFA0] =	vst v16;
	v21 =	vmul.f32 $1.442695020e+00, v21;
	v25 =	vmul.f32 v27, v25  }
0x59b: {  	s0 =	smov.u32 s6;
	s6 =	smov.u32 s30;
	[dreg:$0xa] =	wrdreg s11;
	v16 =	vadd.f32 v16, v6;
	v6 =	vmov v26;
	v24 =	vmul.f32 $1.442695020e+00, v24;
	v26 =	vld [tilespmem:s5+$0xFFFFFFD0]  }
0x59c: {  	s11 =	smov.u32 s2;
	s2 =	smov.u32 s12;
	s12 =	sld [smem:$0x7D1];
	v31 =	vpop (erf);
	v27 =	vld [tilespmem:s3+$0xFFFFFFB0];
	(erf) = vpow2.f32 v21;
	v25 =	vmul.f32 $1.442695020e+00, v25  }
0x59d: {  	s13 =	smov.u32 s8;
	s29 =	smov.u32 s10;
	[dreg:$0x19] =	wrdreg s3;
	v34 =	vld [tilespmem:s0+$0xFFFFFFE0];
	[tilespmem:s19+$0xFFFFFFB0] =	vst v31;
	(erf) = vpow2.f32 v24  }
0x59e: {  	s9 =	smov.u32 s0;
	s30 =	smov.u32 s24;
	s3 =	rddreg [dreg:$0x6];
	v24 =	vld [tilespmem:s23+$0xFFFFFFE0];
	(erf) = vpow2.f32 v25  }
0x59f: {  	[smem:$0x7D0] =	sst s23;
	s10 =	smov.u32 s12;
	s12 =	smov.u32 s3;
	v63 =	vld [tilespmem:s17+$0xFFFFFFF0];
	v21 =	vpop (erf)  }
0x5a0: {  	s5 =	smov.u32 s25;
	s3 =	smov.u32 s22;
	s22 =	smov.u32 s7;
	v22 =	vmul.f32 v22, v29;
	v32 =	vld [tilespmem:s16+$0xFFFFFFC0];
	[tilespmem:s12+$0xFFFFFFC0] =	vst v21;
	v25 =	vmul.f32 v30, v26;
	v36 =	vpop (erf)  }
0x5a1: {  	s23 =	smov.u32 s19;
	[smem:$0x7CF] =	sst s3;
	s19 =	smov.u32 s17;
	v30 =	vld [tilespmem:s14+$0xFFFFFFF0];
	[tilespmem:s10+$0xFFFFFFD0] =	vst v36  }
0x5a2: {  	s17 =	smov.u32 s16;
	[smem:$0x7D1] =	sst s12;
	s3 =	smov.u32 s14;
	v22 =	vmul.f32 v23, v22;
	v23 =	vmul.f32 v28, v25;
	v28 =	vld [tilespmem:s20+$0x0]  }
.Ltmp3:
0x5a3: {  	s16 =	smov.u32 s1;
	s1 =	sld [smem:$0x7CE];
	v25 =	vld [tilespmem:s21+$0xFFFFFFE0];
	(pc) =	sbr.rel @p0 .LBB2_8-.Ltmp3, $4  }
0x5a4: {  	[dreg:$0x6] =	wrdreg s23;
	s23 =	smov.u32 s21;
	s12 =	smov.u32 s10;
	v22 =	vmul.f32 $1.442695020e+00, v22;
	v29 =	vld [tilespmem:s18+$0x0]  }
0x5a5: {  	v21 =	vadd.f32 v21, v10;
	v10 =	vmov v31;
	s14 =	smov.u32 s20;
	s10 =	smov.u32 s2;
	s20 =	smov.u32 s13;
	v37 =	vmul.f32 v34, v24;
	v26 =	vld [tilespmem:s16+$0x10];
	v24 =	vpop (erf)  }
0x5a6: {  	s21 =	smov.u32 s31;
	s31 =	smov.u32 s16;
	s16 =	smov.u32 s15;
	(erf) = vpow2.f32 v22;
	v34 =	vmul.f32 v30, v63;
	v30 =	vld [tilespmem:s15+$0xFFFFFFD0];
	[tilespmem:s2+$0xFFFFFFE0] =	vst v24;
	v22 =	vadd.f32 v24, v15;
	v24 =	vpop (erf)  }
0x5a7: {  	v33 =	vmul.f32 $1.442695020e+00, v23;
	v31 =	vmul.f32 v27, v37;
	s15 =	smov.u32 s18;
	s2 =	smov.u32 s29;
	v15 =	vmov v36;
	v27 =	vld [tilespmem:s1+$0x20];
	[tilespmem:s29+$0xFFFFFFF0] =	vst v24;
	s29 =	smov.u32 s11;
	v23 =	vpop (erf)  }
0x5a8: {  	v35 =	vld [tilespmem:s26+$0x10]  }
0x5a9: {  	v36 =	vld [tilespmem:s21+$0x20];
	_ =	sdelay $0x1  }
0x5aa: {  	v44 =	vld [tilespmem:s4+$0xFFFFFFF0];
	v45 =	vmul.f32 v32, v34;
	(erf) = vpow2.f32 v33  }
0x5ab: {  	v31 =	vmul.f32 $1.442695020e+00, v31;
	v28 =	vmul.f32 v29, v28  }
0x5ac: {  	v29 =	vmul.f32 $1.442695020e+00, v45;
	v26 =	vmul.f32 v35, v26  }
0x5ad: {  	v28 =	vmul.f32 v30, v28;
	v27 =	vmul.f32 v36, v27  }
0x5ae: {  	(erf) = vpow2.f32 v31;
	v25 =	vmul.f32 v25, v26  }
0x5af: {  	v46 =	vmul.f32 $1.442695020e+00, v28;
	v27 =	vmul.f32 v44, v27  }
0x5b0: {  	(erf) = vpow2.f32 v29;
	v25 =	vmul.f32 $1.442695020e+00, v25  }
0x5b1: {  	(erf) = vpow2.f32 v46;
	v47 =	vmul.f32 $1.442695020e+00, v27  }
0x5b2: {  	(erf) = vpow2.f32 v25  }
0x5b3: {  	(erf) = vpow2.f32 v47;
	_ =	sdelay $0x2  }
0x5b4: {  	v25 =	vpop (erf)  }
0x5b5: {  	v29 =	vpop (erf)  }
0x5b6: {  	v26 =	vpop (erf)  }
0x5b7: {  	s0 =	rddreg [dreg:$0x5];
	v30 =	vpop (erf)  }
0x5b8: {  	s25 =	sadd.s32 $0x80, s7;
	s24 =	rddreg [dreg:$0x4];
	v48 =	vld [tilespmem:s0+$0x30];
	v27 =	vpop (erf)  }
0x5b9: {  	v49 =	vld [tilespmem:s24+$0x30];
	[tilespmem:s25+$0xFFFFFF90] =	vst v25;
	v31 =	vpop (erf)  }
0x5ba: {  	v50 =	vld [tilespmem:s30+$0xFFFFFFD0];
	s28 =	rddreg [dreg:$0x7];
	[tilespmem:s22+$0xFFFFFFA0] =	vst v29;
	v28 =	vpop (erf)  }
0x5bb: {  	v51 =	vld [tilespmem:s5+$0xFFFFFFD0];
	[tilespmem:s10+$0xFFFFFFF0] =	vst v28  }
0x5bc: {  	v52 =	vld [tilespmem:s28+$0x0];
	s18 =	sld [smem:$0x7CF]  }
0x5bd: {  	v37 =	vld [tilespmem:s20+$0xFFFFFFA0];
	_ =	sdelay $0x1  }
0x5be: {  	s24 =	smov.u32 s22;
	v32 =	vmul.f32 v49, v48;
	s22 =	rddreg [dreg:$0x8];
	[tilespmem:s18+$0xFFFFFFB0] =	vst v26  }
0x5bf: {  	v53 =	vmul.f32 v50, v51;
	s8 =	rddreg [dreg:$0xa]  }
0x5c0: {  	s13 =	smov.u32 s30;
	s30 =	smov.u32 s5;
	v55 =	vld [tilespmem:s6+$0xFFFFFFE0];
	v32 =	vmul.f32 v52, v32;
	s5 =	sld [smem:$0x7D0]  }
0x5c1: {  	v33 =	vmul.f32 v37, v53;
	s11 =	rddreg [dreg:$0x6];
	v58 =	vld [tilespmem:s9+$0xFFFFFFF0]  }
0x5c2: {  	v32 =	vmul.f32 $1.442695020e+00, v32;
	v56 =	vld [tilespmem:s8+$0xFFFFFFE0];
	[tilespmem:s11+$0xFFFFFFC0] =	vst v30  }
0x5c3: {  	v33 =	vmul.f32 $1.442695020e+00, v33;
	v39 =	vld [tilespmem:s19+$0x0]  }
0x5c4: {  	(erf) = vpow2.f32 v32;
	v57 =	vld [tilespmem:s5+$0xFFFFFFF0]  }
0x5c5: {  	(erf) = vpow2.f32 v33;
	v59 =	vld [tilespmem:s3+$0x0]  }
0x5c6: {  	v54 =	vld [tilespmem:s22+$0xFFFFFFB0]  }
0x5c7: {  	s28 =	smov.u32 s6;
	s6 =	rddreg [dreg:$0x19]  }
0x5c8: {  	v40 =	vld [tilespmem:s6+$0xFFFFFFC0]  }
0x5c9: {  	s7 =	smov.u32 s10;
	s10 =	sld [smem:$0x7D1];
	v60 =	vld [tilespmem:s17+$0xFFFFFFD0];
	v35 =	vmul.f32 v55, v56;
	v32 =	vmul.f32 v58, v57  }
0x5ca: {  	v38 =	vld [tilespmem:s1+$0x30];
	[tilespmem:s12+$0xFFFFFFE0] =	vst v31;
	v33 =	vmul.f32 v59, v39  }
0x5cb: {  	v61 =	vld [tilespmem:s31+$0x20];
	v34 =	vmul.f32 v54, v35  }
0x5cc: {  	v63 =	vld [tilespmem:s26+$0x20];
	[tilespmem:s10+$0xFFFFFFD0] =	vst v27  }
0x5cd: {  	v41 =	vld [tilespmem:s14+$0x10];
	v34 =	vmul.f32 $1.442695020e+00, v34;
	v40 =	vmul.f32 v40, v32;
	v32 =	vpop (erf)  }
0x5ce: {  	v62 =	vld [tilespmem:s15+$0x10];
	v45 =	vmul.f32 v60, v33;
	v33 =	vpop (erf)  }
0x5cf: {  	v42 =	vld [tilespmem:s16+$0xFFFFFFE0];
	(erf) = vpow2.f32 v34;
	v46 =	vmul.f32 $1.442695020e+00, v40;
	[tilespmem:s25+$0xFFFFFFA0] =	vst v33  }
0x5d0: {  	v49 =	vld [tilespmem:s13+$0xFFFFFFE0]  }
0x5d1: {  	(erf) = vpow2.f32 v46;
	v50 =	vld [tilespmem:s30+$0xFFFFFFE0]  }
0x5d2: {  	v43 =	vld [tilespmem:s21+$0x30]  }
0x5d3: {  	v47 =	vld [tilespmem:s23+$0xFFFFFFF0];
	v48 =	vmul.f32 v62, v41  }
0x5d4: {  	s0 =	smov.u32 s9;
	v51 =	vld [tilespmem:s4+$0x0];
	s9 =	smov.u32 s20;
	v34 =	vmul.f32 $1.442695020e+00, v45  }
0x5d5: {  	v35 =	vmul.f32 v63, v61;
	v52 =	vmul.f32 v42, v48;
	v53 =	vld [tilespmem:s9+$0xFFFFFFB0]  }
0x5d6: {  	(erf) = vpow2.f32 v34;
	v37 =	vmul.f32 v49, v50  }
0x5d7: {  	v38 =	vmul.f32 v43, v38;
	v54 =	vmul.f32 $1.442695020e+00, v52  }
0x5d8: {  	v35 =	vmul.f32 v47, v35;
	v34 =	vpop (erf)  }
0x5d9: {  	v38 =	vmul.f32 v51, v38;
	(erf) = vpow2.f32 v54;
	[tilespmem:s24+$0xFFFFFFB0] =	vst v34  }
0x5da: {  	v35 =	vmul.f32 $1.442695020e+00, v35;
	v56 =	vmul.f32 v53, v37;
	v55 =	vld [tilespmem:s8+$0xFFFFFFF0];
	v37 =	vpop (erf)  }
0x5db: {  	v57 =	vmul.f32 $1.442695020e+00, v38;
	v59 =	vld [tilespmem:s28+$0xFFFFFFF0];
	[tilespmem:s18+$0xFFFFFFC0] =	vst v37  }
0x5dc: {  	(erf) = vpow2.f32 v35;
	v60 =	vmul.f32 $1.442695020e+00, v56;
	v61 =	vld [tilespmem:s5+$0x0]  }
0x5dd: {  	(erf) = vpow2.f32 v57;
	v62 =	vld [tilespmem:s0+$0x0]  }
0x5de: {  	v58 =	vld [tilespmem:s22+$0xFFFFFFC0];
	(erf) = vpow2.f32 v60  }
0x5df: {  	v35 =	vpop (erf)  }
0x5e0: {  	[tilespmem:s11+$0xFFFFFFD0] =	vst v35;
	v44 =	vld [tilespmem:s6+$0xFFFFFFD0]  }
0x5e1: {  	v63 =	vld [tilespmem:s19+$0x10];
	v41 =	vmul.f32 v59, v55  }
0x5e2: {  	v39 =	vpop (erf);
	v45 =	vld [tilespmem:s3+$0x10];
	v36 =	vmul.f32 v62, v61  }
0x5e3: {  	s1 =	smov.u32 s14;
	v46 =	vld [tilespmem:s17+$0xFFFFFFE0];
	[tilespmem:s10+$0xFFFFFFE0] =	vst v39;
	v38 =	vmul.f32 v58, v41  }
0x5e4: {  	v47 =	vld [tilespmem:s1+$0x20]  }
0x5e5: {  	v40 =	vpop (erf);
	v54 =	vld [tilespmem:s15+$0x20]  }
0x5e6: {  	[tilespmem:s12+$0xFFFFFFF0] =	vst v40;
	v49 =	vld [tilespmem:s16+$0xFFFFFFF0];
	v44 =	vmul.f32 v44, v36;
	v36 =	vpop (erf)  }
0x5e7: {  	v52 =	vld [tilespmem:s31+$0x30];
	v48 =	vmul.f32 $1.442695020e+00, v38;
	v38 =	vpop (erf)  }
0x5e8: {  	v53 =	vld [tilespmem:s26+$0x30];
	[tilespmem:s25+$0xFFFFFFB0] =	vst v38  }
0x5e9: {  	(erf) = vpow2.f32 v48;
	v55 =	vld [tilespmem:s30+$0xFFFFFFF0]  }
0x5ea: {  	v43 =	vmul.f32 v45, v63;
	v56 =	vld [tilespmem:s13+$0xFFFFFFF0]  }
0x5eb: {  	v57 =	vld [tilespmem:s23+$0x0];
	v44 =	vmul.f32 $1.442695020e+00, v44  }
0x5ec: {  	v43 =	vmul.f32 v46, v43;
	v58 =	vld [tilespmem:s9+$0xFFFFFFC0]  }
0x5ed: {  	v45 =	vmul.f32 v54, v47;
	(erf) = vpow2.f32 v44  }
0x5ee: {  	v41 =	vmul.f32 v53, v52;
	v43 =	vmul.f32 $1.442695020e+00, v43  }
0x5ef: {  	v59 =	vmul.f32 v49, v45;
	v44 =	vmul.f32 v56, v55  }
0x5f0: {  	v41 =	vmul.f32 v57, v41;
	(erf) = vpow2.f32 v43  }
0x5f1: {  	v45 =	vmul.f32 $1.442695020e+00, v59;
	v43 =	vmul.f32 v58, v44  }
0x5f2: {  	v60 =	vmul.f32 $1.442695020e+00, v41;
	v42 =	vpop (erf)  }
0x5f3: {  	(erf) = vpow2.f32 v45;
	[tilespmem:s24+$0xFFFFFFC0] =	vst v42;
	v43 =	vmul.f32 $1.442695020e+00, v43  }
0x5f4: {  	(erf) = vpow2.f32 v60;
	v61 =	vld [tilespmem:s8+$0x0]  }
0x5f5: {  	v62 =	vld [tilespmem:s28+$0x0];
	(erf) = vpow2.f32 v43  }
0x5f6: {  	v41 =	vpop (erf)  }
0x5f7: {  	v57 =	vld [tilespmem:s22+$0xFFFFFFD0];
	[tilespmem:s18+$0xFFFFFFD0] =	vst v41  }
0x5f8: {  	v63 =	vld [tilespmem:s5+$0x10]  }
0x5f9: {  	v44 =	vpop (erf);
	v51 =	vld [tilespmem:s0+$0x10]  }
0x5fa: {  	[tilespmem:s11+$0xFFFFFFE0] =	vst v44;
	v53 =	vld [tilespmem:s6+$0xFFFFFFE0];
	v46 =	vmul.f32 v62, v61  }
0x5fb: {  	v50 =	vld [tilespmem:s19+$0x20]  }
0x5fc: {  	v45 =	vpop (erf);
	v52 =	vld [tilespmem:s3+$0x20]  }
0x5fd: {  	v54 =	vld [tilespmem:s17+$0xFFFFFFF0];
	[tilespmem:s10+$0xFFFFFFF0] =	vst v45;
	v43 =	vpop (erf)  }
0x5fe: {  	v59 =	vld [tilespmem:s1+$0x30];
	v49 =	vmul.f32 v57, v46;
	v46 =	vpop (erf)  }
0x5ff: {  	v60 =	vld [tilespmem:s15+$0x30];
	[tilespmem:s25+$0xFFFFFFC0] =	vst v46  }
0x600: {  	v61 =	vld [tilespmem:s30+$0x0]  }
0x601: {  	v58 =	vmul.f32 v51, v63;
	v62 =	vld [tilespmem:s13+$0x0]  }
0x602: {  	v63 =	vld [tilespmem:s16+$0x0];
	v49 =	vmul.f32 $1.442695020e+00, v49  }
0x603: {  	v47 =	vmul.f32 v53, v58;
	v58 =	vld [tilespmem:s9+$0xFFFFFFD0]  }
0x604: {  	v50 =	vmul.f32 v52, v50;
	(erf) = vpow2.f32 v49  }
0x605: {  	v48 =	vmul.f32 v60, v59;
	v47 =	vmul.f32 $1.442695020e+00, v47  }
0x606: {  	v50 =	vmul.f32 v54, v50;
	v59 =	vmul.f32 v62, v61  }
0x607: {  	v48 =	vmul.f32 v63, v48;
	(erf) = vpow2.f32 v47  }
0x608: {  	v57 =	vmul.f32 $1.442695020e+00, v50;
	v47 =	vmul.f32 v58, v59  }
0x609: {  	v48 =	vmul.f32 $1.442695020e+00, v48  }
0x60a: {  	(erf) = vpow2.f32 v57;
	v49 =	vmul.f32 $1.442695020e+00, v47  }
0x60b: {  	(erf) = vpow2.f32 v48  }
0x60c: {  	(erf) = vpow2.f32 v49  }
0x60d: {  	v47 =	vpop (erf)  }
0x60e: {  	[tilespmem:s24+$0xFFFFFFD0] =	vst v47  }
0x60f: {  	v60 =	vld [tilespmem:s8+$0x10]  }
0x610: {  	v48 =	vpop (erf);
	v62 =	vld [tilespmem:s28+$0x10]  }
0x611: {  	[tilespmem:s18+$0xFFFFFFE0] =	vst v48;
	v55 =	vld [tilespmem:s22+$0xFFFFFFE0]  }
0x612: {  	v61 =	vld [tilespmem:s5+$0x20]  }
0x613: {  	v49 =	vpop (erf);
	v63 =	vld [tilespmem:s0+$0x20]  }
0x614: {  	[tilespmem:s11+$0xFFFFFFF0] =	vst v49;
	v56 =	vpop (erf);
	v57 =	vld [tilespmem:s6+$0xFFFFFFF0]  }
0x615: {  	v50 =	vld [tilespmem:s19+$0x30];
	v58 =	vpop (erf)  }
0x616: {  	v59 =	vld [tilespmem:s3+$0x30];
	[tilespmem:s25+$0xFFFFFFD0] =	vst v58  }
0x617: {  	v53 =	vld [tilespmem:s30+$0x10]  }
0x618: {  	v51 =	vmul.f32 v62, v60;
	v52 =	vmul.f32 v63, v61;
	v54 =	vld [tilespmem:s13+$0x10]  }
0x619: {  	v60 =	vld [tilespmem:s17+$0x0]  }
0x61a: {  	v51 =	vmul.f32 v55, v51;
	v52 =	vmul.f32 v57, v52;
	v57 =	vld [tilespmem:s9+$0xFFFFFFE0];
	_ =	sdelay $0x1  }
0x61b: {  	v50 =	vmul.f32 v59, v50;
	v51 =	vmul.f32 $1.442695020e+00, v51  }
0x61c: {  	v59 =	vmul.f32 v54, v53  }
0x61d: {  	v50 =	vmul.f32 v60, v50;
	(erf) = vpow2.f32 v51  }
0x61e: {  	v52 =	vmul.f32 $1.442695020e+00, v52;
	v51 =	vmul.f32 v57, v59  }
0x61f: {  	v50 =	vmul.f32 $1.442695020e+00, v50  }
0x620: {  	(erf) = vpow2.f32 v52;
	v51 =	vmul.f32 $1.442695020e+00, v51  }
0x621: {  	(erf) = vpow2.f32 v50  }
0x622: {  	(erf) = vpow2.f32 v51;
	_ =	sdelay $0x3  }
0x623: {  	v50 =	vpop (erf)  }
0x624: {  	[tilespmem:s24+$0xFFFFFFE0] =	vst v50  }
0x625: {  	v54 =	vld [tilespmem:s8+$0x20]  }
0x626: {  	v51 =	vpop (erf);
	v57 =	vld [tilespmem:s28+$0x20]  }
0x627: {  	v60 =	vld [tilespmem:s22+$0xFFFFFFF0];
	[tilespmem:s18+$0xFFFFFFF0] =	vst v51;
	v55 =	vpop (erf)  }
0x628: {  	v52 =	vld [tilespmem:s5+$0x30];
	v59 =	vpop (erf)  }
0x629: {  	v53 =	vld [tilespmem:s0+$0x30];
	[tilespmem:s25+$0xFFFFFFE0] =	vst v59  }
0x62a: {  	v61 =	vld [tilespmem:s30+$0x20]  }
0x62b: {  	v62 =	vld [tilespmem:s13+$0x20]  }
0x62c: {  	v63 =	vld [tilespmem:s6+$0x0]  }
0x62d: {  	v54 =	vmul.f32 v57, v54;
	v57 =	vld [tilespmem:s9+$0xFFFFFFF0];
	_ =	sdelay $0x1  }
0x62e: {  	v52 =	vmul.f32 v53, v52  }
0x62f: {  	v60 =	vmul.f32 v60, v54;
	v62 =	vmul.f32 v62, v61  }
0x630: {  	v52 =	vmul.f32 v63, v52  }
0x631: {  	v53 =	vmul.f32 $1.442695020e+00, v60;
	v54 =	vmul.f32 v57, v62  }
0x632: {  	v52 =	vmul.f32 $1.442695020e+00, v52  }
0x633: {  	(erf) = vpow2.f32 v53;
	v63 =	vmul.f32 $1.442695020e+00, v54  }
0x634: {  	(erf) = vpow2.f32 v52  }
0x635: {  	(erf) = vpow2.f32 v63;
	_ =	sdelay $0x6  }
0x636: {  	v52 =	vpop (erf)  }
0x637: {  	[tilespmem:s24+$0xFFFFFFF0] =	vst v52;
	v54 =	vpop (erf)  }
0x638: {  	v53 =	vld [tilespmem:s8+$0x30];
	v60 =	vpop (erf)  }
0x639: {  	v57 =	vld [tilespmem:s28+$0x30];
	[tilespmem:s25+$0xFFFFFFF0] =	vst v60  }
0x63a: {  	v62 =	vld [tilespmem:s30+$0x30]  }
0x63b: {  	v4 =	vadd.f32 v23, v4;
	v63 =	vld [tilespmem:s13+$0x30]  }
0x63c: {  	v12 =	vadd.f32 v19, v12;
	v14 =	vadd.f32 v17, v14;
	v61 =	vld [tilespmem:s22+$0x0]  }
0x63d: {  	v8 =	vadd.f32 v11, v8;
	v4 =	vadd.f32 v4, v20;
	v20 =	vld [tilespmem:s9+$0x0]  }
0x63e: {  	v9 =	vadd.f32 v13, v9;
	[tilespmem:s29+$0x0] =	vst v23;
	v19 =	vadd.f32 v32, v24  }
0x63f: {  	v4 =	vadd.f32 v4, v12;
	v10 =	vadd.f32 v30, v10;
	v12 =	vmul.f32 v57, v53;
	s13 =	sld [smem:$0x7D2]  }
0x640: {  	v7 =	vadd.f32 v21, v7;
	v17 =	vadd.f32 v19, v18;
	v18 =	vmul.f32 v63, v62  }
0x641: {  	v6 =	vadd.f32 v29, v6;
	v5 =	vadd.f32 v10, v5;
	v12 =	vmul.f32 v61, v12  }
0x642: {  	v15 =	vadd.f32 v31, v15;
	v14 =	vadd.f32 v17, v14;
	[tilespmem:s2+$0x0] =	vst v32;
	s14 =	sand.u32 $0x1F0, s13;
	v18 =	vmul.f32 v20, v18  }
0x643: {  	v17 =	vadd.f32 v33, v25;
	v19 =	vadd.f32 v37, v26;
	v12 =	vmul.f32 $1.442695020e+00, v12;
	[tilespmem:s14+$0x14680] =	vst v4  }
0x644: {  	v10 =	vadd.f32 v59, v58;
	v53 =	vadd.f32 v36, v28;
	s15 =	sld [smem:$0x7D3];
	v13 =	vmul.f32 $1.442695020e+00, v18  }
0x645: {  	v57 =	vadd.f32 v39, v27;
	(erf) = vpow2.f32 v12;
	v20 =	vadd.f32 v43, v40  }
0x646: {  	v11 =	vadd.f32 v53, v22;
	v4 =	vadd.f32 v44, v35;
	(erf) = vpow2.f32 v13  }
0x647: {  	s16 =	sand.u32 $0x1F0, s15;
	v12 =	vadd.f32 v20, v15;
	v15 =	vadd.f32 v55, v49  }
0x648: {  	v8 =	vadd.f32 v11, v8;
	[tilespmem:s16+$0x14680] =	vst v14;
	v13 =	vadd.f32 v56, v45  }
0x649: {  	v11 =	vadd.f32 v42, v34;
	s17 =	rddreg [dreg:$0x1c];
	[tilespmem:s7+$0x0] =	vst v36;
	v4 =	vadd.f32 v15, v4  }
0x64a: {  	[tilespmem:s12+$0x0] =	vst v43;
	v9 =	vadd.f32 v12, v9;
	s19 =	sadd.s32 $0x10, s17;
	v13 =	vadd.f32 v13, v57  }
0x64b: {  	v14 =	vadd.f32 v48, v41;
	[tilespmem:s10+$0x0] =	vst v56;
	s1 =	sadd.s32 $0x10, s19;
	v4 =	vadd.f32 v4, v5  }
0x64c: {  	[tilespmem:s11+$0x0] =	vst v55;
	s21 =	sand.u32 $0x1F0, s1;
	s1 =	sadd.s32 $0x10, s1;
	v5 =	vadd.f32 v54, v51;
	v7 =	vadd.f32 v13, v7  }
0x64d: {  	v6 =	vadd.f32 v11, v6;
	v12 =	vadd.f32 v46, v38;
	[tilespmem:s21+$0x14680] =	vst v9;
	s22 =	sand.u32 $0x1F0, s1  }
0x64e: {  	s20 =	sand.u32 $0x1F0, s19;
	s1 =	sadd.s32 $0x10, s1;
	v9 =	vpop (erf);
	v5 =	vadd.f32 v5, v14;
	[tilespmem:s22+$0x14680] =	vst v7;
	v7 =	vadd.f32 v19, v16  }
0x64f: {  	[tilespmem:s20+$0x14680] =	vst v8;
	v8 =	vadd.f32 v50, v47;
	s23 =	sand.u32 $0x1F0, s1;
	v13 =	vadd.f32 v9, v52;
	v11 =	vpop (erf)  }
0x650: {  	s1 =	sadd.s32 $0x10, s1;
	[tilespmem:s23+$0x14680] =	vst v4;
	v4 =	vadd.f32 v5, v7;
	v5 =	vadd.f32 v11, v60  }
0x651: {  	[tilespmem:s18+$0x0] =	vst v54;
	s26 =	sand.u32 $0x1F0, s1;
	v8 =	vadd.f32 v13, v8  }
0x652: {  	[tilespmem:s26+$0x14680] =	vst v4;
	v4 =	vadd.f32 v12, v17;
	v5 =	vadd.f32 v5, v10  }
0x653: {  	s1 =	sadd.s32 $0x10, s1;
	[tilespmem:s24+$0x0] =	vst v9;
	v6 =	vadd.f32 v8, v6  }
0x654: {  	s28 =	sand.u32 $0x1F0, s1;
	s1 =	sadd.s32 $0x10, s1;
	[tilespmem:s25+$0x0] =	vst v11;
	v4 =	vadd.f32 v5, v4  }
0x655: {  	s29 =	sand.u32 $0x1F0, s1;
	[tilespmem:s28+$0x14680] =	vst v6  }
0x656: {  	s9 =	simm.s32 $0x1;
	[tilespmem:s29+$0x14680] =	vst v4  }
0x657: {  	_ =	swait.ge [sflag:s9], $0x1000  }
0x658: {  	[sflag:s9] =	ssyncset.done $0x0  }
0x659: {  	s10 =	simm.s32 $0x3;
	[sflag:s9] =	ssyncadd.s32 $0xFFFFF000  }
0x65a: {  	_ =	swait.ge [sflag:s10], $0x1000  }
0x65b: {  	s30 =	sld [smem:$0x7F5]  }
0x65c: {  	s8 =	simm.s32 $0x400;
	s7 =	simm.s32 $0x80;
	[sflag:s10] =	ssyncset.done $0x0  }
0x65d: {  	s11 =	simm.s32 $0x9000;
	s31 =	sld [smem:$0x7F8];
	[sflag:s10] =	ssyncadd.s32 $0xFFFFF000  }
0x65e: {  	[tilespmem:s11], [sflag:$0x2] =	stream.strided.gather [hbm4b:s30+s7], $0x1000, s8, s7, $0x38;
	[tilespmem:$0x15080] =	vst v63  }
0x65f: {  	s0 =	simm.s32 $0x0;
	s12 =	simm.s32 $0xB000  }
0x660: {  	[tilespmem:s12], [sflag:$0x4] =	stream.strided.gather [hbm4b:s31+s7], $0x1000, s8, s7, $0x38;
	[tilespmem:$0x15080] =	vst v63  }
0x661: {  	v4 =	vld [tilespmem:s0+$0x4060]  }
0x662: {  	v5 =	vld [tilespmem:s0+$0xA000]  }
0x663: {  	v6 =	vld [tilespmem:s0+$0x8000]  }
0x664: {  	v7 =	vld [tilespmem:s0+$0x4050]  }
0x665: {  	v8 =	vld [tilespmem:s0+$0x8020]  }
0x666: {  	v9 =	vld [tilespmem:s0+$0xA020]  }
0x667: {  	v10 =	vld [tilespmem:s0+$0x8030]  }
0x668: {  	v11 =	vld [tilespmem:s0+$0xA030]  }
0x669: {  	v12 =	vld [tilespmem:s0+$0x8040]  }
0x66a: {  	v13 =	vld [tilespmem:s0+$0xA040]  }
0x66b: {  	v14 =	vld [tilespmem:s0+$0x8050]  }
0x66c: {  	v15 =	vld [tilespmem:s0+$0xA050]  }
0x66d: {  	v16 =	vld [tilespmem:s0+$0x8060]  }
0x66e: {  	v17 =	vld [tilespmem:s0+$0xA060]  }
0x66f: {  	v18 =	vld [tilespmem:s0+$0x8070]  }
0x670: {  	v19 =	vld [tilespmem:s0+$0xA070]  }
0x671: {  	v20 =	vld [tilespmem:s0+$0x4000]  }
0x672: {  	v21 =	vld [tilespmem:s0+$0x4010]  }
0x673: {  	s1 =	simm.s32 $0x80;
	v22 =	vld [tilespmem:s0+$0x4020]  }
0x674: {  	v23 =	vld [tilespmem:s1+$0x4000];
	v14 =	vmul.f32 v15, v14  }
0x675: {  	v5 =	vmul.f32 v5, v6;
	v6 =	vld [tilespmem:s0+$0xA010];
	v8 =	vmul.f32 v9, v8  }
0x676: {  	v9 =	vld [tilespmem:s0+$0x8010];
	v10 =	vmul.f32 v11, v10;
	v11 =	vmul.f32 v13, v12  }
0x677: {  	v12 =	vld [tilespmem:s0+$0x4040];
	v13 =	vmul.f32 v17, v16;
	v16 =	vmul.f32 v19, v18  }
0x678: {  	v15 =	vld [tilespmem:s0+$0x4070];
	v7 =	vmul.f32 v7, v14;
	v5 =	vmul.f32 v20, v5  }
0x679: {  	v17 =	vld [tilespmem:s1+$0x8030];
	v4 =	vmul.f32 v4, v13;
	v8 =	vmul.f32 v22, v8  }
0x67a: {  	v18 =	vld [tilespmem:s1+$0x8070];
	v7 =	vmul.f32 $1.442695020e+00, v7;
	v5 =	vmul.f32 $1.442695020e+00, v5  }
0x67b: {  	v14 =	vld [tilespmem:s0+$0x4030];
	v4 =	vmul.f32 $1.442695020e+00, v4;
	v8 =	vmul.f32 $1.442695020e+00, v8  }
0x67c: {  	v13 =	vld [tilespmem:s1+$0x8000];
	v6 =	vmul.f32 v6, v9;
	v11 =	vmul.f32 v12, v11  }
0x67d: {  	v9 =	vld [tilespmem:s1+$0x4050];
	v12 =	vmul.f32 v15, v16;
	(erf) = vpow2.f32 v7  }
0x67e: {  	v15 =	vld [tilespmem:s1+$0x8020];
	v6 =	vmul.f32 v21, v6;
	(erf) = vpow2.f32 v4  }
0x67f: {  	v16 =	vld [tilespmem:s1+$0xA020];
	v12 =	vmul.f32 $1.442695020e+00, v12;
	(erf) = vpow2.f32 v8  }
0x680: {  	v7 =	vld [tilespmem:s1+$0xA000];
	v8 =	vmul.f32 v14, v10;
	v6 =	vmul.f32 $1.442695020e+00, v6  }
0x681: {  	v4 =	vld [tilespmem:s1+$0xA030];
	v11 =	vmul.f32 $1.442695020e+00, v11;
	(erf) = vpow2.f32 v12  }
0x682: {  	(erf) = vpow2.f32 v6;
	v6 =	vmul.f32 $1.442695020e+00, v8;
	v8 =	vld [tilespmem:s1+$0x8050]  }
0x683: {  	(erf) = vpow2.f32 v5;
	v5 =	vld [tilespmem:s1+$0xA050]  }
0x684: {  	v10 =	vld [tilespmem:s1+$0x8040];
	(erf) = vpow2.f32 v11  }
0x685: {  	v14 =	vld [tilespmem:s1+$0xA060];
	(erf) = vpow2.f32 v6  }
0x686: {  	v12 =	vld [tilespmem:s1+$0xA040]  }
0x687: {  	v11 =	vld [tilespmem:s1+$0x8060];
	v20 =	vpop (erf)  }
0x688: {  	v21 =	vld [tilespmem:s1+$0xA070];
	v22 =	vpop (erf);
	v60 =	vmul.f32 v5, v8  }
0x689: {  	v19 =	vld [tilespmem:s1+$0x4060];
	v62 =	vmul.f32 v7, v13;
	v4 =	vmul.f32 v4, v17;
	[tilespmem:s0+$0x10051] =	vst v20;
	v61 =	vpop (erf)  }
0x68a: {  	v17 =	vld [tilespmem:s1+$0x8010];
	v5 =	vmul.f32 v16, v15;
	[tilespmem:s0+$0x10061] =	vst v22;
	v13 =	vpop (erf);
	v15 =	vmul.f32 v9, v60  }
0x68b: {  	v6 =	vld [tilespmem:s1+$0x4010];
	[tilespmem:s0+$0x10021] =	vst v61;
	v63 =	vpop (erf)  }
0x68c: {  	v7 =	vmul.f32 v12, v10;
	v8 =	vld [tilespmem:s1+$0x4020];
	v14 =	vmul.f32 v14, v11;
	[tilespmem:s0+$0x10071] =	vst v13;
	v12 =	vpop (erf)  }
0x68d: {  	v11 =	vmul.f32 v21, v18;
	v9 =	vld [tilespmem:s1+$0x4070];
	v10 =	vadd.f32 v13, v22;
	v22 =	vmul.f32 $1.442695020e+00, v15;
	[tilespmem:s0+$0x10011] =	vst v63;
	v16 =	vpop (erf)  }
0x68e: {  	s4 =	simm.s32 $0x80;
	v18 =	vmul.f32 v23, v62;
	v13 =	vld [tilespmem:s1+$0xA010];
	v14 =	vmul.f32 v19, v14;
	[tilespmem:s0+$0x10041] =	vst v16;
	v15 =	vpop (erf);
	v16 =	vadd.f32 v20, v16  }
0x68f: {  	s3 =	simm.s32 $0x0;
	s5 =	simm.s32 $0x400;
	s2 =	simm.s32 $0x0;
	v19 =	vld [tilespmem:s1+$0x4040];
	[tilespmem:s0+$0x10001] =	vst v12;
	v12 =	vadd.f32 v63, v12;
	(erf) = vpow2.f32 v22;
	v20 =	vadd.f32 v15, v61  }
.LBB2_10:
0x690: {  	s6 =	sshra.s32 s5, $0x2;
	s4 =	sadd.s32 $0x80, s4;
	v21 =	vld [tilespmem:s1+$0x4030];
	[tilespmem:s0+$0x10031] =	vst v15;
	v10 =	vadd.f32 v10, v16;
	s2 =	sadd.s32 $0x10, s2  }
0x691: {  	s0 =	smov.u32 s1;
	v15 =	vld [tilespmem:s6+$0x4060];
	p0 =	slt.u32 s4, $0xF80;
	v12 =	vadd.f32 v20, v12;
	s1 =	smov.u32 s6  }
0x692: {  	v18 =	vmul.f32 $1.442695020e+00, v18;
	v16 =	vld [tilespmem:s1+$0xA000]  }
0x693: {  	v5 =	vmul.f32 v8, v5;
	s6 =	sand.u32 $0x1F0, s3;
	s3 =	smov.u32 s2;
	v20 =	vld [tilespmem:s1+$0x8000];
	v13 =	vmul.f32 v13, v17;
	v8 =	vadd.f32 v10, v12  }
0x694: {  	v9 =	vmul.f32 v9, v11;
	v10 =	vld [tilespmem:s1+$0x4050];
	v7 =	vmul.f32 v19, v7  }
0x695: {  	v5 =	vmul.f32 $1.442695020e+00, v5;
	v12 =	vmul.f32 $1.442695020e+00, v14;
	v11 =	vld [tilespmem:s1+$0x8020];
	[tilespmem:s6+$0x14880] =	vst v8  }
0x696: {  	v9 =	vmul.f32 $1.442695020e+00, v9;
	v6 =	vmul.f32 v6, v13;
	v8 =	vld [tilespmem:s1+$0xA020]  }
0x697: {  	v4 =	vmul.f32 v21, v4;
	v13 =	vld [tilespmem:s1+$0x8030];
	(erf) = vpow2.f32 v12  }
0x698: {  	v6 =	vmul.f32 $1.442695020e+00, v6;
	v12 =	vld [tilespmem:s1+$0xA030];
	(erf) = vpow2.f32 v5;
	v19 =	vpop (erf)  }
0x699: {  	v7 =	vmul.f32 $1.442695020e+00, v7;
	v14 =	vld [tilespmem:s1+$0x8040];
	[tilespmem:s0+$0x10051] =	vst v19;
	(erf) = vpow2.f32 v9  }
0x69a: {  	v17 =	vmul.f32 $1.442695020e+00, v4;
	v9 =	vld [tilespmem:s1+$0xA040];
	(erf) = vpow2.f32 v6  }
0x69b: {  	v16 =	vmul.f32 v16, v20;
	v6 =	vld [tilespmem:s1+$0x8050];
	(erf) = vpow2.f32 v18  }
0x69c: {  	v5 =	vmul.f32 v8, v11;
	v8 =	vld [tilespmem:s1+$0xA050];
	(erf) = vpow2.f32 v7  }
0x69d: {  	v4 =	vmul.f32 v12, v13;
	v11 =	vld [tilespmem:s1+$0x8060];
	(erf) = vpow2.f32 v17  }
0x69e: {  	v12 =	vld [tilespmem:s1+$0xA060]  }
0x69f: {  	v7 =	vmul.f32 v9, v14;
	v14 =	vld [tilespmem:s1+$0x8070]  }
0x6a0: {  	v17 =	vld [tilespmem:s1+$0xA070];
	v9 =	vpop (erf)  }
0x6a1: {  	v18 =	vld [tilespmem:s1+$0x4000];
	v13 =	vmul.f32 v8, v6;
	[tilespmem:s0+$0x10061] =	vst v9;
	v20 =	vpop (erf)  }
0x6a2: {  	v6 =	vld [tilespmem:s1+$0x4010];
	[tilespmem:s0+$0x10021] =	vst v20;
	v21 =	vpop (erf)  }
.Ltmp4:
0x6a3: {  	v8 =	vld [tilespmem:s1+$0x4020];
	v22 =	vmul.f32 v10, v13;
	v23 =	vmul.f32 v12, v11;
	[tilespmem:s0+$0x10071] =	vst v21;
	v10 =	vadd.f32 v21, v9;
	v21 =	vpop (erf);
	(pc) =	sbr.rel @p0 .LBB2_10-.Ltmp4, $4  }
0x6a4: {  	v9 =	vld [tilespmem:s1+$0x4070];
	v12 =	vpop (erf)  }
0x6a5: {  	v13 =	vld [tilespmem:s1+$0xA010];
	v22 =	vmul.f32 $1.442695020e+00, v22;
	v11 =	vmul.f32 v17, v14;
	[tilespmem:s0+$0x10001] =	vst v12;
	v12 =	vadd.f32 v21, v12;
	v24 =	vpop (erf)  }
0x6a6: {  	v14 =	vmul.f32 v15, v23;
	v18 =	vmul.f32 v18, v16;
	v17 =	vld [tilespmem:s1+$0x8010];
	[tilespmem:s0+$0x10041] =	vst v24;
	v16 =	vadd.f32 v19, v24;
	v15 =	vpop (erf)  }
0x6a7: {  	s5 =	sadd.s32 $0x200, s5;
	v19 =	vld [tilespmem:s1+$0x4040];
	(erf) = vpow2.f32 v22;
	[tilespmem:s0+$0x10011] =	vst v21;
	v20 =	vadd.f32 v15, v20  }
0x6a8: {  	_ =	sdelay $0x1  }
0x6a9: {  	v18 =	vmul.f32 $1.442695020e+00, v18;
	v5 =	vmul.f32 v8, v5  }
0x6aa: {  	v8 =	vmul.f32 v9, v11;
	v13 =	vmul.f32 v13, v17;
	v17 =	vld [tilespmem:s1+$0x4030]  }
0x6ab: {  	v9 =	vmul.f32 $1.442695020e+00, v14;
	v5 =	vmul.f32 $1.442695020e+00, v5  }
0x6ac: {  	v8 =	vmul.f32 $1.442695020e+00, v8;
	v6 =	vmul.f32 v6, v13  }
0x6ad: {  	(erf) = vpow2.f32 v9;
	v7 =	vmul.f32 v19, v7  }
0x6ae: {  	(erf) = vpow2.f32 v5;
	v6 =	vmul.f32 $1.442695020e+00, v6  }
0x6af: {  	(erf) = vpow2.f32 v8;
	v4 =	vmul.f32 v17, v4  }
0x6b0: {  	v5 =	vmul.f32 $1.442695020e+00, v7;
	(erf) = vpow2.f32 v6  }
0x6b1: {  	v4 =	vmul.f32 $1.442695020e+00, v4;
	(erf) = vpow2.f32 v18  }
0x6b2: {  	(erf) = vpow2.f32 v5  }
0x6b3: {  	(erf) = vpow2.f32 v4  }
0x6b4: {  	v6 =	vadd.f32 v20, v12;
	v5 =	vadd.f32 v10, v16  }
0x6b5: {  	v4 =	vpop (erf)  }
0x6b6: {  	v5 =	vadd.f32 v5, v6;
	v7 =	vpop (erf)  }
0x6b7: {  	v8 =	vpop (erf)  }
0x6b8: {  	v6 =	vpop (erf)  }
0x6b9: {  	[tilespmem:s0+$0x10031] =	vst v15;
	s23 =	sand.u32 $0x1F0, s3;
	v9 =	vpop (erf)  }
0x6ba: {  	[tilespmem:s23+$0x14880] =	vst v5;
	v5 =	vpop (erf)  }
0x6bb: {  	[tilespmem:s1+$0x10051] =	vst v4;
	v10 =	vpop (erf)  }
0x6bc: {  	[tilespmem:s1+$0x10061] =	vst v7;
	v7 =	vadd.f32 v6, v7;
	v11 =	vadd.f32 v9, v5;
	v12 =	vpop (erf)  }
0x6bd: {  	[tilespmem:s1+$0x10021] =	vst v8;
	v4 =	vadd.f32 v4, v10;
	v8 =	vadd.f32 v12, v8  }
0x6be: {  	[tilespmem:s1+$0x10071] =	vst v6  }
0x6bf: {  	[tilespmem:s1+$0x10001] =	vst v5;
	v4 =	vadd.f32 v7, v4;
	v5 =	vadd.f32 v8, v11  }
0x6c0: {  	[tilespmem:s1+$0x10011] =	vst v9  }
0x6c1: {  	s24 =	sadd.s32 $0x10, s2;
	[tilespmem:s1+$0x10041] =	vst v10;
	v4 =	vadd.f32 v4, v5  }
0x6c2: {  	s0 =	sand.u32 $0x1F0, s24;
	[tilespmem:s1+$0x10031] =	vst v12  }
0x6c3: {  	s25 =	simm.s32 $0x2;
	[tilespmem:s0+$0x14880] =	vst v4  }
0x6c4: {  	_ =	swait.ge [sflag:s25], $0x1000  }
0x6c5: {  	[sflag:s25] =	ssyncset.done $0x0  }
0x6c6: {  	s26 =	simm.s32 $0x4;
	[sflag:s25] =	ssyncadd.s32 $0xFFFFF000  }
0x6c7: {  	_ =	swait.ge [sflag:s26], $0x1000  }
0x6c8: {  	s28 =	sld [smem:$0x7F6]  }
0x6c9: {  	[sflag:s26] =	ssyncset.done $0x0  }
0x6ca: {  	s29 =	simm.s32 $0x8000;
	s30 =	sld [smem:$0x7FA];
	[sflag:s26] =	ssyncadd.s32 $0xFFFFF000  }
0x6cb: {  	[tilespmem:s29], [sflag:$0x1] =	stream.strided.gather [hbm4b:s28+s7], $0x1000, s8, s7, $0x38;
	[tilespmem:$0x15080] =	vst v63  }
0x6cc: {  	s31 =	simm.s32 $0xA000;
	s0 =	simm.s32 $0x0  }
0x6cd: {  	[tilespmem:s31], [sflag:$0x3] =	stream.strided.gather [hbm4b:s30+s7], $0x1000, s8, s7, $0x38;
	[tilespmem:$0x15080] =	vst v63  }
0x6ce: {  	v4 =	vld [tilespmem:s0+$0x5060]  }
0x6cf: {  	v5 =	vld [tilespmem:s0+$0xB000]  }
0x6d0: {  	v6 =	vld [tilespmem:s0+$0x9000]  }
0x6d1: {  	v7 =	vld [tilespmem:s0+$0x5050]  }
0x6d2: {  	v8 =	vld [tilespmem:s0+$0x9020]  }
0x6d3: {  	v9 =	vld [tilespmem:s0+$0xB020]  }
0x6d4: {  	v10 =	vld [tilespmem:s0+$0x9030]  }
0x6d5: {  	v11 =	vld [tilespmem:s0+$0xB030]  }
0x6d6: {  	v12 =	vld [tilespmem:s0+$0x9040]  }
0x6d7: {  	v13 =	vld [tilespmem:s0+$0xB040]  }
0x6d8: {  	v14 =	vld [tilespmem:s0+$0x9050]  }
0x6d9: {  	v15 =	vld [tilespmem:s0+$0xB050]  }
0x6da: {  	v16 =	vld [tilespmem:s0+$0x9060]  }
0x6db: {  	v17 =	vld [tilespmem:s0+$0xB060]  }
0x6dc: {  	v18 =	vld [tilespmem:s0+$0x9070]  }
0x6dd: {  	v19 =	vld [tilespmem:s0+$0xB070]  }
0x6de: {  	v20 =	vld [tilespmem:s0+$0x5000]  }
0x6df: {  	v21 =	vld [tilespmem:s0+$0x5010]  }
0x6e0: {  	s1 =	simm.s32 $0x80;
	v22 =	vld [tilespmem:s0+$0x5020]  }
0x6e1: {  	v23 =	vld [tilespmem:s1+$0x5000];
	v14 =	vmul.f32 v15, v14  }
0x6e2: {  	v5 =	vmul.f32 v5, v6;
	v6 =	vld [tilespmem:s0+$0xB010];
	v8 =	vmul.f32 v9, v8  }
0x6e3: {  	v9 =	vld [tilespmem:s0+$0x9010];
	v10 =	vmul.f32 v11, v10;
	v11 =	vmul.f32 v13, v12  }
0x6e4: {  	v12 =	vld [tilespmem:s0+$0x5040];
	v13 =	vmul.f32 v17, v16;
	v16 =	vmul.f32 v19, v18  }
0x6e5: {  	v15 =	vld [tilespmem:s0+$0x5070];
	v7 =	vmul.f32 v7, v14;
	v5 =	vmul.f32 v20, v5  }
0x6e6: {  	v17 =	vld [tilespmem:s1+$0x9030];
	v4 =	vmul.f32 v4, v13;
	v8 =	vmul.f32 v22, v8  }
0x6e7: {  	v18 =	vld [tilespmem:s1+$0x9070];
	v7 =	vmul.f32 $1.442695020e+00, v7;
	v5 =	vmul.f32 $1.442695020e+00, v5  }
0x6e8: {  	v14 =	vld [tilespmem:s0+$0x5030];
	v4 =	vmul.f32 $1.442695020e+00, v4;
	v8 =	vmul.f32 $1.442695020e+00, v8  }
0x6e9: {  	v13 =	vld [tilespmem:s1+$0x9000];
	v6 =	vmul.f32 v6, v9;
	v11 =	vmul.f32 v12, v11  }
0x6ea: {  	v9 =	vld [tilespmem:s1+$0x5050];
	v12 =	vmul.f32 v15, v16;
	(erf) = vpow2.f32 v7  }
0x6eb: {  	v15 =	vld [tilespmem:s1+$0x9020];
	v6 =	vmul.f32 v21, v6;
	(erf) = vpow2.f32 v4  }
0x6ec: {  	v16 =	vld [tilespmem:s1+$0xB020];
	v12 =	vmul.f32 $1.442695020e+00, v12;
	(erf) = vpow2.f32 v8  }
0x6ed: {  	v7 =	vld [tilespmem:s1+$0xB000];
	v8 =	vmul.f32 v14, v10;
	v6 =	vmul.f32 $1.442695020e+00, v6  }
0x6ee: {  	v4 =	vld [tilespmem:s1+$0xB030];
	v11 =	vmul.f32 $1.442695020e+00, v11;
	(erf) = vpow2.f32 v12  }
0x6ef: {  	(erf) = vpow2.f32 v6;
	v6 =	vmul.f32 $1.442695020e+00, v8;
	v8 =	vld [tilespmem:s1+$0x9050]  }
0x6f0: {  	(erf) = vpow2.f32 v5;
	v5 =	vld [tilespmem:s1+$0xB050]  }
0x6f1: {  	v10 =	vld [tilespmem:s1+$0x9040];
	(erf) = vpow2.f32 v11  }
0x6f2: {  	v14 =	vld [tilespmem:s1+$0xB060];
	(erf) = vpow2.f32 v6  }
0x6f3: {  	v12 =	vld [tilespmem:s1+$0xB040]  }
0x6f4: {  	v11 =	vld [tilespmem:s1+$0x9060];
	v20 =	vpop (erf)  }
0x6f5: {  	v21 =	vld [tilespmem:s1+$0xB070];
	v22 =	vpop (erf);
	v24 =	vmul.f32 v5, v8  }
0x6f6: {  	v19 =	vld [tilespmem:s1+$0x5060];
	v26 =	vmul.f32 v7, v13;
	v4 =	vmul.f32 v4, v17;
	[tilespmem:s0+$0x11051] =	vst v20;
	v25 =	vpop (erf)  }
0x6f7: {  	v17 =	vld [tilespmem:s1+$0x9010];
	v5 =	vmul.f32 v16, v15;
	[tilespmem:s0+$0x11061] =	vst v22;
	v13 =	vpop (erf);
	v15 =	vmul.f32 v9, v24  }
0x6f8: {  	v6 =	vld [tilespmem:s1+$0x5010];
	[tilespmem:s0+$0x11021] =	vst v25;
	v63 =	vpop (erf)  }
0x6f9: {  	v7 =	vmul.f32 v12, v10;
	v8 =	vld [tilespmem:s1+$0x5020];
	v14 =	vmul.f32 v14, v11;
	[tilespmem:s0+$0x11071] =	vst v13;
	v12 =	vpop (erf)  }
0x6fa: {  	v11 =	vmul.f32 v21, v18;
	v9 =	vld [tilespmem:s1+$0x5070];
	v10 =	vadd.f32 v13, v22;
	v22 =	vmul.f32 $1.442695020e+00, v15;
	[tilespmem:s0+$0x11011] =	vst v63;
	v16 =	vpop (erf)  }
0x6fb: {  	s2 =	simm.s32 $0x0;
	v18 =	vmul.f32 v23, v26;
	v13 =	vld [tilespmem:s1+$0xB010];
	v14 =	vmul.f32 v19, v14;
	[tilespmem:s0+$0x11041] =	vst v16;
	v15 =	vpop (erf);
	v16 =	vadd.f32 v20, v16  }
0x6fc: {  	s4 =	simm.s32 $0x80;
	s5 =	simm.s32 $0x400;
	s3 =	simm.s32 $0x0;
	v19 =	vld [tilespmem:s1+$0x5040];
	[tilespmem:s0+$0x11001] =	vst v12;
	v12 =	vadd.f32 v63, v12;
	(erf) = vpow2.f32 v22;
	v20 =	vadd.f32 v15, v25  }
.LBB2_12:
0x6fd: {  	s6 =	sshra.s32 s5, $0x2;
	s4 =	sadd.s32 $0x80, s4;
	v21 =	vld [tilespmem:s1+$0x5030];
	[tilespmem:s0+$0x11031] =	vst v15;
	v10 =	vadd.f32 v10, v16;
	s2 =	sadd.s32 $0x10, s2  }
0x6fe: {  	s0 =	smov.u32 s1;
	v15 =	vld [tilespmem:s6+$0x5060];
	p0 =	slt.u32 s4, $0xF80;
	v12 =	vadd.f32 v20, v12;
	s1 =	smov.u32 s6  }
0x6ff: {  	v18 =	vmul.f32 $1.442695020e+00, v18;
	v16 =	vld [tilespmem:s1+$0xB000]  }
0x700: {  	v5 =	vmul.f32 v8, v5;
	s6 =	sand.u32 $0x1F0, s3;
	s3 =	smov.u32 s2;
	v20 =	vld [tilespmem:s1+$0x9000];
	v13 =	vmul.f32 v13, v17;
	v8 =	vadd.f32 v10, v12  }
0x701: {  	v9 =	vmul.f32 v9, v11;
	v10 =	vld [tilespmem:s1+$0x5050];
	v7 =	vmul.f32 v19, v7  }
0x702: {  	v5 =	vmul.f32 $1.442695020e+00, v5;
	v12 =	vmul.f32 $1.442695020e+00, v14;
	v11 =	vld [tilespmem:s1+$0x9020];
	[tilespmem:s6+$0x14A80] =	vst v8  }
0x703: {  	v9 =	vmul.f32 $1.442695020e+00, v9;
	v6 =	vmul.f32 v6, v13;
	v8 =	vld [tilespmem:s1+$0xB020]  }
0x704: {  	v4 =	vmul.f32 v21, v4;
	v13 =	vld [tilespmem:s1+$0x9030];
	(erf) = vpow2.f32 v12  }
0x705: {  	v6 =	vmul.f32 $1.442695020e+00, v6;
	v12 =	vld [tilespmem:s1+$0xB030];
	(erf) = vpow2.f32 v5;
	v19 =	vpop (erf)  }
0x706: {  	v7 =	vmul.f32 $1.442695020e+00, v7;
	v14 =	vld [tilespmem:s1+$0x9040];
	[tilespmem:s0+$0x11051] =	vst v19;
	(erf) = vpow2.f32 v9  }
0x707: {  	v17 =	vmul.f32 $1.442695020e+00, v4;
	v9 =	vld [tilespmem:s1+$0xB040];
	(erf) = vpow2.f32 v6  }
0x708: {  	v16 =	vmul.f32 v16, v20;
	v6 =	vld [tilespmem:s1+$0x9050];
	(erf) = vpow2.f32 v18  }
0x709: {  	v5 =	vmul.f32 v8, v11;
	v8 =	vld [tilespmem:s1+$0xB050];
	(erf) = vpow2.f32 v7  }
0x70a: {  	v4 =	vmul.f32 v12, v13;
	v11 =	vld [tilespmem:s1+$0x9060];
	(erf) = vpow2.f32 v17  }
0x70b: {  	v12 =	vld [tilespmem:s1+$0xB060]  }
0x70c: {  	v7 =	vmul.f32 v9, v14;
	v14 =	vld [tilespmem:s1+$0x9070]  }
0x70d: {  	v17 =	vld [tilespmem:s1+$0xB070];
	v9 =	vpop (erf)  }
0x70e: {  	v18 =	vld [tilespmem:s1+$0x5000];
	v13 =	vmul.f32 v8, v6;
	[tilespmem:s0+$0x11061] =	vst v9;
	v20 =	vpop (erf)  }
0x70f: {  	v6 =	vld [tilespmem:s1+$0x5010];
	[tilespmem:s0+$0x11021] =	vst v20;
	v21 =	vpop (erf)  }
.Ltmp5:
0x710: {  	v8 =	vld [tilespmem:s1+$0x5020];
	v22 =	vmul.f32 v10, v13;
	v23 =	vmul.f32 v12, v11;
	[tilespmem:s0+$0x11071] =	vst v21;
	v10 =	vadd.f32 v21, v9;
	v21 =	vpop (erf);
	(pc) =	sbr.rel @p0 .LBB2_12-.Ltmp5, $4  }
0x711: {  	v9 =	vld [tilespmem:s1+$0x5070];
	v12 =	vpop (erf)  }
0x712: {  	v13 =	vld [tilespmem:s1+$0xB010];
	v22 =	vmul.f32 $1.442695020e+00, v22;
	v11 =	vmul.f32 v17, v14;
	[tilespmem:s0+$0x11001] =	vst v12;
	v12 =	vadd.f32 v21, v12;
	v24 =	vpop (erf)  }
0x713: {  	v14 =	vmul.f32 v15, v23;
	v18 =	vmul.f32 v18, v16;
	v17 =	vld [tilespmem:s1+$0x9010];
	[tilespmem:s0+$0x11041] =	vst v24;
	v16 =	vadd.f32 v19, v24;
	v15 =	vpop (erf)  }
0x714: {  	s5 =	sadd.s32 $0x200, s5;
	v19 =	vld [tilespmem:s1+$0x5040];
	(erf) = vpow2.f32 v22;
	[tilespmem:s0+$0x11011] =	vst v21;
	v20 =	vadd.f32 v15, v20  }
0x715: {  	_ =	sdelay $0x1  }
0x716: {  	v18 =	vmul.f32 $1.442695020e+00, v18;
	v5 =	vmul.f32 v8, v5  }
0x717: {  	v8 =	vmul.f32 v9, v11;
	v13 =	vmul.f32 v13, v17;
	v17 =	vld [tilespmem:s1+$0x5030]  }
0x718: {  	v9 =	vmul.f32 $1.442695020e+00, v14;
	v5 =	vmul.f32 $1.442695020e+00, v5  }
0x719: {  	v8 =	vmul.f32 $1.442695020e+00, v8;
	v6 =	vmul.f32 v6, v13  }
0x71a: {  	(erf) = vpow2.f32 v9;
	v7 =	vmul.f32 v19, v7  }
0x71b: {  	(erf) = vpow2.f32 v5;
	v6 =	vmul.f32 $1.442695020e+00, v6  }
0x71c: {  	(erf) = vpow2.f32 v8;
	v4 =	vmul.f32 v17, v4  }
0x71d: {  	v5 =	vmul.f32 $1.442695020e+00, v7;
	(erf) = vpow2.f32 v6  }
0x71e: {  	v4 =	vmul.f32 $1.442695020e+00, v4;
	(erf) = vpow2.f32 v18  }
0x71f: {  	(erf) = vpow2.f32 v5  }
0x720: {  	(erf) = vpow2.f32 v4  }
0x721: {  	v6 =	vadd.f32 v20, v12;
	v5 =	vadd.f32 v10, v16  }
0x722: {  	v4 =	vpop (erf)  }
0x723: {  	v5 =	vadd.f32 v5, v6;
	v7 =	vpop (erf)  }
0x724: {  	v8 =	vpop (erf)  }
0x725: {  	v6 =	vpop (erf)  }
0x726: {  	[tilespmem:s0+$0x11031] =	vst v15;
	s28 =	sand.u32 $0x1F0, s3;
	v9 =	vpop (erf)  }
0x727: {  	[tilespmem:s28+$0x14A80] =	vst v5;
	v5 =	vpop (erf)  }
0x728: {  	[tilespmem:s1+$0x11051] =	vst v4;
	v10 =	vpop (erf)  }
0x729: {  	[tilespmem:s1+$0x11061] =	vst v7;
	v7 =	vadd.f32 v6, v7;
	v11 =	vadd.f32 v9, v5;
	v12 =	vpop (erf)  }
0x72a: {  	[tilespmem:s1+$0x11021] =	vst v8;
	v4 =	vadd.f32 v4, v10;
	v8 =	vadd.f32 v12, v8  }
0x72b: {  	[tilespmem:s1+$0x11071] =	vst v6  }
0x72c: {  	[tilespmem:s1+$0x11001] =	vst v5;
	v4 =	vadd.f32 v7, v4;
	v5 =	vadd.f32 v8, v11  }
0x72d: {  	[tilespmem:s1+$0x11011] =	vst v9  }
0x72e: {  	s29 =	sadd.s32 $0x10, s2;
	[tilespmem:s1+$0x11041] =	vst v10;
	v4 =	vadd.f32 v4, v5  }
0x72f: {  	s0 =	sand.u32 $0x1F0, s29;
	[tilespmem:s1+$0x11031] =	vst v12  }
0x730: {  	[tilespmem:s0+$0x14A80] =	vst v4  }
0x731: {  	_ =	swait.ge [sflag:s9], $0x1000  }
0x732: {  	[sflag:s9] =	ssyncset.done $0x0  }
0x733: {  	[sflag:s9] =	ssyncadd.s32 $0xFFFFF000  }
0x734: {  	_ =	swait.ge [sflag:s10], $0x1000  }
0x735: {  	s30 =	sld [smem:$0x7F9]  }
0x736: {  	[sflag:s10] =	ssyncset.done $0x0  }
0x737: {  	s31 =	sld [smem:$0x7FB];
	[sflag:s10] =	ssyncadd.s32 $0xFFFFF000  }
0x738: {  	[tilespmem:s11], [sflag:$0x2] =	stream.strided.gather [hbm4b:s30+s7], $0x1000, s8, s7, $0x38;
	[tilespmem:$0x15080] =	vst v63  }
0x739: {  	s0 =	simm.s32 $0x0  }
0x73a: {  	[tilespmem:s12], [sflag:$0x4] =	stream.strided.gather [hbm4b:s31+s7], $0x1000, s8, s7, $0x38;
	[tilespmem:$0x15080] =	vst v63  }
0x73b: {  	v4 =	vld [tilespmem:s0+$0x6060]  }
0x73c: {  	v5 =	vld [tilespmem:s0+$0xA000]  }
0x73d: {  	v6 =	vld [tilespmem:s0+$0x8000]  }
0x73e: {  	v7 =	vld [tilespmem:s0+$0x6050]  }
0x73f: {  	v8 =	vld [tilespmem:s0+$0x8020]  }
0x740: {  	v9 =	vld [tilespmem:s0+$0xA020]  }
0x741: {  	v10 =	vld [tilespmem:s0+$0x8030]  }
0x742: {  	v11 =	vld [tilespmem:s0+$0xA030]  }
0x743: {  	v12 =	vld [tilespmem:s0+$0x8040]  }
0x744: {  	v13 =	vld [tilespmem:s0+$0xA040]  }
0x745: {  	v14 =	vld [tilespmem:s0+$0x8050]  }
0x746: {  	v15 =	vld [tilespmem:s0+$0xA050]  }
0x747: {  	v16 =	vld [tilespmem:s0+$0x8060]  }
0x748: {  	v17 =	vld [tilespmem:s0+$0xA060]  }
0x749: {  	v18 =	vld [tilespmem:s0+$0x8070]  }
0x74a: {  	v19 =	vld [tilespmem:s0+$0xA070]  }
0x74b: {  	v20 =	vld [tilespmem:s0+$0x6000]  }
0x74c: {  	v21 =	vld [tilespmem:s0+$0x6010]  }
0x74d: {  	s1 =	simm.s32 $0x80;
	v22 =	vld [tilespmem:s0+$0x6020]  }
0x74e: {  	v23 =	vld [tilespmem:s1+$0x6000];
	v14 =	vmul.f32 v15, v14  }
0x74f: {  	v5 =	vmul.f32 v5, v6;
	v6 =	vld [tilespmem:s0+$0xA010];
	v8 =	vmul.f32 v9, v8  }
0x750: {  	v9 =	vld [tilespmem:s0+$0x8010];
	v10 =	vmul.f32 v11, v10;
	v11 =	vmul.f32 v13, v12  }
0x751: {  	v12 =	vld [tilespmem:s0+$0x6040];
	v13 =	vmul.f32 v17, v16;
	v16 =	vmul.f32 v19, v18  }
0x752: {  	v15 =	vld [tilespmem:s0+$0x6070];
	v7 =	vmul.f32 v7, v14;
	v5 =	vmul.f32 v20, v5  }
0x753: {  	v17 =	vld [tilespmem:s1+$0x8030];
	v4 =	vmul.f32 v4, v13;
	v8 =	vmul.f32 v22, v8  }
0x754: {  	v18 =	vld [tilespmem:s1+$0x8070];
	v7 =	vmul.f32 $1.442695020e+00, v7;
	v5 =	vmul.f32 $1.442695020e+00, v5  }
0x755: {  	v14 =	vld [tilespmem:s0+$0x6030];
	v4 =	vmul.f32 $1.442695020e+00, v4;
	v8 =	vmul.f32 $1.442695020e+00, v8  }
0x756: {  	v13 =	vld [tilespmem:s1+$0x8000];
	v6 =	vmul.f32 v6, v9;
	v11 =	vmul.f32 v12, v11  }
0x757: {  	v9 =	vld [tilespmem:s1+$0x6050];
	v12 =	vmul.f32 v15, v16;
	(erf) = vpow2.f32 v7  }
0x758: {  	v15 =	vld [tilespmem:s1+$0x8020];
	v6 =	vmul.f32 v21, v6;
	(erf) = vpow2.f32 v4  }
0x759: {  	v16 =	vld [tilespmem:s1+$0xA020];
	v12 =	vmul.f32 $1.442695020e+00, v12;
	(erf) = vpow2.f32 v8  }
0x75a: {  	v7 =	vld [tilespmem:s1+$0xA000];
	v8 =	vmul.f32 v14, v10;
	v6 =	vmul.f32 $1.442695020e+00, v6  }
0x75b: {  	v4 =	vld [tilespmem:s1+$0xA030];
	v11 =	vmul.f32 $1.442695020e+00, v11;
	(erf) = vpow2.f32 v12  }
0x75c: {  	(erf) = vpow2.f32 v6;
	v6 =	vmul.f32 $1.442695020e+00, v8;
	v8 =	vld [tilespmem:s1+$0x8050]  }
0x75d: {  	(erf) = vpow2.f32 v5;
	v5 =	vld [tilespmem:s1+$0xA050]  }
0x75e: {  	v10 =	vld [tilespmem:s1+$0x8040];
	(erf) = vpow2.f32 v11  }
0x75f: {  	v14 =	vld [tilespmem:s1+$0xA060];
	(erf) = vpow2.f32 v6  }
0x760: {  	v12 =	vld [tilespmem:s1+$0xA040]  }
0x761: {  	v11 =	vld [tilespmem:s1+$0x8060];
	v20 =	vpop (erf)  }
0x762: {  	v21 =	vld [tilespmem:s1+$0xA070];
	v22 =	vpop (erf);
	v24 =	vmul.f32 v5, v8  }
0x763: {  	v19 =	vld [tilespmem:s1+$0x6060];
	v26 =	vmul.f32 v7, v13;
	v4 =	vmul.f32 v4, v17;
	[tilespmem:s0+$0x12051] =	vst v20;
	v25 =	vpop (erf)  }
0x764: {  	v17 =	vld [tilespmem:s1+$0x8010];
	v5 =	vmul.f32 v16, v15;
	[tilespmem:s0+$0x12061] =	vst v22;
	v13 =	vpop (erf);
	v15 =	vmul.f32 v9, v24  }
0x765: {  	v6 =	vld [tilespmem:s1+$0x6010];
	[tilespmem:s0+$0x12021] =	vst v25;
	v63 =	vpop (erf)  }
0x766: {  	v7 =	vmul.f32 v12, v10;
	v8 =	vld [tilespmem:s1+$0x6020];
	v14 =	vmul.f32 v14, v11;
	[tilespmem:s0+$0x12071] =	vst v13;
	v12 =	vpop (erf)  }
0x767: {  	v11 =	vmul.f32 v21, v18;
	v9 =	vld [tilespmem:s1+$0x6070];
	v10 =	vadd.f32 v13, v22;
	v22 =	vmul.f32 $1.442695020e+00, v15;
	[tilespmem:s0+$0x12011] =	vst v63;
	v16 =	vpop (erf)  }
0x768: {  	s2 =	simm.s32 $0x0;
	v18 =	vmul.f32 v23, v26;
	v13 =	vld [tilespmem:s1+$0xA010];
	v14 =	vmul.f32 v19, v14;
	[tilespmem:s0+$0x12041] =	vst v16;
	v15 =	vpop (erf);
	v16 =	vadd.f32 v20, v16  }
0x769: {  	s4 =	simm.s32 $0x80;
	s5 =	simm.s32 $0x400;
	s3 =	simm.s32 $0x0;
	v19 =	vld [tilespmem:s1+$0x6040];
	[tilespmem:s0+$0x12001] =	vst v12;
	v12 =	vadd.f32 v63, v12;
	(erf) = vpow2.f32 v22;
	v20 =	vadd.f32 v15, v25  }
.LBB2_14:
0x76a: {  	s6 =	sshra.s32 s5, $0x2;
	s4 =	sadd.s32 $0x80, s4;
	v21 =	vld [tilespmem:s1+$0x6030];
	[tilespmem:s0+$0x12031] =	vst v15;
	v10 =	vadd.f32 v10, v16;
	s2 =	sadd.s32 $0x10, s2  }
0x76b: {  	s0 =	smov.u32 s1;
	v15 =	vld [tilespmem:s6+$0x6060];
	p0 =	slt.u32 s4, $0xF80;
	v12 =	vadd.f32 v20, v12;
	s1 =	smov.u32 s6  }
0x76c: {  	v18 =	vmul.f32 $1.442695020e+00, v18;
	v16 =	vld [tilespmem:s1+$0xA000]  }
0x76d: {  	v5 =	vmul.f32 v8, v5;
	s6 =	sand.u32 $0x1F0, s3;
	s3 =	smov.u32 s2;
	v20 =	vld [tilespmem:s1+$0x8000];
	v13 =	vmul.f32 v13, v17;
	v8 =	vadd.f32 v10, v12  }
0x76e: {  	v9 =	vmul.f32 v9, v11;
	v10 =	vld [tilespmem:s1+$0x6050];
	v7 =	vmul.f32 v19, v7  }
0x76f: {  	v5 =	vmul.f32 $1.442695020e+00, v5;
	v12 =	vmul.f32 $1.442695020e+00, v14;
	v11 =	vld [tilespmem:s1+$0x8020];
	[tilespmem:s6+$0x14C80] =	vst v8  }
0x770: {  	v9 =	vmul.f32 $1.442695020e+00, v9;
	v6 =	vmul.f32 v6, v13;
	v8 =	vld [tilespmem:s1+$0xA020]  }
0x771: {  	v4 =	vmul.f32 v21, v4;
	v13 =	vld [tilespmem:s1+$0x8030];
	(erf) = vpow2.f32 v12  }
0x772: {  	v6 =	vmul.f32 $1.442695020e+00, v6;
	v12 =	vld [tilespmem:s1+$0xA030];
	(erf) = vpow2.f32 v5;
	v19 =	vpop (erf)  }
0x773: {  	v7 =	vmul.f32 $1.442695020e+00, v7;
	v14 =	vld [tilespmem:s1+$0x8040];
	[tilespmem:s0+$0x12051] =	vst v19;
	(erf) = vpow2.f32 v9  }
0x774: {  	v17 =	vmul.f32 $1.442695020e+00, v4;
	v9 =	vld [tilespmem:s1+$0xA040];
	(erf) = vpow2.f32 v6  }
0x775: {  	v16 =	vmul.f32 v16, v20;
	v6 =	vld [tilespmem:s1+$0x8050];
	(erf) = vpow2.f32 v18  }
0x776: {  	v5 =	vmul.f32 v8, v11;
	v8 =	vld [tilespmem:s1+$0xA050];
	(erf) = vpow2.f32 v7  }
0x777: {  	v4 =	vmul.f32 v12, v13;
	v11 =	vld [tilespmem:s1+$0x8060];
	(erf) = vpow2.f32 v17  }
0x778: {  	v12 =	vld [tilespmem:s1+$0xA060]  }
0x779: {  	v7 =	vmul.f32 v9, v14;
	v14 =	vld [tilespmem:s1+$0x8070]  }
0x77a: {  	v17 =	vld [tilespmem:s1+$0xA070];
	v9 =	vpop (erf)  }
0x77b: {  	v18 =	vld [tilespmem:s1+$0x6000];
	v13 =	vmul.f32 v8, v6;
	[tilespmem:s0+$0x12061] =	vst v9;
	v20 =	vpop (erf)  }
0x77c: {  	v6 =	vld [tilespmem:s1+$0x6010];
	[tilespmem:s0+$0x12021] =	vst v20;
	v21 =	vpop (erf)  }
.Ltmp6:
0x77d: {  	v8 =	vld [tilespmem:s1+$0x6020];
	v22 =	vmul.f32 v10, v13;
	v23 =	vmul.f32 v12, v11;
	[tilespmem:s0+$0x12071] =	vst v21;
	v10 =	vadd.f32 v21, v9;
	v21 =	vpop (erf);
	(pc) =	sbr.rel @p0 .LBB2_14-.Ltmp6, $4  }
0x77e: {  	v9 =	vld [tilespmem:s1+$0x6070];
	v12 =	vpop (erf)  }
0x77f: {  	v13 =	vld [tilespmem:s1+$0xA010];
	v22 =	vmul.f32 $1.442695020e+00, v22;
	v11 =	vmul.f32 v17, v14;
	[tilespmem:s0+$0x12001] =	vst v12;
	v12 =	vadd.f32 v21, v12;
	v24 =	vpop (erf)  }
0x780: {  	v14 =	vmul.f32 v15, v23;
	v18 =	vmul.f32 v18, v16;
	v17 =	vld [tilespmem:s1+$0x8010];
	[tilespmem:s0+$0x12041] =	vst v24;
	v16 =	vadd.f32 v19, v24;
	v15 =	vpop (erf)  }
0x781: {  	s5 =	sadd.s32 $0x200, s5;
	v19 =	vld [tilespmem:s1+$0x6040];
	(erf) = vpow2.f32 v22;
	[tilespmem:s0+$0x12011] =	vst v21;
	v20 =	vadd.f32 v15, v20  }
0x782: {  	_ =	sdelay $0x1  }
0x783: {  	v18 =	vmul.f32 $1.442695020e+00, v18;
	v5 =	vmul.f32 v8, v5  }
0x784: {  	v8 =	vmul.f32 v9, v11;
	v13 =	vmul.f32 v13, v17;
	v17 =	vld [tilespmem:s1+$0x6030]  }
0x785: {  	v9 =	vmul.f32 $1.442695020e+00, v14;
	v5 =	vmul.f32 $1.442695020e+00, v5  }
0x786: {  	v8 =	vmul.f32 $1.442695020e+00, v8;
	v6 =	vmul.f32 v6, v13  }
0x787: {  	(erf) = vpow2.f32 v9;
	v7 =	vmul.f32 v19, v7  }
0x788: {  	(erf) = vpow2.f32 v5;
	v6 =	vmul.f32 $1.442695020e+00, v6  }
0x789: {  	(erf) = vpow2.f32 v8;
	v4 =	vmul.f32 v17, v4  }
0x78a: {  	v5 =	vmul.f32 $1.442695020e+00, v7;
	(erf) = vpow2.f32 v6  }
0x78b: {  	v4 =	vmul.f32 $1.442695020e+00, v4;
	(erf) = vpow2.f32 v18  }
0x78c: {  	(erf) = vpow2.f32 v5  }
0x78d: {  	(erf) = vpow2.f32 v4  }
0x78e: {  	v6 =	vadd.f32 v20, v12;
	v5 =	vadd.f32 v10, v16  }
0x78f: {  	v4 =	vpop (erf)  }
0x790: {  	v5 =	vadd.f32 v5, v6;
	v7 =	vpop (erf)  }
0x791: {  	v8 =	vpop (erf)  }
0x792: {  	v6 =	vpop (erf)  }
0x793: {  	[tilespmem:s0+$0x12031] =	vst v15;
	s26 =	sand.u32 $0x1F0, s3;
	v9 =	vpop (erf)  }
0x794: {  	[tilespmem:s26+$0x14C80] =	vst v5;
	v5 =	vpop (erf)  }
0x795: {  	[tilespmem:s1+$0x12051] =	vst v4;
	v10 =	vpop (erf)  }
0x796: {  	[tilespmem:s1+$0x12061] =	vst v7;
	v7 =	vadd.f32 v6, v7;
	v11 =	vadd.f32 v9, v5;
	v12 =	vpop (erf)  }
0x797: {  	[tilespmem:s1+$0x12021] =	vst v8;
	v4 =	vadd.f32 v4, v10;
	v8 =	vadd.f32 v12, v8  }
0x798: {  	[tilespmem:s1+$0x12071] =	vst v6  }
0x799: {  	[tilespmem:s1+$0x12001] =	vst v5;
	v4 =	vadd.f32 v7, v4;
	v5 =	vadd.f32 v8, v11  }
0x79a: {  	[tilespmem:s1+$0x12011] =	vst v9  }
0x79b: {  	s28 =	sadd.s32 $0x10, s2;
	[tilespmem:s1+$0x12041] =	vst v10;
	v4 =	vadd.f32 v4, v5  }
0x79c: {  	s0 =	sand.u32 $0x1F0, s28;
	[tilespmem:s1+$0x12031] =	vst v12  }
0x79d: {  	s29 =	simm.s32 $0x2;
	[tilespmem:s0+$0x14C80] =	vst v4  }
0x79e: {  	_ =	swait.ge [sflag:s29], $0x1000  }
0x79f: {  	[sflag:s29] =	ssyncset.done $0x0  }
0x7a0: {  	s30 =	simm.s32 $0x4;
	[sflag:s29] =	ssyncadd.s32 $0xFFFFF000  }
0x7a1: {  	_ =	swait.ge [sflag:s30], $0x1000  }
0x7a2: {  	[sflag:s30] =	ssyncset.done $0x0  }
0x7a3: {  	s31 =	simm.s32 $0x0;
	[sflag:s30] =	ssyncadd.s32 $0xFFFFF000  }
0x7a4: {  	v4 =	vld [tilespmem:s31+$0x9070]  }
0x7a5: {  	v5 =	vld [tilespmem:s31+$0xB060]  }
0x7a6: {  	v6 =	vld [tilespmem:s31+$0x7040]  }
0x7a7: {  	v7 =	vld [tilespmem:s31+$0x9060]  }
0x7a8: {  	v8 =	vld [tilespmem:s31+$0xB050]  }
0x7a9: {  	v9 =	vld [tilespmem:s31+$0x7070]  }
0x7aa: {  	v10 =	vld [tilespmem:s31+$0x9050]  }
0x7ab: {  	v11 =	vld [tilespmem:s31+$0x7060]  }
0x7ac: {  	v12 =	vld [tilespmem:s31+$0xB030]  }
0x7ad: {  	v13 =	vld [tilespmem:s31+$0x9040]  }
0x7ae: {  	v14 =	vld [tilespmem:s31+$0xB010]  }
0x7af: {  	v15 =	vld [tilespmem:s31+$0x9020]  }
0x7b0: {  	v16 =	vld [tilespmem:s31+$0xB000]  }
0x7b1: {  	v17 =	vld [tilespmem:s31+$0x9000]  }
0x7b2: {  	v18 =	vld [tilespmem:s31+$0x7050]  }
0x7b3: {  	v19 =	vld [tilespmem:s31+$0xB070]  }
0x7b4: {  	v21 =	vld [tilespmem:s31+$0x9030]  }
0x7b5: {  	s0 =	simm.s32 $0x80;
	v20 =	vld [tilespmem:s31+$0x7000]  }
0x7b6: {  	v22 =	vld [tilespmem:s0+$0xB070]  }
0x7b7: {  	v8 =	vmul.f32 v8, v10;
	v10 =	vld [tilespmem:s31+$0x9010];
	v16 =	vmul.f32 v16, v17  }
0x7b8: {  	v17 =	vld [tilespmem:s31+$0xB040];
	v5 =	vmul.f32 v5, v7;
	v4 =	vmul.f32 v19, v4  }
0x7b9: {  	v12 =	vmul.f32 v12, v21;
	v7 =	vmul.f32 v18, v8;
	v8 =	vld [tilespmem:s31+$0x7030]  }
0x7ba: {  	v16 =	vmul.f32 v20, v16;
	v18 =	vld [tilespmem:s31+$0x7010];
	v4 =	vmul.f32 v9, v4  }
0x7bb: {  	v5 =	vmul.f32 v11, v5;
	v11 =	vld [tilespmem:s31+$0xB020];
	v7 =	vmul.f32 $1.442695020e+00, v7  }
0x7bc: {  	v24 =	vld [tilespmem:s0+$0x7000];
	v9 =	vmul.f32 v14, v10;
	v14 =	vmul.f32 $1.442695020e+00, v4  }
0x7bd: {  	v5 =	vmul.f32 $1.442695020e+00, v5;
	v10 =	vld [tilespmem:s31+$0x7020];
	v13 =	vmul.f32 v17, v13  }
0x7be: {  	v25 =	vld [tilespmem:s0+$0x9030];
	v8 =	vmul.f32 v8, v12;
	(erf) = vpow2.f32 v14  }
0x7bf: {  	v19 =	vld [tilespmem:s0+$0x9070];
	v9 =	vmul.f32 v18, v9;
	(erf) = vpow2.f32 v5  }
0x7c0: {  	v21 =	vld [tilespmem:s0+$0xB030];
	v5 =	vmul.f32 v11, v15;
	v8 =	vmul.f32 $1.442695020e+00, v8  }
0x7c1: {  	v20 =	vld [tilespmem:s0+$0x7070];
	v6 =	vmul.f32 v6, v13;
	v9 =	vmul.f32 $1.442695020e+00, v9  }
0x7c2: {  	v17 =	vld [tilespmem:s0+$0xB060];
	v5 =	vmul.f32 v10, v5;
	(erf) = vpow2.f32 v8  }
0x7c3: {  	v4 =	vld [tilespmem:s0+$0x7040];
	(erf) = vpow2.f32 v9;
	v9 =	vmul.f32 $1.442695020e+00, v6  }
0x7c4: {  	v12 =	vld [tilespmem:s0+$0x9060];
	v5 =	vmul.f32 $1.442695020e+00, v5;
	(erf) = vpow2.f32 v7  }
0x7c5: {  	v14 =	vld [tilespmem:s0+$0xB050];
	v10 =	vmul.f32 $1.442695020e+00, v16;
	(erf) = vpow2.f32 v9  }
0x7c6: {  	v8 =	vld [tilespmem:s0+$0x9050];
	(erf) = vpow2.f32 v5  }
0x7c7: {  	v13 =	vld [tilespmem:s0+$0x7060];
	(erf) = vpow2.f32 v10  }
0x7c8: {  	v9 =	vld [tilespmem:s0+$0xB000]  }
0x7c9: {  	v11 =	vpop (erf);
	v10 =	vld [tilespmem:s0+$0x9000]  }
0x7ca: {  	v16 =	vld [tilespmem:s0+$0x7050];
	v15 =	vpop (erf)  }
0x7cb: {  	v6 =	vld [tilespmem:s0+$0x9040];
	v8 =	vmul.f32 v14, v8;
	[tilespmem:s31+$0x13071] =	vst v11;
	v18 =	vpop (erf)  }
0x7cc: {  	v17 =	vmul.f32 v17, v12;
	v12 =	vld [tilespmem:s0+$0x7030];
	[tilespmem:s31+$0x13061] =	vst v15;
	v23 =	vpop (erf)  }
0x7cd: {  	v7 =	vld [tilespmem:s0+$0xB010];
	[tilespmem:s31+$0x13031] =	vst v18;
	v26 =	vpop (erf)  }
0x7ce: {  	v22 =	vmul.f32 v22, v19;
	v27 =	vmul.f32 v9, v10;
	v10 =	vld [tilespmem:s0+$0x9010];
	[tilespmem:s31+$0x13011] =	vst v23;
	v9 =	vpop (erf)  }
0x7cf: {  	v28 =	vadd.f32 v11, v15;
	v11 =	vld [tilespmem:s0+$0xB040];
	v14 =	vmul.f32 v16, v8;
	[tilespmem:s31+$0x13051] =	vst v26;
	v8 =	vpop (erf)  }
0x7d0: {  	v20 =	vmul.f32 v20, v22;
	v5 =	vld [tilespmem:s0+$0x9020];
	[tilespmem:s31+$0x13041] =	vst v9;
	v26 =	vadd.f32 v26, v9;
	v19 =	vpop (erf)  }
0x7d1: {  	s3 =	simm.s32 $0x80;
	v15 =	vld [tilespmem:s0+$0x7010];
	v9 =	vadd.f32 v18, v8;
	[tilespmem:s31+$0x13021] =	vst v8;
	v8 =	vmul.f32 v24, v27;
	v16 =	vadd.f32 v23, v19  }
0x7d2: {  	s4 =	simm.s32 $0x400;
	s2 =	simm.s32 $0x0;
	s1 =	simm.s32 $0x0;
	v18 =	vmul.f32 v13, v17;
	v13 =	vld [tilespmem:s0+$0xB020];
	[tilespmem:s31+$0x13001] =	vst v19;
	v19 =	vmul.f32 v21, v25;
	v17 =	vadd.f32 v28, v26  }
.LBB2_16:
0x7d3: {  	s5 =	sshra.s32 s4, $0x2;
	s3 =	sadd.s32 $0x80, s3;
	v7 =	vmul.f32 v7, v10;
	v10 =	vld [tilespmem:s0+$0x7020];
	v14 =	vmul.f32 $1.442695020e+00, v14;
	v9 =	vadd.f32 v9, v16;
	s1 =	sadd.s32 $0x10, s1  }
0x7d4: {  	v16 =	vld [tilespmem:s5+$0x9070];
	p0 =	slt.u32 s3, $0xF80;
	v6 =	vmul.f32 v11, v6;
	v11 =	vmul.f32 $1.442695020e+00, v20  }
0x7d5: {  	v18 =	vmul.f32 $1.442695020e+00, v18;
	s6 =	sand.u32 $0x1F0, s2;
	s2 =	smov.u32 s1;
	v20 =	vld [tilespmem:s5+$0xB060];
	v12 =	vmul.f32 v12, v19;
	v9 =	vadd.f32 v17, v9  }
0x7d6: {  	v17 =	vld [tilespmem:s5+$0x7040];
	v7 =	vmul.f32 v15, v7;
	(erf) = vpow2.f32 v11  }
0x7d7: {  	v11 =	vld [tilespmem:s5+$0x9060];
	v12 =	vmul.f32 $1.442695020e+00, v12;
	(erf) = vpow2.f32 v18;
	[tilespmem:s6+$0x14E80] =	vst v9  }
0x7d8: {  	v5 =	vmul.f32 v13, v5;
	v9 =	vld [tilespmem:s5+$0xB050];
	v7 =	vmul.f32 $1.442695020e+00, v7  }
0x7d9: {  	v6 =	vmul.f32 v4, v6;
	v21 =	vld [tilespmem:s5+$0x7070];
	(erf) = vpow2.f32 v12  }
0x7da: {  	v5 =	vmul.f32 v10, v5;
	v12 =	vld [tilespmem:s5+$0x9050];
	(erf) = vpow2.f32 v7  }
0x7db: {  	v8 =	vmul.f32 $1.442695020e+00, v8;
	v7 =	vmul.f32 $1.442695020e+00, v6;
	v13 =	vld [tilespmem:s5+$0x7060];
	v4 =	vmov v17  }
0x7dc: {  	v5 =	vmul.f32 $1.442695020e+00, v5;
	v17 =	vld [tilespmem:s5+$0xB030];
	(erf) = vpow2.f32 v14  }
0x7dd: {  	v6 =	vld [tilespmem:s5+$0x9040];
	(erf) = vpow2.f32 v7  }
0x7de: {  	v7 =	vld [tilespmem:s5+$0xB010];
	(erf) = vpow2.f32 v5  }
0x7df: {  	v5 =	vld [tilespmem:s5+$0x9020];
	(erf) = vpow2.f32 v8;
	v8 =	vpop (erf)  }
0x7e0: {  	v10 =	vld [tilespmem:s5+$0xB000];
	[tilespmem:s0+$0x13071] =	vst v8;
	v14 =	vpop (erf)  }
0x7e1: {  	v15 =	vld [tilespmem:s5+$0x9000]  }
0x7e2: {  	v22 =	vadd.f32 v8, v14;
	v18 =	vld [tilespmem:s5+$0x7050];
	[tilespmem:s0+$0x13061] =	vst v14;
	v8 =	vpop (erf)  }
0x7e3: {  	v19 =	vld [tilespmem:s5+$0xB070];
	v23 =	vpop (erf)  }
0x7e4: {  	v27 =	vmul.f32 v9, v12;
	v24 =	vld [tilespmem:s5+$0x7000];
	[tilespmem:s0+$0x13011] =	vst v23  }
0x7e5: {  	v25 =	vld [tilespmem:s5+$0x9030];
	[tilespmem:s0+$0x13031] =	vst v8;
	v12 =	vpop (erf)  }
.Ltmp7:
0x7e6: {  	v20 =	vmul.f32 v20, v11;
	v15 =	vmul.f32 v10, v15;
	v10 =	vld [tilespmem:s5+$0x9010];
	[tilespmem:s0+$0x13051] =	vst v12;
	v26 =	vpop (erf);
	(pc) =	sbr.rel @p0 .LBB2_16-.Ltmp7, $4  }
0x7e7: {  	v11 =	vld [tilespmem:s5+$0xB040];
	v14 =	vmul.f32 v18, v27;
	[tilespmem:s0+$0x13041] =	vst v26;
	v26 =	vadd.f32 v12, v26;
	v9 =	vpop (erf)  }
0x7e8: {  	v12 =	vld [tilespmem:s5+$0x7030];
	v27 =	vmul.f32 v19, v16;
	[tilespmem:s0+$0x13021] =	vst v9;
	v9 =	vadd.f32 v8, v9;
	v16 =	vpop (erf)  }
0x7e9: {  	v18 =	vmul.f32 v13, v20;
	v8 =	vmul.f32 v24, v15;
	v15 =	vld [tilespmem:s5+$0x7010];
	[tilespmem:s0+$0x13001] =	vst v16;
	v16 =	vadd.f32 v23, v16;
	s0 =	smov.u32 s5  }
0x7ea: {  	s4 =	sadd.s32 $0x200, s4;
	v13 =	vld [tilespmem:s0+$0xB020];
	v19 =	vmul.f32 v17, v25;
	v20 =	vmul.f32 v21, v27;
	v17 =	vadd.f32 v22, v26  }
0x7eb: {  	v7 =	vmul.f32 v7, v10  }
0x7ec: {  	v56 =	vmul.f32 $1.442695020e+00, v14;
	v18 =	vmul.f32 $1.442695020e+00, v18  }
0x7ed: {  	v57 =	vld [tilespmem:s0+$0x7020];
	v6 =	vmul.f32 v11, v6;
	v58 =	vmul.f32 $1.442695020e+00, v20  }
0x7ee: {  	v12 =	vmul.f32 v12, v19;
	v7 =	vmul.f32 v15, v7  }
0x7ef: {  	(erf) = vpow2.f32 v58;
	v4 =	vmul.f32 v4, v6  }
0x7f0: {  	v12 =	vmul.f32 $1.442695020e+00, v12;
	v5 =	vmul.f32 v13, v5  }
0x7f1: {  	(erf) = vpow2.f32 v18;
	v7 =	vmul.f32 $1.442695020e+00, v7  }
0x7f2: {  	(erf) = vpow2.f32 v12;
	v5 =	vmul.f32 v57, v5  }
0x7f3: {  	v4 =	vmul.f32 $1.442695020e+00, v4;
	(erf) = vpow2.f32 v7  }
0x7f4: {  	v5 =	vmul.f32 $1.442695020e+00, v5;
	(erf) = vpow2.f32 v56  }
0x7f5: {  	v6 =	vmul.f32 $1.442695020e+00, v8;
	(erf) = vpow2.f32 v4  }
0x7f6: {  	(erf) = vpow2.f32 v5  }
0x7f7: {  	(erf) = vpow2.f32 v6  }
0x7f8: {  	v5 =	vadd.f32 v9, v16  }
0x7f9: {  	v4 =	vpop (erf)  }
0x7fa: {  	v5 =	vadd.f32 v17, v5;
	v6 =	vpop (erf)  }
0x7fb: {  	v7 =	vpop (erf)  }
0x7fc: {  	v59 =	vpop (erf)  }
0x7fd: {  	s2 =	sand.u32 $0x1F0, s2;
	v60 =	vpop (erf)  }
0x7fe: {  	[tilespmem:s2+$0x14E80] =	vst v5;
	v5 =	vpop (erf)  }
0x7ff: {  	[tilespmem:s0+$0x13071] =	vst v4;
	v61 =	vpop (erf)  }
0x800: {  	[tilespmem:s0+$0x13061] =	vst v6;
	v4 =	vadd.f32 v4, v6;
	v6 =	vadd.f32 v60, v5;
	v62 =	vpop (erf)  }
0x801: {  	[tilespmem:s0+$0x13031] =	vst v7;
	v63 =	vadd.f32 v7, v61;
	v8 =	vadd.f32 v59, v62  }
0x802: {  	[tilespmem:s0+$0x13011] =	vst v59  }
0x803: {  	p0 =	por $0x1, $0x1;
	[tilespmem:s0+$0x13051] =	vst v60;
	v4 =	vadd.f32 v4, v6;
	v6 =	vadd.f32 v63, v8  }
.Ltmp8:
0x804: {  	[tilespmem:s0+$0x13041] =	vst v5;
	(pc) =	sbr.rel @!p0 .LBB2_19-.Ltmp8, $4  }
0x805: {  	s1 =	sadd.s32 $0x10, s1;
	[tilespmem:s0+$0x13021] =	vst v61;
	v4 =	vadd.f32 v4, v6  }
0x806: {  	s1 =	sand.u32 $0x1F0, s1;
	[tilespmem:s0+$0x13001] =	vst v62  }
0x807: {  	s0 =	simm.s32 $0x14080;
	[tilespmem:s1+$0x14E80] =	vst v4  }
0x808: {  	v4 =	vimm.f32 $0.0e+00;
	s1 =	simm.s32 $0x0;
	v5 =	vld [tilespmem:s0+$0x0]  }
.LBB2_18:
0x809: {  	s1 =	sadd.s32 $0x10, s1  }
0x80a: {  	p0 =	slt.u32 s1, $0xFF0  }
.Ltmp9:
0x80b: {  	_ = 	snop;
	(pc) =	sbr.rel @p0 .LBB2_18-.Ltmp9, $3  }
0x80c: {  	_ =	sdelay $0x1  }
0x80d: {  	s0 =	sadd.s32 $0x10, s0;
	v4 =	vadd.f32 v5, v4  }
0x80e: {  	v5 =	vld [tilespmem:s0+$0x0]  }
.LBB2_19:
0x80f: {  	_ =	sdelay $0x3  }
0x810: {  	v4 =	vadd.f32 v5, v4;
	_ =	sdelay $0x1  }
0x811: {  	v5 =	vperm.xlane v4, v0;
	_ =	sdelay $0x1  }
0x812: {  	v4 =	vadd.f32 v5, v4;
	_ =	sdelay $0x1  }
0x813: {  	v5 =	vperm.xlane v4, v1;
	_ =	sdelay $0x1  }
0x814: {  	v4 =	vadd.f32 v5, v4;
	_ =	sdelay $0x1  }
0x815: {  	v5 =	vperm.xlane v4, v2;
	_ =	sdelay $0x1  }
0x816: {  	v4 =	vadd.f32 v5, v4;
	_ =	sdelay $0x1  }
0x817: {  	v5 =	vperm.xlane v4, v3;
	_ =	sdelay $0x1  }
0x818: {  	v4 =	vadd.f32 v5, v4;
	_ =	sdelay $0x1  }
0x819: {  	v4 =	vadd.f32 $2.718281750e+00, v4;
	_ =	sdelay $0x1  }
0x81a: {  	(erf) = vrcp.f32 v4;
	_ =	sdelay $0x3  }
0x81b: {  	s0 =	simm.s32 $0xC041  }
0x81c: {  	v7 =	vld [tilespmem:s0+$0x30]  }
0x81d: {  	v10 =	vld [tilespmem:s0+$0xFFFFFFD0]  }
0x81e: {  	v11 =	vld [tilespmem:s0+$0xFFFFFFE0]  }
0x81f: {  	v8 =	vld [tilespmem:s0+$0xFFFFFFF0]  }
0x820: {  	v5 =	vld [tilespmem:s0+$0x0];
	v4 =	vpop (erf)  }
0x821: {  	v6 =	vld [tilespmem:s0+$0x10];
	v12 =	vmul.f32 v7, v4  }
0x822: {  	v7 =	vld [tilespmem:s0+$0x20];
	v10 =	vmul.f32 v10, v4  }
0x823: {  	s1 =	simm.s32 $0x0;
	s2 =	simm.s32 $0xC0C1;
	v9 =	vld [tilespmem:s0+$0xFFFFFFC0];
	v11 =	vmul.f32 v11, v4;
	[tilespmem:s0+$0x30] =	vst v12  }
.LBB2_20:
0x824: {  	v12 =	vld [tilespmem:s2+$0x30];
	s1 =	sadd.s32 $0x80, s1;
	[tilespmem:s0+$0xFFFFFFD0] =	vst v10;
	v8 =	vmul.f32 v8, v4  }
0x825: {  	v10 =	vld [tilespmem:s2+$0xFFFFFFD0];
	p0 =	slt.u32 s1, $0x7F80;
	[tilespmem:s0+$0xFFFFFFE0] =	vst v11;
	v5 =	vmul.f32 v5, v4  }
0x826: {  	v11 =	vld [tilespmem:s2+$0xFFFFFFE0];
	[tilespmem:s0+$0xFFFFFFF0] =	vst v8;
	v6 =	vmul.f32 v6, v4  }
.Ltmp10:
0x827: {  	v8 =	vld [tilespmem:s2+$0xFFFFFFF0];
	[tilespmem:s0+$0x0] =	vst v5;
	v7 =	vmul.f32 v7, v4;
	(pc) =	sbr.rel @p0 .LBB2_20-.Ltmp10, $4  }
0x828: {  	v5 =	vld [tilespmem:s2+$0x0];
	v9 =	vmul.f32 v9, v4;
	[tilespmem:s0+$0x10] =	vst v6  }
0x829: {  	v6 =	vld [tilespmem:s2+$0x10];
	v12 =	vmul.f32 v12, v4;
	[tilespmem:s0+$0x20] =	vst v7  }
0x82a: {  	v10 =	vmul.f32 v10, v4;
	v7 =	vld [tilespmem:s2+$0x20];
	[tilespmem:s0+$0xFFFFFFC0] =	vst v9;
	s0 =	smov.u32 s2  }
0x82b: {  	s2 =	sadd.s32 $0x80, s2;
	v9 =	vld [tilespmem:s0+$0xFFFFFFC0];
	v11 =	vmul.f32 v11, v4;
	[tilespmem:s0+$0x30] =	vst v12  }
0x82c: {  	[tilespmem:s0+$0xFFFFFFD0] =	vst v10;
	v8 =	vmul.f32 v8, v4  }
0x82d: {  	[tilespmem:s0+$0xFFFFFFE0] =	vst v11;
	v5 =	vmul.f32 v5, v4  }
0x82e: {  	[tilespmem:s0+$0xFFFFFFF0] =	vst v8;
	v6 =	vmul.f32 v6, v4  }
0x82f: {  	[tilespmem:s0+$0x0] =	vst v5;
	v5 =	vmul.f32 v7, v4  }
0x830: {  	v63 =	vmul.f32 v9, v4;
	[tilespmem:s0+$0x10] =	vst v6  }
0x831: {  	[tilespmem:s0+$0x20] =	vst v5  }
0x832: {  	[tilespmem:s0+$0xFFFFFFC0] =	vst v63  }
0x833: {  	v5 =	vld [tilespmem:$0xC000];
	_ =	sdelay $0x2  }
0x834: {  	v4 =	vmul.f32 $2.718281750e+00, v4  }
0x835: {  	s0 =	sld [smem:$0x7FC]  }
0x836: {  	v4 =	vsel vm0, v4, v5  }
0x837: {  	s1 =	simm.s32 $0xC000;
	s30 =	simm.s32 $0x5;
	[tilespmem:$0xC000] =	vst v4  }
0x838: {  	[hbm4b:s0+s7] =	stream.strided.scatter [tilespmem:s1], [sflag:$0x5], $0x8080, s8, s7, $0x38;
	[tilespmem:$0x15080] =	vst v63  }
0x839: {  	_ =	swait.ge [sflag:s30], $0x8080  }
0x83a: {  	s2 =	sld [smem:$0x7E6]  }
0x83b: {  	s31 =	sld [smem:$0x7FD];
	_ =	sdelay $0x1  }
0x83c: {  	s2 =	sadd.s32 $0x1, s2  }
0x83d: {  	p0 =	sne.s32 s2, s31  }
.Ltmp11:
0x83e: {  	_ = 	snop;
	(pc) =	sbr.rel @p0 .LBB2_1-.Ltmp11, $3  }
0x83f: {  	_ =	sdelay $0x1  }
0x840: {  	[sflag:s30] =	ssyncset.done $0x0  }
0x841: {  	[sflag:s30] =	ssyncadd.s32 $0xFFFF7F80  }
0x842: {  	_ =	sfence.sel $0x180000  }
0x843: {  	[bflag:$0x0] =	sbarrier.arrive $0xFFFF  }
0x844: {  	_ =	strace $0x90000047  }
0x845: {  	s0 =	stileid.u32;
	[bflag:$0x2] =	sbarrier.arrive $0xFFFF  }
0x846: {  	p0 =	sne.s32 s0, $0x0;
	s0 =	rddreg [dreg:$0x3]  }
0x847: {  	s0 =	sadd.s32 @!p0 $0x100000, s0  }
0x848: {  	[sflag:s0] =	ssyncadd.tile.s32 @!p0 $0x1;
	_ =	shalt  }
.Lfunc_end2:
_tile_overlayer_lowered:
.L_overlay_start_2:
0x849: {  	(tag) =	ssettag $0x2  }
0x84a: {  	s0 =	rddreg [dreg:$0x0];
	s2 =	stileid.u32  }
0x84b: {  	s1 =	rddreg [dreg:$0x1];
	p0 =	sne.s32 s2, $0x0  }
0x84c: {  	s3 =	rddreg [dreg:$0x2];
	[bflag:$0x3] =	sbarrier.arrive $0xFFFF;
	s2 =	simm.s32 @!p0 $0x1C07  }
0x84d: {  	[timem:s3], [sflag:s2] =	dma.local @!p0 [hbm:s0], s1  }
0x84e: {  	s0 =	simm.s32 @!p0 $0x7  }
0x84f: {  	_ =	swait.ge @!p0 [sflag:s0], s1  }
0x850: {  	s1 =	ssub.s32 @!p0 $0x0, s1;
	[sflag:s0] =	ssyncset.done @!p0 $0x0  }
0x851: {  	[sflag:s0] =	ssyncadd.s32 @!p0 s1  }
0x852: {  	[bflag:$0x3] =	sbarrier.arrive $0xFFFF  }
0x853: {  	_ =	shalt  }

</sc_bundles>
